<compile_context>
chip_gen: v7x
topology: tpu7x:2x2x1
jax: 0.10.2.dev20260603
libtpu: 0.0.44.dev20260713+nightly
codegen_flags: <defaults>
</compile_context>

<pallas_src>
import jax
import jax.numpy as jnp
from jax import lax
from jax.experimental import pallas as pl
from jax.experimental.pallas import tpu as pltpu
from jax.experimental.pallas import tpu_sc as plsc

N = 10000
V = 320000
F_PROJ = 64
F_MOD = 128
G = 8
EPS_BN = 1e-5

NW = 32
SPW = 320
NPAD = NW * SPW
CSR_COPY = 328
CSR_BUF = 344
CR1 = 256
CR2 = 256
TCBLK = 2560
TCBLKB = 12800


def _tc_h_stats_body(xp_ref, w1_ref, ht_ref, stats_ref):
    i = pl.program_id(0)
    x = xp_ref[...]
    ht = lax.dot_general(w1_ref[...], x, (((1,), (0,)), ((), ())),
                         preferred_element_type=jnp.float32)
    ht_ref[...] = ht
    s1 = jnp.sum(ht, axis=1, keepdims=True)
    s2 = jnp.sum(ht * ht, axis=1, keepdims=True)
    upd = jnp.pad(jnp.concatenate([s1, s2], axis=1), ((0, 0), (0, 126)))

    @pl.when(i == 0)
    def _():
        stats_ref[...] = upd

    @pl.when(i > 0)
    def _():
        stats_ref[...] += upd


def _tc_compat_body(ht_ref, a_ref, bb_ref, w2_ref, b2_ref, out_ref):
    a = a_ref[...][:, 0:1]
    bb = bb_ref[...][:, 0:1]
    b2 = b2_ref[...][:, 0:1]
    hn = jnp.maximum(ht_ref[...] * a + bb, 0.0)
    out_ref[...] = lax.dot_general(w2_ref[...], hn, (((1,), (0,)), ((), ())),
                                   preferred_element_type=jnp.float32) + b2


def _mlp_h_stats(xpt, w1p):
    nblk = V // TCBLK
    return pl.pallas_call(
        _tc_h_stats_body,
        grid=(nblk,),
        in_specs=[
            pl.BlockSpec((F_PROJ, TCBLK), lambda i: (0, i)),
            pl.BlockSpec((8, F_PROJ), lambda i: (0, 0)),
        ],
        out_specs=[
            pl.BlockSpec((8, TCBLK), lambda i: (0, i)),
            pl.BlockSpec((8, 128), lambda i: (0, 0)),
        ],
        out_shape=[
            jax.ShapeDtypeStruct((8, V), jnp.float32),
            jax.ShapeDtypeStruct((8, 128), jnp.float32),
        ],
    )(xpt, w1p)


def _mlp_compat(ht, a128, bb128, w2p, b2128):
    nblk = V // TCBLKB
    return pl.pallas_call(
        _tc_compat_body,
        grid=(nblk,),
        in_specs=[
            pl.BlockSpec((8, TCBLKB), lambda i: (0, i)),
            pl.BlockSpec((8, 128), lambda i: (0, 0)),
            pl.BlockSpec((8, 128), lambda i: (0, 0)),
            pl.BlockSpec((8, 8), lambda i: (0, 0)),
            pl.BlockSpec((8, 128), lambda i: (0, 0)),
        ],
        out_specs=pl.BlockSpec((8, TCBLKB), lambda i: (0, i)),
        out_shape=jax.ShapeDtypeStruct((8, V), jnp.float32),
    )(ht, a128, bb128, w2p, b2128)


def _rsqrt_scalar(x):
    i = lax.bitcast_convert_type(x, jnp.int32)
    i = jnp.int32(0x5F3759DF) - lax.shift_right_logical(i, 1)
    y = lax.bitcast_convert_type(i, jnp.float32)
    for _ in range(3):
        y = y * (1.5 - 0.5 * x * y * y)
    return y


_SPLAT_DNUMS = lax.GatherDimensionNumbers(
    offset_dims=(), collapsed_slice_dims=(0,), start_index_map=(0,))


def _splat(vec, lane):
    idx = jnp.full((16, 1), lane, jnp.int32)
    return lax.gather(vec, idx, dimension_numbers=_SPLAT_DNUMS,
                      slice_sizes=(1,),
                      mode=lax.GatherScatterMode.PROMISE_IN_BOUNDS)


def _sget(ref, idx):
    return ref[pl.ds(idx, 16)][0]


def _fill_ebuf(ebuf, cbuf, cr, lanes):
    def g_loop(g, _):
        base = g * 16
        idx = (base + lanes) * 8
        for v in range(8):
            plsc.store_scatter(ebuf, (idx + v,), cbuf[v, pl.ds(base, 16)])
        return 0

    lax.fori_loop(0, cr // 16, g_loop, 0)


def _sc_body(csr_hbm, compat_hbm, xmod_hbm, gpar_hbm, out_hbm,
             csr_v, mbuf, outbuf, cbuf1, cbufA, cbufB, ebuf, xbufA, xbufB,
             gparv, semA, semB):
    wid = lax.axis_index("c") * 16 + lax.axis_index("s")
    _sc_worker(wid, csr_hbm, compat_hbm, xmod_hbm, gpar_hbm, out_hbm,
               csr_v, mbuf, outbuf, cbuf1, cbufA, cbufB, ebuf, xbufA, xbufB,
               gparv, semA, semB)


def _sc_worker(wid, csr_hbm, compat_hbm, xmod_hbm, gpar_hbm, out_hbm,
               csr_v, mbuf, outbuf, cbuf1, cbufA, cbufB, ebuf, xbufA, xbufB,
               gparv, semA, semB):
    base_seg = pl.multiple_of(wid * SPW, 64)

    pltpu.sync_copy(csr_hbm.at[pl.ds(base_seg, CSR_COPY)],
                    csr_v.at[pl.ds(0, CSR_COPY)])
    pltpu.sync_copy(gpar_hbm, gparv)

    r0 = _sget(csr_v, 0)
    r1 = _sget(csr_v, SPW)
    a0 = (r0 // 128) * 128
    lanes = lax.iota(jnp.int32, 16)
    mask8 = lanes < 8
    neg = jnp.float32(-jnp.inf)
    minf = jnp.full((16,), neg, jnp.float32)
    zero16 = jnp.zeros((16,), jnp.float32)
    zacc = (zero16,) * 8

    def binsearch(r):
        def step(_, lohi):
            lo, hi = lohi
            mid = lax.shift_right_logical(lo + hi, 1)
            go = _sget(csr_v, mid) <= r
            return (jnp.where(go, mid, lo), jnp.where(go, hi, mid))

        lo, _ = lax.fori_loop(0, 9, step, (jnp.int32(0), jnp.int32(SPW)))
        return lo

    nch1 = (r1 - a0 + (CR1 - 1)) // CR1

    def chunk1(k, carry):
        cursor, m_carry = carry
        off = a0 + k * CR1
        offc = pl.multiple_of(jnp.minimum(off, V - CR1), 128)
        sh = off - offc
        pltpu.sync_copy(compat_hbm.at[:, pl.ds(offc, CR1)], cbuf1)
        _fill_ebuf(ebuf, cbuf1, CR1, lanes)
        nr = jnp.minimum(CR1, r1 - off)
        end = off + nr
        seg_hi = binsearch(end - 1)

        def piece(s2, m_cur):
            a = _sget(csr_v, s2)
            b = _sget(csr_v, s2 + 1)
            a2 = jnp.maximum(a, off)
            b2 = jnp.minimum(b, end)
            m_cur = jnp.where(a >= off, minf, m_cur)

            def rowloop(j, mc):
                cvec = ebuf[pl.ds((j + sh) * 8, 16)]
                return jnp.maximum(mc, jnp.where(mask8, cvec, neg))

            m_cur = lax.fori_loop(a2 - off, b2 - off, rowloop, m_cur)

            @pl.when(b <= end)
            def _():
                mbuf[pl.ds(s2 * 16, 16)] = m_cur

            return m_cur

        m_carry = lax.fori_loop(cursor, seg_hi + 1, piece, m_carry)
        cursor = jnp.where(_sget(csr_v, seg_hi + 1) <= end, seg_hi + 1, seg_hi)
        return (cursor, m_carry)

    _ = lax.fori_loop(0, nch1, chunk1, (jnp.int32(0), minf))

    gw = gparv[pl.ds(0, 16)]
    gb = gparv[pl.ds(16, 16)]

    def finalize(sg, denom, accs, m_c):
        n = _sget(csr_v, sg + 1) - _sget(csr_v, sg)
        m0 = jnp.where(mask8, m_c, 0.0)
        z = jnp.maximum(m0 * gw + gb, 0.0)
        ez = jnp.exp(z + z)
        gate = 1.0 - 2.0 / (ez + 1.0)
        scale = gate / (denom + 1e-12)
        scale = jnp.where(n > 0, scale, 0.0)
        for v in range(8):
            outbuf[sg, pl.ds(v * 16, 16)] = accs[v] * _splat(scale, v)

    nch2 = (r1 - a0 + (CR2 - 1)) // CR2
    bufs = ((cbufA, xbufA, semA), (cbufB, xbufB, semB))

    def chunk_off(c):
        off = a0 + c * CR2
        offc = pl.multiple_of(jnp.minimum(off, V - CR2), 128)
        return off, offc

    def start_dma(c, cbuf, xbuf, sem):
        _, offc = chunk_off(c)
        pltpu.async_copy(compat_hbm.at[:, pl.ds(offc, CR2)], cbuf, sem)
        pltpu.async_copy(xmod_hbm.at[pl.ds(offc, CR2), :], xbuf, sem)

    def wait_dma(c, cbuf, xbuf, sem):
        _, offc = chunk_off(c)
        pltpu.make_async_copy(compat_hbm.at[:, pl.ds(offc, CR2)], cbuf,
                              sem).wait()
        pltpu.make_async_copy(xmod_hbm.at[pl.ds(offc, CR2), :], xbuf,
                              sem).wait()

    @pl.when(nch2 > 0)
    def _():
        start_dma(jnp.int32(0), *bufs[0])

    def chunk2(k, carry, p, cbuf2, xbuf, sem):
        cursor, denom_carry, accs_carry = carry
        guard = k < nch2
        off, offc = chunk_off(k)
        sh = off - offc

        @pl.when(guard)
        def _():
            wait_dma(k, cbuf2, xbuf, sem)

        @pl.when(k + 1 < nch2)
        def _():
            start_dma(k + 1, *bufs[1 - p])

        @pl.when(guard)
        def _():
            _fill_ebuf(ebuf, cbuf2, CR2, lanes)

        nr = jnp.where(guard, jnp.minimum(CR2, r1 - off), 0)
        end = off + nr
        seg_hi = jnp.where(guard, binsearch(end - 1), cursor - 1)

        def piece(s2, c2):
            denom, accs = c2
            a = _sget(csr_v, s2)
            b = _sget(csr_v, s2 + 1)
            a2 = jnp.maximum(a, off)
            b2 = jnp.minimum(b, end)
            fresh = a >= off
            denom = jnp.where(fresh, 0.0, denom)
            accs = tuple(jnp.where(fresh, 0.0, ac) for ac in accs)
            m_c = mbuf[pl.ds(s2 * 16, 16)]
            isn = _rsqrt_scalar(jnp.maximum(b - a, 1).astype(jnp.float32))

            def rowloop(j, c3):
                dn, ac = c3
                jb = j + sh
                cvec = ebuf[pl.ds(jb * 8, 16)]
                e = jnp.exp((cvec - m_c) * isn)
                dn = dn + jnp.where(mask8, e, 0.0)
                ac = tuple(
                    ac[v] + _splat(e, v) * xbuf[jb, pl.ds(v * 16, 16)]
                    for v in range(8))
                return (dn, ac)

            denom, accs = lax.fori_loop(a2 - off, b2 - off, rowloop,
                                        (denom, accs))

            @pl.when(b <= end)
            def _():
                finalize(s2, denom, accs, m_c)

            return (denom, accs)

        denom_carry, accs_carry = lax.fori_loop(cursor, seg_hi + 1, piece,
                                                (denom_carry, accs_carry))
        cursor = jnp.where(_sget(csr_v, seg_hi + 1) <= end, seg_hi + 1, seg_hi)
        return (cursor, denom_carry, accs_carry)

    def chunk_pair(k2, carry):
        for p in range(2):
            cbuf_p, xbuf_p, sem_p = bufs[p]
            carry = chunk2(k2 * 2 + p, carry, p, cbuf_p, xbuf_p, sem_p)
        return carry

    cursorf, _, _ = lax.fori_loop(0, (nch2 + 1) // 2, chunk_pair,
                                  (jnp.int32(0), zero16, zacc))

    def tailseg(s2, _):
        finalize(s2, zero16, zacc, zero16)
        return 0

    _ = lax.fori_loop(cursorf, SPW, tailseg, 0)

    pltpu.sync_copy(outbuf, out_hbm.at[pl.ds(base_seg, SPW), :])


def _build_sc_pool(interpret=False):
    mesh = plsc.VectorSubcoreMesh(core_axis_name="c", subcore_axis_name="s")
    return pl.kernel(
        _sc_body,
        out_type=jax.ShapeDtypeStruct((NPAD, F_MOD), jnp.float32),
        mesh=mesh,
        compiler_params=pltpu.CompilerParams(needs_layout_passes=False,
                                             use_tc_tiling_on_sc=True),
        scratch_types=[
            pltpu.VMEM((CSR_BUF,), jnp.int32),
            pltpu.VMEM((SPW * 16,), jnp.float32),
            pltpu.VMEM((SPW, F_MOD), jnp.float32),
            pltpu.VMEM((8, CR1), jnp.float32),
            pltpu.VMEM((8, CR2), jnp.float32),
            pltpu.VMEM((8, CR2), jnp.float32),
            pltpu.VMEM((max(CR1, CR2) * 8 + 16,), jnp.float32),
            pltpu.VMEM((CR2, F_MOD), jnp.float32),
            pltpu.VMEM((CR2, F_MOD), jnp.float32),
            pltpu.VMEM((32,), jnp.float32),
            pltpu.SemaphoreType.DMA,
            pltpu.SemaphoreType.DMA,
        ],
        interpret=interpret,
    )


_sc_pool = _build_sc_pool()


def kernel(x_main, x_mod, x_proj, csr_idx, W1, b1, bn_gamma, bn_beta,
           W2, b2, gate_w, gate_b):
    del x_main
    del b1
    w1p = jnp.zeros((8, F_PROJ), jnp.float32).at[:4].set(W1)
    ht, stats = _mlp_h_stats(x_proj.T, w1p)
    mu = stats[:, 0] / V
    var = stats[:, 1] / V - mu * mu
    gam = jnp.zeros((8,), jnp.float32).at[:4].set(bn_gamma)
    bet = jnp.zeros((8,), jnp.float32).at[:4].set(bn_beta)
    a = gam * lax.rsqrt(var + EPS_BN)
    bb = bet - mu * a
    w2p = jnp.zeros((8, 8), jnp.float32).at[:, :4].set(W2)
    tile128 = lambda v: jnp.tile(v.reshape(8, 1), (1, 128))
    b2p = jnp.zeros((8,), jnp.float32).at[:G].set(b2)
    compatT = _mlp_compat(ht, tile128(a), tile128(bb), w2p, tile128(b2p))

    csr32 = csr_idx.astype(jnp.int32)
    csr_pad = jnp.concatenate(
        [csr32, jnp.full(((NW - 1) * SPW + CSR_COPY - (N + 1),), V, jnp.int32)])
    gpar = jnp.concatenate([
        jnp.tile(gate_w.reshape(-1), 2).astype(jnp.float32),
        jnp.tile(gate_b.reshape(-1), 2).astype(jnp.float32),
    ])
    out = _sc_pool(csr_pad, compatT, x_mod, gpar)
    x_pool = out[:N]
    x_seen = csr_idx[1:] > csr_idx[:-1]
    return x_pool, x_seen

# --- scband reference (transcript-rebuilt; emitter-appended) ---
"""Pipeline reference for scband-group-bimodal-csrpool-75265006895913 (READ-ONLY COPY).

The authoritative reference and input builder live on the scoring server;
editing this copy changes nothing except your own understanding.
"""

import jax, jax.numpy as jnp
import numpy as np

N = 10000
V = 320000
F_PROJ = 64
F_MOD = 128
G = 8
EPS_BN = 1e-5


def _group_sizes(num_channels, num_groups):
    base = num_channels // num_groups
    sizes = np.full((num_groups,), base, dtype=np.int64)
    rem = num_channels - int(sizes.sum())
    sizes[:rem] += 1
    return jnp.asarray(sizes)


def _expand_group_feat(A, num_groups, num_channels):
    if num_groups == 1:
        return A.reshape(-1, 1)
    if num_groups < num_channels:
        sizes = _group_sizes(num_channels, num_groups)
        return jnp.repeat(A, sizes, axis=1, total_repeat_length=num_channels)
    return A


def setup_inputs(seed: int = 0):
    key = jax.random.key(seed)
    ks = jax.random.split(key, 10)
    x_main = jax.random.normal(ks[0], (N, F_MOD), dtype=jnp.float32)
    x_mod = jax.random.normal(ks[1], (V, F_MOD), dtype=jnp.float32)
    x_proj = jax.random.normal(ks[2], (V, F_PROJ), dtype=jnp.float32)
    inner = jnp.sort(jax.random.randint(ks[3], (N - 1,), 0, V + 1)).astype(jnp.int32)
    csr_idx = jnp.concatenate([jnp.zeros((1,), jnp.int32), inner, jnp.full((1,), V, jnp.int32)])
    W1 = jax.random.normal(ks[4], (4, F_PROJ), dtype=jnp.float32) / np.sqrt(F_PROJ)
    b1 = jnp.zeros((4,), jnp.float32)
    bn_gamma = jnp.ones((4,), jnp.float32)
    bn_beta = jnp.zeros((4,), jnp.float32)
    W2 = jax.random.normal(ks[5], (G, 4), dtype=jnp.float32) * 0.5
    b2 = jnp.zeros((G,), jnp.float32)
    gate_w = jnp.ones((1, G), jnp.float32)
    gate_b = jnp.zeros((1, G), jnp.float32)
    return {"x_main": x_main, "x_mod": x_mod, "x_proj": x_proj, "csr_idx": csr_idx,
            "W1": W1, "b1": b1, "bn_gamma": bn_gamma, "bn_beta": bn_beta,
            "W2": W2, "b2": b2, "gate_w": gate_w, "gate_b": gate_b}


def _forward(x_mod, x_proj, W1, b1, bn_gamma, bn_beta, W2, b2, gate_w, gate_b, csr_idx):
    counts = csr_idx[1:] - csr_idx[:-1]
    seg_ids = jnp.repeat(jnp.arange(N), counts, total_repeat_length=V)
    nonempty = counts > 0
    # MLP_proj: Linear -> BatchNorm1d (training/batch stats) -> ReLU
    h = x_proj @ W1.T + b1
    mu = h.mean(axis=0)
    var = ((h - mu) ** 2).mean(axis=0)
    h = (h - mu) / jnp.sqrt(var + EPS_BN) * bn_gamma + bn_beta
    h = jax.nn.relu(h)
    # MLP_score: Linear(4 -> num_groups) since num_groups > 4
    compat = h @ W2.T + b2  # [V, G]
    # segment_csr_softmax with group scaling (scaled by sqrt of group size)
    maxv = jax.ops.segment_max(compat, seg_ids, num_segments=N)
    maxv = jnp.where(nonempty[:, None], maxv, 0.0)
    centered = compat - maxv[seg_ids]
    sqrt_n = jnp.sqrt(counts.astype(jnp.float32))
    centered = centered / sqrt_n[seg_ids][:, None]
    exp = jnp.exp(centered)
    denom = jax.ops.segment_sum(exp, seg_ids, num_segments=N) + 1e-12
    attn = exp / denom[seg_ids]  # [V, G]
    attn_full = _expand_group_feat(attn, G, F_MOD)  # [V, F_MOD]
    x_pool = jax.ops.segment_sum(x_mod * attn_full, seg_ids, num_segments=N)
    # Gating: rectified-tanh on per-group max compatibility per point
    gmax = jax.ops.segment_max(compat, seg_ids, num_segments=N)
    gmax = jnp.where(nonempty[:, None], gmax, 0.0)
    gate = jnp.tanh(jax.nn.relu(gmax * gate_w + gate_b)).reshape(-1, G)
    gate_full = _expand_group_feat(gate, G, F_MOD)
    x_pool = x_pool * gate_full
    return x_pool


def reference(x_main, x_mod, x_proj, csr_idx, W1, b1, bn_gamma, bn_beta, W2, b2, gate_w, gate_b):
    # x_main is accepted per the torch signature but unused by this pooling module
    x_pool = _forward(x_mod, x_proj, W1, b1, bn_gamma, bn_beta, W2, b2, gate_w, gate_b, csr_idx)
    x_seen = csr_idx[1:] > csr_idx[:-1]
    return x_pool, x_seen

if __name__ == "__main__":
    import jax
    _d = setup_inputs()
    print(jax.jit(kernel)(*tuple(_d.values())))

</pallas_src>

<mosaic_0001>
#map = affine_map<(d0, d1) -> (0)>
#map1 = affine_map<(d0, d1) -> (0, 0)>
module attributes {stable_mosaic.version = 14 : i64} {
  func.func @_sc_body(%arg0: i32, %arg1: i32, %arg2: memref<10248xi32, #tpu.memory_space<hbm>>, %arg3: memref<8x320000xf32, #tpu.memory_space<hbm>>, %arg4: memref<320000x128xf32, #tpu.memory_space<hbm>>, %arg5: memref<32xf32, #tpu.memory_space<hbm>>, %arg6: memref<10240x128xf32, #tpu.memory_space<hbm>>, %arg7: memref<344xi32, #tpu.memory_space<vmem>>, %arg8: memref<5120xf32, #tpu.memory_space<vmem>>, %arg9: memref<320x128xf32, #tpu.memory_space<vmem>>, %arg10: memref<8x256xf32, #tpu.memory_space<vmem>>, %arg11: memref<8x256xf32, #tpu.memory_space<vmem>>, %arg12: memref<8x256xf32, #tpu.memory_space<vmem>>, %arg13: memref<2064xf32, #tpu.memory_space<vmem>>, %arg14: memref<256x128xf32, #tpu.memory_space<vmem>>, %arg15: memref<256x128xf32, #tpu.memory_space<vmem>>, %arg16: memref<32xf32, #tpu.memory_space<vmem>>, %arg17: memref<!tpu.dma_semaphore, #tpu.memory_space<semaphore_mem>>, %arg18: memref<!tpu.dma_semaphore, #tpu.memory_space<semaphore_mem>>) attributes {dimension_semantics = [#tpu.dimension_semantics<core_parallel>, #tpu.dimension_semantics<subcore_parallel>], iteration_bounds = array<i64: 2, 16>, scalar_prefetch = 0 : i64, scratch_operands = 12 : i64, tpu.core_type = #tpu.core_type<sc_vector_subcore>, window_params = [{transform_indices = #map}, {transform_indices = #map1}, {transform_indices = #map1}, {transform_indices = #map}, {transform_indices = #map1}]} {
    %mul3A = arith.constant 16 : i32
    %mul3A_0 = arith.muli %arg0, %mul3A : i32
    %add3A = arith.addi %mul3A_0, %arg1 : i32
    %mul3A_1 = arith.constant 320 : i32
    %mul3A_2 = arith.muli %add3A, %mul3A_1 : i32
    %multiple_of3A = tpu.assume_multiple %mul3A_2, 64 : i32
    "tpu.region"() ({
      %run_scoped3A = tpu.sem_alloc : memref<!tpu.dma_semaphore, #tpu.memory_space<semaphore_mem>>
      %dma_start3A = arith.constant 0 : i32
      %dma_start3A_153 = tpu.memref_slice %arg7[%dma_start3A] : memref<344xi32, #tpu.memory_space<vmem>> -> memref<328xi32, #tpu.memory_space<vmem>>
      %dma_start3A_154 = tpu.memref_slice %arg2[%multiple_of3A] : memref<10248xi32, #tpu.memory_space<hbm>> -> memref<328xi32, #tpu.memory_space<hbm>>
      %dma_start3A_155 = arith.constant 0 : i32
      %dma_start3A_156 = tpu.memref_slice %arg7[%dma_start3A_155] : memref<344xi32, #tpu.memory_space<vmem>> -> memref<328xi32, #tpu.memory_space<vmem>>
      %dma_start3A_157 = tpu.memref_slice %arg2[%multiple_of3A] : memref<10248xi32, #tpu.memory_space<hbm>> -> memref<328xi32, #tpu.memory_space<hbm>>
      tpu.enqueue_dma source(%dma_start3A_157 : memref<328xi32, #tpu.memory_space<hbm>>) target(%dma_start3A_156 : memref<328xi32, #tpu.memory_space<vmem>>) target_semaphore(%run_scoped3A : memref<!tpu.dma_semaphore, #tpu.memory_space<semaphore_mem>>)
      %dma_wait3A = arith.constant 0 : i32
      %dma_wait3A_158 = tpu.memref_slice %arg7[%dma_wait3A] : memref<344xi32, #tpu.memory_space<vmem>> -> memref<328xi32, #tpu.memory_space<vmem>>
      %dma_wait3A_159 = tpu.memref_slice %arg2[%multiple_of3A] : memref<10248xi32, #tpu.memory_space<hbm>> -> memref<328xi32, #tpu.memory_space<hbm>>
      %dma_wait3A_160 = arith.constant 0 : i32
      %dma_wait3A_161 = tpu.memref_slice %arg7[%dma_wait3A_160] : memref<344xi32, #tpu.memory_space<vmem>> -> memref<328xi32, #tpu.memory_space<vmem>>
      %dma_wait3A_162 = tpu.memref_slice %arg2[%multiple_of3A] : memref<10248xi32, #tpu.memory_space<hbm>> -> memref<328xi32, #tpu.memory_space<hbm>>
      tpu.wait_dma2 semaphore(%run_scoped3A : memref<!tpu.dma_semaphore, #tpu.memory_space<semaphore_mem>>) src(%dma_wait3A_162 : memref<328xi32, #tpu.memory_space<hbm>>) dst(%dma_wait3A_161 : memref<328xi32, #tpu.memory_space<vmem>>)
      tpu.yield
    }) : () -> ()
    "tpu.region"() ({
      %run_scoped3A = tpu.sem_alloc : memref<!tpu.dma_semaphore, #tpu.memory_space<semaphore_mem>>
      tpu.enqueue_dma source(%arg5 : memref<32xf32, #tpu.memory_space<hbm>>) target(%arg16 : memref<32xf32, #tpu.memory_space<vmem>>) target_semaphore(%run_scoped3A : memref<!tpu.dma_semaphore, #tpu.memory_space<semaphore_mem>>)
      tpu.wait_dma2 semaphore(%run_scoped3A : memref<!tpu.dma_semaphore, #tpu.memory_space<semaphore_mem>>) src(%arg5 : memref<32xf32, #tpu.memory_space<hbm>>) dst(%arg16 : memref<32xf32, #tpu.memory_space<vmem>>)
      tpu.yield
    }) : () -> ()
    %get3A = arith.constant 0 : index
    %get3A_3 = tpu.vector_load %arg7[%get3A] {strides = array<i32>} : memref<344xi32, #tpu.memory_space<vmem>>, vector<16xi32>,
    %slice3A = vector.extract_strided_slice %get3A_3 {offsets = [0], sizes = [1], strides = [1]} : vector<16xi32> to vector<1xi32>
    %squeeze3A = vector.extract %slice3A[0] : i32 from vector<1xi32>
    %get3A_4 = arith.constant 320 : index
    %get3A_5 = tpu.vector_load %arg7[%get3A_4] {strides = array<i32>} : memref<344xi32, #tpu.memory_space<vmem>>, vector<16xi32>,
    %slice3A_6 = vector.extract_strided_slice %get3A_5 {offsets = [0], sizes = [1], strides = [1]} : vector<16xi32> to vector<1xi32>
    %squeeze3A_7 = vector.extract %slice3A_6[0] : i32 from vector<1xi32>
    %jit3A = arith.constant 128 : i32
    %div3A = arith.divsi %squeeze3A, %jit3A : i32
    %sign3A = arith.constant 0 : i32
    %sign3A_8 = arith.cmpi sgt, %squeeze3A, %sign3A : i32
    %sign3A_9 = arith.extui %sign3A_8 : i1 to i32
    %sign3A_10 = arith.constant 0 : i32
    %sign3A_11 = arith.cmpi slt, %squeeze3A, %sign3A_10 : i32
    %sign3A_12 = arith.extui %sign3A_11 : i1 to i32
    %sign3A_13 = arith.subi %sign3A_9, %sign3A_12 : i32
    %sign3A_14 = arith.constant 0 : i32
    %sign3A_15 = arith.cmpi sgt, %jit3A, %sign3A_14 : i32
    %sign3A_16 = arith.extui %sign3A_15 : i1 to i32
    %sign3A_17 = arith.constant 0 : i32
    %sign3A_18 = arith.cmpi slt, %jit3A, %sign3A_17 : i32
    %sign3A_19 = arith.extui %sign3A_18 : i1 to i32
    %sign3A_20 = arith.subi %sign3A_16, %sign3A_19 : i32
    %ne3A = arith.cmpi ne, %sign3A_13, %sign3A_20 : i32
    %rem3A = arith.remsi %squeeze3A, %jit3A : i32
    %ne3A_21 = arith.constant 0 : i32
    %ne3A_22 = arith.cmpi ne, %rem3A, %ne3A_21 : i32
    %and3A = arith.andi %ne3A, %ne3A_22 : i1
    %sub3A = arith.constant 1 : i32
    %sub3A_23 = arith.subi %div3A, %sub3A : i32
    %select_n3A = arith.select %and3A, %sub3A_23, %div3A : i32
    %mul3A_24 = arith.constant 128 : i32
    %mul3A_25 = arith.muli %select_n3A, %mul3A_24 : i32
    %iota3A = tpu.iota {dimensions = array<i32: 0>} : vector<16xi32>
    %lt3A = arith.constant 8 : i32
    %lt3A_26 = vector.broadcast %lt3A : i32 to vector<16xi32>
    %lt3A_27 = arith.cmpi slt, %iota3A, %lt3A_26 : vector<16xi32>
    %broadcast_in_dim3A = arith.constant 0xFF800000 : f32
    %broadcast_in_dim3A_28 = vector.broadcast %broadcast_in_dim3A : f32 to vector<16xf32>
    %broadcast_in_dim3A_29 = arith.constant 0.000000e+00 : f32
    %broadcast_in_dim3A_30 = vector.broadcast %broadcast_in_dim3A_29 : f32 to vector<16xf32>
    %sub3A_31 = arith.subi %squeeze3A_7, %mul3A_25 : i32
    %add3A_32 = arith.constant 255 : i32
    %add3A_33 = arith.addi %sub3A_31, %add3A_32 : i32
    %jit3A_34 = arith.constant 256 : i32
    %div3A_35 = arith.divsi %add3A_33, %jit3A_34 : i32
    %sign3A_36 = arith.constant 0 : i32
    %sign3A_37 = arith.cmpi sgt, %add3A_33, %sign3A_36 : i32
    %sign3A_38 = arith.extui %sign3A_37 : i1 to i32
    %sign3A_39 = arith.constant 0 : i32
    %sign3A_40 = arith.cmpi slt, %add3A_33, %sign3A_39 : i32
    %sign3A_41 = arith.extui %sign3A_40 : i1 to i32
    %sign3A_42 = arith.subi %sign3A_38, %sign3A_41 : i32
    %sign3A_43 = arith.constant 0 : i32
    %sign3A_44 = arith.cmpi sgt, %jit3A_34, %sign3A_43 : i32
    %sign3A_45 = arith.extui %sign3A_44 : i1 to i32
    %sign3A_46 = arith.constant 0 : i32
    %sign3A_47 = arith.cmpi slt, %jit3A_34, %sign3A_46 : i32
    %sign3A_48 = arith.extui %sign3A_47 : i1 to i32
    %sign3A_49 = arith.subi %sign3A_45, %sign3A_48 : i32
    %ne3A_50 = arith.cmpi ne, %sign3A_42, %sign3A_49 : i32
    %rem3A_51 = arith.remsi %add3A_33, %jit3A_34 : i32
    %ne3A_52 = arith.constant 0 : i32
    %ne3A_53 = arith.cmpi ne, %rem3A_51, %ne3A_52 : i32
    %and3A_54 = arith.andi %ne3A_50, %ne3A_53 : i1
    %sub3A_55 = arith.constant 1 : i32
    %sub3A_56 = arith.subi %div3A_35, %sub3A_55 : i32
    %select_n3A_57 = arith.select %and3A_54, %sub3A_56, %div3A_35 : i32
    %while3A = arith.constant 0xFF800000 : f32
    %while3A_58 = arith.constant 0 : i32
    %while3A_59 = arith.constant 0 : i32
    %while3A_60 = arith.subi %select_n3A_57, %while3A_58 : i32
    %while3A_61 = arith.addi %while3A_58, %while3A_60 : i32
    %while3A_62 = arith.constant 1 : i32
    %while3A_63 = arith.divsi %while3A_60, %while3A_62 : i32
    %while3A_64 = arith.muli %while3A_63, %while3A_62 : i32
    %while3A_65 = arith.addi %while3A_58, %while3A_64 : i32
    %while3A_66 = arith.constant 1 : i32
    %while3A_67:2 = scf.for %while3A_153 = %while3A_58 to %while3A_65 step %while3A_66 iter_args(%while3A_154 = %while3A_59, %while3A_155 = %broadcast_in_dim3A_28) -> (i32, vector<16xf32>)  : i32 {
      %mul3A_156 = arith.constant 256 : i32
      %mul3A_157 = arith.muli %while3A_153, %mul3A_156 : i32
      %add3A_158 = arith.addi %mul3A_25, %mul3A_157 : i32
      %min3A = arith.constant 319744 : i32
      %min3A_159 = arith.minsi %add3A_158, %min3A : i32
      %multiple_of3A_160 = tpu.assume_multiple %min3A_159, 128 : i32
      %sub3A_161 = arith.subi %add3A_158, %multiple_of3A_160 : i32
      "tpu.region"() ({
        %run_scoped3A = tpu.sem_alloc : memref<!tpu.dma_semaphore, #tpu.memory_space<semaphore_mem>>
        %dma_start3A = arith.constant 0 : i32
        %dma_start3A_203 = tpu.memref_slice %arg3[%dma_start3A, %multiple_of3A_160] : memref<8x320000xf32, #tpu.memory_space<hbm>> -> memref<8x256xf32, #tpu.memory_space<hbm>>
        %dma_start3A_204 = arith.constant 0 : i32
        %dma_start3A_205 = tpu.memref_slice %arg3[%dma_start3A_204, %multiple_of3A_160] : memref<8x320000xf32, #tpu.memory_space<hbm>> -> memref<8x256xf32, #tpu.memory_space<hbm>>
        tpu.enqueue_dma source(%dma_start3A_205 : memref<8x256xf32, #tpu.memory_space<hbm>>) target(%arg10 : memref<8x256xf32, #tpu.memory_space<vmem>>) target_semaphore(%run_scoped3A : memref<!tpu.dma_semaphore, #tpu.memory_space<semaphore_mem>>)
        %dma_wait3A = arith.constant 0 : i32
        %dma_wait3A_206 = tpu.memref_slice %arg3[%dma_wait3A, %multiple_of3A_160] : memref<8x320000xf32, #tpu.memory_space<hbm>> -> memref<8x256xf32, #tpu.memory_space<hbm>>
        %dma_wait3A_207 = arith.constant 0 : i32
        %dma_wait3A_208 = tpu.memref_slice %arg3[%dma_wait3A_207, %multiple_of3A_160] : memref<8x320000xf32, #tpu.memory_space<hbm>> -> memref<8x256xf32, #tpu.memory_space<hbm>>
        tpu.wait_dma2 semaphore(%run_scoped3A : memref<!tpu.dma_semaphore, #tpu.memory_space<semaphore_mem>>) src(%dma_wait3A_208 : memref<8x256xf32, #tpu.memory_space<hbm>>) dst(%arg10 : memref<8x256xf32, #tpu.memory_space<vmem>>)
        tpu.yield
      }) : () -> ()
      %scan3A = arith.constant 0 : i32
      %scan3A_162 = arith.constant 0 : i32
      %scan3A_163 = arith.constant 16 : i32
      %scan3A_164 = arith.addi %scan3A_162, %scan3A_163 : i32
      %scan3A_165 = arith.constant 1 : i32
      %scan3A_166 = scf.for %scan3A_203 = %scan3A_162 to %scan3A_164 step %scan3A_165 iter_args(%scan3A_204 = %scan3A) -> (i32)  : i32 {
        %mul3A_205 = arith.constant 16 : i32
        %mul3A_206 = arith.muli %scan3A_203, %mul3A_205 : i32
        %add3A_207 = vector.broadcast %mul3A_206 : i32 to vector<16xi32>
        %add3A_208 = arith.addi %add3A_207, %iota3A : vector<16xi32>
        %mul3A_209 = arith.constant 8 : i32
        %mul3A_210 = vector.broadcast %mul3A_209 : i32 to vector<16xi32>
        %mul3A_211 = arith.muli %add3A_208, %mul3A_210 : vector<16xi32>
        %add3A_212 = arith.constant 0 : i32
        %add3A_213 = vector.broadcast %add3A_212 : i32 to vector<16xi32>
        %add3A_214 = arith.addi %mul3A_211, %add3A_213 : vector<16xi32>
        %get3A_215 = arith.constant 0 : i32
        %get3A_216 = arith.index_cast %get3A_215 : i32 to index
        %get3A_217 = arith.index_cast %mul3A_206 : i32 to index
        %get3A_218 = tpu.vector_load %arg10[%get3A_216, %get3A_217] {strides = array<i32>} : memref<8x256xf32, #tpu.memory_space<vmem>>, vector<16xf32>,
        tpu.vector_store_idx %arg13[%add3A_214], %get3A_218 : memref<2064xf32, #tpu.memory_space<vmem>>[vector<16xi32>], vector<16xf32>,
        %add3A_219 = arith.constant 1 : i32
        %add3A_220 = vector.broadcast %add3A_219 : i32 to vector<16xi32>
        %add3A_221 = arith.addi %mul3A_211, %add3A_220 : vector<16xi32>
        %get3A_222 = arith.constant 1 : i32
        %get3A_223 = arith.index_cast %get3A_222 : i32 to index
        %get3A_224 = arith.index_cast %mul3A_206 : i32 to index
        %get3A_225 = tpu.vector_load %arg10[%get3A_223, %get3A_224] {strides = array<i32>} : memref<8x256xf32, #tpu.memory_space<vmem>>, vector<16xf32>,
        tpu.vector_store_idx %arg13[%add3A_221], %get3A_225 : memref<2064xf32, #tpu.memory_space<vmem>>[vector<16xi32>], vector<16xf32>,
        %add3A_226 = arith.constant 2 : i32
        %add3A_227 = vector.broadcast %add3A_226 : i32 to vector<16xi32>
        %add3A_228 = arith.addi %mul3A_211, %add3A_227 : vector<16xi32>
        %get3A_229 = arith.constant 2 : i32
        %get3A_230 = arith.index_cast %get3A_229 : i32 to index
        %get3A_231 = arith.index_cast %mul3A_206 : i32 to index
        %get3A_232 = tpu.vector_load %arg10[%get3A_230, %get3A_231] {strides = array<i32>} : memref<8x256xf32, #tpu.memory_space<vmem>>, vector<16xf32>,
        tpu.vector_store_idx %arg13[%add3A_228], %get3A_232 : memref<2064xf32, #tpu.memory_space<vmem>>[vector<16xi32>], vector<16xf32>,
        %add3A_233 = arith.constant 3 : i32
        %add3A_234 = vector.broadcast %add3A_233 : i32 to vector<16xi32>
        %add3A_235 = arith.addi %mul3A_211, %add3A_234 : vector<16xi32>
        %get3A_236 = arith.constant 3 : i32
        %get3A_237 = arith.index_cast %get3A_236 : i32 to index
        %get3A_238 = arith.index_cast %mul3A_206 : i32 to index
        %get3A_239 = tpu.vector_load %arg10[%get3A_237, %get3A_238] {strides = array<i32>} : memref<8x256xf32, #tpu.memory_space<vmem>>, vector<16xf32>,
        tpu.vector_store_idx %arg13[%add3A_235], %get3A_239 : memref<2064xf32, #tpu.memory_space<vmem>>[vector<16xi32>], vector<16xf32>,
        %add3A_240 = arith.constant 4 : i32
        %add3A_241 = vector.broadcast %add3A_240 : i32 to vector<16xi32>
        %add3A_242 = arith.addi %mul3A_211, %add3A_241 : vector<16xi32>
        %get3A_243 = arith.constant 4 : i32
        %get3A_244 = arith.index_cast %get3A_243 : i32 to index
        %get3A_245 = arith.index_cast %mul3A_206 : i32 to index
        %get3A_246 = tpu.vector_load %arg10[%get3A_244, %get3A_245] {strides = array<i32>} : memref<8x256xf32, #tpu.memory_space<vmem>>, vector<16xf32>,
        tpu.vector_store_idx %arg13[%add3A_242], %get3A_246 : memref<2064xf32, #tpu.memory_space<vmem>>[vector<16xi32>], vector<16xf32>,
        %add3A_247 = arith.constant 5 : i32
        %add3A_248 = vector.broadcast %add3A_247 : i32 to vector<16xi32>
        %add3A_249 = arith.addi %mul3A_211, %add3A_248 : vector<16xi32>
        %get3A_250 = arith.constant 5 : i32
        %get3A_251 = arith.index_cast %get3A_250 : i32 to index
        %get3A_252 = arith.index_cast %mul3A_206 : i32 to index
        %get3A_253 = tpu.vector_load %arg10[%get3A_251, %get3A_252] {strides = array<i32>} : memref<8x256xf32, #tpu.memory_space<vmem>>, vector<16xf32>,
        tpu.vector_store_idx %arg13[%add3A_249], %get3A_253 : memref<2064xf32, #tpu.memory_space<vmem>>[vector<16xi32>], vector<16xf32>,
        %add3A_254 = arith.constant 6 : i32
        %add3A_255 = vector.broadcast %add3A_254 : i32 to vector<16xi32>
        %add3A_256 = arith.addi %mul3A_211, %add3A_255 : vector<16xi32>
        %get3A_257 = arith.constant 6 : i32
        %get3A_258 = arith.index_cast %get3A_257 : i32 to index
        %get3A_259 = arith.index_cast %mul3A_206 : i32 to index
        %get3A_260 = tpu.vector_load %arg10[%get3A_258, %get3A_259] {strides = array<i32>} : memref<8x256xf32, #tpu.memory_space<vmem>>, vector<16xf32>,
        tpu.vector_store_idx %arg13[%add3A_256], %get3A_260 : memref<2064xf32, #tpu.memory_space<vmem>>[vector<16xi32>], vector<16xf32>,
        %add3A_261 = arith.constant 7 : i32
        %add3A_262 = vector.broadcast %add3A_261 : i32 to vector<16xi32>
        %add3A_263 = arith.addi %mul3A_211, %add3A_262 : vector<16xi32>
        %get3A_264 = arith.constant 7 : i32
        %get3A_265 = arith.index_cast %get3A_264 : i32 to index
        %get3A_266 = arith.index_cast %mul3A_206 : i32 to index
        %get3A_267 = tpu.vector_load %arg10[%get3A_265, %get3A_266] {strides = array<i32>} : memref<8x256xf32, #tpu.memory_space<vmem>>, vector<16xf32>,
        tpu.vector_store_idx %arg13[%add3A_263], %get3A_267 : memref<2064xf32, #tpu.memory_space<vmem>>[vector<16xi32>], vector<16xf32>,
        %scan3A_268 = arith.constant 0 : i32
        scf.yield %scan3A_268 : i32
      }
      %scan3A_167 = arith.constant 16 : i32
      %sub3A_168 = arith.subi %squeeze3A_7, %add3A_158 : i32
      %min3A_169 = arith.constant 256 : i32
      %min3A_170 = arith.minsi %min3A_169, %sub3A_168 : i32
      %add3A_171 = arith.addi %add3A_158, %min3A_170 : i32
      %sub3A_172 = arith.constant 1 : i32
      %sub3A_173 = arith.subi %add3A_171, %sub3A_172 : i32
      %scan3A_174 = arith.constant 0 : i32
      %scan3A_175 = arith.constant 320 : i32
      %scan3A_176 = arith.constant 0 : i32
      %scan3A_177 = arith.constant 9 : i32
      %scan3A_178 = arith.addi %scan3A_176, %scan3A_177 : i32
      %scan3A_179 = arith.constant 1 : i32
      %scan3A_180:2 = scf.for %scan3A_203 = %scan3A_176 to %scan3A_178 step %scan3A_179 iter_args(%scan3A_204 = %scan3A_174, %scan3A_205 = %scan3A_175) -> (i32, i32)  : i32 {
        %add3A_206 = arith.addi %scan3A_204, %scan3A_205 : i32
        %shift_right_logical3A = arith.constant 1 : i32
        %shift_right_logical3A_207 = arith.shrui %add3A_206, %shift_right_logical3A : i32
        %get3A_208 = arith.index_cast %shift_right_logical3A_207 : i32 to index
        %get3A_209 = tpu.vector_load %arg7[%get3A_208] {strides = array<i32>} : memref<344xi32, #tpu.memory_space<vmem>>, vector<16xi32>,
        %slice3A_210 = vector.extract_strided_slice %get3A_209 {offsets = [0], sizes = [1], strides = [1]} : vector<16xi32> to vector<1xi32>
        %squeeze3A_211 = vector.extract %slice3A_210[0] : i32 from vector<1xi32>
        %le3A_212 = arith.cmpi sle, %squeeze3A_211, %sub3A_173 : i32
        %select_n3A_213 = arith.select %le3A_212, %shift_right_logical3A_207, %scan3A_204 : i32
        %select_n3A_214 = arith.select %le3A_212, %scan3A_205, %shift_right_logical3A_207 : i32
        scf.yield %select_n3A_213, %select_n3A_214 : i32, i32
      }
      %scan3A_181 = arith.constant 9 : i32
      %add3A_182 = arith.constant 1 : i32
      %add3A_183 = arith.addi %scan3A_180#0, %add3A_182 : i32
      %while3A_184 = arith.subi %add3A_183, %while3A_154 : i32
      %while3A_185 = arith.addi %while3A_154, %while3A_184 : i32
      %while3A_186 = arith.constant 1 : i32
      %while3A_187 = arith.divsi %while3A_184, %while3A_186 : i32
      %while3A_188 = arith.muli %while3A_187, %while3A_186 : i32
      %while3A_189 = arith.addi %while3A_154, %while3A_188 : i32
      %while3A_190 = arith.constant 1 : i32
      %while3A_191 = scf.for %while3A_203 = %while3A_154 to %while3A_189 step %while3A_190 iter_args(%while3A_204 = %while3A_155) -> (vector<16xf32>)  : i32 {
        %get3A_205 = arith.index_cast %while3A_203 : i32 to index
        %get3A_206 = tpu.vector_load %arg7[%get3A_205] {strides = array<i32>} : memref<344xi32, #tpu.memory_space<vmem>>, vector<16xi32>,
        %slice3A_207 = vector.extract_strided_slice %get3A_206 {offsets = [0], sizes = [1], strides = [1]} : vector<16xi32> to vector<1xi32>
        %squeeze3A_208 = vector.extract %slice3A_207[0] : i32 from vector<1xi32>
        %add3A_209 = arith.constant 1 : i32
        %add3A_210 = arith.addi %while3A_203, %add3A_209 : i32
        %get3A_211 = arith.index_cast %add3A_210 : i32 to index
        %get3A_212 = tpu.vector_load %arg7[%get3A_211] {strides = array<i32>} : memref<344xi32, #tpu.memory_space<vmem>>, vector<16xi32>,
        %slice3A_213 = vector.extract_strided_slice %get3A_212 {offsets = [0], sizes = [1], strides = [1]} : vector<16xi32> to vector<1xi32>
        %squeeze3A_214 = vector.extract %slice3A_213[0] : i32 from vector<1xi32>
        %max3A = arith.maxsi %squeeze3A_208, %add3A_158 : i32
        %min3A_215 = arith.minsi %squeeze3A_214, %add3A_171 : i32
        %ge3A = arith.cmpi sge, %squeeze3A_208, %add3A_158 : i32
        %select_n3A_216 = arith.select %ge3A, %broadcast_in_dim3A_28, %while3A_204 : vector<16xf32>
        %sub3A_217 = arith.subi %max3A, %add3A_158 : i32
        %sub3A_218 = arith.subi %min3A_215, %add3A_158 : i32
        %while3A_219 = arith.subi %sub3A_218, %sub3A_217 : i32
        %while3A_220 = arith.addi %sub3A_217, %while3A_219 : i32
        %while3A_221 = arith.constant 1 : i32
        %while3A_222 = arith.divsi %while3A_219, %while3A_221 : i32
        %while3A_223 = arith.muli %while3A_222, %while3A_221 : i32
        %while3A_224 = arith.addi %sub3A_217, %while3A_223 : i32
        %while3A_225 = arith.constant 1 : i32
        %while3A_226 = scf.for %while3A_233 = %sub3A_217 to %while3A_224 step %while3A_225 iter_args(%while3A_234 = %select_n3A_216) -> (vector<16xf32>)  : i32 {
          %add3A_235 = arith.addi %while3A_233, %sub3A_161 : i32
          %mul3A_236 = arith.constant 8 : i32
          %mul3A_237 = arith.muli %add3A_235, %mul3A_236 : i32
          %get3A_238 = arith.index_cast %mul3A_237 : i32 to index
          %get3A_239 = tpu.vector_load %arg13[%get3A_238] {strides = array<i32>} : memref<2064xf32, #tpu.memory_space<vmem>>, vector<16xf32>,
          %broadcast_in_dim3A_240 = vector.broadcast %while3A : f32 to vector<16xf32>
          %select_n3A_241 = arith.select %lt3A_27, %get3A_239, %broadcast_in_dim3A_240 : vector<16xi1>, vector<16xf32>
          %max3A_242 = arith.maximumf %while3A_234, %select_n3A_241 : vector<16xf32>
          scf.yield %max3A_242 : vector<16xf32>
        }
        %while3A_227 = arith.constant 1 : i32
        %while3A_228 = scf.for %while3A_233 = %while3A_224 to %while3A_220 step %while3A_227 iter_args(%while3A_234 = %while3A_226) -> (vector<16xf32>)  : i32 {
          %add3A_235 = arith.addi %while3A_233, %sub3A_161 : i32
          %mul3A_236 = arith.constant 8 : i32
          %mul3A_237 = arith.muli %add3A_235, %mul3A_236 : i32
          %get3A_238 = arith.index_cast %mul3A_237 : i32 to index
          %get3A_239 = tpu.vector_load %arg13[%get3A_238] {strides = array<i32>} : memref<2064xf32, #tpu.memory_space<vmem>>, vector<16xf32>,
          %broadcast_in_dim3A_240 = vector.broadcast %while3A : f32 to vector<16xf32>
          %select_n3A_241 = arith.select %lt3A_27, %get3A_239, %broadcast_in_dim3A_240 : vector<16xi1>, vector<16xf32>
          %max3A_242 = arith.maximumf %while3A_234, %select_n3A_241 : vector<16xf32>
          scf.yield %max3A_242 : vector<16xf32>
        }
        %le3A_229 = arith.cmpi sle, %squeeze3A_214, %add3A_171 : i32
        %convert_element_type3A_230 = arith.extui %le3A_229 : i1 to i32
        %cond3A_231 = arith.constant 0 : i32
        %cond3A_232 = arith.cmpi ne, %convert_element_type3A_230, %cond3A_231 : i32
        scf.if %cond3A_232 {
          %mul3A_233 = arith.constant 16 : i32
          %mul3A_234 = arith.muli %while3A_203, %mul3A_233 : i32
          %swap3A = arith.index_cast %mul3A_234 : i32 to index
          %swap3A_235 = tpu.vector_load %arg8[%swap3A] {strides = array<i32>} : memref<5120xf32, #tpu.memory_space<vmem>>, vector<16xf32>,
          tpu.vector_store %arg8[%swap3A], %while3A_228 {strides = array<i32>} : memref<5120xf32, #tpu.memory_space<vmem>>, vector<16xf32>,
        } else {
        }
        scf.yield %while3A_228 : vector<16xf32>
      }
      %while3A_192 = arith.constant 1 : i32
      %while3A_193 = scf.for %while3A_203 = %while3A_189 to %while3A_185 step %while3A_192 iter_args(%while3A_204 = %while3A_191) -> (vector<16xf32>)  : i32 {
        %get3A_205 = arith.index_cast %while3A_203 : i32 to index
        %get3A_206 = tpu.vector_load %arg7[%get3A_205] {strides = array<i32>} : memref<344xi32, #tpu.memory_space<vmem>>, vector<16xi32>,
        %slice3A_207 = vector.extract_strided_slice %get3A_206 {offsets = [0], sizes = [1], strides = [1]} : vector<16xi32> to vector<1xi32>
        %squeeze3A_208 = vector.extract %slice3A_207[0] : i32 from vector<1xi32>
        %add3A_209 = arith.constant 1 : i32
        %add3A_210 = arith.addi %while3A_203, %add3A_209 : i32
        %get3A_211 = arith.index_cast %add3A_210 : i32 to index
        %get3A_212 = tpu.vector_load %arg7[%get3A_211] {strides = array<i32>} : memref<344xi32, #tpu.memory_space<vmem>>, vector<16xi32>,
        %slice3A_213 = vector.extract_strided_slice %get3A_212 {offsets = [0], sizes = [1], strides = [1]} : vector<16xi32> to vector<1xi32>
        %squeeze3A_214 = vector.extract %slice3A_213[0] : i32 from vector<1xi32>
        %max3A = arith.maxsi %squeeze3A_208, %add3A_158 : i32
        %min3A_215 = arith.minsi %squeeze3A_214, %add3A_171 : i32
        %ge3A = arith.cmpi sge, %squeeze3A_208, %add3A_158 : i32
        %select_n3A_216 = arith.select %ge3A, %broadcast_in_dim3A_28, %while3A_204 : vector<16xf32>
        %sub3A_217 = arith.subi %max3A, %add3A_158 : i32
        %sub3A_218 = arith.subi %min3A_215, %add3A_158 : i32
        %while3A_219 = arith.subi %sub3A_218, %sub3A_217 : i32
        %while3A_220 = arith.addi %sub3A_217, %while3A_219 : i32
        %while3A_221 = arith.constant 1 : i32
        %while3A_222 = arith.divsi %while3A_219, %while3A_221 : i32
        %while3A_223 = arith.muli %while3A_222, %while3A_221 : i32
        %while3A_224 = arith.addi %sub3A_217, %while3A_223 : i32
        %while3A_225 = arith.constant 1 : i32
        %while3A_226 = scf.for %while3A_233 = %sub3A_217 to %while3A_224 step %while3A_225 iter_args(%while3A_234 = %select_n3A_216) -> (vector<16xf32>)  : i32 {
          %add3A_235 = arith.addi %while3A_233, %sub3A_161 : i32
          %mul3A_236 = arith.constant 8 : i32
          %mul3A_237 = arith.muli %add3A_235, %mul3A_236 : i32
          %get3A_238 = arith.index_cast %mul3A_237 : i32 to index
          %get3A_239 = tpu.vector_load %arg13[%get3A_238] {strides = array<i32>} : memref<2064xf32, #tpu.memory_space<vmem>>, vector<16xf32>,
          %broadcast_in_dim3A_240 = vector.broadcast %while3A : f32 to vector<16xf32>
          %select_n3A_241 = arith.select %lt3A_27, %get3A_239, %broadcast_in_dim3A_240 : vector<16xi1>, vector<16xf32>
          %max3A_242 = arith.maximumf %while3A_234, %select_n3A_241 : vector<16xf32>
          scf.yield %max3A_242 : vector<16xf32>
        }
        %while3A_227 = arith.constant 1 : i32
        %while3A_228 = scf.for %while3A_233 = %while3A_224 to %while3A_220 step %while3A_227 iter_args(%while3A_234 = %while3A_226) -> (vector<16xf32>)  : i32 {
          %add3A_235 = arith.addi %while3A_233, %sub3A_161 : i32
          %mul3A_236 = arith.constant 8 : i32
          %mul3A_237 = arith.muli %add3A_235, %mul3A_236 : i32
          %get3A_238 = arith.index_cast %mul3A_237 : i32 to index
          %get3A_239 = tpu.vector_load %arg13[%get3A_238] {strides = array<i32>} : memref<2064xf32, #tpu.memory_space<vmem>>, vector<16xf32>,
          %broadcast_in_dim3A_240 = vector.broadcast %while3A : f32 to vector<16xf32>
          %select_n3A_241 = arith.select %lt3A_27, %get3A_239, %broadcast_in_dim3A_240 : vector<16xi1>, vector<16xf32>
          %max3A_242 = arith.maximumf %while3A_234, %select_n3A_241 : vector<16xf32>
          scf.yield %max3A_242 : vector<16xf32>
        }
        %le3A_229 = arith.cmpi sle, %squeeze3A_214, %add3A_171 : i32
        %convert_element_type3A_230 = arith.extui %le3A_229 : i1 to i32
        %cond3A_231 = arith.constant 0 : i32
        %cond3A_232 = arith.cmpi ne, %convert_element_type3A_230, %cond3A_231 : i32
        scf.if %cond3A_232 {
          %mul3A_233 = arith.constant 16 : i32
          %mul3A_234 = arith.muli %while3A_203, %mul3A_233 : i32
          %swap3A = arith.index_cast %mul3A_234 : i32 to index
          %swap3A_235 = tpu.vector_load %arg8[%swap3A] {strides = array<i32>} : memref<5120xf32, #tpu.memory_space<vmem>>, vector<16xf32>,
          tpu.vector_store %arg8[%swap3A], %while3A_228 {strides = array<i32>} : memref<5120xf32, #tpu.memory_space<vmem>>, vector<16xf32>,
        } else {
        }
        scf.yield %while3A_228 : vector<16xf32>
      }
      %add3A_194 = arith.constant 1 : i32
      %add3A_195 = arith.addi %scan3A_180#0, %add3A_194 : i32
      %get3A_196 = arith.index_cast %add3A_195 : i32 to index
      %get3A_197 = tpu.vector_load %arg7[%get3A_196] {strides = array<i32>} : memref<344xi32, #tpu.memory_space<vmem>>, vector<16xi32>,
      %slice3A_198 = vector.extract_strided_slice %get3A_197 {offsets = [0], sizes = [1], strides = [1]} : vector<16xi32> to vector<1xi32>
      %squeeze3A_199 = vector.extract %slice3A_198[0] : i32 from vector<1xi32>
      %le3A = arith.cmpi sle, %squeeze3A_199, %add3A_171 : i32
      %add3A_200 = arith.constant 1 : i32
      %add3A_201 = arith.addi %scan3A_180#0, %add3A_200 : i32
      %select_n3A_202 = arith.select %le3A, %add3A_201, %scan3A_180#0 : i32
      scf.yield %select_n3A_202, %while3A_193 : i32, vector<16xf32>
    }
    %while3A_68 = arith.constant 1 : i32
    %while3A_69:2 = scf.for %while3A_153 = %while3A_65 to %while3A_61 step %while3A_68 iter_args(%while3A_154 = %while3A_67#0, %while3A_155 = %while3A_67#1) -> (i32, vector<16xf32>)  : i32 {
      %mul3A_156 = arith.constant 256 : i32
      %mul3A_157 = arith.muli %while3A_153, %mul3A_156 : i32
      %add3A_158 = arith.addi %mul3A_25, %mul3A_157 : i32
      %min3A = arith.constant 319744 : i32
      %min3A_159 = arith.minsi %add3A_158, %min3A : i32
      %multiple_of3A_160 = tpu.assume_multiple %min3A_159, 128 : i32
      %sub3A_161 = arith.subi %add3A_158, %multiple_of3A_160 : i32
      "tpu.region"() ({
        %run_scoped3A = tpu.sem_alloc : memref<!tpu.dma_semaphore, #tpu.memory_space<semaphore_mem>>
        %dma_start3A = arith.constant 0 : i32
        %dma_start3A_203 = tpu.memref_slice %arg3[%dma_start3A, %multiple_of3A_160] : memref<8x320000xf32, #tpu.memory_space<hbm>> -> memref<8x256xf32, #tpu.memory_space<hbm>>
        %dma_start3A_204 = arith.constant 0 : i32
        %dma_start3A_205 = tpu.memref_slice %arg3[%dma_start3A_204, %multiple_of3A_160] : memref<8x320000xf32, #tpu.memory_space<hbm>> -> memref<8x256xf32, #tpu.memory_space<hbm>>
        tpu.enqueue_dma source(%dma_start3A_205 : memref<8x256xf32, #tpu.memory_space<hbm>>) target(%arg10 : memref<8x256xf32, #tpu.memory_space<vmem>>) target_semaphore(%run_scoped3A : memref<!tpu.dma_semaphore, #tpu.memory_space<semaphore_mem>>)
        %dma_wait3A = arith.constant 0 : i32
        %dma_wait3A_206 = tpu.memref_slice %arg3[%dma_wait3A, %multiple_of3A_160] : memref<8x320000xf32, #tpu.memory_space<hbm>> -> memref<8x256xf32, #tpu.memory_space<hbm>>
        %dma_wait3A_207 = arith.constant 0 : i32
        %dma_wait3A_208 = tpu.memref_slice %arg3[%dma_wait3A_207, %multiple_of3A_160] : memref<8x320000xf32, #tpu.memory_space<hbm>> -> memref<8x256xf32, #tpu.memory_space<hbm>>
        tpu.wait_dma2 semaphore(%run_scoped3A : memref<!tpu.dma_semaphore, #tpu.memory_space<semaphore_mem>>) src(%dma_wait3A_208 : memref<8x256xf32, #tpu.memory_space<hbm>>) dst(%arg10 : memref<8x256xf32, #tpu.memory_space<vmem>>)
        tpu.yield
      }) : () -> ()
      %scan3A = arith.constant 0 : i32
      %scan3A_162 = arith.constant 0 : i32
      %scan3A_163 = arith.constant 16 : i32
      %scan3A_164 = arith.addi %scan3A_162, %scan3A_163 : i32
      %scan3A_165 = arith.constant 1 : i32
      %scan3A_166 = scf.for %scan3A_203 = %scan3A_162 to %scan3A_164 step %scan3A_165 iter_args(%scan3A_204 = %scan3A) -> (i32)  : i32 {
        %mul3A_205 = arith.constant 16 : i32
        %mul3A_206 = arith.muli %scan3A_203, %mul3A_205 : i32
        %add3A_207 = vector.broadcast %mul3A_206 : i32 to vector<16xi32>
        %add3A_208 = arith.addi %add3A_207, %iota3A : vector<16xi32>
        %mul3A_209 = arith.constant 8 : i32
        %mul3A_210 = vector.broadcast %mul3A_209 : i32 to vector<16xi32>
        %mul3A_211 = arith.muli %add3A_208, %mul3A_210 : vector<16xi32>
        %add3A_212 = arith.constant 0 : i32
        %add3A_213 = vector.broadcast %add3A_212 : i32 to vector<16xi32>
        %add3A_214 = arith.addi %mul3A_211, %add3A_213 : vector<16xi32>
        %get3A_215 = arith.constant 0 : i32
        %get3A_216 = arith.index_cast %get3A_215 : i32 to index
        %get3A_217 = arith.index_cast %mul3A_206 : i32 to index
        %get3A_218 = tpu.vector_load %arg10[%get3A_216, %get3A_217] {strides = array<i32>} : memref<8x256xf32, #tpu.memory_space<vmem>>, vector<16xf32>,
        tpu.vector_store_idx %arg13[%add3A_214], %get3A_218 : memref<2064xf32, #tpu.memory_space<vmem>>[vector<16xi32>], vector<16xf32>,
        %add3A_219 = arith.constant 1 : i32
        %add3A_220 = vector.broadcast %add3A_219 : i32 to vector<16xi32>
        %add3A_221 = arith.addi %mul3A_211, %add3A_220 : vector<16xi32>
        %get3A_222 = arith.constant 1 : i32
        %get3A_223 = arith.index_cast %get3A_222 : i32 to index
        %get3A_224 = arith.index_cast %mul3A_206 : i32 to index
        %get3A_225 = tpu.vector_load %arg10[%get3A_223, %get3A_224] {strides = array<i32>} : memref<8x256xf32, #tpu.memory_space<vmem>>, vector<16xf32>,
        tpu.vector_store_idx %arg13[%add3A_221], %get3A_225 : memref<2064xf32, #tpu.memory_space<vmem>>[vector<16xi32>], vector<16xf32>,
        %add3A_226 = arith.constant 2 : i32
        %add3A_227 = vector.broadcast %add3A_226 : i32 to vector<16xi32>
        %add3A_228 = arith.addi %mul3A_211, %add3A_227 : vector<16xi32>
        %get3A_229 = arith.constant 2 : i32
        %get3A_230 = arith.index_cast %get3A_229 : i32 to index
        %get3A_231 = arith.index_cast %mul3A_206 : i32 to index
        %get3A_232 = tpu.vector_load %arg10[%get3A_230, %get3A_231] {strides = array<i32>} : memref<8x256xf32, #tpu.memory_space<vmem>>, vector<16xf32>,
        tpu.vector_store_idx %arg13[%add3A_228], %get3A_232 : memref<2064xf32, #tpu.memory_space<vmem>>[vector<16xi32>], vector<16xf32>,
        %add3A_233 = arith.constant 3 : i32
        %add3A_234 = vector.broadcast %add3A_233 : i32 to vector<16xi32>
        %add3A_235 = arith.addi %mul3A_211, %add3A_234 : vector<16xi32>
        %get3A_236 = arith.constant 3 : i32
        %get3A_237 = arith.index_cast %get3A_236 : i32 to index
        %get3A_238 = arith.index_cast %mul3A_206 : i32 to index
        %get3A_239 = tpu.vector_load %arg10[%get3A_237, %get3A_238] {strides = array<i32>} : memref<8x256xf32, #tpu.memory_space<vmem>>, vector<16xf32>,
        tpu.vector_store_idx %arg13[%add3A_235], %get3A_239 : memref<2064xf32, #tpu.memory_space<vmem>>[vector<16xi32>], vector<16xf32>,
        %add3A_240 = arith.constant 4 : i32
        %add3A_241 = vector.broadcast %add3A_240 : i32 to vector<16xi32>
        %add3A_242 = arith.addi %mul3A_211, %add3A_241 : vector<16xi32>
        %get3A_243 = arith.constant 4 : i32
        %get3A_244 = arith.index_cast %get3A_243 : i32 to index
        %get3A_245 = arith.index_cast %mul3A_206 : i32 to index
        %get3A_246 = tpu.vector_load %arg10[%get3A_244, %get3A_245] {strides = array<i32>} : memref<8x256xf32, #tpu.memory_space<vmem>>, vector<16xf32>,
        tpu.vector_store_idx %arg13[%add3A_242], %get3A_246 : memref<2064xf32, #tpu.memory_space<vmem>>[vector<16xi32>], vector<16xf32>,
        %add3A_247 = arith.constant 5 : i32
        %add3A_248 = vector.broadcast %add3A_247 : i32 to vector<16xi32>
        %add3A_249 = arith.addi %mul3A_211, %add3A_248 : vector<16xi32>
        %get3A_250 = arith.constant 5 : i32
        %get3A_251 = arith.index_cast %get3A_250 : i32 to index
        %get3A_252 = arith.index_cast %mul3A_206 : i32 to index
        %get3A_253 = tpu.vector_load %arg10[%get3A_251, %get3A_252] {strides = array<i32>} : memref<8x256xf32, #tpu.memory_space<vmem>>, vector<16xf32>,
        tpu.vector_store_idx %arg13[%add3A_249], %get3A_253 : memref<2064xf32, #tpu.memory_space<vmem>>[vector<16xi32>], vector<16xf32>,
        %add3A_254 = arith.constant 6 : i32
        %add3A_255 = vector.broadcast %add3A_254 : i32 to vector<16xi32>
        %add3A_256 = arith.addi %mul3A_211, %add3A_255 : vector<16xi32>
        %get3A_257 = arith.constant 6 : i32
        %get3A_258 = arith.index_cast %get3A_257 : i32 to index
        %get3A_259 = arith.index_cast %mul3A_206 : i32 to index
        %get3A_260 = tpu.vector_load %arg10[%get3A_258, %get3A_259] {strides = array<i32>} : memref<8x256xf32, #tpu.memory_space<vmem>>, vector<16xf32>,
        tpu.vector_store_idx %arg13[%add3A_256], %get3A_260 : memref<2064xf32, #tpu.memory_space<vmem>>[vector<16xi32>], vector<16xf32>,
        %add3A_261 = arith.constant 7 : i32
        %add3A_262 = vector.broadcast %add3A_261 : i32 to vector<16xi32>
        %add3A_263 = arith.addi %mul3A_211, %add3A_262 : vector<16xi32>
        %get3A_264 = arith.constant 7 : i32
        %get3A_265 = arith.index_cast %get3A_264 : i32 to index
        %get3A_266 = arith.index_cast %mul3A_206 : i32 to index
        %get3A_267 = tpu.vector_load %arg10[%get3A_265, %get3A_266] {strides = array<i32>} : memref<8x256xf32, #tpu.memory_space<vmem>>, vector<16xf32>,
        tpu.vector_store_idx %arg13[%add3A_263], %get3A_267 : memref<2064xf32, #tpu.memory_space<vmem>>[vector<16xi32>], vector<16xf32>,
        %scan3A_268 = arith.constant 0 : i32
        scf.yield %scan3A_268 : i32
      }
      %scan3A_167 = arith.constant 16 : i32
      %sub3A_168 = arith.subi %squeeze3A_7, %add3A_158 : i32
      %min3A_169 = arith.constant 256 : i32
      %min3A_170 = arith.minsi %min3A_169, %sub3A_168 : i32
      %add3A_171 = arith.addi %add3A_158, %min3A_170 : i32
      %sub3A_172 = arith.constant 1 : i32
      %sub3A_173 = arith.subi %add3A_171, %sub3A_172 : i32
      %scan3A_174 = arith.constant 0 : i32
      %scan3A_175 = arith.constant 320 : i32
      %scan3A_176 = arith.constant 0 : i32
      %scan3A_177 = arith.constant 9 : i32
      %scan3A_178 = arith.addi %scan3A_176, %scan3A_177 : i32
      %scan3A_179 = arith.constant 1 : i32
      %scan3A_180:2 = scf.for %scan3A_203 = %scan3A_176 to %scan3A_178 step %scan3A_179 iter_args(%scan3A_204 = %scan3A_174, %scan3A_205 = %scan3A_175) -> (i32, i32)  : i32 {
        %add3A_206 = arith.addi %scan3A_204, %scan3A_205 : i32
        %shift_right_logical3A = arith.constant 1 : i32
        %shift_right_logical3A_207 = arith.shrui %add3A_206, %shift_right_logical3A : i32
        %get3A_208 = arith.index_cast %shift_right_logical3A_207 : i32 to index
        %get3A_209 = tpu.vector_load %arg7[%get3A_208] {strides = array<i32>} : memref<344xi32, #tpu.memory_space<vmem>>, vector<16xi32>,
        %slice3A_210 = vector.extract_strided_slice %get3A_209 {offsets = [0], sizes = [1], strides = [1]} : vector<16xi32> to vector<1xi32>
        %squeeze3A_211 = vector.extract %slice3A_210[0] : i32 from vector<1xi32>
        %le3A_212 = arith.cmpi sle, %squeeze3A_211, %sub3A_173 : i32
        %select_n3A_213 = arith.select %le3A_212, %shift_right_logical3A_207, %scan3A_204 : i32
        %select_n3A_214 = arith.select %le3A_212, %scan3A_205, %shift_right_logical3A_207 : i32
        scf.yield %select_n3A_213, %select_n3A_214 : i32, i32
      }
      %scan3A_181 = arith.constant 9 : i32
      %add3A_182 = arith.constant 1 : i32
      %add3A_183 = arith.addi %scan3A_180#0, %add3A_182 : i32
      %while3A_184 = arith.subi %add3A_183, %while3A_154 : i32
      %while3A_185 = arith.addi %while3A_154, %while3A_184 : i32
      %while3A_186 = arith.constant 1 : i32
      %while3A_187 = arith.divsi %while3A_184, %while3A_186 : i32
      %while3A_188 = arith.muli %while3A_187, %while3A_186 : i32
      %while3A_189 = arith.addi %while3A_154, %while3A_188 : i32
      %while3A_190 = arith.constant 1 : i32
      %while3A_191 = scf.for %while3A_203 = %while3A_154 to %while3A_189 step %while3A_190 iter_args(%while3A_204 = %while3A_155) -> (vector<16xf32>)  : i32 {
        %get3A_205 = arith.index_cast %while3A_203 : i32 to index
        %get3A_206 = tpu.vector_load %arg7[%get3A_205] {strides = array<i32>} : memref<344xi32, #tpu.memory_space<vmem>>, vector<16xi32>,
        %slice3A_207 = vector.extract_strided_slice %get3A_206 {offsets = [0], sizes = [1], strides = [1]} : vector<16xi32> to vector<1xi32>
        %squeeze3A_208 = vector.extract %slice3A_207[0] : i32 from vector<1xi32>
        %add3A_209 = arith.constant 1 : i32
        %add3A_210 = arith.addi %while3A_203, %add3A_209 : i32
        %get3A_211 = arith.index_cast %add3A_210 : i32 to index
        %get3A_212 = tpu.vector_load %arg7[%get3A_211] {strides = array<i32>} : memref<344xi32, #tpu.memory_space<vmem>>, vector<16xi32>,
        %slice3A_213 = vector.extract_strided_slice %get3A_212 {offsets = [0], sizes = [1], strides = [1]} : vector<16xi32> to vector<1xi32>
        %squeeze3A_214 = vector.extract %slice3A_213[0] : i32 from vector<1xi32>
        %max3A = arith.maxsi %squeeze3A_208, %add3A_158 : i32
        %min3A_215 = arith.minsi %squeeze3A_214, %add3A_171 : i32
        %ge3A = arith.cmpi sge, %squeeze3A_208, %add3A_158 : i32
        %select_n3A_216 = arith.select %ge3A, %broadcast_in_dim3A_28, %while3A_204 : vector<16xf32>
        %sub3A_217 = arith.subi %max3A, %add3A_158 : i32
        %sub3A_218 = arith.subi %min3A_215, %add3A_158 : i32
        %while3A_219 = arith.subi %sub3A_218, %sub3A_217 : i32
        %while3A_220 = arith.addi %sub3A_217, %while3A_219 : i32
        %while3A_221 = arith.constant 1 : i32
        %while3A_222 = arith.divsi %while3A_219, %while3A_221 : i32
        %while3A_223 = arith.muli %while3A_222, %while3A_221 : i32
        %while3A_224 = arith.addi %sub3A_217, %while3A_223 : i32
        %while3A_225 = arith.constant 1 : i32
        %while3A_226 = scf.for %while3A_233 = %sub3A_217 to %while3A_224 step %while3A_225 iter_args(%while3A_234 = %select_n3A_216) -> (vector<16xf32>)  : i32 {
          %add3A_235 = arith.addi %while3A_233, %sub3A_161 : i32
          %mul3A_236 = arith.constant 8 : i32
          %mul3A_237 = arith.muli %add3A_235, %mul3A_236 : i32
          %get3A_238 = arith.index_cast %mul3A_237 : i32 to index
          %get3A_239 = tpu.vector_load %arg13[%get3A_238] {strides = array<i32>} : memref<2064xf32, #tpu.memory_space<vmem>>, vector<16xf32>,
          %broadcast_in_dim3A_240 = vector.broadcast %while3A : f32 to vector<16xf32>
          %select_n3A_241 = arith.select %lt3A_27, %get3A_239, %broadcast_in_dim3A_240 : vector<16xi1>, vector<16xf32>
          %max3A_242 = arith.maximumf %while3A_234, %select_n3A_241 : vector<16xf32>
          scf.yield %max3A_242 : vector<16xf32>
        }
        %while3A_227 = arith.constant 1 : i32
        %while3A_228 = scf.for %while3A_233 = %while3A_224 to %while3A_220 step %while3A_227 iter_args(%while3A_234 = %while3A_226) -> (vector<16xf32>)  : i32 {
          %add3A_235 = arith.addi %while3A_233, %sub3A_161 : i32
          %mul3A_236 = arith.constant 8 : i32
          %mul3A_237 = arith.muli %add3A_235, %mul3A_236 : i32
          %get3A_238 = arith.index_cast %mul3A_237 : i32 to index
          %get3A_239 = tpu.vector_load %arg13[%get3A_238] {strides = array<i32>} : memref<2064xf32, #tpu.memory_space<vmem>>, vector<16xf32>,
          %broadcast_in_dim3A_240 = vector.broadcast %while3A : f32 to vector<16xf32>
          %select_n3A_241 = arith.select %lt3A_27, %get3A_239, %broadcast_in_dim3A_240 : vector<16xi1>, vector<16xf32>
          %max3A_242 = arith.maximumf %while3A_234, %select_n3A_241 : vector<16xf32>
          scf.yield %max3A_242 : vector<16xf32>
        }
        %le3A_229 = arith.cmpi sle, %squeeze3A_214, %add3A_171 : i32
        %convert_element_type3A_230 = arith.extui %le3A_229 : i1 to i32
        %cond3A_231 = arith.constant 0 : i32
        %cond3A_232 = arith.cmpi ne, %convert_element_type3A_230, %cond3A_231 : i32
        scf.if %cond3A_232 {
          %mul3A_233 = arith.constant 16 : i32
          %mul3A_234 = arith.muli %while3A_203, %mul3A_233 : i32
          %swap3A = arith.index_cast %mul3A_234 : i32 to index
          %swap3A_235 = tpu.vector_load %arg8[%swap3A] {strides = array<i32>} : memref<5120xf32, #tpu.memory_space<vmem>>, vector<16xf32>,
          tpu.vector_store %arg8[%swap3A], %while3A_228 {strides = array<i32>} : memref<5120xf32, #tpu.memory_space<vmem>>, vector<16xf32>,
        } else {
        }
        scf.yield %while3A_228 : vector<16xf32>
      }
      %while3A_192 = arith.constant 1 : i32
      %while3A_193 = scf.for %while3A_203 = %while3A_189 to %while3A_185 step %while3A_192 iter_args(%while3A_204 = %while3A_191) -> (vector<16xf32>)  : i32 {
        %get3A_205 = arith.index_cast %while3A_203 : i32 to index
        %get3A_206 = tpu.vector_load %arg7[%get3A_205] {strides = array<i32>} : memref<344xi32, #tpu.memory_space<vmem>>, vector<16xi32>,
        %slice3A_207 = vector.extract_strided_slice %get3A_206 {offsets = [0], sizes = [1], strides = [1]} : vector<16xi32> to vector<1xi32>
        %squeeze3A_208 = vector.extract %slice3A_207[0] : i32 from vector<1xi32>
        %add3A_209 = arith.constant 1 : i32
        %add3A_210 = arith.addi %while3A_203, %add3A_209 : i32
        %get3A_211 = arith.index_cast %add3A_210 : i32 to index
        %get3A_212 = tpu.vector_load %arg7[%get3A_211] {strides = array<i32>} : memref<344xi32, #tpu.memory_space<vmem>>, vector<16xi32>,
        %slice3A_213 = vector.extract_strided_slice %get3A_212 {offsets = [0], sizes = [1], strides = [1]} : vector<16xi32> to vector<1xi32>
        %squeeze3A_214 = vector.extract %slice3A_213[0] : i32 from vector<1xi32>
        %max3A = arith.maxsi %squeeze3A_208, %add3A_158 : i32
        %min3A_215 = arith.minsi %squeeze3A_214, %add3A_171 : i32
        %ge3A = arith.cmpi sge, %squeeze3A_208, %add3A_158 : i32
        %select_n3A_216 = arith.select %ge3A, %broadcast_in_dim3A_28, %while3A_204 : vector<16xf32>
        %sub3A_217 = arith.subi %max3A, %add3A_158 : i32
        %sub3A_218 = arith.subi %min3A_215, %add3A_158 : i32
        %while3A_219 = arith.subi %sub3A_218, %sub3A_217 : i32
        %while3A_220 = arith.addi %sub3A_217, %while3A_219 : i32
        %while3A_221 = arith.constant 1 : i32
        %while3A_222 = arith.divsi %while3A_219, %while3A_221 : i32
        %while3A_223 = arith.muli %while3A_222, %while3A_221 : i32
        %while3A_224 = arith.addi %sub3A_217, %while3A_223 : i32
        %while3A_225 = arith.constant 1 : i32
        %while3A_226 = scf.for %while3A_233 = %sub3A_217 to %while3A_224 step %while3A_225 iter_args(%while3A_234 = %select_n3A_216) -> (vector<16xf32>)  : i32 {
          %add3A_235 = arith.addi %while3A_233, %sub3A_161 : i32
          %mul3A_236 = arith.constant 8 : i32
          %mul3A_237 = arith.muli %add3A_235, %mul3A_236 : i32
          %get3A_238 = arith.index_cast %mul3A_237 : i32 to index
          %get3A_239 = tpu.vector_load %arg13[%get3A_238] {strides = array<i32>} : memref<2064xf32, #tpu.memory_space<vmem>>, vector<16xf32>,
          %broadcast_in_dim3A_240 = vector.broadcast %while3A : f32 to vector<16xf32>
          %select_n3A_241 = arith.select %lt3A_27, %get3A_239, %broadcast_in_dim3A_240 : vector<16xi1>, vector<16xf32>
          %max3A_242 = arith.maximumf %while3A_234, %select_n3A_241 : vector<16xf32>
          scf.yield %max3A_242 : vector<16xf32>
        }
        %while3A_227 = arith.constant 1 : i32
        %while3A_228 = scf.for %while3A_233 = %while3A_224 to %while3A_220 step %while3A_227 iter_args(%while3A_234 = %while3A_226) -> (vector<16xf32>)  : i32 {
          %add3A_235 = arith.addi %while3A_233, %sub3A_161 : i32
          %mul3A_236 = arith.constant 8 : i32
          %mul3A_237 = arith.muli %add3A_235, %mul3A_236 : i32
          %get3A_238 = arith.index_cast %mul3A_237 : i32 to index
          %get3A_239 = tpu.vector_load %arg13[%get3A_238] {strides = array<i32>} : memref<2064xf32, #tpu.memory_space<vmem>>, vector<16xf32>,
          %broadcast_in_dim3A_240 = vector.broadcast %while3A : f32 to vector<16xf32>
          %select_n3A_241 = arith.select %lt3A_27, %get3A_239, %broadcast_in_dim3A_240 : vector<16xi1>, vector<16xf32>
          %max3A_242 = arith.maximumf %while3A_234, %select_n3A_241 : vector<16xf32>
          scf.yield %max3A_242 : vector<16xf32>
        }
        %le3A_229 = arith.cmpi sle, %squeeze3A_214, %add3A_171 : i32
        %convert_element_type3A_230 = arith.extui %le3A_229 : i1 to i32
        %cond3A_231 = arith.constant 0 : i32
        %cond3A_232 = arith.cmpi ne, %convert_element_type3A_230, %cond3A_231 : i32
        scf.if %cond3A_232 {
          %mul3A_233 = arith.constant 16 : i32
          %mul3A_234 = arith.muli %while3A_203, %mul3A_233 : i32
          %swap3A = arith.index_cast %mul3A_234 : i32 to index
          %swap3A_235 = tpu.vector_load %arg8[%swap3A] {strides = array<i32>} : memref<5120xf32, #tpu.memory_space<vmem>>, vector<16xf32>,
          tpu.vector_store %arg8[%swap3A], %while3A_228 {strides = array<i32>} : memref<5120xf32, #tpu.memory_space<vmem>>, vector<16xf32>,
        } else {
        }
        scf.yield %while3A_228 : vector<16xf32>
      }
      %add3A_194 = arith.constant 1 : i32
      %add3A_195 = arith.addi %scan3A_180#0, %add3A_194 : i32
      %get3A_196 = arith.index_cast %add3A_195 : i32 to index
      %get3A_197 = tpu.vector_load %arg7[%get3A_196] {strides = array<i32>} : memref<344xi32, #tpu.memory_space<vmem>>, vector<16xi32>,
      %slice3A_198 = vector.extract_strided_slice %get3A_197 {offsets = [0], sizes = [1], strides = [1]} : vector<16xi32> to vector<1xi32>
      %squeeze3A_199 = vector.extract %slice3A_198[0] : i32 from vector<1xi32>
      %le3A = arith.cmpi sle, %squeeze3A_199, %add3A_171 : i32
      %add3A_200 = arith.constant 1 : i32
      %add3A_201 = arith.addi %scan3A_180#0, %add3A_200 : i32
      %select_n3A_202 = arith.select %le3A, %add3A_201, %scan3A_180#0 : i32
      scf.yield %select_n3A_202, %while3A_193 : i32, vector<16xf32>
    }
    %get3A_70 = arith.constant 0 : index
    %get3A_71 = tpu.vector_load %arg16[%get3A_70] {strides = array<i32>} : memref<32xf32, #tpu.memory_space<vmem>>, vector<16xf32>,
    %get3A_72 = arith.constant 16 : index
    %get3A_73 = tpu.vector_load %arg16[%get3A_72] {strides = array<i32>} : memref<32xf32, #tpu.memory_space<vmem>>, vector<16xf32>,
    %sub3A_74 = arith.subi %squeeze3A_7, %mul3A_25 : i32
    %add3A_75 = arith.constant 255 : i32
    %add3A_76 = arith.addi %sub3A_74, %add3A_75 : i32
    %jit3A_77 = arith.constant 256 : i32
    %div3A_78 = arith.divsi %add3A_76, %jit3A_77 : i32
    %sign3A_79 = arith.constant 0 : i32
    %sign3A_80 = arith.cmpi sgt, %add3A_76, %sign3A_79 : i32
    %sign3A_81 = arith.extui %sign3A_80 : i1 to i32
    %sign3A_82 = arith.constant 0 : i32
    %sign3A_83 = arith.cmpi slt, %add3A_76, %sign3A_82 : i32
    %sign3A_84 = arith.extui %sign3A_83 : i1 to i32
    %sign3A_85 = arith.subi %sign3A_81, %sign3A_84 : i32
    %sign3A_86 = arith.constant 0 : i32
    %sign3A_87 = arith.cmpi sgt, %jit3A_77, %sign3A_86 : i32
    %sign3A_88 = arith.extui %sign3A_87 : i1 to i32
    %sign3A_89 = arith.constant 0 : i32
    %sign3A_90 = arith.cmpi slt, %jit3A_77, %sign3A_89 : i32
    %sign3A_91 = arith.extui %sign3A_90 : i1 to i32
    %sign3A_92 = arith.subi %sign3A_88, %sign3A_91 : i32
    %ne3A_93 = arith.cmpi ne, %sign3A_85, %sign3A_92 : i32
    %rem3A_94 = arith.remsi %add3A_76, %jit3A_77 : i32
    %ne3A_95 = arith.constant 0 : i32
    %ne3A_96 = arith.cmpi ne, %rem3A_94, %ne3A_95 : i32
    %and3A_97 = arith.andi %ne3A_93, %ne3A_96 : i1
    %sub3A_98 = arith.constant 1 : i32
    %sub3A_99 = arith.subi %div3A_78, %sub3A_98 : i32
    %select_n3A_100 = arith.select %and3A_97, %sub3A_99, %div3A_78 : i32
    %gt3A = arith.constant 0 : i32
    %gt3A_101 = arith.cmpi sgt, %select_n3A_100, %gt3A : i32
    %convert_element_type3A = arith.extui %gt3A_101 : i1 to i32
    %cond3A = arith.constant 0 : i32
    %cond3A_102 = arith.cmpi ne, %convert_element_type3A, %cond3A : i32
    scf.if %cond3A_102 {
      %mul3A_153 = arith.constant 0 : i32
      %mul3A_154 = arith.constant 256 : i32
      %mul3A_155 = arith.muli %mul3A_153, %mul3A_154 : i32
      %add3A_156 = arith.addi %mul3A_25, %mul3A_155 : i32
      %min3A = arith.constant 319744 : i32
      %min3A_157 = arith.minsi %add3A_156, %min3A : i32
      %multiple_of3A_158 = tpu.assume_multiple %min3A_157, 128 : i32
      %dma_start3A = arith.constant 0 : i32
      %dma_start3A_159 = tpu.memref_slice %arg3[%dma_start3A, %multiple_of3A_158] : memref<8x320000xf32, #tpu.memory_space<hbm>> -> memref<8x256xf32, #tpu.memory_space<hbm>>
      %dma_start3A_160 = arith.constant 0 : i32
      %dma_start3A_161 = tpu.memref_slice %arg3[%dma_start3A_160, %multiple_of3A_158] : memref<8x320000xf32, #tpu.memory_space<hbm>> -> memref<8x256xf32, #tpu.memory_space<hbm>>
      tpu.enqueue_dma source(%dma_start3A_161 : memref<8x256xf32, #tpu.memory_space<hbm>>) target(%arg11 : memref<8x256xf32, #tpu.memory_space<vmem>>) target_semaphore(%arg17 : memref<!tpu.dma_semaphore, #tpu.memory_space<semaphore_mem>>)
      %dma_start3A_162 = arith.constant 0 : i32
      %dma_start3A_163 = tpu.memref_slice %arg4[%multiple_of3A_158, %dma_start3A_162] : memref<320000x128xf32, #tpu.memory_space<hbm>> -> memref<256x128xf32, #tpu.memory_space<hbm>>
      %dma_start3A_164 = arith.constant 0 : i32
      %dma_start3A_165 = tpu.memref_slice %arg4[%multiple_of3A_158, %dma_start3A_164] : memref<320000x128xf32, #tpu.memory_space<hbm>> -> memref<256x128xf32, #tpu.memory_space<hbm>>
      tpu.enqueue_dma source(%dma_start3A_165 : memref<256x128xf32, #tpu.memory_space<hbm>>) target(%arg14 : memref<256x128xf32, #tpu.memory_space<vmem>>) target_semaphore(%arg17 : memref<!tpu.dma_semaphore, #tpu.memory_space<semaphore_mem>>)
    } else {
    }
    %add3A_103 = arith.constant 1 : i32
    %add3A_104 = arith.addi %select_n3A_100, %add3A_103 : i32
    %jit3A_105 = arith.constant 2 : i32
    %div3A_106 = arith.divsi %add3A_104, %jit3A_105 : i32
    %sign3A_107 = arith.constant 0 : i32
    %sign3A_108 = arith.cmpi sgt, %add3A_104, %sign3A_107 : i32
    %sign3A_109 = arith.extui %sign3A_108 : i1 to i32
    %sign3A_110 = arith.constant 0 : i32
    %sign3A_111 = arith.cmpi slt, %add3A_104, %sign3A_110 : i32
    %sign3A_112 = arith.extui %sign3A_111 : i1 to i32
    %sign3A_113 = arith.subi %sign3A_109, %sign3A_112 : i32
    %sign3A_114 = arith.constant 0 : i32
    %sign3A_115 = arith.cmpi sgt, %jit3A_105, %sign3A_114 : i32
    %sign3A_116 = arith.extui %sign3A_115 : i1 to i32
    %sign3A_117 = arith.constant 0 : i32
    %sign3A_118 = arith.cmpi slt, %jit3A_105, %sign3A_117 : i32
    %sign3A_119 = arith.extui %sign3A_118 : i1 to i32
    %sign3A_120 = arith.subi %sign3A_116, %sign3A_119 : i32
    %ne3A_121 = arith.cmpi ne, %sign3A_113, %sign3A_120 : i32
    %rem3A_122 = arith.remsi %add3A_104, %jit3A_105 : i32
    %ne3A_123 = arith.constant 0 : i32
    %ne3A_124 = arith.cmpi ne, %rem3A_122, %ne3A_123 : i32
    %and3A_125 = arith.andi %ne3A_121, %ne3A_124 : i1
    %sub3A_126 = arith.constant 1 : i32
    %sub3A_127 = arith.subi %div3A_106, %sub3A_126 : i32
    %select_n3A_128 = arith.select %and3A_125, %sub3A_127, %div3A_106 : i32
    %while3A_129 = arith.constant 0 : i32
    %while3A_130 = arith.constant 0 : i32
    %while3A_131 = arith.subi %select_n3A_128, %while3A_129 : i32
    %while3A_132 = arith.addi %while3A_129, %while3A_131 : i32
    %while3A_133 = arith.constant 1 : i32
    %while3A_134 = arith.divsi %while3A_131, %while3A_133 : i32
    %while3A_135 = arith.muli %while3A_134, %while3A_133 : i32
    %while3A_136 = arith.addi %while3A_129, %while3A_135 : i32
    %while3A_137 = arith.constant 1 : i32
    %while3A_138:10 = scf.for %while3A_153 = %while3A_129 to %while3A_136 step %while3A_137 iter_args(%while3A_154 = %while3A_130, %while3A_155 = %broadcast_in_dim3A_30, %while3A_156 = %broadcast_in_dim3A_30, %while3A_157 = %broadcast_in_dim3A_30, %while3A_158 = %broadcast_in_dim3A_30, %while3A_159 = %broadcast_in_dim3A_30, %while3A_160 = %broadcast_in_dim3A_30, %while3A_161 = %broadcast_in_dim3A_30, %while3A_162 = %broadcast_in_dim3A_30, %while3A_163 = %broadcast_in_dim3A_30) -> (i32, vector<16xf32>, vector<16xf32>, vector<16xf32>, vector<16xf32>, vector<16xf32>, vector<16xf32>, vector<16xf32>, vector<16xf32>, vector<16xf32>)  : i32 {
      %mul3A_164 = arith.constant 2 : i32
      %mul3A_165 = arith.muli %while3A_153, %mul3A_164 : i32
      %add3A_166 = arith.constant 0 : i32
      %add3A_167 = arith.addi %mul3A_165, %add3A_166 : i32
      %lt3A_168 = arith.cmpi slt, %add3A_167, %select_n3A_100 : i32
      %mul3A_169 = arith.constant 256 : i32
      %mul3A_170 = arith.muli %add3A_167, %mul3A_169 : i32
      %add3A_171 = arith.addi %mul3A_25, %mul3A_170 : i32
      %min3A = arith.constant 319744 : i32
      %min3A_172 = arith.minsi %add3A_171, %min3A : i32
      %multiple_of3A_173 = tpu.assume_multiple %min3A_172, 128 : i32
      %sub3A_174 = arith.subi %add3A_171, %multiple_of3A_173 : i32
      %convert_element_type3A_175 = arith.extui %lt3A_168 : i1 to i32
      %cond3A_176 = arith.constant 0 : i32
      %cond3A_177 = arith.cmpi ne, %convert_element_type3A_175, %cond3A_176 : i32
      scf.if %cond3A_177 {
        %mul3A_291 = arith.constant 256 : i32
        %mul3A_292 = arith.muli %add3A_167, %mul3A_291 : i32
        %add3A_293 = arith.addi %mul3A_25, %mul3A_292 : i32
        %min3A_294 = arith.constant 319744 : i32
        %min3A_295 = arith.minsi %add3A_293, %min3A_294 : i32
        %multiple_of3A_296 = tpu.assume_multiple %min3A_295, 128 : i32
        %dma_wait3A = arith.constant 0 : i32
        %dma_wait3A_297 = tpu.memref_slice %arg3[%dma_wait3A, %multiple_of3A_296] : memref<8x320000xf32, #tpu.memory_space<hbm>> -> memref<8x256xf32, #tpu.memory_space<hbm>>
        %dma_wait3A_298 = arith.constant 0 : i32
        %dma_wait3A_299 = tpu.memref_slice %arg3[%dma_wait3A_298, %multiple_of3A_296] : memref<8x320000xf32, #tpu.memory_space<hbm>> -> memref<8x256xf32, #tpu.memory_space<hbm>>
        tpu.wait_dma2 semaphore(%arg17 : memref<!tpu.dma_semaphore, #tpu.memory_space<semaphore_mem>>) src(%dma_wait3A_299 : memref<8x256xf32, #tpu.memory_space<hbm>>) dst(%arg11 : memref<8x256xf32, #tpu.memory_space<vmem>>)
        %dma_wait3A_300 = arith.constant 0 : i32
        %dma_wait3A_301 = tpu.memref_slice %arg4[%multiple_of3A_296, %dma_wait3A_300] : memref<320000x128xf32, #tpu.memory_space<hbm>> -> memref<256x128xf32, #tpu.memory_space<hbm>>
        %dma_wait3A_302 = arith.constant 0 : i32
        %dma_wait3A_303 = tpu.memref_slice %arg4[%multiple_of3A_296, %dma_wait3A_302] : memref<320000x128xf32, #tpu.memory_space<hbm>> -> memref<256x128xf32, #tpu.memory_space<hbm>>
        tpu.wait_dma2 semaphore(%arg17 : memref<!tpu.dma_semaphore, #tpu.memory_space<semaphore_mem>>) src(%dma_wait3A_303 : memref<256x128xf32, #tpu.memory_space<hbm>>) dst(%arg14 : memref<256x128xf32, #tpu.memory_space<vmem>>)
      } else {
      }
      %add3A_178 = arith.constant 1 : i32
      %add3A_179 = arith.addi %add3A_167, %add3A_178 : i32
      %lt3A_180 = arith.cmpi slt, %add3A_179, %select_n3A_100 : i32
      %convert_element_type3A_181 = arith.extui %lt3A_180 : i1 to i32
      %cond3A_182 = arith.constant 0 : i32
      %cond3A_183 = arith.cmpi ne, %convert_element_type3A_181, %cond3A_182 : i32
      scf.if %cond3A_183 {
        %add3A_291 = arith.constant 1 : i32
        %add3A_292 = arith.addi %add3A_167, %add3A_291 : i32
        %mul3A_293 = arith.constant 256 : i32
        %mul3A_294 = arith.muli %add3A_292, %mul3A_293 : i32
        %add3A_295 = arith.addi %mul3A_25, %mul3A_294 : i32
        %min3A_296 = arith.constant 319744 : i32
        %min3A_297 = arith.minsi %add3A_295, %min3A_296 : i32
        %multiple_of3A_298 = tpu.assume_multiple %min3A_297, 128 : i32
        %dma_start3A = arith.constant 0 : i32
        %dma_start3A_299 = tpu.memref_slice %arg3[%dma_start3A, %multiple_of3A_298] : memref<8x320000xf32, #tpu.memory_space<hbm>> -> memref<8x256xf32, #tpu.memory_space<hbm>>
        %dma_start3A_300 = arith.constant 0 : i32
        %dma_start3A_301 = tpu.memref_slice %arg3[%dma_start3A_300, %multiple_of3A_298] : memref<8x320000xf32, #tpu.memory_space<hbm>> -> memref<8x256xf32, #tpu.memory_space<hbm>>
        tpu.enqueue_dma source(%dma_start3A_301 : memref<8x256xf32, #tpu.memory_space<hbm>>) target(%arg12 : memref<8x256xf32, #tpu.memory_space<vmem>>) target_semaphore(%arg18 : memref<!tpu.dma_semaphore, #tpu.memory_space<semaphore_mem>>)
        %dma_start3A_302 = arith.constant 0 : i32
        %dma_start3A_303 = tpu.memref_slice %arg4[%multiple_of3A_298, %dma_start3A_302] : memref<320000x128xf32, #tpu.memory_space<hbm>> -> memref<256x128xf32, #tpu.memory_space<hbm>>
        %dma_start3A_304 = arith.constant 0 : i32
        %dma_start3A_305 = tpu.memref_slice %arg4[%multiple_of3A_298, %dma_start3A_304] : memref<320000x128xf32, #tpu.memory_space<hbm>> -> memref<256x128xf32, #tpu.memory_space<hbm>>
        tpu.enqueue_dma source(%dma_start3A_305 : memref<256x128xf32, #tpu.memory_space<hbm>>) target(%arg15 : memref<256x128xf32, #tpu.memory_space<vmem>>) target_semaphore(%arg18 : memref<!tpu.dma_semaphore, #tpu.memory_space<semaphore_mem>>)
      } else {
      }
      %convert_element_type3A_184 = arith.extui %lt3A_168 : i1 to i32
      %cond3A_185 = arith.constant 0 : i32
      %cond3A_186 = arith.cmpi ne, %convert_element_type3A_184, %cond3A_185 : i32
      scf.if %cond3A_186 {
        %scan3A_291 = arith.constant 0 : i32
        %scan3A_292 = arith.constant 0 : i32
        %scan3A_293 = arith.constant 16 : i32
        %scan3A_294 = arith.addi %scan3A_292, %scan3A_293 : i32
        %scan3A_295 = arith.constant 1 : i32
        %scan3A_296 = scf.for %scan3A_298 = %scan3A_292 to %scan3A_294 step %scan3A_295 iter_args(%scan3A_299 = %scan3A_291) -> (i32)  : i32 {
          %mul3A_300 = arith.constant 16 : i32
          %mul3A_301 = arith.muli %scan3A_298, %mul3A_300 : i32
          %add3A_302 = vector.broadcast %mul3A_301 : i32 to vector<16xi32>
          %add3A_303 = arith.addi %add3A_302, %iota3A : vector<16xi32>
          %mul3A_304 = arith.constant 8 : i32
          %mul3A_305 = vector.broadcast %mul3A_304 : i32 to vector<16xi32>
          %mul3A_306 = arith.muli %add3A_303, %mul3A_305 : vector<16xi32>
          %add3A_307 = arith.constant 0 : i32
          %add3A_308 = vector.broadcast %add3A_307 : i32 to vector<16xi32>
          %add3A_309 = arith.addi %mul3A_306, %add3A_308 : vector<16xi32>
          %get3A_310 = arith.constant 0 : i32
          %get3A_311 = arith.index_cast %get3A_310 : i32 to index
          %get3A_312 = arith.index_cast %mul3A_301 : i32 to index
          %get3A_313 = tpu.vector_load %arg11[%get3A_311, %get3A_312] {strides = array<i32>} : memref<8x256xf32, #tpu.memory_space<vmem>>, vector<16xf32>,
          tpu.vector_store_idx %arg13[%add3A_309], %get3A_313 : memref<2064xf32, #tpu.memory_space<vmem>>[vector<16xi32>], vector<16xf32>,
          %add3A_314 = arith.constant 1 : i32
          %add3A_315 = vector.broadcast %add3A_314 : i32 to vector<16xi32>
          %add3A_316 = arith.addi %mul3A_306, %add3A_315 : vector<16xi32>
          %get3A_317 = arith.constant 1 : i32
          %get3A_318 = arith.index_cast %get3A_317 : i32 to index
          %get3A_319 = arith.index_cast %mul3A_301 : i32 to index
          %get3A_320 = tpu.vector_load %arg11[%get3A_318, %get3A_319] {strides = array<i32>} : memref<8x256xf32, #tpu.memory_space<vmem>>, vector<16xf32>,
          tpu.vector_store_idx %arg13[%add3A_316], %get3A_320 : memref<2064xf32, #tpu.memory_space<vmem>>[vector<16xi32>], vector<16xf32>,
          %add3A_321 = arith.constant 2 : i32
          %add3A_322 = vector.broadcast %add3A_321 : i32 to vector<16xi32>
          %add3A_323 = arith.addi %mul3A_306, %add3A_322 : vector<16xi32>
          %get3A_324 = arith.constant 2 : i32
          %get3A_325 = arith.index_cast %get3A_324 : i32 to index
          %get3A_326 = arith.index_cast %mul3A_301 : i32 to index
          %get3A_327 = tpu.vector_load %arg11[%get3A_325, %get3A_326] {strides = array<i32>} : memref<8x256xf32, #tpu.memory_space<vmem>>, vector<16xf32>,
          tpu.vector_store_idx %arg13[%add3A_323], %get3A_327 : memref<2064xf32, #tpu.memory_space<vmem>>[vector<16xi32>], vector<16xf32>,
          %add3A_328 = arith.constant 3 : i32
          %add3A_329 = vector.broadcast %add3A_328 : i32 to vector<16xi32>
          %add3A_330 = arith.addi %mul3A_306, %add3A_329 : vector<16xi32>
          %get3A_331 = arith.constant 3 : i32
          %get3A_332 = arith.index_cast %get3A_331 : i32 to index
          %get3A_333 = arith.index_cast %mul3A_301 : i32 to index
          %get3A_334 = tpu.vector_load %arg11[%get3A_332, %get3A_333] {strides = array<i32>} : memref<8x256xf32, #tpu.memory_space<vmem>>, vector<16xf32>,
          tpu.vector_store_idx %arg13[%add3A_330], %get3A_334 : memref<2064xf32, #tpu.memory_space<vmem>>[vector<16xi32>], vector<16xf32>,
          %add3A_335 = arith.constant 4 : i32
          %add3A_336 = vector.broadcast %add3A_335 : i32 to vector<16xi32>
          %add3A_337 = arith.addi %mul3A_306, %add3A_336 : vector<16xi32>
          %get3A_338 = arith.constant 4 : i32
          %get3A_339 = arith.index_cast %get3A_338 : i32 to index
          %get3A_340 = arith.index_cast %mul3A_301 : i32 to index
          %get3A_341 = tpu.vector_load %arg11[%get3A_339, %get3A_340] {strides = array<i32>} : memref<8x256xf32, #tpu.memory_space<vmem>>, vector<16xf32>,
          tpu.vector_store_idx %arg13[%add3A_337], %get3A_341 : memref<2064xf32, #tpu.memory_space<vmem>>[vector<16xi32>], vector<16xf32>,
          %add3A_342 = arith.constant 5 : i32
          %add3A_343 = vector.broadcast %add3A_342 : i32 to vector<16xi32>
          %add3A_344 = arith.addi %mul3A_306, %add3A_343 : vector<16xi32>
          %get3A_345 = arith.constant 5 : i32
          %get3A_346 = arith.index_cast %get3A_345 : i32 to index
          %get3A_347 = arith.index_cast %mul3A_301 : i32 to index
          %get3A_348 = tpu.vector_load %arg11[%get3A_346, %get3A_347] {strides = array<i32>} : memref<8x256xf32, #tpu.memory_space<vmem>>, vector<16xf32>,
          tpu.vector_store_idx %arg13[%add3A_344], %get3A_348 : memref<2064xf32, #tpu.memory_space<vmem>>[vector<16xi32>], vector<16xf32>,
          %add3A_349 = arith.constant 6 : i32
          %add3A_350 = vector.broadcast %add3A_349 : i32 to vector<16xi32>
          %add3A_351 = arith.addi %mul3A_306, %add3A_350 : vector<16xi32>
          %get3A_352 = arith.constant 6 : i32
          %get3A_353 = arith.index_cast %get3A_352 : i32 to index
          %get3A_354 = arith.index_cast %mul3A_301 : i32 to index
          %get3A_355 = tpu.vector_load %arg11[%get3A_353, %get3A_354] {strides = array<i32>} : memref<8x256xf32, #tpu.memory_space<vmem>>, vector<16xf32>,
          tpu.vector_store_idx %arg13[%add3A_351], %get3A_355 : memref<2064xf32, #tpu.memory_space<vmem>>[vector<16xi32>], vector<16xf32>,
          %add3A_356 = arith.constant 7 : i32
          %add3A_357 = vector.broadcast %add3A_356 : i32 to vector<16xi32>
          %add3A_358 = arith.addi %mul3A_306, %add3A_357 : vector<16xi32>
          %get3A_359 = arith.constant 7 : i32
          %get3A_360 = arith.index_cast %get3A_359 : i32 to index
          %get3A_361 = arith.index_cast %mul3A_301 : i32 to index
          %get3A_362 = tpu.vector_load %arg11[%get3A_360, %get3A_361] {strides = array<i32>} : memref<8x256xf32, #tpu.memory_space<vmem>>, vector<16xf32>,
          tpu.vector_store_idx %arg13[%add3A_358], %get3A_362 : memref<2064xf32, #tpu.memory_space<vmem>>[vector<16xi32>], vector<16xf32>,
          %scan3A_363 = arith.constant 0 : i32
          scf.yield %scan3A_363 : i32
        }
        %scan3A_297 = arith.constant 16 : i32
      } else {
      }
      %sub3A_187 = arith.subi %squeeze3A_7, %add3A_171 : i32
      %min3A_188 = arith.constant 256 : i32
      %min3A_189 = arith.minsi %min3A_188, %sub3A_187 : i32
      %jit3A_190 = arith.constant 0 : i32
      %select_n3A_191 = arith.select %lt3A_168, %min3A_189, %jit3A_190 : i32
      %add3A_192 = arith.addi %add3A_171, %select_n3A_191 : i32
      %sub3A_193 = arith.constant 1 : i32
      %sub3A_194 = arith.subi %add3A_192, %sub3A_193 : i32
      %scan3A = arith.constant 0 : i32
      %scan3A_195 = arith.constant 320 : i32
      %scan3A_196 = arith.constant 0 : i32
      %scan3A_197 = arith.constant 9 : i32
      %scan3A_198 = arith.addi %scan3A_196, %scan3A_197 : i32
      %scan3A_199 = arith.constant 1 : i32
      %scan3A_200:2 = scf.for %scan3A_291 = %scan3A_196 to %scan3A_198 step %scan3A_199 iter_args(%scan3A_292 = %scan3A, %scan3A_293 = %scan3A_195) -> (i32, i32)  : i32 {
        %add3A_294 = arith.addi %scan3A_292, %scan3A_293 : i32
        %shift_right_logical3A = arith.constant 1 : i32
        %shift_right_logical3A_295 = arith.shrui %add3A_294, %shift_right_logical3A : i32
        %get3A_296 = arith.index_cast %shift_right_logical3A_295 : i32 to index
        %get3A_297 = tpu.vector_load %arg7[%get3A_296] {strides = array<i32>} : memref<344xi32, #tpu.memory_space<vmem>>, vector<16xi32>,
        %slice3A_298 = vector.extract_strided_slice %get3A_297 {offsets = [0], sizes = [1], strides = [1]} : vector<16xi32> to vector<1xi32>
        %squeeze3A_299 = vector.extract %slice3A_298[0] : i32 from vector<1xi32>
        %le3A_300 = arith.cmpi sle, %squeeze3A_299, %sub3A_194 : i32
        %select_n3A_301 = arith.select %le3A_300, %shift_right_logical3A_295, %scan3A_292 : i32
        %select_n3A_302 = arith.select %le3A_300, %scan3A_293, %shift_right_logical3A_295 : i32
        scf.yield %select_n3A_301, %select_n3A_302 : i32, i32
      }
      %scan3A_201 = arith.constant 9 : i32
      %sub3A_202 = arith.constant 1 : i32
      %sub3A_203 = arith.subi %while3A_154, %sub3A_202 : i32
      %select_n3A_204 = arith.select %lt3A_168, %scan3A_200#0, %sub3A_203 : i32
      %add3A_205 = arith.constant 1 : i32
      %add3A_206 = arith.addi %select_n3A_204, %add3A_205 : i32
      %while3A_207 = arith.subi %add3A_206, %while3A_154 : i32
      %while3A_208 = arith.addi %while3A_154, %while3A_207 : i32
      %while3A_209 = arith.constant 1 : i32
      %while3A_210 = arith.divsi %while3A_207, %while3A_209 : i32
      %while3A_211 = arith.muli %while3A_210, %while3A_209 : i32
      %while3A_212 = arith.addi %while3A_154, %while3A_211 : i32
      %while3A_213 = arith.constant 1 : i32
      %while3A_214:9 = scf.for %while3A_291 = %while3A_154 to %while3A_212 step %while3A_213 iter_args(%while3A_292 = %while3A_155, %while3A_293 = %while3A_156, %while3A_294 = %while3A_157, %while3A_295 = %while3A_158, %while3A_296 = %while3A_159, %while3A_297 = %while3A_160, %while3A_298 = %while3A_161, %while3A_299 = %while3A_162, %while3A_300 = %while3A_163) -> (vector<16xf32>, vector<16xf32>, vector<16xf32>, vector<16xf32>, vector<16xf32>, vector<16xf32>, vector<16xf32>, vector<16xf32>, vector<16xf32>)  : i32 {
        %get3A_301 = arith.index_cast %while3A_291 : i32 to index
        %get3A_302 = tpu.vector_load %arg7[%get3A_301] {strides = array<i32>} : memref<344xi32, #tpu.memory_space<vmem>>, vector<16xi32>,
        %slice3A_303 = vector.extract_strided_slice %get3A_302 {offsets = [0], sizes = [1], strides = [1]} : vector<16xi32> to vector<1xi32>
        %squeeze3A_304 = vector.extract %slice3A_303[0] : i32 from vector<1xi32>
        %add3A_305 = arith.constant 1 : i32
        %add3A_306 = arith.addi %while3A_291, %add3A_305 : i32
        %get3A_307 = arith.index_cast %add3A_306 : i32 to index
        %get3A_308 = tpu.vector_load %arg7[%get3A_307] {strides = array<i32>} : memref<344xi32, #tpu.memory_space<vmem>>, vector<16xi32>,
        %slice3A_309 = vector.extract_strided_slice %get3A_308 {offsets = [0], sizes = [1], strides = [1]} : vector<16xi32> to vector<1xi32>
        %squeeze3A_310 = vector.extract %slice3A_309[0] : i32 from vector<1xi32>
        %max3A = arith.maxsi %squeeze3A_304, %add3A_171 : i32
        %min3A_311 = arith.minsi %squeeze3A_310, %add3A_192 : i32
        %ge3A = arith.cmpi sge, %squeeze3A_304, %add3A_171 : i32
        %jit3A_312 = arith.constant 0.000000e+00 : f32
        %broadcast_in_dim3A_313 = vector.broadcast %jit3A_312 : f32 to vector<16xf32>
        %select_n3A_314 = arith.select %ge3A, %broadcast_in_dim3A_313, %while3A_292 : vector<16xf32>
        %jit3A_315 = arith.constant 0.000000e+00 : f32
        %broadcast_in_dim3A_316 = vector.broadcast %jit3A_315 : f32 to vector<16xf32>
        %select_n3A_317 = arith.select %ge3A, %broadcast_in_dim3A_316, %while3A_293 : vector<16xf32>
        %jit3A_318 = arith.constant 0.000000e+00 : f32
        %broadcast_in_dim3A_319 = vector.broadcast %jit3A_318 : f32 to vector<16xf32>
        %select_n3A_320 = arith.select %ge3A, %broadcast_in_dim3A_319, %while3A_294 : vector<16xf32>
        %jit3A_321 = arith.constant 0.000000e+00 : f32
        %broadcast_in_dim3A_322 = vector.broadcast %jit3A_321 : f32 to vector<16xf32>
        %select_n3A_323 = arith.select %ge3A, %broadcast_in_dim3A_322, %while3A_295 : vector<16xf32>
        %jit3A_324 = arith.constant 0.000000e+00 : f32
        %broadcast_in_dim3A_325 = vector.broadcast %jit3A_324 : f32 to vector<16xf32>
        %select_n3A_326 = arith.select %ge3A, %broadcast_in_dim3A_325, %while3A_296 : vector<16xf32>
        %jit3A_327 = arith.constant 0.000000e+00 : f32
        %broadcast_in_dim3A_328 = vector.broadcast %jit3A_327 : f32 to vector<16xf32>
        %select_n3A_329 = arith.select %ge3A, %broadcast_in_dim3A_328, %while3A_297 : vector<16xf32>
        %jit3A_330 = arith.constant 0.000000e+00 : f32
        %broadcast_in_dim3A_331 = vector.broadcast %jit3A_330 : f32 to vector<16xf32>
        %select_n3A_332 = arith.select %ge3A, %broadcast_in_dim3A_331, %while3A_298 : vector<16xf32>
        %jit3A_333 = arith.constant 0.000000e+00 : f32
        %broadcast_in_dim3A_334 = vector.broadcast %jit3A_333 : f32 to vector<16xf32>
        %select_n3A_335 = arith.select %ge3A, %broadcast_in_dim3A_334, %while3A_299 : vector<16xf32>
        %jit3A_336 = arith.constant 0.000000e+00 : f32
        %broadcast_in_dim3A_337 = vector.broadcast %jit3A_336 : f32 to vector<16xf32>
        %select_n3A_338 = arith.select %ge3A, %broadcast_in_dim3A_337, %while3A_300 : vector<16xf32>
        %mul3A_339 = arith.constant 16 : i32
        %mul3A_340 = arith.muli %while3A_291, %mul3A_339 : i32
        %get3A_341 = arith.index_cast %mul3A_340 : i32 to index
        %get3A_342 = tpu.vector_load %arg8[%get3A_341] {strides = array<i32>} : memref<5120xf32, #tpu.memory_space<vmem>>, vector<16xf32>,
        %sub3A_343 = arith.subi %squeeze3A_310, %squeeze3A_304 : i32
        %max3A_344 = arith.constant 1 : i32
        %max3A_345 = arith.maxsi %sub3A_343, %max3A_344 : i32
        %convert_element_type3A_346 = arith.sitofp %max3A_345 : i32 to f32
        %bitcast_convert_type3A = arith.bitcast %convert_element_type3A_346 : f32 to i32
        %shift_right_logical3A = arith.constant 1 : i32
        %shift_right_logical3A_347 = arith.shrui %bitcast_convert_type3A, %shift_right_logical3A : i32
        %sub3A_348 = arith.constant 1597463007 : i32
        %sub3A_349 = arith.subi %sub3A_348, %shift_right_logical3A_347 : i32
        %bitcast_convert_type3A_350 = arith.bitcast %sub3A_349 : i32 to f32
        %mul3A_351 = arith.constant 5.000000e-01 : f32
        %mul3A_352 = arith.mulf %mul3A_351, %convert_element_type3A_346 : f32
        %mul3A_353 = arith.mulf %mul3A_352, %bitcast_convert_type3A_350 : f32
        %mul3A_354 = arith.mulf %mul3A_353, %bitcast_convert_type3A_350 : f32
        %sub3A_355 = arith.constant 1.500000e+00 : f32
        %sub3A_356 = arith.subf %sub3A_355, %mul3A_354 : f32
        %mul3A_357 = arith.mulf %bitcast_convert_type3A_350, %sub3A_356 : f32
        %mul3A_358 = arith.constant 5.000000e-01 : f32
        %mul3A_359 = arith.mulf %mul3A_358, %convert_element_type3A_346 : f32
        %mul3A_360 = arith.mulf %mul3A_359, %mul3A_357 : f32
        %mul3A_361 = arith.mulf %mul3A_360, %mul3A_357 : f32
        %sub3A_362 = arith.constant 1.500000e+00 : f32
        %sub3A_363 = arith.subf %sub3A_362, %mul3A_361 : f32
        %mul3A_364 = arith.mulf %mul3A_357, %sub3A_363 : f32
        %mul3A_365 = arith.constant 5.000000e-01 : f32
        %mul3A_366 = arith.mulf %mul3A_365, %convert_element_type3A_346 : f32
        %mul3A_367 = arith.mulf %mul3A_366, %mul3A_364 : f32
        %mul3A_368 = arith.mulf %mul3A_367, %mul3A_364 : f32
        %sub3A_369 = arith.constant 1.500000e+00 : f32
        %sub3A_370 = arith.subf %sub3A_369, %mul3A_368 : f32
        %mul3A_371 = arith.mulf %mul3A_364, %sub3A_370 : f32
        %sub3A_372 = arith.subi %max3A, %add3A_171 : i32
        %sub3A_373 = arith.subi %min3A_311, %add3A_171 : i32
        %while3A_374 = arith.subi %sub3A_373, %sub3A_372 : i32
        %while3A_375 = arith.addi %sub3A_372, %while3A_374 : i32
        %while3A_376 = arith.constant 1 : i32
        %while3A_377 = arith.divsi %while3A_374, %while3A_376 : i32
        %while3A_378 = arith.muli %while3A_377, %while3A_376 : i32
        %while3A_379 = arith.addi %sub3A_372, %while3A_378 : i32
        %while3A_380 = arith.constant 1 : i32
        %while3A_381:9 = scf.for %while3A_388 = %sub3A_372 to %while3A_379 step %while3A_380 iter_args(%while3A_389 = %select_n3A_314, %while3A_390 = %select_n3A_317, %while3A_391 = %select_n3A_320, %while3A_392 = %select_n3A_323, %while3A_393 = %select_n3A_326, %while3A_394 = %select_n3A_329, %while3A_395 = %select_n3A_332, %while3A_396 = %select_n3A_335, %while3A_397 = %select_n3A_338) -> (vector<16xf32>, vector<16xf32>, vector<16xf32>, vector<16xf32>, vector<16xf32>, vector<16xf32>, vector<16xf32>, vector<16xf32>, vector<16xf32>)  : i32 {
          %add3A_398 = arith.addi %while3A_388, %sub3A_174 : i32
          %mul3A_399 = arith.constant 8 : i32
          %mul3A_400 = arith.muli %add3A_398, %mul3A_399 : i32
          %get3A_401 = arith.index_cast %mul3A_400 : i32 to index
          %get3A_402 = tpu.vector_load %arg13[%get3A_401] {strides = array<i32>} : memref<2064xf32, #tpu.memory_space<vmem>>, vector<16xf32>,
          %sub3A_403 = arith.subf %get3A_402, %get3A_342 : vector<16xf32>
          %mul3A_404 = vector.broadcast %mul3A_371 : f32 to vector<16xf32>
          %mul3A_405 = arith.mulf %sub3A_403, %mul3A_404 : vector<16xf32>
          %exp3A = math.exp %mul3A_405 : vector<16xf32>
          %jit3A_406 = arith.constant 0.000000e+00 : f32
          %broadcast_in_dim3A_407 = vector.broadcast %jit3A_406 : f32 to vector<16xf32>
          %select_n3A_408 = arith.select %lt3A_27, %exp3A, %broadcast_in_dim3A_407 : vector<16xi1>, vector<16xf32>
          %add3A_409 = arith.addf %while3A_389, %select_n3A_408 : vector<16xf32>
          %broadcast_in_dim3A_410 = arith.constant 0 : i32
          %broadcast_in_dim3A_411 = vector.broadcast %broadcast_in_dim3A_410 : i32 to vector<16x1xi32>
          %gather3A = vector.shape_cast %broadcast_in_dim3A_411 : vector<16x1xi32> to vector<16xi32>
          %gather3A_412 = tpu.dynamic_gather %exp3A[%gather3A] in [0] : vector<16xf32>, vector<16xi32> -> vector<16xf32>
          %get3A_413 = arith.index_cast %add3A_398 : i32 to index
          %get3A_414 = arith.constant 0 : index
          %get3A_415 = tpu.vector_load %arg14[%get3A_413, %get3A_414] {strides = array<i32>} : memref<256x128xf32, #tpu.memory_space<vmem>>, vector<16xf32>,
          %mul3A_416 = arith.mulf %gather3A_412, %get3A_415 : vector<16xf32>
          %add3A_417 = arith.addf %while3A_390, %mul3A_416 : vector<16xf32>
          %broadcast_in_dim3A_418 = arith.constant 1 : i32
          %broadcast_in_dim3A_419 = vector.broadcast %broadcast_in_dim3A_418 : i32 to vector<16x1xi32>
          %gather3A_420 = vector.shape_cast %broadcast_in_dim3A_419 : vector<16x1xi32> to vector<16xi32>
          %gather3A_421 = tpu.dynamic_gather %exp3A[%gather3A_420] in [0] : vector<16xf32>, vector<16xi32> -> vector<16xf32>
          %get3A_422 = arith.index_cast %add3A_398 : i32 to index
          %get3A_423 = arith.constant 16 : index
          %get3A_424 = tpu.vector_load %arg14[%get3A_422, %get3A_423] {strides = array<i32>} : memref<256x128xf32, #tpu.memory_space<vmem>>, vector<16xf32>,
          %mul3A_425 = arith.mulf %gather3A_421, %get3A_424 : vector<16xf32>
          %add3A_426 = arith.addf %while3A_391, %mul3A_425 : vector<16xf32>
          %broadcast_in_dim3A_427 = arith.constant 2 : i32
          %broadcast_in_dim3A_428 = vector.broadcast %broadcast_in_dim3A_427 : i32 to vector<16x1xi32>
          %gather3A_429 = vector.shape_cast %broadcast_in_dim3A_428 : vector<16x1xi32> to vector<16xi32>
          %gather3A_430 = tpu.dynamic_gather %exp3A[%gather3A_429] in [0] : vector<16xf32>, vector<16xi32> -> vector<16xf32>
          %get3A_431 = arith.index_cast %add3A_398 : i32 to index
          %get3A_432 = arith.constant 32 : index
          %get3A_433 = tpu.vector_load %arg14[%get3A_431, %get3A_432] {strides = array<i32>} : memref<256x128xf32, #tpu.memory_space<vmem>>, vector<16xf32>,
          %mul3A_434 = arith.mulf %gather3A_430, %get3A_433 : vector<16xf32>
          %add3A_435 = arith.addf %while3A_392, %mul3A_434 : vector<16xf32>
          %broadcast_in_dim3A_436 = arith.constant 3 : i32
          %broadcast_in_dim3A_437 = vector.broadcast %broadcast_in_dim3A_436 : i32 to vector<16x1xi32>
          %gather3A_438 = vector.shape_cast %broadcast_in_dim3A_437 : vector<16x1xi32> to vector<16xi32>
          %gather3A_439 = tpu.dynamic_gather %exp3A[%gather3A_438] in [0] : vector<16xf32>, vector<16xi32> -> vector<16xf32>
          %get3A_440 = arith.index_cast %add3A_398 : i32 to index
          %get3A_441 = arith.constant 48 : index
          %get3A_442 = tpu.vector_load %arg14[%get3A_440, %get3A_441] {strides = array<i32>} : memref<256x128xf32, #tpu.memory_space<vmem>>, vector<16xf32>,
          %mul3A_443 = arith.mulf %gather3A_439, %get3A_442 : vector<16xf32>
          %add3A_444 = arith.addf %while3A_393, %mul3A_443 : vector<16xf32>
          %broadcast_in_dim3A_445 = arith.constant 4 : i32
          %broadcast_in_dim3A_446 = vector.broadcast %broadcast_in_dim3A_445 : i32 to vector<16x1xi32>
          %gather3A_447 = vector.shape_cast %broadcast_in_dim3A_446 : vector<16x1xi32> to vector<16xi32>
          %gather3A_448 = tpu.dynamic_gather %exp3A[%gather3A_447] in [0] : vector<16xf32>, vector<16xi32> -> vector<16xf32>
          %get3A_449 = arith.index_cast %add3A_398 : i32 to index
          %get3A_450 = arith.constant 64 : index
          %get3A_451 = tpu.vector_load %arg14[%get3A_449, %get3A_450] {strides = array<i32>} : memref<256x128xf32, #tpu.memory_space<vmem>>, vector<16xf32>,
          %mul3A_452 = arith.mulf %gather3A_448, %get3A_451 : vector<16xf32>
          %add3A_453 = arith.addf %while3A_394, %mul3A_452 : vector<16xf32>
          %broadcast_in_dim3A_454 = arith.constant 5 : i32
          %broadcast_in_dim3A_455 = vector.broadcast %broadcast_in_dim3A_454 : i32 to vector<16x1xi32>
          %gather3A_456 = vector.shape_cast %broadcast_in_dim3A_455 : vector<16x1xi32> to vector<16xi32>
          %gather3A_457 = tpu.dynamic_gather %exp3A[%gather3A_456] in [0] : vector<16xf32>, vector<16xi32> -> vector<16xf32>
          %get3A_458 = arith.index_cast %add3A_398 : i32 to index
          %get3A_459 = arith.constant 80 : index
          %get3A_460 = tpu.vector_load %arg14[%get3A_458, %get3A_459] {strides = array<i32>} : memref<256x128xf32, #tpu.memory_space<vmem>>, vector<16xf32>,
          %mul3A_461 = arith.mulf %gather3A_457, %get3A_460 : vector<16xf32>
          %add3A_462 = arith.addf %while3A_395, %mul3A_461 : vector<16xf32>
          %broadcast_in_dim3A_463 = arith.constant 6 : i32
          %broadcast_in_dim3A_464 = vector.broadcast %broadcast_in_dim3A_463 : i32 to vector<16x1xi32>
          %gather3A_465 = vector.shape_cast %broadcast_in_dim3A_464 : vector<16x1xi32> to vector<16xi32>
          %gather3A_466 = tpu.dynamic_gather %exp3A[%gather3A_465] in [0] : vector<16xf32>, vector<16xi32> -> vector<16xf32>
          %get3A_467 = arith.index_cast %add3A_398 : i32 to index
          %get3A_468 = arith.constant 96 : index
          %get3A_469 = tpu.vector_load %arg14[%get3A_467, %get3A_468] {strides = array<i32>} : memref<256x128xf32, #tpu.memory_space<vmem>>, vector<16xf32>,
          %mul3A_470 = arith.mulf %gather3A_466, %get3A_469 : vector<16xf32>
          %add3A_471 = arith.addf %while3A_396, %mul3A_470 : vector<16xf32>
          %broadcast_in_dim3A_472 = arith.constant 7 : i32
          %broadcast_in_dim3A_473 = vector.broadcast %broadcast_in_dim3A_472 : i32 to vector<16x1xi32>
          %gather3A_474 = vector.shape_cast %broadcast_in_dim3A_473 : vector<16x1xi32> to vector<16xi32>
          %gather3A_475 = tpu.dynamic_gather %exp3A[%gather3A_474] in [0] : vector<16xf32>, vector<16xi32> -> vector<16xf32>
          %get3A_476 = arith.index_cast %add3A_398 : i32 to index
          %get3A_477 = arith.constant 112 : index
          %get3A_478 = tpu.vector_load %arg14[%get3A_476, %get3A_477] {strides = array<i32>} : memref<256x128xf32, #tpu.memory_space<vmem>>, vector<16xf32>,
          %mul3A_479 = arith.mulf %gather3A_475, %get3A_478 : vector<16xf32>
          %add3A_480 = arith.addf %while3A_397, %mul3A_479 : vector<16xf32>
          scf.yield %add3A_409, %add3A_417, %add3A_426, %add3A_435, %add3A_444, %add3A_453, %add3A_462, %add3A_471, %add3A_480 : vector<16xf32>, vector<16xf32>, vector<16xf32>, vector<16xf32>, vector<16xf32>, vector<16xf32>, vector<16xf32>, vector<16xf32>, vector<16xf32>
        }
        %while3A_382 = arith.constant 1 : i32
        %while3A_383:9 = scf.for %while3A_388 = %while3A_379 to %while3A_375 step %while3A_382 iter_args(%while3A_389 = %while3A_381#0, %while3A_390 = %while3A_381#1, %while3A_391 = %while3A_381#2, %while3A_392 = %while3A_381#3, %while3A_393 = %while3A_381#4, %while3A_394 = %while3A_381#5, %while3A_395 = %while3A_381#6, %while3A_396 = %while3A_381#7, %while3A_397 = %while3A_381#8) -> (vector<16xf32>, vector<16xf32>, vector<16xf32>, vector<16xf32>, vector<16xf32>, vector<16xf32>, vector<16xf32>, vector<16xf32>, vector<16xf32>)  : i32 {
          %add3A_398 = arith.addi %while3A_388, %sub3A_174 : i32
          %mul3A_399 = arith.constant 8 : i32
          %mul3A_400 = arith.muli %add3A_398, %mul3A_399 : i32
          %get3A_401 = arith.index_cast %mul3A_400 : i32 to index
          %get3A_402 = tpu.vector_load %arg13[%get3A_401] {strides = array<i32>} : memref<2064xf32, #tpu.memory_space<vmem>>, vector<16xf32>,
          %sub3A_403 = arith.subf %get3A_402, %get3A_342 : vector<16xf32>
          %mul3A_404 = vector.broadcast %mul3A_371 : f32 to vector<16xf32>
          %mul3A_405 = arith.mulf %sub3A_403, %mul3A_404 : vector<16xf32>
          %exp3A = math.exp %mul3A_405 : vector<16xf32>
          %jit3A_406 = arith.constant 0.000000e+00 : f32
          %broadcast_in_dim3A_407 = vector.broadcast %jit3A_406 : f32 to vector<16xf32>
          %select_n3A_408 = arith.select %lt3A_27, %exp3A, %broadcast_in_dim3A_407 : vector<16xi1>, vector<16xf32>
          %add3A_409 = arith.addf %while3A_389, %select_n3A_408 : vector<16xf32>
          %broadcast_in_dim3A_410 = arith.constant 0 : i32
          %broadcast_in_dim3A_411 = vector.broadcast %broadcast_in_dim3A_410 : i32 to vector<16x1xi32>
          %gather3A = vector.shape_cast %broadcast_in_dim3A_411 : vector<16x1xi32> to vector<16xi32>
          %gather3A_412 = tpu.dynamic_gather %exp3A[%gather3A] in [0] : vector<16xf32>, vector<16xi32> -> vector<16xf32>
          %get3A_413 = arith.index_cast %add3A_398 : i32 to index
          %get3A_414 = arith.constant 0 : index
          %get3A_415 = tpu.vector_load %arg14[%get3A_413, %get3A_414] {strides = array<i32>} : memref<256x128xf32, #tpu.memory_space<vmem>>, vector<16xf32>,
          %mul3A_416 = arith.mulf %gather3A_412, %get3A_415 : vector<16xf32>
          %add3A_417 = arith.addf %while3A_390, %mul3A_416 : vector<16xf32>
          %broadcast_in_dim3A_418 = arith.constant 1 : i32
          %broadcast_in_dim3A_419 = vector.broadcast %broadcast_in_dim3A_418 : i32 to vector<16x1xi32>
          %gather3A_420 = vector.shape_cast %broadcast_in_dim3A_419 : vector<16x1xi32> to vector<16xi32>
          %gather3A_421 = tpu.dynamic_gather %exp3A[%gather3A_420] in [0] : vector<16xf32>, vector<16xi32> -> vector<16xf32>
          %get3A_422 = arith.index_cast %add3A_398 : i32 to index
          %get3A_423 = arith.constant 16 : index
          %get3A_424 = tpu.vector_load %arg14[%get3A_422, %get3A_423] {strides = array<i32>} : memref<256x128xf32, #tpu.memory_space<vmem>>, vector<16xf32>,
          %mul3A_425 = arith.mulf %gather3A_421, %get3A_424 : vector<16xf32>
          %add3A_426 = arith.addf %while3A_391, %mul3A_425 : vector<16xf32>
          %broadcast_in_dim3A_427 = arith.constant 2 : i32
          %broadcast_in_dim3A_428 = vector.broadcast %broadcast_in_dim3A_427 : i32 to vector<16x1xi32>
          %gather3A_429 = vector.shape_cast %broadcast_in_dim3A_428 : vector<16x1xi32> to vector<16xi32>
          %gather3A_430 = tpu.dynamic_gather %exp3A[%gather3A_429] in [0] : vector<16xf32>, vector<16xi32> -> vector<16xf32>
          %get3A_431 = arith.index_cast %add3A_398 : i32 to index
          %get3A_432 = arith.constant 32 : index
          %get3A_433 = tpu.vector_load %arg14[%get3A_431, %get3A_432] {strides = array<i32>} : memref<256x128xf32, #tpu.memory_space<vmem>>, vector<16xf32>,
          %mul3A_434 = arith.mulf %gather3A_430, %get3A_433 : vector<16xf32>
          %add3A_435 = arith.addf %while3A_392, %mul3A_434 : vector<16xf32>
          %broadcast_in_dim3A_436 = arith.constant 3 : i32
          %broadcast_in_dim3A_437 = vector.broadcast %broadcast_in_dim3A_436 : i32 to vector<16x1xi32>
          %gather3A_438 = vector.shape_cast %broadcast_in_dim3A_437 : vector<16x1xi32> to vector<16xi32>
          %gather3A_439 = tpu.dynamic_gather %exp3A[%gather3A_438] in [0] : vector<16xf32>, vector<16xi32> -> vector<16xf32>
          %get3A_440 = arith.index_cast %add3A_398 : i32 to index
          %get3A_441 = arith.constant 48 : index
          %get3A_442 = tpu.vector_load %arg14[%get3A_440, %get3A_441] {strides = array<i32>} : memref<256x128xf32, #tpu.memory_space<vmem>>, vector<16xf32>,
          %mul3A_443 = arith.mulf %gather3A_439, %get3A_442 : vector<16xf32>
          %add3A_444 = arith.addf %while3A_393, %mul3A_443 : vector<16xf32>
          %broadcast_in_dim3A_445 = arith.constant 4 : i32
          %broadcast_in_dim3A_446 = vector.broadcast %broadcast_in_dim3A_445 : i32 to vector<16x1xi32>
          %gather3A_447 = vector.shape_cast %broadcast_in_dim3A_446 : vector<16x1xi32> to vector<16xi32>
          %gather3A_448 = tpu.dynamic_gather %exp3A[%gather3A_447] in [0] : vector<16xf32>, vector<16xi32> -> vector<16xf32>
          %get3A_449 = arith.index_cast %add3A_398 : i32 to index
          %get3A_450 = arith.constant 64 : index
          %get3A_451 = tpu.vector_load %arg14[%get3A_449, %get3A_450] {strides = array<i32>} : memref<256x128xf32, #tpu.memory_space<vmem>>, vector<16xf32>,
          %mul3A_452 = arith.mulf %gather3A_448, %get3A_451 : vector<16xf32>
          %add3A_453 = arith.addf %while3A_394, %mul3A_452 : vector<16xf32>
          %broadcast_in_dim3A_454 = arith.constant 5 : i32
          %broadcast_in_dim3A_455 = vector.broadcast %broadcast_in_dim3A_454 : i32 to vector<16x1xi32>
          %gather3A_456 = vector.shape_cast %broadcast_in_dim3A_455 : vector<16x1xi32> to vector<16xi32>
          %gather3A_457 = tpu.dynamic_gather %exp3A[%gather3A_456] in [0] : vector<16xf32>, vector<16xi32> -> vector<16xf32>
          %get3A_458 = arith.index_cast %add3A_398 : i32 to index
          %get3A_459 = arith.constant 80 : index
          %get3A_460 = tpu.vector_load %arg14[%get3A_458, %get3A_459] {strides = array<i32>} : memref<256x128xf32, #tpu.memory_space<vmem>>, vector<16xf32>,
          %mul3A_461 = arith.mulf %gather3A_457, %get3A_460 : vector<16xf32>
          %add3A_462 = arith.addf %while3A_395, %mul3A_461 : vector<16xf32>
          %broadcast_in_dim3A_463 = arith.constant 6 : i32
          %broadcast_in_dim3A_464 = vector.broadcast %broadcast_in_dim3A_463 : i32 to vector<16x1xi32>
          %gather3A_465 = vector.shape_cast %broadcast_in_dim3A_464 : vector<16x1xi32> to vector<16xi32>
          %gather3A_466 = tpu.dynamic_gather %exp3A[%gather3A_465] in [0] : vector<16xf32>, vector<16xi32> -> vector<16xf32>
          %get3A_467 = arith.index_cast %add3A_398 : i32 to index
          %get3A_468 = arith.constant 96 : index
          %get3A_469 = tpu.vector_load %arg14[%get3A_467, %get3A_468] {strides = array<i32>} : memref<256x128xf32, #tpu.memory_space<vmem>>, vector<16xf32>,
          %mul3A_470 = arith.mulf %gather3A_466, %get3A_469 : vector<16xf32>
          %add3A_471 = arith.addf %while3A_396, %mul3A_470 : vector<16xf32>
          %broadcast_in_dim3A_472 = arith.constant 7 : i32
          %broadcast_in_dim3A_473 = vector.broadcast %broadcast_in_dim3A_472 : i32 to vector<16x1xi32>
          %gather3A_474 = vector.shape_cast %broadcast_in_dim3A_473 : vector<16x1xi32> to vector<16xi32>
          %gather3A_475 = tpu.dynamic_gather %exp3A[%gather3A_474] in [0] : vector<16xf32>, vector<16xi32> -> vector<16xf32>
          %get3A_476 = arith.index_cast %add3A_398 : i32 to index
          %get3A_477 = arith.constant 112 : index
          %get3A_478 = tpu.vector_load %arg14[%get3A_476, %get3A_477] {strides = array<i32>} : memref<256x128xf32, #tpu.memory_space<vmem>>, vector<16xf32>,
          %mul3A_479 = arith.mulf %gather3A_475, %get3A_478 : vector<16xf32>
          %add3A_480 = arith.addf %while3A_397, %mul3A_479 : vector<16xf32>
          scf.yield %add3A_409, %add3A_417, %add3A_426, %add3A_435, %add3A_444, %add3A_453, %add3A_462, %add3A_471, %add3A_480 : vector<16xf32>, vector<16xf32>, vector<16xf32>, vector<16xf32>, vector<16xf32>, vector<16xf32>, vector<16xf32>, vector<16xf32>, vector<16xf32>
        }
        %le3A_384 = arith.cmpi sle, %squeeze3A_310, %add3A_192 : i32
        %convert_element_type3A_385 = arith.extui %le3A_384 : i1 to i32
        %cond3A_386 = arith.constant 0 : i32
        %cond3A_387 = arith.cmpi ne, %convert_element_type3A_385, %cond3A_386 : i32
        scf.if %cond3A_387 {
          %add3A_388 = arith.constant 1 : i32
          %add3A_389 = arith.addi %while3A_291, %add3A_388 : i32
          %get3A_390 = arith.index_cast %add3A_389 : i32 to index
          %get3A_391 = tpu.vector_load %arg7[%get3A_390] {strides = array<i32>} : memref<344xi32, #tpu.memory_space<vmem>>, vector<16xi32>,
          %slice3A_392 = vector.extract_strided_slice %get3A_391 {offsets = [0], sizes = [1], strides = [1]} : vector<16xi32> to vector<1xi32>
          %squeeze3A_393 = vector.extract %slice3A_392[0] : i32 from vector<1xi32>
          %get3A_394 = arith.index_cast %while3A_291 : i32 to index
          %get3A_395 = tpu.vector_load %arg7[%get3A_394] {strides = array<i32>} : memref<344xi32, #tpu.memory_space<vmem>>, vector<16xi32>,
          %slice3A_396 = vector.extract_strided_slice %get3A_395 {offsets = [0], sizes = [1], strides = [1]} : vector<16xi32> to vector<1xi32>
          %squeeze3A_397 = vector.extract %slice3A_396[0] : i32 from vector<1xi32>
          %sub3A_398 = arith.subi %squeeze3A_393, %squeeze3A_397 : i32
          %jit3A_399 = arith.constant 0.000000e+00 : f32
          %broadcast_in_dim3A_400 = vector.broadcast %jit3A_399 : f32 to vector<16xf32>
          %select_n3A_401 = arith.select %lt3A_27, %get3A_342, %broadcast_in_dim3A_400 : vector<16xi1>, vector<16xf32>
          %mul3A_402 = arith.mulf %select_n3A_401, %get3A_71 : vector<16xf32>
          %add3A_403 = arith.addf %mul3A_402, %get3A_73 : vector<16xf32>
          %max3A_404 = arith.constant 0.000000e+00 : f32
          %max3A_405 = vector.broadcast %max3A_404 : f32 to vector<16xf32>
          %max3A_406 = arith.maximumf %add3A_403, %max3A_405 : vector<16xf32>
          %add3A_407 = arith.addf %max3A_406, %max3A_406 : vector<16xf32>
          %exp3A = math.exp %add3A_407 : vector<16xf32>
          %add3A_408 = arith.constant 1.000000e+00 : f32
          %add3A_409 = vector.broadcast %add3A_408 : f32 to vector<16xf32>
          %add3A_410 = arith.addf %exp3A, %add3A_409 : vector<16xf32>
          %div3A_411 = arith.constant 2.000000e+00 : f32
          %div3A_412 = vector.broadcast %div3A_411 : f32 to vector<16xf32>
          %div3A_413 = arith.divf %div3A_412, %add3A_410 : vector<16xf32>
          %sub3A_414 = arith.constant 1.000000e+00 : f32
          %sub3A_415 = vector.broadcast %sub3A_414 : f32 to vector<16xf32>
          %sub3A_416 = arith.subf %sub3A_415, %div3A_413 : vector<16xf32>
          %add3A_417 = arith.constant 9.99999996E-13 : f32
          %add3A_418 = vector.broadcast %add3A_417 : f32 to vector<16xf32>
          %add3A_419 = arith.addf %while3A_383#0, %add3A_418 : vector<16xf32>
          %div3A_420 = arith.divf %sub3A_416, %add3A_419 : vector<16xf32>
          %gt3A_421 = arith.constant 0 : i32
          %gt3A_422 = arith.cmpi sgt, %sub3A_398, %gt3A_421 : i32
          %jit3A_423 = arith.constant 0.000000e+00 : f32
          %broadcast_in_dim3A_424 = vector.broadcast %jit3A_423 : f32 to vector<16xf32>
          %select_n3A_425 = arith.select %gt3A_422, %div3A_420, %broadcast_in_dim3A_424 : vector<16xf32>
          %broadcast_in_dim3A_426 = arith.constant 0 : i32
          %broadcast_in_dim3A_427 = vector.broadcast %broadcast_in_dim3A_426 : i32 to vector<16x1xi32>
          %gather3A = vector.shape_cast %broadcast_in_dim3A_427 : vector<16x1xi32> to vector<16xi32>
          %gather3A_428 = tpu.dynamic_gather %select_n3A_425[%gather3A] in [0] : vector<16xf32>, vector<16xi32> -> vector<16xf32>
          %mul3A_429 = arith.mulf %while3A_383#1, %gather3A_428 : vector<16xf32>
          %swap3A = arith.index_cast %while3A_291 : i32 to index
          %swap3A_430 = arith.constant 0 : index
          %swap3A_431 = tpu.vector_load %arg9[%swap3A, %swap3A_430] {strides = array<i32>} : memref<320x128xf32, #tpu.memory_space<vmem>>, vector<16xf32>,
          tpu.vector_store %arg9[%swap3A, %swap3A_430], %mul3A_429 {strides = array<i32>} : memref<320x128xf32, #tpu.memory_space<vmem>>, vector<16xf32>,
          %broadcast_in_dim3A_432 = arith.constant 1 : i32
          %broadcast_in_dim3A_433 = vector.broadcast %broadcast_in_dim3A_432 : i32 to vector<16x1xi32>
          %gather3A_434 = vector.shape_cast %broadcast_in_dim3A_433 : vector<16x1xi32> to vector<16xi32>
          %gather3A_435 = tpu.dynamic_gather %select_n3A_425[%gather3A_434] in [0] : vector<16xf32>, vector<16xi32> -> vector<16xf32>
          %mul3A_436 = arith.mulf %while3A_383#2, %gather3A_435 : vector<16xf32>
          %swap3A_437 = arith.index_cast %while3A_291 : i32 to index
          %swap3A_438 = arith.constant 16 : index
          %swap3A_439 = tpu.vector_load %arg9[%swap3A_437, %swap3A_438] {strides = array<i32>} : memref<320x128xf32, #tpu.memory_space<vmem>>, vector<16xf32>,
          tpu.vector_store %arg9[%swap3A_437, %swap3A_438], %mul3A_436 {strides = array<i32>} : memref<320x128xf32, #tpu.memory_space<vmem>>, vector<16xf32>,
          %broadcast_in_dim3A_440 = arith.constant 2 : i32
          %broadcast_in_dim3A_441 = vector.broadcast %broadcast_in_dim3A_440 : i32 to vector<16x1xi32>
          %gather3A_442 = vector.shape_cast %broadcast_in_dim3A_441 : vector<16x1xi32> to vector<16xi32>
          %gather3A_443 = tpu.dynamic_gather %select_n3A_425[%gather3A_442] in [0] : vector<16xf32>, vector<16xi32> -> vector<16xf32>
          %mul3A_444 = arith.mulf %while3A_383#3, %gather3A_443 : vector<16xf32>
          %swap3A_445 = arith.index_cast %while3A_291 : i32 to index
          %swap3A_446 = arith.constant 32 : index
          %swap3A_447 = tpu.vector_load %arg9[%swap3A_445, %swap3A_446] {strides = array<i32>} : memref<320x128xf32, #tpu.memory_space<vmem>>, vector<16xf32>,
          tpu.vector_store %arg9[%swap3A_445, %swap3A_446], %mul3A_444 {strides = array<i32>} : memref<320x128xf32, #tpu.memory_space<vmem>>, vector<16xf32>,
          %broadcast_in_dim3A_448 = arith.constant 3 : i32
          %broadcast_in_dim3A_449 = vector.broadcast %broadcast_in_dim3A_448 : i32 to vector<16x1xi32>
          %gather3A_450 = vector.shape_cast %broadcast_in_dim3A_449 : vector<16x1xi32> to vector<16xi32>
          %gather3A_451 = tpu.dynamic_gather %select_n3A_425[%gather3A_450] in [0] : vector<16xf32>, vector<16xi32> -> vector<16xf32>
          %mul3A_452 = arith.mulf %while3A_383#4, %gather3A_451 : vector<16xf32>
          %swap3A_453 = arith.index_cast %while3A_291 : i32 to index
          %swap3A_454 = arith.constant 48 : index
          %swap3A_455 = tpu.vector_load %arg9[%swap3A_453, %swap3A_454] {strides = array<i32>} : memref<320x128xf32, #tpu.memory_space<vmem>>, vector<16xf32>,
          tpu.vector_store %arg9[%swap3A_453, %swap3A_454], %mul3A_452 {strides = array<i32>} : memref<320x128xf32, #tpu.memory_space<vmem>>, vector<16xf32>,
          %broadcast_in_dim3A_456 = arith.constant 4 : i32
          %broadcast_in_dim3A_457 = vector.broadcast %broadcast_in_dim3A_456 : i32 to vector<16x1xi32>
          %gather3A_458 = vector.shape_cast %broadcast_in_dim3A_457 : vector<16x1xi32> to vector<16xi32>
          %gather3A_459 = tpu.dynamic_gather %select_n3A_425[%gather3A_458] in [0] : vector<16xf32>, vector<16xi32> -> vector<16xf32>
          %mul3A_460 = arith.mulf %while3A_383#5, %gather3A_459 : vector<16xf32>
          %swap3A_461 = arith.index_cast %while3A_291 : i32 to index
          %swap3A_462 = arith.constant 64 : index
          %swap3A_463 = tpu.vector_load %arg9[%swap3A_461, %swap3A_462] {strides = array<i32>} : memref<320x128xf32, #tpu.memory_space<vmem>>, vector<16xf32>,
          tpu.vector_store %arg9[%swap3A_461, %swap3A_462], %mul3A_460 {strides = array<i32>} : memref<320x128xf32, #tpu.memory_space<vmem>>, vector<16xf32>,
          %broadcast_in_dim3A_464 = arith.constant 5 : i32
          %broadcast_in_dim3A_465 = vector.broadcast %broadcast_in_dim3A_464 : i32 to vector<16x1xi32>
          %gather3A_466 = vector.shape_cast %broadcast_in_dim3A_465 : vector<16x1xi32> to vector<16xi32>
          %gather3A_467 = tpu.dynamic_gather %select_n3A_425[%gather3A_466] in [0] : vector<16xf32>, vector<16xi32> -> vector<16xf32>
          %mul3A_468 = arith.mulf %while3A_383#6, %gather3A_467 : vector<16xf32>
          %swap3A_469 = arith.index_cast %while3A_291 : i32 to index
          %swap3A_470 = arith.constant 80 : index
          %swap3A_471 = tpu.vector_load %arg9[%swap3A_469, %swap3A_470] {strides = array<i32>} : memref<320x128xf32, #tpu.memory_space<vmem>>, vector<16xf32>,
          tpu.vector_store %arg9[%swap3A_469, %swap3A_470], %mul3A_468 {strides = array<i32>} : memref<320x128xf32, #tpu.memory_space<vmem>>, vector<16xf32>,
          %broadcast_in_dim3A_472 = arith.constant 6 : i32
          %broadcast_in_dim3A_473 = vector.broadcast %broadcast_in_dim3A_472 : i32 to vector<16x1xi32>
          %gather3A_474 = vector.shape_cast %broadcast_in_dim3A_473 : vector<16x1xi32> to vector<16xi32>
          %gather3A_475 = tpu.dynamic_gather %select_n3A_425[%gather3A_474] in [0] : vector<16xf32>, vector<16xi32> -> vector<16xf32>
          %mul3A_476 = arith.mulf %while3A_383#7, %gather3A_475 : vector<16xf32>
          %swap3A_477 = arith.index_cast %while3A_291 : i32 to index
          %swap3A_478 = arith.constant 96 : index
          %swap3A_479 = tpu.vector_load %arg9[%swap3A_477, %swap3A_478] {strides = array<i32>} : memref<320x128xf32, #tpu.memory_space<vmem>>, vector<16xf32>,
          tpu.vector_store %arg9[%swap3A_477, %swap3A_478], %mul3A_476 {strides = array<i32>} : memref<320x128xf32, #tpu.memory_space<vmem>>, vector<16xf32>,
          %broadcast_in_dim3A_480 = arith.constant 7 : i32
          %broadcast_in_dim3A_481 = vector.broadcast %broadcast_in_dim3A_480 : i32 to vector<16x1xi32>
          %gather3A_482 = vector.shape_cast %broadcast_in_dim3A_481 : vector<16x1xi32> to vector<16xi32>
          %gather3A_483 = tpu.dynamic_gather %select_n3A_425[%gather3A_482] in [0] : vector<16xf32>, vector<16xi32> -> vector<16xf32>
          %mul3A_484 = arith.mulf %while3A_383#8, %gather3A_483 : vector<16xf32>
          %swap3A_485 = arith.index_cast %while3A_291 : i32 to index
          %swap3A_486 = arith.constant 112 : index
          %swap3A_487 = tpu.vector_load %arg9[%swap3A_485, %swap3A_486] {strides = array<i32>} : memref<320x128xf32, #tpu.memory_space<vmem>>, vector<16xf32>,
          tpu.vector_store %arg9[%swap3A_485, %swap3A_486], %mul3A_484 {strides = array<i32>} : memref<320x128xf32, #tpu.memory_space<vmem>>, vector<16xf32>,
        } else {
        }
        scf.yield %while3A_383#0, %while3A_383#1, %while3A_383#2, %while3A_383#3, %while3A_383#4, %while3A_383#5, %while3A_383#6, %while3A_383#7, %while3A_383#8 : vector<16xf32>, vector<16xf32>, vector<16xf32>, vector<16xf32>, vector<16xf32>, vector<16xf32>, vector<16xf32>, vector<16xf32>, vector<16xf32>
      }
      %while3A_215 = arith.constant 1 : i32
      %while3A_216:9 = scf.for %while3A_291 = %while3A_212 to %while3A_208 step %while3A_215 iter_args(%while3A_292 = %while3A_214#0, %while3A_293 = %while3A_214#1, %while3A_294 = %while3A_214#2, %while3A_295 = %while3A_214#3, %while3A_296 = %while3A_214#4, %while3A_297 = %while3A_214#5, %while3A_298 = %while3A_214#6, %while3A_299 = %while3A_214#7, %while3A_300 = %while3A_214#8) -> (vector<16xf32>, vector<16xf32>, vector<16xf32>, vector<16xf32>, vector<16xf32>, vector<16xf32>, vector<16xf32>, vector<16xf32>, vector<16xf32>)  : i32 {
        %get3A_301 = arith.index_cast %while3A_291 : i32 to index
        %get3A_302 = tpu.vector_load %arg7[%get3A_301] {strides = array<i32>} : memref<344xi32, #tpu.memory_space<vmem>>, vector<16xi32>,
        %slice3A_303 = vector.extract_strided_slice %get3A_302 {offsets = [0], sizes = [1], strides = [1]} : vector<16xi32> to vector<1xi32>
        %squeeze3A_304 = vector.extract %slice3A_303[0] : i32 from vector<1xi32>
        %add3A_305 = arith.constant 1 : i32
        %add3A_306 = arith.addi %while3A_291, %add3A_305 : i32
        %get3A_307 = arith.index_cast %add3A_306 : i32 to index
        %get3A_308 = tpu.vector_load %arg7[%get3A_307] {strides = array<i32>} : memref<344xi32, #tpu.memory_space<vmem>>, vector<16xi32>,
        %slice3A_309 = vector.extract_strided_slice %get3A_308 {offsets = [0], sizes = [1], strides = [1]} : vector<16xi32> to vector<1xi32>
        %squeeze3A_310 = vector.extract %slice3A_309[0] : i32 from vector<1xi32>
        %max3A = arith.maxsi %squeeze3A_304, %add3A_171 : i32
        %min3A_311 = arith.minsi %squeeze3A_310, %add3A_192 : i32
        %ge3A = arith.cmpi sge, %squeeze3A_304, %add3A_171 : i32
        %jit3A_312 = arith.constant 0.000000e+00 : f32
        %broadcast_in_dim3A_313 = vector.broadcast %jit3A_312 : f32 to vector<16xf32>
        %select_n3A_314 = arith.select %ge3A, %broadcast_in_dim3A_313, %while3A_292 : vector<16xf32>
        %jit3A_315 = arith.constant 0.000000e+00 : f32
        %broadcast_in_dim3A_316 = vector.broadcast %jit3A_315 : f32 to vector<16xf32>
        %select_n3A_317 = arith.select %ge3A, %broadcast_in_dim3A_316, %while3A_293 : vector<16xf32>
        %jit3A_318 = arith.constant 0.000000e+00 : f32
        %broadcast_in_dim3A_319 = vector.broadcast %jit3A_318 : f32 to vector<16xf32>
        %select_n3A_320 = arith.select %ge3A, %broadcast_in_dim3A_319, %while3A_294 : vector<16xf32>
        %jit3A_321 = arith.constant 0.000000e+00 : f32
        %broadcast_in_dim3A_322 = vector.broadcast %jit3A_321 : f32 to vector<16xf32>
        %select_n3A_323 = arith.select %ge3A, %broadcast_in_dim3A_322, %while3A_295 : vector<16xf32>
        %jit3A_324 = arith.constant 0.000000e+00 : f32
        %broadcast_in_dim3A_325 = vector.broadcast %jit3A_324 : f32 to vector<16xf32>
        %select_n3A_326 = arith.select %ge3A, %broadcast_in_dim3A_325, %while3A_296 : vector<16xf32>
        %jit3A_327 = arith.constant 0.000000e+00 : f32
        %broadcast_in_dim3A_328 = vector.broadcast %jit3A_327 : f32 to vector<16xf32>
        %select_n3A_329 = arith.select %ge3A, %broadcast_in_dim3A_328, %while3A_297 : vector<16xf32>
        %jit3A_330 = arith.constant 0.000000e+00 : f32
        %broadcast_in_dim3A_331 = vector.broadcast %jit3A_330 : f32 to vector<16xf32>
        %select_n3A_332 = arith.select %ge3A, %broadcast_in_dim3A_331, %while3A_298 : vector<16xf32>
        %jit3A_333 = arith.constant 0.000000e+00 : f32
        %broadcast_in_dim3A_334 = vector.broadcast %jit3A_333 : f32 to vector<16xf32>
        %select_n3A_335 = arith.select %ge3A, %broadcast_in_dim3A_334, %while3A_299 : vector<16xf32>
        %jit3A_336 = arith.constant 0.000000e+00 : f32
        %broadcast_in_dim3A_337 = vector.broadcast %jit3A_336 : f32 to vector<16xf32>
        %select_n3A_338 = arith.select %ge3A, %broadcast_in_dim3A_337, %while3A_300 : vector<16xf32>
        %mul3A_339 = arith.constant 16 : i32
        %mul3A_340 = arith.muli %while3A_291, %mul3A_339 : i32
        %get3A_341 = arith.index_cast %mul3A_340 : i32 to index
        %get3A_342 = tpu.vector_load %arg8[%get3A_341] {strides = array<i32>} : memref<5120xf32, #tpu.memory_space<vmem>>, vector<16xf32>,
        %sub3A_343 = arith.subi %squeeze3A_310, %squeeze3A_304 : i32
        %max3A_344 = arith.constant 1 : i32
        %max3A_345 = arith.maxsi %sub3A_343, %max3A_344 : i32
        %convert_element_type3A_346 = arith.sitofp %max3A_345 : i32 to f32
        %bitcast_convert_type3A = arith.bitcast %convert_element_type3A_346 : f32 to i32
        %shift_right_logical3A = arith.constant 1 : i32
        %shift_right_logical3A_347 = arith.shrui %bitcast_convert_type3A, %shift_right_logical3A : i32
        %sub3A_348 = arith.constant 1597463007 : i32
        %sub3A_349 = arith.subi %sub3A_348, %shift_right_logical3A_347 : i32
        %bitcast_convert_type3A_350 = arith.bitcast %sub3A_349 : i32 to f32
        %mul3A_351 = arith.constant 5.000000e-01 : f32
        %mul3A_352 = arith.mulf %mul3A_351, %convert_element_type3A_346 : f32
        %mul3A_353 = arith.mulf %mul3A_352, %bitcast_convert_type3A_350 : f32
        %mul3A_354 = arith.mulf %mul3A_353, %bitcast_convert_type3A_350 : f32
        %sub3A_355 = arith.constant 1.500000e+00 : f32
        %sub3A_356 = arith.subf %sub3A_355, %mul3A_354 : f32
        %mul3A_357 = arith.mulf %bitcast_convert_type3A_350, %sub3A_356 : f32
        %mul3A_358 = arith.constant 5.000000e-01 : f32
        %mul3A_359 = arith.mulf %mul3A_358, %convert_element_type3A_346 : f32
        %mul3A_360 = arith.mulf %mul3A_359, %mul3A_357 : f32
        %mul3A_361 = arith.mulf %mul3A_360, %mul3A_357 : f32
        %sub3A_362 = arith.constant 1.500000e+00 : f32
        %sub3A_363 = arith.subf %sub3A_362, %mul3A_361 : f32
        %mul3A_364 = arith.mulf %mul3A_357, %sub3A_363 : f32
        %mul3A_365 = arith.constant 5.000000e-01 : f32
        %mul3A_366 = arith.mulf %mul3A_365, %convert_element_type3A_346 : f32
        %mul3A_367 = arith.mulf %mul3A_366, %mul3A_364 : f32
        %mul3A_368 = arith.mulf %mul3A_367, %mul3A_364 : f32
        %sub3A_369 = arith.constant 1.500000e+00 : f32
        %sub3A_370 = arith.subf %sub3A_369, %mul3A_368 : f32
        %mul3A_371 = arith.mulf %mul3A_364, %sub3A_370 : f32
        %sub3A_372 = arith.subi %max3A, %add3A_171 : i32
        %sub3A_373 = arith.subi %min3A_311, %add3A_171 : i32
        %while3A_374 = arith.subi %sub3A_373, %sub3A_372 : i32
        %while3A_375 = arith.addi %sub3A_372, %while3A_374 : i32
        %while3A_376 = arith.constant 1 : i32
        %while3A_377 = arith.divsi %while3A_374, %while3A_376 : i32
        %while3A_378 = arith.muli %while3A_377, %while3A_376 : i32
        %while3A_379 = arith.addi %sub3A_372, %while3A_378 : i32
        %while3A_380 = arith.constant 1 : i32
        %while3A_381:9 = scf.for %while3A_388 = %sub3A_372 to %while3A_379 step %while3A_380 iter_args(%while3A_389 = %select_n3A_314, %while3A_390 = %select_n3A_317, %while3A_391 = %select_n3A_320, %while3A_392 = %select_n3A_323, %while3A_393 = %select_n3A_326, %while3A_394 = %select_n3A_329, %while3A_395 = %select_n3A_332, %while3A_396 = %select_n3A_335, %while3A_397 = %select_n3A_338) -> (vector<16xf32>, vector<16xf32>, vector<16xf32>, vector<16xf32>, vector<16xf32>, vector<16xf32>, vector<16xf32>, vector<16xf32>, vector<16xf32>)  : i32 {
          %add3A_398 = arith.addi %while3A_388, %sub3A_174 : i32
          %mul3A_399 = arith.constant 8 : i32
          %mul3A_400 = arith.muli %add3A_398, %mul3A_399 : i32
          %get3A_401 = arith.index_cast %mul3A_400 : i32 to index
          %get3A_402 = tpu.vector_load %arg13[%get3A_401] {strides = array<i32>} : memref<2064xf32, #tpu.memory_space<vmem>>, vector<16xf32>,
          %sub3A_403 = arith.subf %get3A_402, %get3A_342 : vector<16xf32>
          %mul3A_404 = vector.broadcast %mul3A_371 : f32 to vector<16xf32>
          %mul3A_405 = arith.mulf %sub3A_403, %mul3A_404 : vector<16xf32>
          %exp3A = math.exp %mul3A_405 : vector<16xf32>
          %jit3A_406 = arith.constant 0.000000e+00 : f32
          %broadcast_in_dim3A_407 = vector.broadcast %jit3A_406 : f32 to vector<16xf32>
          %select_n3A_408 = arith.select %lt3A_27, %exp3A, %broadcast_in_dim3A_407 : vector<16xi1>, vector<16xf32>
          %add3A_409 = arith.addf %while3A_389, %select_n3A_408 : vector<16xf32>
          %broadcast_in_dim3A_410 = arith.constant 0 : i32
          %broadcast_in_dim3A_411 = vector.broadcast %broadcast_in_dim3A_410 : i32 to vector<16x1xi32>
          %gather3A = vector.shape_cast %broadcast_in_dim3A_411 : vector<16x1xi32> to vector<16xi32>
          %gather3A_412 = tpu.dynamic_gather %exp3A[%gather3A] in [0] : vector<16xf32>, vector<16xi32> -> vector<16xf32>
          %get3A_413 = arith.index_cast %add3A_398 : i32 to index
          %get3A_414 = arith.constant 0 : index
          %get3A_415 = tpu.vector_load %arg14[%get3A_413, %get3A_414] {strides = array<i32>} : memref<256x128xf32, #tpu.memory_space<vmem>>, vector<16xf32>,
          %mul3A_416 = arith.mulf %gather3A_412, %get3A_415 : vector<16xf32>
          %add3A_417 = arith.addf %while3A_390, %mul3A_416 : vector<16xf32>
          %broadcast_in_dim3A_418 = arith.constant 1 : i32
          %broadcast_in_dim3A_419 = vector.broadcast %broadcast_in_dim3A_418 : i32 to vector<16x1xi32>
          %gather3A_420 = vector.shape_cast %broadcast_in_dim3A_419 : vector<16x1xi32> to vector<16xi32>
          %gather3A_421 = tpu.dynamic_gather %exp3A[%gather3A_420] in [0] : vector<16xf32>, vector<16xi32> -> vector<16xf32>
          %get3A_422 = arith.index_cast %add3A_398 : i32 to index
          %get3A_423 = arith.constant 16 : index
          %get3A_424 = tpu.vector_load %arg14[%get3A_422, %get3A_423] {strides = array<i32>} : memref<256x128xf32, #tpu.memory_space<vmem>>, vector<16xf32>,
          %mul3A_425 = arith.mulf %gather3A_421, %get3A_424 : vector<16xf32>
          %add3A_426 = arith.addf %while3A_391, %mul3A_425 : vector<16xf32>
          %broadcast_in_dim3A_427 = arith.constant 2 : i32
          %broadcast_in_dim3A_428 = vector.broadcast %broadcast_in_dim3A_427 : i32 to vector<16x1xi32>
          %gather3A_429 = vector.shape_cast %broadcast_in_dim3A_428 : vector<16x1xi32> to vector<16xi32>
          %gather3A_430 = tpu.dynamic_gather %exp3A[%gather3A_429] in [0] : vector<16xf32>, vector<16xi32> -> vector<16xf32>
          %get3A_431 = arith.index_cast %add3A_398 : i32 to index
          %get3A_432 = arith.constant 32 : index
          %get3A_433 = tpu.vector_load %arg14[%get3A_431, %get3A_432] {strides = array<i32>} : memref<256x128xf32, #tpu.memory_space<vmem>>, vector<16xf32>,
          %mul3A_434 = arith.mulf %gather3A_430, %get3A_433 : vector<16xf32>
          %add3A_435 = arith.addf %while3A_392, %mul3A_434 : vector<16xf32>
          %broadcast_in_dim3A_436 = arith.constant 3 : i32
          %broadcast_in_dim3A_437 = vector.broadcast %broadcast_in_dim3A_436 : i32 to vector<16x1xi32>
          %gather3A_438 = vector.shape_cast %broadcast_in_dim3A_437 : vector<16x1xi32> to vector<16xi32>
          %gather3A_439 = tpu.dynamic_gather %exp3A[%gather3A_438] in [0] : vector<16xf32>, vector<16xi32> -> vector<16xf32>
          %get3A_440 = arith.index_cast %add3A_398 : i32 to index
          %get3A_441 = arith.constant 48 : index
          %get3A_442 = tpu.vector_load %arg14[%get3A_440, %get3A_441] {strides = array<i32>} : memref<256x128xf32, #tpu.memory_space<vmem>>, vector<16xf32>,
          %mul3A_443 = arith.mulf %gather3A_439, %get3A_442 : vector<16xf32>
          %add3A_444 = arith.addf %while3A_393, %mul3A_443 : vector<16xf32>
          %broadcast_in_dim3A_445 = arith.constant 4 : i32
          %broadcast_in_dim3A_446 = vector.broadcast %broadcast_in_dim3A_445 : i32 to vector<16x1xi32>
          %gather3A_447 = vector.shape_cast %broadcast_in_dim3A_446 : vector<16x1xi32> to vector<16xi32>
          %gather3A_448 = tpu.dynamic_gather %exp3A[%gather3A_447] in [0] : vector<16xf32>, vector<16xi32> -> vector<16xf32>
          %get3A_449 = arith.index_cast %add3A_398 : i32 to index
          %get3A_450 = arith.constant 64 : index
          %get3A_451 = tpu.vector_load %arg14[%get3A_449, %get3A_450] {strides = array<i32>} : memref<256x128xf32, #tpu.memory_space<vmem>>, vector<16xf32>,
          %mul3A_452 = arith.mulf %gather3A_448, %get3A_451 : vector<16xf32>
          %add3A_453 = arith.addf %while3A_394, %mul3A_452 : vector<16xf32>
          %broadcast_in_dim3A_454 = arith.constant 5 : i32
          %broadcast_in_dim3A_455 = vector.broadcast %broadcast_in_dim3A_454 : i32 to vector<16x1xi32>
          %gather3A_456 = vector.shape_cast %broadcast_in_dim3A_455 : vector<16x1xi32> to vector<16xi32>
          %gather3A_457 = tpu.dynamic_gather %exp3A[%gather3A_456] in [0] : vector<16xf32>, vector<16xi32> -> vector<16xf32>
          %get3A_458 = arith.index_cast %add3A_398 : i32 to index
          %get3A_459 = arith.constant 80 : index
          %get3A_460 = tpu.vector_load %arg14[%get3A_458, %get3A_459] {strides = array<i32>} : memref<256x128xf32, #tpu.memory_space<vmem>>, vector<16xf32>,
          %mul3A_461 = arith.mulf %gather3A_457, %get3A_460 : vector<16xf32>
          %add3A_462 = arith.addf %while3A_395, %mul3A_461 : vector<16xf32>
          %broadcast_in_dim3A_463 = arith.constant 6 : i32
          %broadcast_in_dim3A_464 = vector.broadcast %broadcast_in_dim3A_463 : i32 to vector<16x1xi32>
          %gather3A_465 = vector.shape_cast %broadcast_in_dim3A_464 : vector<16x1xi32> to vector<16xi32>
          %gather3A_466 = tpu.dynamic_gather %exp3A[%gather3A_465] in [0] : vector<16xf32>, vector<16xi32> -> vector<16xf32>
          %get3A_467 = arith.index_cast %add3A_398 : i32 to index
          %get3A_468 = arith.constant 96 : index
          %get3A_469 = tpu.vector_load %arg14[%get3A_467, %get3A_468] {strides = array<i32>} : memref<256x128xf32, #tpu.memory_space<vmem>>, vector<16xf32>,
          %mul3A_470 = arith.mulf %gather3A_466, %get3A_469 : vector<16xf32>
          %add3A_471 = arith.addf %while3A_396, %mul3A_470 : vector<16xf32>
          %broadcast_in_dim3A_472 = arith.constant 7 : i32
          %broadcast_in_dim3A_473 = vector.broadcast %broadcast_in_dim3A_472 : i32 to vector<16x1xi32>
          %gather3A_474 = vector.shape_cast %broadcast_in_dim3A_473 : vector<16x1xi32> to vector<16xi32>
          %gather3A_475 = tpu.dynamic_gather %exp3A[%gather3A_474] in [0] : vector<16xf32>, vector<16xi32> -> vector<16xf32>
          %get3A_476 = arith.index_cast %add3A_398 : i32 to index
          %get3A_477 = arith.constant 112 : index
          %get3A_478 = tpu.vector_load %arg14[%get3A_476, %get3A_477] {strides = array<i32>} : memref<256x128xf32, #tpu.memory_space<vmem>>, vector<16xf32>,
          %mul3A_479 = arith.mulf %gather3A_475, %get3A_478 : vector<16xf32>
          %add3A_480 = arith.addf %while3A_397, %mul3A_479 : vector<16xf32>
          scf.yield %add3A_409, %add3A_417, %add3A_426, %add3A_435, %add3A_444, %add3A_453, %add3A_462, %add3A_471, %add3A_480 : vector<16xf32>, vector<16xf32>, vector<16xf32>, vector<16xf32>, vector<16xf32>, vector<16xf32>, vector<16xf32>, vector<16xf32>, vector<16xf32>
        }
        %while3A_382 = arith.constant 1 : i32
        %while3A_383:9 = scf.for %while3A_388 = %while3A_379 to %while3A_375 step %while3A_382 iter_args(%while3A_389 = %while3A_381#0, %while3A_390 = %while3A_381#1, %while3A_391 = %while3A_381#2, %while3A_392 = %while3A_381#3, %while3A_393 = %while3A_381#4, %while3A_394 = %while3A_381#5, %while3A_395 = %while3A_381#6, %while3A_396 = %while3A_381#7, %while3A_397 = %while3A_381#8) -> (vector<16xf32>, vector<16xf32>, vector<16xf32>, vector<16xf32>, vector<16xf32>, vector<16xf32>, vector<16xf32>, vector<16xf32>, vector<16xf32>)  : i32 {
          %add3A_398 = arith.addi %while3A_388, %sub3A_174 : i32
          %mul3A_399 = arith.constant 8 : i32
          %mul3A_400 = arith.muli %add3A_398, %mul3A_399 : i32
          %get3A_401 = arith.index_cast %mul3A_400 : i32 to index
          %get3A_402 = tpu.vector_load %arg13[%get3A_401] {strides = array<i32>} : memref<2064xf32, #tpu.memory_space<vmem>>, vector<16xf32>,
          %sub3A_403 = arith.subf %get3A_402, %get3A_342 : vector<16xf32>
          %mul3A_404 = vector.broadcast %mul3A_371 : f32 to vector<16xf32>
          %mul3A_405 = arith.mulf %sub3A_403, %mul3A_404 : vector<16xf32>
          %exp3A = math.exp %mul3A_405 : vector<16xf32>
          %jit3A_406 = arith.constant 0.000000e+00 : f32
          %broadcast_in_dim3A_407 = vector.broadcast %jit3A_406 : f32 to vector<16xf32>
          %select_n3A_408 = arith.select %lt3A_27, %exp3A, %broadcast_in_dim3A_407 : vector<16xi1>, vector<16xf32>
          %add3A_409 = arith.addf %while3A_389, %select_n3A_408 : vector<16xf32>
          %broadcast_in_dim3A_410 = arith.constant 0 : i32
          %broadcast_in_dim3A_411 = vector.broadcast %broadcast_in_dim3A_410 : i32 to vector<16x1xi32>
          %gather3A = vector.shape_cast %broadcast_in_dim3A_411 : vector<16x1xi32> to vector<16xi32>
          %gather3A_412 = tpu.dynamic_gather %exp3A[%gather3A] in [0] : vector<16xf32>, vector<16xi32> -> vector<16xf32>
          %get3A_413 = arith.index_cast %add3A_398 : i32 to index
          %get3A_414 = arith.constant 0 : index
          %get3A_415 = tpu.vector_load %arg14[%get3A_413, %get3A_414] {strides = array<i32>} : memref<256x128xf32, #tpu.memory_space<vmem>>, vector<16xf32>,
          %mul3A_416 = arith.mulf %gather3A_412, %get3A_415 : vector<16xf32>
          %add3A_417 = arith.addf %while3A_390, %mul3A_416 : vector<16xf32>
          %broadcast_in_dim3A_418 = arith.constant 1 : i32
          %broadcast_in_dim3A_419 = vector.broadcast %broadcast_in_dim3A_418 : i32 to vector<16x1xi32>
          %gather3A_420 = vector.shape_cast %broadcast_in_dim3A_419 : vector<16x1xi32> to vector<16xi32>
          %gather3A_421 = tpu.dynamic_gather %exp3A[%gather3A_420] in [0] : vector<16xf32>, vector<16xi32> -> vector<16xf32>
          %get3A_422 = arith.index_cast %add3A_398 : i32 to index
          %get3A_423 = arith.constant 16 : index
          %get3A_424 = tpu.vector_load %arg14[%get3A_422, %get3A_423] {strides = array<i32>} : memref<256x128xf32, #tpu.memory_space<vmem>>, vector<16xf32>,
          %mul3A_425 = arith.mulf %gather3A_421, %get3A_424 : vector<16xf32>
          %add3A_426 = arith.addf %while3A_391, %mul3A_425 : vector<16xf32>
          %broadcast_in_dim3A_427 = arith.constant 2 : i32
          %broadcast_in_dim3A_428 = vector.broadcast %broadcast_in_dim3A_427 : i32 to vector<16x1xi32>
          %gather3A_429 = vector.shape_cast %broadcast_in_dim3A_428 : vector<16x1xi32> to vector<16xi32>
          %gather3A_430 = tpu.dynamic_gather %exp3A[%gather3A_429] in [0] : vector<16xf32>, vector<16xi32> -> vector<16xf32>
          %get3A_431 = arith.index_cast %add3A_398 : i32 to index
          %get3A_432 = arith.constant 32 : index
          %get3A_433 = tpu.vector_load %arg14[%get3A_431, %get3A_432] {strides = array<i32>} : memref<256x128xf32, #tpu.memory_space<vmem>>, vector<16xf32>,
          %mul3A_434 = arith.mulf %gather3A_430, %get3A_433 : vector<16xf32>
          %add3A_435 = arith.addf %while3A_392, %mul3A_434 : vector<16xf32>
          %broadcast_in_dim3A_436 = arith.constant 3 : i32
          %broadcast_in_dim3A_437 = vector.broadcast %broadcast_in_dim3A_436 : i32 to vector<16x1xi32>
          %gather3A_438 = vector.shape_cast %broadcast_in_dim3A_437 : vector<16x1xi32> to vector<16xi32>
          %gather3A_439 = tpu.dynamic_gather %exp3A[%gather3A_438] in [0] : vector<16xf32>, vector<16xi32> -> vector<16xf32>
          %get3A_440 = arith.index_cast %add3A_398 : i32 to index
          %get3A_441 = arith.constant 48 : index
          %get3A_442 = tpu.vector_load %arg14[%get3A_440, %get3A_441] {strides = array<i32>} : memref<256x128xf32, #tpu.memory_space<vmem>>, vector<16xf32>,
          %mul3A_443 = arith.mulf %gather3A_439, %get3A_442 : vector<16xf32>
          %add3A_444 = arith.addf %while3A_393, %mul3A_443 : vector<16xf32>
          %broadcast_in_dim3A_445 = arith.constant 4 : i32
          %broadcast_in_dim3A_446 = vector.broadcast %broadcast_in_dim3A_445 : i32 to vector<16x1xi32>
          %gather3A_447 = vector.shape_cast %broadcast_in_dim3A_446 : vector<16x1xi32> to vector<16xi32>
          %gather3A_448 = tpu.dynamic_gather %exp3A[%gather3A_447] in [0] : vector<16xf32>, vector<16xi32> -> vector<16xf32>
          %get3A_449 = arith.index_cast %add3A_398 : i32 to index
          %get3A_450 = arith.constant 64 : index
          %get3A_451 = tpu.vector_load %arg14[%get3A_449, %get3A_450] {strides = array<i32>} : memref<256x128xf32, #tpu.memory_space<vmem>>, vector<16xf32>,
          %mul3A_452 = arith.mulf %gather3A_448, %get3A_451 : vector<16xf32>
          %add3A_453 = arith.addf %while3A_394, %mul3A_452 : vector<16xf32>
          %broadcast_in_dim3A_454 = arith.constant 5 : i32
          %broadcast_in_dim3A_455 = vector.broadcast %broadcast_in_dim3A_454 : i32 to vector<16x1xi32>
          %gather3A_456 = vector.shape_cast %broadcast_in_dim3A_455 : vector<16x1xi32> to vector<16xi32>
          %gather3A_457 = tpu.dynamic_gather %exp3A[%gather3A_456] in [0] : vector<16xf32>, vector<16xi32> -> vector<16xf32>
          %get3A_458 = arith.index_cast %add3A_398 : i32 to index
          %get3A_459 = arith.constant 80 : index
          %get3A_460 = tpu.vector_load %arg14[%get3A_458, %get3A_459] {strides = array<i32>} : memref<256x128xf32, #tpu.memory_space<vmem>>, vector<16xf32>,
          %mul3A_461 = arith.mulf %gather3A_457, %get3A_460 : vector<16xf32>
          %add3A_462 = arith.addf %while3A_395, %mul3A_461 : vector<16xf32>
          %broadcast_in_dim3A_463 = arith.constant 6 : i32
          %broadcast_in_dim3A_464 = vector.broadcast %broadcast_in_dim3A_463 : i32 to vector<16x1xi32>
          %gather3A_465 = vector.shape_cast %broadcast_in_dim3A_464 : vector<16x1xi32> to vector<16xi32>
          %gather3A_466 = tpu.dynamic_gather %exp3A[%gather3A_465] in [0] : vector<16xf32>, vector<16xi32> -> vector<16xf32>
          %get3A_467 = arith.index_cast %add3A_398 : i32 to index
          %get3A_468 = arith.constant 96 : index
          %get3A_469 = tpu.vector_load %arg14[%get3A_467, %get3A_468] {strides = array<i32>} : memref<256x128xf32, #tpu.memory_space<vmem>>, vector<16xf32>,
          %mul3A_470 = arith.mulf %gather3A_466, %get3A_469 : vector<16xf32>
          %add3A_471 = arith.addf %while3A_396, %mul3A_470 : vector<16xf32>
          %broadcast_in_dim3A_472 = arith.constant 7 : i32
          %broadcast_in_dim3A_473 = vector.broadcast %broadcast_in_dim3A_472 : i32 to vector<16x1xi32>
          %gather3A_474 = vector.shape_cast %broadcast_in_dim3A_473 : vector<16x1xi32> to vector<16xi32>
          %gather3A_475 = tpu.dynamic_gather %exp3A[%gather3A_474] in [0] : vector<16xf32>, vector<16xi32> -> vector<16xf32>
          %get3A_476 = arith.index_cast %add3A_398 : i32 to index
          %get3A_477 = arith.constant 112 : index
          %get3A_478 = tpu.vector_load %arg14[%get3A_476, %get3A_477] {strides = array<i32>} : memref<256x128xf32, #tpu.memory_space<vmem>>, vector<16xf32>,
          %mul3A_479 = arith.mulf %gather3A_475, %get3A_478 : vector<16xf32>
          %add3A_480 = arith.addf %while3A_397, %mul3A_479 : vector<16xf32>
          scf.yield %add3A_409, %add3A_417, %add3A_426, %add3A_435, %add3A_444, %add3A_453, %add3A_462, %add3A_471, %add3A_480 : vector<16xf32>, vector<16xf32>, vector<16xf32>, vector<16xf32>, vector<16xf32>, vector<16xf32>, vector<16xf32>, vector<16xf32>, vector<16xf32>
        }
        %le3A_384 = arith.cmpi sle, %squeeze3A_310, %add3A_192 : i32
        %convert_element_type3A_385 = arith.extui %le3A_384 : i1 to i32
        %cond3A_386 = arith.constant 0 : i32
        %cond3A_387 = arith.cmpi ne, %convert_element_type3A_385, %cond3A_386 : i32
        scf.if %cond3A_387 {
          %add3A_388 = arith.constant 1 : i32
          %add3A_389 = arith.addi %while3A_291, %add3A_388 : i32
          %get3A_390 = arith.index_cast %add3A_389 : i32 to index
          %get3A_391 = tpu.vector_load %arg7[%get3A_390] {strides = array<i32>} : memref<344xi32, #tpu.memory_space<vmem>>, vector<16xi32>,
          %slice3A_392 = vector.extract_strided_slice %get3A_391 {offsets = [0], sizes = [1], strides = [1]} : vector<16xi32> to vector<1xi32>
          %squeeze3A_393 = vector.extract %slice3A_392[0] : i32 from vector<1xi32>
          %get3A_394 = arith.index_cast %while3A_291 : i32 to index
          %get3A_395 = tpu.vector_load %arg7[%get3A_394] {strides = array<i32>} : memref<344xi32, #tpu.memory_space<vmem>>, vector<16xi32>,
          %slice3A_396 = vector.extract_strided_slice %get3A_395 {offsets = [0], sizes = [1], strides = [1]} : vector<16xi32> to vector<1xi32>
          %squeeze3A_397 = vector.extract %slice3A_396[0] : i32 from vector<1xi32>
          %sub3A_398 = arith.subi %squeeze3A_393, %squeeze3A_397 : i32
          %jit3A_399 = arith.constant 0.000000e+00 : f32
          %broadcast_in_dim3A_400 = vector.broadcast %jit3A_399 : f32 to vector<16xf32>
          %select_n3A_401 = arith.select %lt3A_27, %get3A_342, %broadcast_in_dim3A_400 : vector<16xi1>, vector<16xf32>
          %mul3A_402 = arith.mulf %select_n3A_401, %get3A_71 : vector<16xf32>
          %add3A_403 = arith.addf %mul3A_402, %get3A_73 : vector<16xf32>
          %max3A_404 = arith.constant 0.000000e+00 : f32
          %max3A_405 = vector.broadcast %max3A_404 : f32 to vector<16xf32>
          %max3A_406 = arith.maximumf %add3A_403, %max3A_405 : vector<16xf32>
          %add3A_407 = arith.addf %max3A_406, %max3A_406 : vector<16xf32>
          %exp3A = math.exp %add3A_407 : vector<16xf32>
          %add3A_408 = arith.constant 1.000000e+00 : f32
          %add3A_409 = vector.broadcast %add3A_408 : f32 to vector<16xf32>
          %add3A_410 = arith.addf %exp3A, %add3A_409 : vector<16xf32>
          %div3A_411 = arith.constant 2.000000e+00 : f32
          %div3A_412 = vector.broadcast %div3A_411 : f32 to vector<16xf32>
          %div3A_413 = arith.divf %div3A_412, %add3A_410 : vector<16xf32>
          %sub3A_414 = arith.constant 1.000000e+00 : f32
          %sub3A_415 = vector.broadcast %sub3A_414 : f32 to vector<16xf32>
          %sub3A_416 = arith.subf %sub3A_415, %div3A_413 : vector<16xf32>
          %add3A_417 = arith.constant 9.99999996E-13 : f32
          %add3A_418 = vector.broadcast %add3A_417 : f32 to vector<16xf32>
          %add3A_419 = arith.addf %while3A_383#0, %add3A_418 : vector<16xf32>
          %div3A_420 = arith.divf %sub3A_416, %add3A_419 : vector<16xf32>
          %gt3A_421 = arith.constant 0 : i32
          %gt3A_422 = arith.cmpi sgt, %sub3A_398, %gt3A_421 : i32
          %jit3A_423 = arith.constant 0.000000e+00 : f32
          %broadcast_in_dim3A_424 = vector.broadcast %jit3A_423 : f32 to vector<16xf32>
          %select_n3A_425 = arith.select %gt3A_422, %div3A_420, %broadcast_in_dim3A_424 : vector<16xf32>
          %broadcast_in_dim3A_426 = arith.constant 0 : i32
          %broadcast_in_dim3A_427 = vector.broadcast %broadcast_in_dim3A_426 : i32 to vector<16x1xi32>
          %gather3A = vector.shape_cast %broadcast_in_dim3A_427 : vector<16x1xi32> to vector<16xi32>
          %gather3A_428 = tpu.dynamic_gather %select_n3A_425[%gather3A] in [0] : vector<16xf32>, vector<16xi32> -> vector<16xf32>
          %mul3A_429 = arith.mulf %while3A_383#1, %gather3A_428 : vector<16xf32>
          %swap3A = arith.index_cast %while3A_291 : i32 to index
          %swap3A_430 = arith.constant 0 : index
          %swap3A_431 = tpu.vector_load %arg9[%swap3A, %swap3A_430] {strides = array<i32>} : memref<320x128xf32, #tpu.memory_space<vmem>>, vector<16xf32>,
          tpu.vector_store %arg9[%swap3A, %swap3A_430], %mul3A_429 {strides = array<i32>} : memref<320x128xf32, #tpu.memory_space<vmem>>, vector<16xf32>,
          %broadcast_in_dim3A_432 = arith.constant 1 : i32
          %broadcast_in_dim3A_433 = vector.broadcast %broadcast_in_dim3A_432 : i32 to vector<16x1xi32>
          %gather3A_434 = vector.shape_cast %broadcast_in_dim3A_433 : vector<16x1xi32> to vector<16xi32>
          %gather3A_435 = tpu.dynamic_gather %select_n3A_425[%gather3A_434] in [0] : vector<16xf32>, vector<16xi32> -> vector<16xf32>
          %mul3A_436 = arith.mulf %while3A_383#2, %gather3A_435 : vector<16xf32>
          %swap3A_437 = arith.index_cast %while3A_291 : i32 to index
          %swap3A_438 = arith.constant 16 : index
          %swap3A_439 = tpu.vector_load %arg9[%swap3A_437, %swap3A_438] {strides = array<i32>} : memref<320x128xf32, #tpu.memory_space<vmem>>, vector<16xf32>,
          tpu.vector_store %arg9[%swap3A_437, %swap3A_438], %mul3A_436 {strides = array<i32>} : memref<320x128xf32, #tpu.memory_space<vmem>>, vector<16xf32>,
          %broadcast_in_dim3A_440 = arith.constant 2 : i32
          %broadcast_in_dim3A_441 = vector.broadcast %broadcast_in_dim3A_440 : i32 to vector<16x1xi32>
          %gather3A_442 = vector.shape_cast %broadcast_in_dim3A_441 : vector<16x1xi32> to vector<16xi32>
          %gather3A_443 = tpu.dynamic_gather %select_n3A_425[%gather3A_442] in [0] : vector<16xf32>, vector<16xi32> -> vector<16xf32>
          %mul3A_444 = arith.mulf %while3A_383#3, %gather3A_443 : vector<16xf32>
          %swap3A_445 = arith.index_cast %while3A_291 : i32 to index
          %swap3A_446 = arith.constant 32 : index
          %swap3A_447 = tpu.vector_load %arg9[%swap3A_445, %swap3A_446] {strides = array<i32>} : memref<320x128xf32, #tpu.memory_space<vmem>>, vector<16xf32>,
          tpu.vector_store %arg9[%swap3A_445, %swap3A_446], %mul3A_444 {strides = array<i32>} : memref<320x128xf32, #tpu.memory_space<vmem>>, vector<16xf32>,
          %broadcast_in_dim3A_448 = arith.constant 3 : i32
          %broadcast_in_dim3A_449 = vector.broadcast %broadcast_in_dim3A_448 : i32 to vector<16x1xi32>
          %gather3A_450 = vector.shape_cast %broadcast_in_dim3A_449 : vector<16x1xi32> to vector<16xi32>
          %gather3A_451 = tpu.dynamic_gather %select_n3A_425[%gather3A_450] in [0] : vector<16xf32>, vector<16xi32> -> vector<16xf32>
          %mul3A_452 = arith.mulf %while3A_383#4, %gather3A_451 : vector<16xf32>
          %swap3A_453 = arith.index_cast %while3A_291 : i32 to index
          %swap3A_454 = arith.constant 48 : index
          %swap3A_455 = tpu.vector_load %arg9[%swap3A_453, %swap3A_454] {strides = array<i32>} : memref<320x128xf32, #tpu.memory_space<vmem>>, vector<16xf32>,
          tpu.vector_store %arg9[%swap3A_453, %swap3A_454], %mul3A_452 {strides = array<i32>} : memref<320x128xf32, #tpu.memory_space<vmem>>, vector<16xf32>,
          %broadcast_in_dim3A_456 = arith.constant 4 : i32
          %broadcast_in_dim3A_457 = vector.broadcast %broadcast_in_dim3A_456 : i32 to vector<16x1xi32>
          %gather3A_458 = vector.shape_cast %broadcast_in_dim3A_457 : vector<16x1xi32> to vector<16xi32>
          %gather3A_459 = tpu.dynamic_gather %select_n3A_425[%gather3A_458] in [0] : vector<16xf32>, vector<16xi32> -> vector<16xf32>
          %mul3A_460 = arith.mulf %while3A_383#5, %gather3A_459 : vector<16xf32>
          %swap3A_461 = arith.index_cast %while3A_291 : i32 to index
          %swap3A_462 = arith.constant 64 : index
          %swap3A_463 = tpu.vector_load %arg9[%swap3A_461, %swap3A_462] {strides = array<i32>} : memref<320x128xf32, #tpu.memory_space<vmem>>, vector<16xf32>,
          tpu.vector_store %arg9[%swap3A_461, %swap3A_462], %mul3A_460 {strides = array<i32>} : memref<320x128xf32, #tpu.memory_space<vmem>>, vector<16xf32>,
          %broadcast_in_dim3A_464 = arith.constant 5 : i32
          %broadcast_in_dim3A_465 = vector.broadcast %broadcast_in_dim3A_464 : i32 to vector<16x1xi32>
          %gather3A_466 = vector.shape_cast %broadcast_in_dim3A_465 : vector<16x1xi32> to vector<16xi32>
          %gather3A_467 = tpu.dynamic_gather %select_n3A_425[%gather3A_466] in [0] : vector<16xf32>, vector<16xi32> -> vector<16xf32>
          %mul3A_468 = arith.mulf %while3A_383#6, %gather3A_467 : vector<16xf32>
          %swap3A_469 = arith.index_cast %while3A_291 : i32 to index
          %swap3A_470 = arith.constant 80 : index
          %swap3A_471 = tpu.vector_load %arg9[%swap3A_469, %swap3A_470] {strides = array<i32>} : memref<320x128xf32, #tpu.memory_space<vmem>>, vector<16xf32>,
          tpu.vector_store %arg9[%swap3A_469, %swap3A_470], %mul3A_468 {strides = array<i32>} : memref<320x128xf32, #tpu.memory_space<vmem>>, vector<16xf32>,
          %broadcast_in_dim3A_472 = arith.constant 6 : i32
          %broadcast_in_dim3A_473 = vector.broadcast %broadcast_in_dim3A_472 : i32 to vector<16x1xi32>
          %gather3A_474 = vector.shape_cast %broadcast_in_dim3A_473 : vector<16x1xi32> to vector<16xi32>
          %gather3A_475 = tpu.dynamic_gather %select_n3A_425[%gather3A_474] in [0] : vector<16xf32>, vector<16xi32> -> vector<16xf32>
          %mul3A_476 = arith.mulf %while3A_383#7, %gather3A_475 : vector<16xf32>
          %swap3A_477 = arith.index_cast %while3A_291 : i32 to index
          %swap3A_478 = arith.constant 96 : index
          %swap3A_479 = tpu.vector_load %arg9[%swap3A_477, %swap3A_478] {strides = array<i32>} : memref<320x128xf32, #tpu.memory_space<vmem>>, vector<16xf32>,
          tpu.vector_store %arg9[%swap3A_477, %swap3A_478], %mul3A_476 {strides = array<i32>} : memref<320x128xf32, #tpu.memory_space<vmem>>, vector<16xf32>,
          %broadcast_in_dim3A_480 = arith.constant 7 : i32
          %broadcast_in_dim3A_481 = vector.broadcast %broadcast_in_dim3A_480 : i32 to vector<16x1xi32>
          %gather3A_482 = vector.shape_cast %broadcast_in_dim3A_481 : vector<16x1xi32> to vector<16xi32>
          %gather3A_483 = tpu.dynamic_gather %select_n3A_425[%gather3A_482] in [0] : vector<16xf32>, vector<16xi32> -> vector<16xf32>
          %mul3A_484 = arith.mulf %while3A_383#8, %gather3A_483 : vector<16xf32>
          %swap3A_485 = arith.index_cast %while3A_291 : i32 to index
          %swap3A_486 = arith.constant 112 : index
          %swap3A_487 = tpu.vector_load %arg9[%swap3A_485, %swap3A_486] {strides = array<i32>} : memref<320x128xf32, #tpu.memory_space<vmem>>, vector<16xf32>,
          tpu.vector_store %arg9[%swap3A_485, %swap3A_486], %mul3A_484 {strides = array<i32>} : memref<320x128xf32, #tpu.memory_space<vmem>>, vector<16xf32>,
        } else {
        }
        scf.yield %while3A_383#0, %while3A_383#1, %while3A_383#2, %while3A_383#3, %while3A_383#4, %while3A_383#5, %while3A_383#6, %while3A_383#7, %while3A_383#8 : vector<16xf32>, vector<16xf32>, vector<16xf32>, vector<16xf32>, vector<16xf32>, vector<16xf32>, vector<16xf32>, vector<16xf32>, vector<16xf32>
      }
      %add3A_217 = arith.constant 1 : i32
      %add3A_218 = arith.addi %select_n3A_204, %add3A_217 : i32
      %get3A_219 = arith.index_cast %add3A_218 : i32 to index
      %get3A_220 = tpu.vector_load %arg7[%get3A_219] {strides = array<i32>} : memref<344xi32, #tpu.memory_space<vmem>>, vector<16xi32>,
      %slice3A_221 = vector.extract_strided_slice %get3A_220 {offsets = [0], sizes = [1], strides = [1]} : vector<16xi32> to vector<1xi32>
      %squeeze3A_222 = vector.extract %slice3A_221[0] : i32 from vector<1xi32>
      %le3A = arith.cmpi sle, %squeeze3A_222, %add3A_192 : i32
      %add3A_223 = arith.constant 1 : i32
      %add3A_224 = arith.addi %select_n3A_204, %add3A_223 : i32
      %select_n3A_225 = arith.select %le3A, %add3A_224, %select_n3A_204 : i32
      %mul3A_226 = arith.constant 2 : i32
      %mul3A_227 = arith.muli %while3A_153, %mul3A_226 : i32
      %add3A_228 = arith.constant 1 : i32
      %add3A_229 = arith.addi %mul3A_227, %add3A_228 : i32
      %lt3A_230 = arith.cmpi slt, %add3A_229, %select_n3A_100 : i32
      %mul3A_231 = arith.constant 256 : i32
      %mul3A_232 = arith.muli %add3A_229, %mul3A_231 : i32
      %add3A_233 = arith.addi %mul3A_25, %mul3A_232 : i32
      %min3A_234 = arith.constant 319744 : i32
      %min3A_235 = arith.minsi %add3A_233, %min3A_234 : i32
      %multiple_of3A_236 = tpu.assume_multiple %min3A_235, 128 : i32
      %sub3A_237 = arith.subi %add3A_233, %multiple_of3A_236 : i32
      %convert_element_type3A_238 = arith.extui %lt3A_230 : i1 to i32
      %cond3A_239 = arith.constant 0 : i32
      %cond3A_240 = arith.cmpi ne, %convert_element_type3A_238, %cond3A_239 : i32
      scf.if %cond3A_240 {
        %mul3A_291 = arith.constant 256 : i32
        %mul3A_292 = arith.muli %add3A_229, %mul3A_291 : i32
        %add3A_293 = arith.addi %mul3A_25, %mul3A_292 : i32
        %min3A_294 = arith.constant 319744 : i32
        %min3A_295 = arith.minsi %add3A_293, %min3A_294 : i32
        %multiple_of3A_296 = tpu.assume_multiple %min3A_295, 128 : i32
        %dma_wait3A = arith.constant 0 : i32
        %dma_wait3A_297 = tpu.memref_slice %arg3[%dma_wait3A, %multiple_of3A_296] : memref<8x320000xf32, #tpu.memory_space<hbm>> -> memref<8x256xf32, #tpu.memory_space<hbm>>
        %dma_wait3A_298 = arith.constant 0 : i32
        %dma_wait3A_299 = tpu.memref_slice %arg3[%dma_wait3A_298, %multiple_of3A_296] : memref<8x320000xf32, #tpu.memory_space<hbm>> -> memref<8x256xf32, #tpu.memory_space<hbm>>
        tpu.wait_dma2 semaphore(%arg18 : memref<!tpu.dma_semaphore, #tpu.memory_space<semaphore_mem>>) src(%dma_wait3A_299 : memref<8x256xf32, #tpu.memory_space<hbm>>) dst(%arg12 : memref<8x256xf32, #tpu.memory_space<vmem>>)
        %dma_wait3A_300 = arith.constant 0 : i32
        %dma_wait3A_301 = tpu.memref_slice %arg4[%multiple_of3A_296, %dma_wait3A_300] : memref<320000x128xf32, #tpu.memory_space<hbm>> -> memref<256x128xf32, #tpu.memory_space<hbm>>
        %dma_wait3A_302 = arith.constant 0 : i32
        %dma_wait3A_303 = tpu.memref_slice %arg4[%multiple_of3A_296, %dma_wait3A_302] : memref<320000x128xf32, #tpu.memory_space<hbm>> -> memref<256x128xf32, #tpu.memory_space<hbm>>
        tpu.wait_dma2 semaphore(%arg18 : memref<!tpu.dma_semaphore, #tpu.memory_space<semaphore_mem>>) src(%dma_wait3A_303 : memref<256x128xf32, #tpu.memory_space<hbm>>) dst(%arg15 : memref<256x128xf32, #tpu.memory_space<vmem>>)
      } else {
      }
      %add3A_241 = arith.constant 1 : i32
      %add3A_242 = arith.addi %add3A_229, %add3A_241 : i32
      %lt3A_243 = arith.cmpi slt, %add3A_242, %select_n3A_100 : i32
      %convert_element_type3A_244 = arith.extui %lt3A_243 : i1 to i32
      %cond3A_245 = arith.constant 0 : i32
      %cond3A_246 = arith.cmpi ne, %convert_element_type3A_244, %cond3A_245 : i32
      scf.if %cond3A_246 {
        %add3A_291 = arith.constant 1 : i32
        %add3A_292 = arith.addi %add3A_229, %add3A_291 : i32
        %mul3A_293 = arith.constant 256 : i32
        %mul3A_294 = arith.muli %add3A_292, %mul3A_293 : i32
        %add3A_295 = arith.addi %mul3A_25, %mul3A_294 : i32
        %min3A_296 = arith.constant 319744 : i32
        %min3A_297 = arith.minsi %add3A_295, %min3A_296 : i32
        %multiple_of3A_298 = tpu.assume_multiple %min3A_297, 128 : i32
        %dma_start3A = arith.constant 0 : i32
        %dma_start3A_299 = tpu.memref_slice %arg3[%dma_start3A, %multiple_of3A_298] : memref<8x320000xf32, #tpu.memory_space<hbm>> -> memref<8x256xf32, #tpu.memory_space<hbm>>
        %dma_start3A_300 = arith.constant 0 : i32
        %dma_start3A_301 = tpu.memref_slice %arg3[%dma_start3A_300, %multiple_of3A_298] : memref<8x320000xf32, #tpu.memory_space<hbm>> -> memref<8x256xf32, #tpu.memory_space<hbm>>
        tpu.enqueue_dma source(%dma_start3A_301 : memref<8x256xf32, #tpu.memory_space<hbm>>) target(%arg11 : memref<8x256xf32, #tpu.memory_space<vmem>>) target_semaphore(%arg17 : memref<!tpu.dma_semaphore, #tpu.memory_space<semaphore_mem>>)
        %dma_start3A_302 = arith.constant 0 : i32
        %dma_start3A_303 = tpu.memref_slice %arg4[%multiple_of3A_298, %dma_start3A_302] : memref<320000x128xf32, #tpu.memory_space<hbm>> -> memref<256x128xf32, #tpu.memory_space<hbm>>
        %dma_start3A_304 = arith.constant 0 : i32
        %dma_start3A_305 = tpu.memref_slice %arg4[%multiple_of3A_298, %dma_start3A_304] : memref<320000x128xf32, #tpu.memory_space<hbm>> -> memref<256x128xf32, #tpu.memory_space<hbm>>
        tpu.enqueue_dma source(%dma_start3A_305 : memref<256x128xf32, #tpu.memory_space<hbm>>) target(%arg14 : memref<256x128xf32, #tpu.memory_space<vmem>>) target_semaphore(%arg17 : memref<!tpu.dma_semaphore, #tpu.memory_space<semaphore_mem>>)
      } else {
      }
      %convert_element_type3A_247 = arith.extui %lt3A_230 : i1 to i32
      %cond3A_248 = arith.constant 0 : i32
      %cond3A_249 = arith.cmpi ne, %convert_element_type3A_247, %cond3A_248 : i32
      scf.if %cond3A_249 {
        %scan3A_291 = arith.constant 0 : i32
        %scan3A_292 = arith.constant 0 : i32
        %scan3A_293 = arith.constant 16 : i32
        %scan3A_294 = arith.addi %scan3A_292, %scan3A_293 : i32
        %scan3A_295 = arith.constant 1 : i32
        %scan3A_296 = scf.for %scan3A_298 = %scan3A_292 to %scan3A_294 step %scan3A_295 iter_args(%scan3A_299 = %scan3A_291) -> (i32)  : i32 {
          %mul3A_300 = arith.constant 16 : i32
          %mul3A_301 = arith.muli %scan3A_298, %mul3A_300 : i32
          %add3A_302 = vector.broadcast %mul3A_301 : i32 to vector<16xi32>
          %add3A_303 = arith.addi %add3A_302, %iota3A : vector<16xi32>
          %mul3A_304 = arith.constant 8 : i32
          %mul3A_305 = vector.broadcast %mul3A_304 : i32 to vector<16xi32>
          %mul3A_306 = arith.muli %add3A_303, %mul3A_305 : vector<16xi32>
          %add3A_307 = arith.constant 0 : i32
          %add3A_308 = vector.broadcast %add3A_307 : i32 to vector<16xi32>
          %add3A_309 = arith.addi %mul3A_306, %add3A_308 : vector<16xi32>
          %get3A_310 = arith.constant 0 : i32
          %get3A_311 = arith.index_cast %get3A_310 : i32 to index
          %get3A_312 = arith.index_cast %mul3A_301 : i32 to index
          %get3A_313 = tpu.vector_load %arg12[%get3A_311, %get3A_312] {strides = array<i32>} : memref<8x256xf32, #tpu.memory_space<vmem>>, vector<16xf32>,
          tpu.vector_store_idx %arg13[%add3A_309], %get3A_313 : memref<2064xf32, #tpu.memory_space<vmem>>[vector<16xi32>], vector<16xf32>,
          %add3A_314 = arith.constant 1 : i32
          %add3A_315 = vector.broadcast %add3A_314 : i32 to vector<16xi32>
          %add3A_316 = arith.addi %mul3A_306, %add3A_315 : vector<16xi32>
          %get3A_317 = arith.constant 1 : i32
          %get3A_318 = arith.index_cast %get3A_317 : i32 to index
          %get3A_319 = arith.index_cast %mul3A_301 : i32 to index
          %get3A_320 = tpu.vector_load %arg12[%get3A_318, %get3A_319] {strides = array<i32>} : memref<8x256xf32, #tpu.memory_space<vmem>>, vector<16xf32>,
          tpu.vector_store_idx %arg13[%add3A_316], %get3A_320 : memref<2064xf32, #tpu.memory_space<vmem>>[vector<16xi32>], vector<16xf32>,
          %add3A_321 = arith.constant 2 : i32
          %add3A_322 = vector.broadcast %add3A_321 : i32 to vector<16xi32>
          %add3A_323 = arith.addi %mul3A_306, %add3A_322 : vector<16xi32>
          %get3A_324 = arith.constant 2 : i32
          %get3A_325 = arith.index_cast %get3A_324 : i32 to index
          %get3A_326 = arith.index_cast %mul3A_301 : i32 to index
          %get3A_327 = tpu.vector_load %arg12[%get3A_325, %get3A_326] {strides = array<i32>} : memref<8x256xf32, #tpu.memory_space<vmem>>, vector<16xf32>,
          tpu.vector_store_idx %arg13[%add3A_323], %get3A_327 : memref<2064xf32, #tpu.memory_space<vmem>>[vector<16xi32>], vector<16xf32>,
          %add3A_328 = arith.constant 3 : i32
          %add3A_329 = vector.broadcast %add3A_328 : i32 to vector<16xi32>
          %add3A_330 = arith.addi %mul3A_306, %add3A_329 : vector<16xi32>
          %get3A_331 = arith.constant 3 : i32
          %get3A_332 = arith.index_cast %get3A_331 : i32 to index
          %get3A_333 = arith.index_cast %mul3A_301 : i32 to index
          %get3A_334 = tpu.vector_load %arg12[%get3A_332, %get3A_333] {strides = array<i32>} : memref<8x256xf32, #tpu.memory_space<vmem>>, vector<16xf32>,
          tpu.vector_store_idx %arg13[%add3A_330], %get3A_334 : memref<2064xf32, #tpu.memory_space<vmem>>[vector<16xi32>], vector<16xf32>,
          %add3A_335 = arith.constant 4 : i32
          %add3A_336 = vector.broadcast %add3A_335 : i32 to vector<16xi32>
          %add3A_337 = arith.addi %mul3A_306, %add3A_336 : vector<16xi32>
          %get3A_338 = arith.constant 4 : i32
          %get3A_339 = arith.index_cast %get3A_338 : i32 to index
          %get3A_340 = arith.index_cast %mul3A_301 : i32 to index
          %get3A_341 = tpu.vector_load %arg12[%get3A_339, %get3A_340] {strides = array<i32>} : memref<8x256xf32, #tpu.memory_space<vmem>>, vector<16xf32>,
          tpu.vector_store_idx %arg13[%add3A_337], %get3A_341 : memref<2064xf32, #tpu.memory_space<vmem>>[vector<16xi32>], vector<16xf32>,
          %add3A_342 = arith.constant 5 : i32
          %add3A_343 = vector.broadcast %add3A_342 : i32 to vector<16xi32>
          %add3A_344 = arith.addi %mul3A_306, %add3A_343 : vector<16xi32>
          %get3A_345 = arith.constant 5 : i32
          %get3A_346 = arith.index_cast %get3A_345 : i32 to index
          %get3A_347 = arith.index_cast %mul3A_301 : i32 to index
          %get3A_348 = tpu.vector_load %arg12[%get3A_346, %get3A_347] {strides = array<i32>} : memref<8x256xf32, #tpu.memory_space<vmem>>, vector<16xf32>,
          tpu.vector_store_idx %arg13[%add3A_344], %get3A_348 : memref<2064xf32, #tpu.memory_space<vmem>>[vector<16xi32>], vector<16xf32>,
          %add3A_349 = arith.constant 6 : i32
          %add3A_350 = vector.broadcast %add3A_349 : i32 to vector<16xi32>
          %add3A_351 = arith.addi %mul3A_306, %add3A_350 : vector<16xi32>
          %get3A_352 = arith.constant 6 : i32
          %get3A_353 = arith.index_cast %get3A_352 : i32 to index
          %get3A_354 = arith.index_cast %mul3A_301 : i32 to index
          %get3A_355 = tpu.vector_load %arg12[%get3A_353, %get3A_354] {strides = array<i32>} : memref<8x256xf32, #tpu.memory_space<vmem>>, vector<16xf32>,
          tpu.vector_store_idx %arg13[%add3A_351], %get3A_355 : memref<2064xf32, #tpu.memory_space<vmem>>[vector<16xi32>], vector<16xf32>,
          %add3A_356 = arith.constant 7 : i32
          %add3A_357 = vector.broadcast %add3A_356 : i32 to vector<16xi32>
          %add3A_358 = arith.addi %mul3A_306, %add3A_357 : vector<16xi32>
          %get3A_359 = arith.constant 7 : i32
          %get3A_360 = arith.index_cast %get3A_359 : i32 to index
          %get3A_361 = arith.index_cast %mul3A_301 : i32 to index
          %get3A_362 = tpu.vector_load %arg12[%get3A_360, %get3A_361] {strides = array<i32>} : memref<8x256xf32, #tpu.memory_space<vmem>>, vector<16xf32>,
          tpu.vector_store_idx %arg13[%add3A_358], %get3A_362 : memref<2064xf32, #tpu.memory_space<vmem>>[vector<16xi32>], vector<16xf32>,
          %scan3A_363 = arith.constant 0 : i32
          scf.yield %scan3A_363 : i32
        }
        %scan3A_297 = arith.constant 16 : i32
      } else {
      }
      %sub3A_250 = arith.subi %squeeze3A_7, %add3A_233 : i32
      %min3A_251 = arith.constant 256 : i32
      %min3A_252 = arith.minsi %min3A_251, %sub3A_250 : i32
      %jit3A_253 = arith.constant 0 : i32
      %select_n3A_254 = arith.select %lt3A_230, %min3A_252, %jit3A_253 : i32
      %add3A_255 = arith.addi %add3A_233, %select_n3A_254 : i32
      %sub3A_256 = arith.constant 1 : i32
      %sub3A_257 = arith.subi %add3A_255, %sub3A_256 : i32
      %scan3A_258 = arith.constant 0 : i32
      %scan3A_259 = arith.constant 320 : i32
      %scan3A_260 = arith.constant 0 : i32
      %scan3A_261 = arith.constant 9 : i32
      %scan3A_262 = arith.addi %scan3A_260, %scan3A_261 : i32
      %scan3A_263 = arith.constant 1 : i32
      %scan3A_264:2 = scf.for %scan3A_291 = %scan3A_260 to %scan3A_262 step %scan3A_263 iter_args(%scan3A_292 = %scan3A_258, %scan3A_293 = %scan3A_259) -> (i32, i32)  : i32 {
        %add3A_294 = arith.addi %scan3A_292, %scan3A_293 : i32
        %shift_right_logical3A = arith.constant 1 : i32
        %shift_right_logical3A_295 = arith.shrui %add3A_294, %shift_right_logical3A : i32
        %get3A_296 = arith.index_cast %shift_right_logical3A_295 : i32 to index
        %get3A_297 = tpu.vector_load %arg7[%get3A_296] {strides = array<i32>} : memref<344xi32, #tpu.memory_space<vmem>>, vector<16xi32>,
        %slice3A_298 = vector.extract_strided_slice %get3A_297 {offsets = [0], sizes = [1], strides = [1]} : vector<16xi32> to vector<1xi32>
        %squeeze3A_299 = vector.extract %slice3A_298[0] : i32 from vector<1xi32>
        %le3A_300 = arith.cmpi sle, %squeeze3A_299, %sub3A_257 : i32
        %select_n3A_301 = arith.select %le3A_300, %shift_right_logical3A_295, %scan3A_292 : i32
        %select_n3A_302 = arith.select %le3A_300, %scan3A_293, %shift_right_logical3A_295 : i32
        scf.yield %select_n3A_301, %select_n3A_302 : i32, i32
      }
      %scan3A_265 = arith.constant 9 : i32
      %sub3A_266 = arith.constant 1 : i32
      %sub3A_267 = arith.subi %select_n3A_225, %sub3A_266 : i32
      %select_n3A_268 = arith.select %lt3A_230, %scan3A_264#0, %sub3A_267 : i32
      %add3A_269 = arith.constant 1 : i32
      %add3A_270 = arith.addi %select_n3A_268, %add3A_269 : i32
      %while3A_271 = arith.subi %add3A_270, %select_n3A_225 : i32
      %while3A_272 = arith.addi %select_n3A_225, %while3A_271 : i32
      %while3A_273 = arith.constant 1 : i32
      %while3A_274 = arith.divsi %while3A_271, %while3A_273 : i32
      %while3A_275 = arith.muli %while3A_274, %while3A_273 : i32
      %while3A_276 = arith.addi %select_n3A_225, %while3A_275 : i32
      %while3A_277 = arith.constant 1 : i32
      %while3A_278:9 = scf.for %while3A_291 = %select_n3A_225 to %while3A_276 step %while3A_277 iter_args(%while3A_292 = %while3A_216#0, %while3A_293 = %while3A_216#1, %while3A_294 = %while3A_216#2, %while3A_295 = %while3A_216#3, %while3A_296 = %while3A_216#4, %while3A_297 = %while3A_216#5, %while3A_298 = %while3A_216#6, %while3A_299 = %while3A_216#7, %while3A_300 = %while3A_216#8) -> (vector<16xf32>, vector<16xf32>, vector<16xf32>, vector<16xf32>, vector<16xf32>, vector<16xf32>, vector<16xf32>, vector<16xf32>, vector<16xf32>)  : i32 {
        %get3A_301 = arith.index_cast %while3A_291 : i32 to index
        %get3A_302 = tpu.vector_load %arg7[%get3A_301] {strides = array<i32>} : memref<344xi32, #tpu.memory_space<vmem>>, vector<16xi32>,
        %slice3A_303 = vector.extract_strided_slice %get3A_302 {offsets = [0], sizes = [1], strides = [1]} : vector<16xi32> to vector<1xi32>
        %squeeze3A_304 = vector.extract %slice3A_303[0] : i32 from vector<1xi32>
        %add3A_305 = arith.constant 1 : i32
        %add3A_306 = arith.addi %while3A_291, %add3A_305 : i32
        %get3A_307 = arith.index_cast %add3A_306 : i32 to index
        %get3A_308 = tpu.vector_load %arg7[%get3A_307] {strides = array<i32>} : memref<344xi32, #tpu.memory_space<vmem>>, vector<16xi32>,
        %slice3A_309 = vector.extract_strided_slice %get3A_308 {offsets = [0], sizes = [1], strides = [1]} : vector<16xi32> to vector<1xi32>
        %squeeze3A_310 = vector.extract %slice3A_309[0] : i32 from vector<1xi32>
        %max3A = arith.maxsi %squeeze3A_304, %add3A_233 : i32
        %min3A_311 = arith.minsi %squeeze3A_310, %add3A_255 : i32
        %ge3A = arith.cmpi sge, %squeeze3A_304, %add3A_233 : i32
        %jit3A_312 = arith.constant 0.000000e+00 : f32
        %broadcast_in_dim3A_313 = vector.broadcast %jit3A_312 : f32 to vector<16xf32>
        %select_n3A_314 = arith.select %ge3A, %broadcast_in_dim3A_313, %while3A_292 : vector<16xf32>
        %jit3A_315 = arith.constant 0.000000e+00 : f32
        %broadcast_in_dim3A_316 = vector.broadcast %jit3A_315 : f32 to vector<16xf32>
        %select_n3A_317 = arith.select %ge3A, %broadcast_in_dim3A_316, %while3A_293 : vector<16xf32>
        %jit3A_318 = arith.constant 0.000000e+00 : f32
        %broadcast_in_dim3A_319 = vector.broadcast %jit3A_318 : f32 to vector<16xf32>
        %select_n3A_320 = arith.select %ge3A, %broadcast_in_dim3A_319, %while3A_294 : vector<16xf32>
        %jit3A_321 = arith.constant 0.000000e+00 : f32
        %broadcast_in_dim3A_322 = vector.broadcast %jit3A_321 : f32 to vector<16xf32>
        %select_n3A_323 = arith.select %ge3A, %broadcast_in_dim3A_322, %while3A_295 : vector<16xf32>
        %jit3A_324 = arith.constant 0.000000e+00 : f32
        %broadcast_in_dim3A_325 = vector.broadcast %jit3A_324 : f32 to vector<16xf32>
        %select_n3A_326 = arith.select %ge3A, %broadcast_in_dim3A_325, %while3A_296 : vector<16xf32>
        %jit3A_327 = arith.constant 0.000000e+00 : f32
        %broadcast_in_dim3A_328 = vector.broadcast %jit3A_327 : f32 to vector<16xf32>
        %select_n3A_329 = arith.select %ge3A, %broadcast_in_dim3A_328, %while3A_297 : vector<16xf32>
        %jit3A_330 = arith.constant 0.000000e+00 : f32
        %broadcast_in_dim3A_331 = vector.broadcast %jit3A_330 : f32 to vector<16xf32>
        %select_n3A_332 = arith.select %ge3A, %broadcast_in_dim3A_331, %while3A_298 : vector<16xf32>
        %jit3A_333 = arith.constant 0.000000e+00 : f32
        %broadcast_in_dim3A_334 = vector.broadcast %jit3A_333 : f32 to vector<16xf32>
        %select_n3A_335 = arith.select %ge3A, %broadcast_in_dim3A_334, %while3A_299 : vector<16xf32>
        %jit3A_336 = arith.constant 0.000000e+00 : f32
        %broadcast_in_dim3A_337 = vector.broadcast %jit3A_336 : f32 to vector<16xf32>
        %select_n3A_338 = arith.select %ge3A, %broadcast_in_dim3A_337, %while3A_300 : vector<16xf32>
        %mul3A_339 = arith.constant 16 : i32
        %mul3A_340 = arith.muli %while3A_291, %mul3A_339 : i32
        %get3A_341 = arith.index_cast %mul3A_340 : i32 to index
        %get3A_342 = tpu.vector_load %arg8[%get3A_341] {strides = array<i32>} : memref<5120xf32, #tpu.memory_space<vmem>>, vector<16xf32>,
        %sub3A_343 = arith.subi %squeeze3A_310, %squeeze3A_304 : i32
        %max3A_344 = arith.constant 1 : i32
        %max3A_345 = arith.maxsi %sub3A_343, %max3A_344 : i32
        %convert_element_type3A_346 = arith.sitofp %max3A_345 : i32 to f32
        %bitcast_convert_type3A = arith.bitcast %convert_element_type3A_346 : f32 to i32
        %shift_right_logical3A = arith.constant 1 : i32
        %shift_right_logical3A_347 = arith.shrui %bitcast_convert_type3A, %shift_right_logical3A : i32
        %sub3A_348 = arith.constant 1597463007 : i32
        %sub3A_349 = arith.subi %sub3A_348, %shift_right_logical3A_347 : i32
        %bitcast_convert_type3A_350 = arith.bitcast %sub3A_349 : i32 to f32
        %mul3A_351 = arith.constant 5.000000e-01 : f32
        %mul3A_352 = arith.mulf %mul3A_351, %convert_element_type3A_346 : f32
        %mul3A_353 = arith.mulf %mul3A_352, %bitcast_convert_type3A_350 : f32
        %mul3A_354 = arith.mulf %mul3A_353, %bitcast_convert_type3A_350 : f32
        %sub3A_355 = arith.constant 1.500000e+00 : f32
        %sub3A_356 = arith.subf %sub3A_355, %mul3A_354 : f32
        %mul3A_357 = arith.mulf %bitcast_convert_type3A_350, %sub3A_356 : f32
        %mul3A_358 = arith.constant 5.000000e-01 : f32
        %mul3A_359 = arith.mulf %mul3A_358, %convert_element_type3A_346 : f32
        %mul3A_360 = arith.mulf %mul3A_359, %mul3A_357 : f32
        %mul3A_361 = arith.mulf %mul3A_360, %mul3A_357 : f32
        %sub3A_362 = arith.constant 1.500000e+00 : f32
        %sub3A_363 = arith.subf %sub3A_362, %mul3A_361 : f32
        %mul3A_364 = arith.mulf %mul3A_357, %sub3A_363 : f32
        %mul3A_365 = arith.constant 5.000000e-01 : f32
        %mul3A_366 = arith.mulf %mul3A_365, %convert_element_type3A_346 : f32
        %mul3A_367 = arith.mulf %mul3A_366, %mul3A_364 : f32
        %mul3A_368 = arith.mulf %mul3A_367, %mul3A_364 : f32
        %sub3A_369 = arith.constant 1.500000e+00 : f32
        %sub3A_370 = arith.subf %sub3A_369, %mul3A_368 : f32
        %mul3A_371 = arith.mulf %mul3A_364, %sub3A_370 : f32
        %sub3A_372 = arith.subi %max3A, %add3A_233 : i32
        %sub3A_373 = arith.subi %min3A_311, %add3A_233 : i32
        %while3A_374 = arith.subi %sub3A_373, %sub3A_372 : i32
        %while3A_375 = arith.addi %sub3A_372, %while3A_374 : i32
        %while3A_376 = arith.constant 1 : i32
        %while3A_377 = arith.divsi %while3A_374, %while3A_376 : i32
        %while3A_378 = arith.muli %while3A_377, %while3A_376 : i32
        %while3A_379 = arith.addi %sub3A_372, %while3A_378 : i32
        %while3A_380 = arith.constant 1 : i32
        %while3A_381:9 = scf.for %while3A_388 = %sub3A_372 to %while3A_379 step %while3A_380 iter_args(%while3A_389 = %select_n3A_314, %while3A_390 = %select_n3A_317, %while3A_391 = %select_n3A_320, %while3A_392 = %select_n3A_323, %while3A_393 = %select_n3A_326, %while3A_394 = %select_n3A_329, %while3A_395 = %select_n3A_332, %while3A_396 = %select_n3A_335, %while3A_397 = %select_n3A_338) -> (vector<16xf32>, vector<16xf32>, vector<16xf32>, vector<16xf32>, vector<16xf32>, vector<16xf32>, vector<16xf32>, vector<16xf32>, vector<16xf32>)  : i32 {
          %add3A_398 = arith.addi %while3A_388, %sub3A_237 : i32
          %mul3A_399 = arith.constant 8 : i32
          %mul3A_400 = arith.muli %add3A_398, %mul3A_399 : i32
          %get3A_401 = arith.index_cast %mul3A_400 : i32 to index
          %get3A_402 = tpu.vector_load %arg13[%get3A_401] {strides = array<i32>} : memref<2064xf32, #tpu.memory_space<vmem>>, vector<16xf32>,
          %sub3A_403 = arith.subf %get3A_402, %get3A_342 : vector<16xf32>
          %mul3A_404 = vector.broadcast %mul3A_371 : f32 to vector<16xf32>
          %mul3A_405 = arith.mulf %sub3A_403, %mul3A_404 : vector<16xf32>
          %exp3A = math.exp %mul3A_405 : vector<16xf32>
          %jit3A_406 = arith.constant 0.000000e+00 : f32
          %broadcast_in_dim3A_407 = vector.broadcast %jit3A_406 : f32 to vector<16xf32>
          %select_n3A_408 = arith.select %lt3A_27, %exp3A, %broadcast_in_dim3A_407 : vector<16xi1>, vector<16xf32>
          %add3A_409 = arith.addf %while3A_389, %select_n3A_408 : vector<16xf32>
          %broadcast_in_dim3A_410 = arith.constant 0 : i32
          %broadcast_in_dim3A_411 = vector.broadcast %broadcast_in_dim3A_410 : i32 to vector<16x1xi32>
          %gather3A = vector.shape_cast %broadcast_in_dim3A_411 : vector<16x1xi32> to vector<16xi32>
          %gather3A_412 = tpu.dynamic_gather %exp3A[%gather3A] in [0] : vector<16xf32>, vector<16xi32> -> vector<16xf32>
          %get3A_413 = arith.index_cast %add3A_398 : i32 to index
          %get3A_414 = arith.constant 0 : index
          %get3A_415 = tpu.vector_load %arg15[%get3A_413, %get3A_414] {strides = array<i32>} : memref<256x128xf32, #tpu.memory_space<vmem>>, vector<16xf32>,
          %mul3A_416 = arith.mulf %gather3A_412, %get3A_415 : vector<16xf32>
          %add3A_417 = arith.addf %while3A_390, %mul3A_416 : vector<16xf32>
          %broadcast_in_dim3A_418 = arith.constant 1 : i32
          %broadcast_in_dim3A_419 = vector.broadcast %broadcast_in_dim3A_418 : i32 to vector<16x1xi32>
          %gather3A_420 = vector.shape_cast %broadcast_in_dim3A_419 : vector<16x1xi32> to vector<16xi32>
          %gather3A_421 = tpu.dynamic_gather %exp3A[%gather3A_420] in [0] : vector<16xf32>, vector<16xi32> -> vector<16xf32>
          %get3A_422 = arith.index_cast %add3A_398 : i32 to index
          %get3A_423 = arith.constant 16 : index
          %get3A_424 = tpu.vector_load %arg15[%get3A_422, %get3A_423] {strides = array<i32>} : memref<256x128xf32, #tpu.memory_space<vmem>>, vector<16xf32>,
          %mul3A_425 = arith.mulf %gather3A_421, %get3A_424 : vector<16xf32>
          %add3A_426 = arith.addf %while3A_391, %mul3A_425 : vector<16xf32>
          %broadcast_in_dim3A_427 = arith.constant 2 : i32
          %broadcast_in_dim3A_428 = vector.broadcast %broadcast_in_dim3A_427 : i32 to vector<16x1xi32>
          %gather3A_429 = vector.shape_cast %broadcast_in_dim3A_428 : vector<16x1xi32> to vector<16xi32>
          %gather3A_430 = tpu.dynamic_gather %exp3A[%gather3A_429] in [0] : vector<16xf32>, vector<16xi32> -> vector<16xf32>
          %get3A_431 = arith.index_cast %add3A_398 : i32 to index
          %get3A_432 = arith.constant 32 : index
          %get3A_433 = tpu.vector_load %arg15[%get3A_431, %get3A_432] {strides = array<i32>} : memref<256x128xf32, #tpu.memory_space<vmem>>, vector<16xf32>,
          %mul3A_434 = arith.mulf %gather3A_430, %get3A_433 : vector<16xf32>
          %add3A_435 = arith.addf %while3A_392, %mul3A_434 : vector<16xf32>
          %broadcast_in_dim3A_436 = arith.constant 3 : i32
          %broadcast_in_dim3A_437 = vector.broadcast %broadcast_in_dim3A_436 : i32 to vector<16x1xi32>
          %gather3A_438 = vector.shape_cast %broadcast_in_dim3A_437 : vector<16x1xi32> to vector<16xi32>
          %gather3A_439 = tpu.dynamic_gather %exp3A[%gather3A_438] in [0] : vector<16xf32>, vector<16xi32> -> vector<16xf32>
          %get3A_440 = arith.index_cast %add3A_398 : i32 to index
          %get3A_441 = arith.constant 48 : index
          %get3A_442 = tpu.vector_load %arg15[%get3A_440, %get3A_441] {strides = array<i32>} : memref<256x128xf32, #tpu.memory_space<vmem>>, vector<16xf32>,
          %mul3A_443 = arith.mulf %gather3A_439, %get3A_442 : vector<16xf32>
          %add3A_444 = arith.addf %while3A_393, %mul3A_443 : vector<16xf32>
          %broadcast_in_dim3A_445 = arith.constant 4 : i32
          %broadcast_in_dim3A_446 = vector.broadcast %broadcast_in_dim3A_445 : i32 to vector<16x1xi32>
          %gather3A_447 = vector.shape_cast %broadcast_in_dim3A_446 : vector<16x1xi32> to vector<16xi32>
          %gather3A_448 = tpu.dynamic_gather %exp3A[%gather3A_447] in [0] : vector<16xf32>, vector<16xi32> -> vector<16xf32>
          %get3A_449 = arith.index_cast %add3A_398 : i32 to index
          %get3A_450 = arith.constant 64 : index
          %get3A_451 = tpu.vector_load %arg15[%get3A_449, %get3A_450] {strides = array<i32>} : memref<256x128xf32, #tpu.memory_space<vmem>>, vector<16xf32>,
          %mul3A_452 = arith.mulf %gather3A_448, %get3A_451 : vector<16xf32>
          %add3A_453 = arith.addf %while3A_394, %mul3A_452 : vector<16xf32>
          %broadcast_in_dim3A_454 = arith.constant 5 : i32
          %broadcast_in_dim3A_455 = vector.broadcast %broadcast_in_dim3A_454 : i32 to vector<16x1xi32>
          %gather3A_456 = vector.shape_cast %broadcast_in_dim3A_455 : vector<16x1xi32> to vector<16xi32>
          %gather3A_457 = tpu.dynamic_gather %exp3A[%gather3A_456] in [0] : vector<16xf32>, vector<16xi32> -> vector<16xf32>
          %get3A_458 = arith.index_cast %add3A_398 : i32 to index
          %get3A_459 = arith.constant 80 : index
          %get3A_460 = tpu.vector_load %arg15[%get3A_458, %get3A_459] {strides = array<i32>} : memref<256x128xf32, #tpu.memory_space<vmem>>, vector<16xf32>,
          %mul3A_461 = arith.mulf %gather3A_457, %get3A_460 : vector<16xf32>
          %add3A_462 = arith.addf %while3A_395, %mul3A_461 : vector<16xf32>
          %broadcast_in_dim3A_463 = arith.constant 6 : i32
          %broadcast_in_dim3A_464 = vector.broadcast %broadcast_in_dim3A_463 : i32 to vector<16x1xi32>
          %gather3A_465 = vector.shape_cast %broadcast_in_dim3A_464 : vector<16x1xi32> to vector<16xi32>
          %gather3A_466 = tpu.dynamic_gather %exp3A[%gather3A_465] in [0] : vector<16xf32>, vector<16xi32> -> vector<16xf32>
          %get3A_467 = arith.index_cast %add3A_398 : i32 to index
          %get3A_468 = arith.constant 96 : index
          %get3A_469 = tpu.vector_load %arg15[%get3A_467, %get3A_468] {strides = array<i32>} : memref<256x128xf32, #tpu.memory_space<vmem>>, vector<16xf32>,
          %mul3A_470 = arith.mulf %gather3A_466, %get3A_469 : vector<16xf32>
          %add3A_471 = arith.addf %while3A_396, %mul3A_470 : vector<16xf32>
          %broadcast_in_dim3A_472 = arith.constant 7 : i32
          %broadcast_in_dim3A_473 = vector.broadcast %broadcast_in_dim3A_472 : i32 to vector<16x1xi32>
          %gather3A_474 = vector.shape_cast %broadcast_in_dim3A_473 : vector<16x1xi32> to vector<16xi32>
          %gather3A_475 = tpu.dynamic_gather %exp3A[%gather3A_474] in [0] : vector<16xf32>, vector<16xi32> -> vector<16xf32>
          %get3A_476 = arith.index_cast %add3A_398 : i32 to index
          %get3A_477 = arith.constant 112 : index
          %get3A_478 = tpu.vector_load %arg15[%get3A_476, %get3A_477] {strides = array<i32>} : memref<256x128xf32, #tpu.memory_space<vmem>>, vector<16xf32>,
          %mul3A_479 = arith.mulf %gather3A_475, %get3A_478 : vector<16xf32>
          %add3A_480 = arith.addf %while3A_397, %mul3A_479 : vector<16xf32>
          scf.yield %add3A_409, %add3A_417, %add3A_426, %add3A_435, %add3A_444, %add3A_453, %add3A_462, %add3A_471, %add3A_480 : vector<16xf32>, vector<16xf32>, vector<16xf32>, vector<16xf32>, vector<16xf32>, vector<16xf32>, vector<16xf32>, vector<16xf32>, vector<16xf32>
        }
        %while3A_382 = arith.constant 1 : i32
        %while3A_383:9 = scf.for %while3A_388 = %while3A_379 to %while3A_375 step %while3A_382 iter_args(%while3A_389 = %while3A_381#0, %while3A_390 = %while3A_381#1, %while3A_391 = %while3A_381#2, %while3A_392 = %while3A_381#3, %while3A_393 = %while3A_381#4, %while3A_394 = %while3A_381#5, %while3A_395 = %while3A_381#6, %while3A_396 = %while3A_381#7, %while3A_397 = %while3A_381#8) -> (vector<16xf32>, vector<16xf32>, vector<16xf32>, vector<16xf32>, vector<16xf32>, vector<16xf32>, vector<16xf32>, vector<16xf32>, vector<16xf32>)  : i32 {
          %add3A_398 = arith.addi %while3A_388, %sub3A_237 : i32
          %mul3A_399 = arith.constant 8 : i32
          %mul3A_400 = arith.muli %add3A_398, %mul3A_399 : i32
          %get3A_401 = arith.index_cast %mul3A_400 : i32 to index
          %get3A_402 = tpu.vector_load %arg13[%get3A_401] {strides = array<i32>} : memref<2064xf32, #tpu.memory_space<vmem>>, vector<16xf32>,
          %sub3A_403 = arith.subf %get3A_402, %get3A_342 : vector<16xf32>
          %mul3A_404 = vector.broadcast %mul3A_371 : f32 to vector<16xf32>
          %mul3A_405 = arith.mulf %sub3A_403, %mul3A_404 : vector<16xf32>
          %exp3A = math.exp %mul3A_405 : vector<16xf32>
          %jit3A_406 = arith.constant 0.000000e+00 : f32
          %broadcast_in_dim3A_407 = vector.broadcast %jit3A_406 : f32 to vector<16xf32>
          %select_n3A_408 = arith.select %lt3A_27, %exp3A, %broadcast_in_dim3A_407 : vector<16xi1>, vector<16xf32>
          %add3A_409 = arith.addf %while3A_389, %select_n3A_408 : vector<16xf32>
          %broadcast_in_dim3A_410 = arith.constant 0 : i32
          %broadcast_in_dim3A_411 = vector.broadcast %broadcast_in_dim3A_410 : i32 to vector<16x1xi32>
          %gather3A = vector.shape_cast %broadcast_in_dim3A_411 : vector<16x1xi32> to vector<16xi32>
          %gather3A_412 = tpu.dynamic_gather %exp3A[%gather3A] in [0] : vector<16xf32>, vector<16xi32> -> vector<16xf32>
          %get3A_413 = arith.index_cast %add3A_398 : i32 to index
          %get3A_414 = arith.constant 0 : index
          %get3A_415 = tpu.vector_load %arg15[%get3A_413, %get3A_414] {strides = array<i32>} : memref<256x128xf32, #tpu.memory_space<vmem>>, vector<16xf32>,
          %mul3A_416 = arith.mulf %gather3A_412, %get3A_415 : vector<16xf32>
          %add3A_417 = arith.addf %while3A_390, %mul3A_416 : vector<16xf32>
          %broadcast_in_dim3A_418 = arith.constant 1 : i32
          %broadcast_in_dim3A_419 = vector.broadcast %broadcast_in_dim3A_418 : i32 to vector<16x1xi32>
          %gather3A_420 = vector.shape_cast %broadcast_in_dim3A_419 : vector<16x1xi32> to vector<16xi32>
          %gather3A_421 = tpu.dynamic_gather %exp3A[%gather3A_420] in [0] : vector<16xf32>, vector<16xi32> -> vector<16xf32>
          %get3A_422 = arith.index_cast %add3A_398 : i32 to index
          %get3A_423 = arith.constant 16 : index
          %get3A_424 = tpu.vector_load %arg15[%get3A_422, %get3A_423] {strides = array<i32>} : memref<256x128xf32, #tpu.memory_space<vmem>>, vector<16xf32>,
          %mul3A_425 = arith.mulf %gather3A_421, %get3A_424 : vector<16xf32>
          %add3A_426 = arith.addf %while3A_391, %mul3A_425 : vector<16xf32>
          %broadcast_in_dim3A_427 = arith.constant 2 : i32
          %broadcast_in_dim3A_428 = vector.broadcast %broadcast_in_dim3A_427 : i32 to vector<16x1xi32>
          %gather3A_429 = vector.shape_cast %broadcast_in_dim3A_428 : vector<16x1xi32> to vector<16xi32>
          %gather3A_430 = tpu.dynamic_gather %exp3A[%gather3A_429] in [0] : vector<16xf32>, vector<16xi32> -> vector<16xf32>
          %get3A_431 = arith.index_cast %add3A_398 : i32 to index
          %get3A_432 = arith.constant 32 : index
          %get3A_433 = tpu.vector_load %arg15[%get3A_431, %get3A_432] {strides = array<i32>} : memref<256x128xf32, #tpu.memory_space<vmem>>, vector<16xf32>,
          %mul3A_434 = arith.mulf %gather3A_430, %get3A_433 : vector<16xf32>
          %add3A_435 = arith.addf %while3A_392, %mul3A_434 : vector<16xf32>
          %broadcast_in_dim3A_436 = arith.constant 3 : i32
          %broadcast_in_dim3A_437 = vector.broadcast %broadcast_in_dim3A_436 : i32 to vector<16x1xi32>
          %gather3A_438 = vector.shape_cast %broadcast_in_dim3A_437 : vector<16x1xi32> to vector<16xi32>
          %gather3A_439 = tpu.dynamic_gather %exp3A[%gather3A_438] in [0] : vector<16xf32>, vector<16xi32> -> vector<16xf32>
          %get3A_440 = arith.index_cast %add3A_398 : i32 to index
          %get3A_441 = arith.constant 48 : index
          %get3A_442 = tpu.vector_load %arg15[%get3A_440, %get3A_441] {strides = array<i32>} : memref<256x128xf32, #tpu.memory_space<vmem>>, vector<16xf32>,
          %mul3A_443 = arith.mulf %gather3A_439, %get3A_442 : vector<16xf32>
          %add3A_444 = arith.addf %while3A_393, %mul3A_443 : vector<16xf32>
          %broadcast_in_dim3A_445 = arith.constant 4 : i32
          %broadcast_in_dim3A_446 = vector.broadcast %broadcast_in_dim3A_445 : i32 to vector<16x1xi32>
          %gather3A_447 = vector.shape_cast %broadcast_in_dim3A_446 : vector<16x1xi32> to vector<16xi32>
          %gather3A_448 = tpu.dynamic_gather %exp3A[%gather3A_447] in [0] : vector<16xf32>, vector<16xi32> -> vector<16xf32>
          %get3A_449 = arith.index_cast %add3A_398 : i32 to index
          %get3A_450 = arith.constant 64 : index
          %get3A_451 = tpu.vector_load %arg15[%get3A_449, %get3A_450] {strides = array<i32>} : memref<256x128xf32, #tpu.memory_space<vmem>>, vector<16xf32>,
          %mul3A_452 = arith.mulf %gather3A_448, %get3A_451 : vector<16xf32>
          %add3A_453 = arith.addf %while3A_394, %mul3A_452 : vector<16xf32>
          %broadcast_in_dim3A_454 = arith.constant 5 : i32
          %broadcast_in_dim3A_455 = vector.broadcast %broadcast_in_dim3A_454 : i32 to vector<16x1xi32>
          %gather3A_456 = vector.shape_cast %broadcast_in_dim3A_455 : vector<16x1xi32> to vector<16xi32>
          %gather3A_457 = tpu.dynamic_gather %exp3A[%gather3A_456] in [0] : vector<16xf32>, vector<16xi32> -> vector<16xf32>
          %get3A_458 = arith.index_cast %add3A_398 : i32 to index
          %get3A_459 = arith.constant 80 : index
          %get3A_460 = tpu.vector_load %arg15[%get3A_458, %get3A_459] {strides = array<i32>} : memref<256x128xf32, #tpu.memory_space<vmem>>, vector<16xf32>,
          %mul3A_461 = arith.mulf %gather3A_457, %get3A_460 : vector<16xf32>
          %add3A_462 = arith.addf %while3A_395, %mul3A_461 : vector<16xf32>
          %broadcast_in_dim3A_463 = arith.constant 6 : i32
          %broadcast_in_dim3A_464 = vector.broadcast %broadcast_in_dim3A_463 : i32 to vector<16x1xi32>
          %gather3A_465 = vector.shape_cast %broadcast_in_dim3A_464 : vector<16x1xi32> to vector<16xi32>
          %gather3A_466 = tpu.dynamic_gather %exp3A[%gather3A_465] in [0] : vector<16xf32>, vector<16xi32> -> vector<16xf32>
          %get3A_467 = arith.index_cast %add3A_398 : i32 to index
          %get3A_468 = arith.constant 96 : index
          %get3A_469 = tpu.vector_load %arg15[%get3A_467, %get3A_468] {strides = array<i32>} : memref<256x128xf32, #tpu.memory_space<vmem>>, vector<16xf32>,
          %mul3A_470 = arith.mulf %gather3A_466, %get3A_469 : vector<16xf32>
          %add3A_471 = arith.addf %while3A_396, %mul3A_470 : vector<16xf32>
          %broadcast_in_dim3A_472 = arith.constant 7 : i32
          %broadcast_in_dim3A_473 = vector.broadcast %broadcast_in_dim3A_472 : i32 to vector<16x1xi32>
          %gather3A_474 = vector.shape_cast %broadcast_in_dim3A_473 : vector<16x1xi32> to vector<16xi32>
          %gather3A_475 = tpu.dynamic_gather %exp3A[%gather3A_474] in [0] : vector<16xf32>, vector<16xi32> -> vector<16xf32>
          %get3A_476 = arith.index_cast %add3A_398 : i32 to index
          %get3A_477 = arith.constant 112 : index
          %get3A_478 = tpu.vector_load %arg15[%get3A_476, %get3A_477] {strides = array<i32>} : memref<256x128xf32, #tpu.memory_space<vmem>>, vector<16xf32>,
          %mul3A_479 = arith.mulf %gather3A_475, %get3A_478 : vector<16xf32>
          %add3A_480 = arith.addf %while3A_397, %mul3A_479 : vector<16xf32>
          scf.yield %add3A_409, %add3A_417, %add3A_426, %add3A_435, %add3A_444, %add3A_453, %add3A_462, %add3A_471, %add3A_480 : vector<16xf32>, vector<16xf32>, vector<16xf32>, vector<16xf32>, vector<16xf32>, vector<16xf32>, vector<16xf32>, vector<16xf32>, vector<16xf32>
        }
        %le3A_384 = arith.cmpi sle, %squeeze3A_310, %add3A_255 : i32
        %convert_element_type3A_385 = arith.extui %le3A_384 : i1 to i32
        %cond3A_386 = arith.constant 0 : i32
        %cond3A_387 = arith.cmpi ne, %convert_element_type3A_385, %cond3A_386 : i32
        scf.if %cond3A_387 {
          %add3A_388 = arith.constant 1 : i32
          %add3A_389 = arith.addi %while3A_291, %add3A_388 : i32
          %get3A_390 = arith.index_cast %add3A_389 : i32 to index
          %get3A_391 = tpu.vector_load %arg7[%get3A_390] {strides = array<i32>} : memref<344xi32, #tpu.memory_space<vmem>>, vector<16xi32>,
          %slice3A_392 = vector.extract_strided_slice %get3A_391 {offsets = [0], sizes = [1], strides = [1]} : vector<16xi32> to vector<1xi32>
          %squeeze3A_393 = vector.extract %slice3A_392[0] : i32 from vector<1xi32>
          %get3A_394 = arith.index_cast %while3A_291 : i32 to index
          %get3A_395 = tpu.vector_load %arg7[%get3A_394] {strides = array<i32>} : memref<344xi32, #tpu.memory_space<vmem>>, vector<16xi32>,
          %slice3A_396 = vector.extract_strided_slice %get3A_395 {offsets = [0], sizes = [1], strides = [1]} : vector<16xi32> to vector<1xi32>
          %squeeze3A_397 = vector.extract %slice3A_396[0] : i32 from vector<1xi32>
          %sub3A_398 = arith.subi %squeeze3A_393, %squeeze3A_397 : i32
          %jit3A_399 = arith.constant 0.000000e+00 : f32
          %broadcast_in_dim3A_400 = vector.broadcast %jit3A_399 : f32 to vector<16xf32>
          %select_n3A_401 = arith.select %lt3A_27, %get3A_342, %broadcast_in_dim3A_400 : vector<16xi1>, vector<16xf32>
          %mul3A_402 = arith.mulf %select_n3A_401, %get3A_71 : vector<16xf32>
          %add3A_403 = arith.addf %mul3A_402, %get3A_73 : vector<16xf32>
          %max3A_404 = arith.constant 0.000000e+00 : f32
          %max3A_405 = vector.broadcast %max3A_404 : f32 to vector<16xf32>
          %max3A_406 = arith.maximumf %add3A_403, %max3A_405 : vector<16xf32>
          %add3A_407 = arith.addf %max3A_406, %max3A_406 : vector<16xf32>
          %exp3A = math.exp %add3A_407 : vector<16xf32>
          %add3A_408 = arith.constant 1.000000e+00 : f32
          %add3A_409 = vector.broadcast %add3A_408 : f32 to vector<16xf32>
          %add3A_410 = arith.addf %exp3A, %add3A_409 : vector<16xf32>
          %div3A_411 = arith.constant 2.000000e+00 : f32
          %div3A_412 = vector.broadcast %div3A_411 : f32 to vector<16xf32>
          %div3A_413 = arith.divf %div3A_412, %add3A_410 : vector<16xf32>
          %sub3A_414 = arith.constant 1.000000e+00 : f32
          %sub3A_415 = vector.broadcast %sub3A_414 : f32 to vector<16xf32>
          %sub3A_416 = arith.subf %sub3A_415, %div3A_413 : vector<16xf32>
          %add3A_417 = arith.constant 9.99999996E-13 : f32
          %add3A_418 = vector.broadcast %add3A_417 : f32 to vector<16xf32>
          %add3A_419 = arith.addf %while3A_383#0, %add3A_418 : vector<16xf32>
          %div3A_420 = arith.divf %sub3A_416, %add3A_419 : vector<16xf32>
          %gt3A_421 = arith.constant 0 : i32
          %gt3A_422 = arith.cmpi sgt, %sub3A_398, %gt3A_421 : i32
          %jit3A_423 = arith.constant 0.000000e+00 : f32
          %broadcast_in_dim3A_424 = vector.broadcast %jit3A_423 : f32 to vector<16xf32>
          %select_n3A_425 = arith.select %gt3A_422, %div3A_420, %broadcast_in_dim3A_424 : vector<16xf32>
          %broadcast_in_dim3A_426 = arith.constant 0 : i32
          %broadcast_in_dim3A_427 = vector.broadcast %broadcast_in_dim3A_426 : i32 to vector<16x1xi32>
          %gather3A = vector.shape_cast %broadcast_in_dim3A_427 : vector<16x1xi32> to vector<16xi32>
          %gather3A_428 = tpu.dynamic_gather %select_n3A_425[%gather3A] in [0] : vector<16xf32>, vector<16xi32> -> vector<16xf32>
          %mul3A_429 = arith.mulf %while3A_383#1, %gather3A_428 : vector<16xf32>
          %swap3A = arith.index_cast %while3A_291 : i32 to index
          %swap3A_430 = arith.constant 0 : index
          %swap3A_431 = tpu.vector_load %arg9[%swap3A, %swap3A_430] {strides = array<i32>} : memref<320x128xf32, #tpu.memory_space<vmem>>, vector<16xf32>,
          tpu.vector_store %arg9[%swap3A, %swap3A_430], %mul3A_429 {strides = array<i32>} : memref<320x128xf32, #tpu.memory_space<vmem>>, vector<16xf32>,
          %broadcast_in_dim3A_432 = arith.constant 1 : i32
          %broadcast_in_dim3A_433 = vector.broadcast %broadcast_in_dim3A_432 : i32 to vector<16x1xi32>
          %gather3A_434 = vector.shape_cast %broadcast_in_dim3A_433 : vector<16x1xi32> to vector<16xi32>
          %gather3A_435 = tpu.dynamic_gather %select_n3A_425[%gather3A_434] in [0] : vector<16xf32>, vector<16xi32> -> vector<16xf32>
          %mul3A_436 = arith.mulf %while3A_383#2, %gather3A_435 : vector<16xf32>
          %swap3A_437 = arith.index_cast %while3A_291 : i32 to index
          %swap3A_438 = arith.constant 16 : index
          %swap3A_439 = tpu.vector_load %arg9[%swap3A_437, %swap3A_438] {strides = array<i32>} : memref<320x128xf32, #tpu.memory_space<vmem>>, vector<16xf32>,
          tpu.vector_store %arg9[%swap3A_437, %swap3A_438], %mul3A_436 {strides = array<i32>} : memref<320x128xf32, #tpu.memory_space<vmem>>, vector<16xf32>,
          %broadcast_in_dim3A_440 = arith.constant 2 : i32
          %broadcast_in_dim3A_441 = vector.broadcast %broadcast_in_dim3A_440 : i32 to vector<16x1xi32>
          %gather3A_442 = vector.shape_cast %broadcast_in_dim3A_441 : vector<16x1xi32> to vector<16xi32>
          %gather3A_443 = tpu.dynamic_gather %select_n3A_425[%gather3A_442] in [0] : vector<16xf32>, vector<16xi32> -> vector<16xf32>
          %mul3A_444 = arith.mulf %while3A_383#3, %gather3A_443 : vector<16xf32>
          %swap3A_445 = arith.index_cast %while3A_291 : i32 to index
          %swap3A_446 = arith.constant 32 : index
          %swap3A_447 = tpu.vector_load %arg9[%swap3A_445, %swap3A_446] {strides = array<i32>} : memref<320x128xf32, #tpu.memory_space<vmem>>, vector<16xf32>,
          tpu.vector_store %arg9[%swap3A_445, %swap3A_446], %mul3A_444 {strides = array<i32>} : memref<320x128xf32, #tpu.memory_space<vmem>>, vector<16xf32>,
          %broadcast_in_dim3A_448 = arith.constant 3 : i32
          %broadcast_in_dim3A_449 = vector.broadcast %broadcast_in_dim3A_448 : i32 to vector<16x1xi32>
          %gather3A_450 = vector.shape_cast %broadcast_in_dim3A_449 : vector<16x1xi32> to vector<16xi32>
          %gather3A_451 = tpu.dynamic_gather %select_n3A_425[%gather3A_450] in [0] : vector<16xf32>, vector<16xi32> -> vector<16xf32>
          %mul3A_452 = arith.mulf %while3A_383#4, %gather3A_451 : vector<16xf32>
          %swap3A_453 = arith.index_cast %while3A_291 : i32 to index
          %swap3A_454 = arith.constant 48 : index
          %swap3A_455 = tpu.vector_load %arg9[%swap3A_453, %swap3A_454] {strides = array<i32>} : memref<320x128xf32, #tpu.memory_space<vmem>>, vector<16xf32>,
          tpu.vector_store %arg9[%swap3A_453, %swap3A_454], %mul3A_452 {strides = array<i32>} : memref<320x128xf32, #tpu.memory_space<vmem>>, vector<16xf32>,
          %broadcast_in_dim3A_456 = arith.constant 4 : i32
          %broadcast_in_dim3A_457 = vector.broadcast %broadcast_in_dim3A_456 : i32 to vector<16x1xi32>
          %gather3A_458 = vector.shape_cast %broadcast_in_dim3A_457 : vector<16x1xi32> to vector<16xi32>
          %gather3A_459 = tpu.dynamic_gather %select_n3A_425[%gather3A_458] in [0] : vector<16xf32>, vector<16xi32> -> vector<16xf32>
          %mul3A_460 = arith.mulf %while3A_383#5, %gather3A_459 : vector<16xf32>
          %swap3A_461 = arith.index_cast %while3A_291 : i32 to index
          %swap3A_462 = arith.constant 64 : index
          %swap3A_463 = tpu.vector_load %arg9[%swap3A_461, %swap3A_462] {strides = array<i32>} : memref<320x128xf32, #tpu.memory_space<vmem>>, vector<16xf32>,
          tpu.vector_store %arg9[%swap3A_461, %swap3A_462], %mul3A_460 {strides = array<i32>} : memref<320x128xf32, #tpu.memory_space<vmem>>, vector<16xf32>,
          %broadcast_in_dim3A_464 = arith.constant 5 : i32
          %broadcast_in_dim3A_465 = vector.broadcast %broadcast_in_dim3A_464 : i32 to vector<16x1xi32>
          %gather3A_466 = vector.shape_cast %broadcast_in_dim3A_465 : vector<16x1xi32> to vector<16xi32>
          %gather3A_467 = tpu.dynamic_gather %select_n3A_425[%gather3A_466] in [0] : vector<16xf32>, vector<16xi32> -> vector<16xf32>
          %mul3A_468 = arith.mulf %while3A_383#6, %gather3A_467 : vector<16xf32>
          %swap3A_469 = arith.index_cast %while3A_291 : i32 to index
          %swap3A_470 = arith.constant 80 : index
          %swap3A_471 = tpu.vector_load %arg9[%swap3A_469, %swap3A_470] {strides = array<i32>} : memref<320x128xf32, #tpu.memory_space<vmem>>, vector<16xf32>,
          tpu.vector_store %arg9[%swap3A_469, %swap3A_470], %mul3A_468 {strides = array<i32>} : memref<320x128xf32, #tpu.memory_space<vmem>>, vector<16xf32>,
          %broadcast_in_dim3A_472 = arith.constant 6 : i32
          %broadcast_in_dim3A_473 = vector.broadcast %broadcast_in_dim3A_472 : i32 to vector<16x1xi32>
          %gather3A_474 = vector.shape_cast %broadcast_in_dim3A_473 : vector<16x1xi32> to vector<16xi32>
          %gather3A_475 = tpu.dynamic_gather %select_n3A_425[%gather3A_474] in [0] : vector<16xf32>, vector<16xi32> -> vector<16xf32>
          %mul3A_476 = arith.mulf %while3A_383#7, %gather3A_475 : vector<16xf32>
          %swap3A_477 = arith.index_cast %while3A_291 : i32 to index
          %swap3A_478 = arith.constant 96 : index
          %swap3A_479 = tpu.vector_load %arg9[%swap3A_477, %swap3A_478] {strides = array<i32>} : memref<320x128xf32, #tpu.memory_space<vmem>>, vector<16xf32>,
          tpu.vector_store %arg9[%swap3A_477, %swap3A_478], %mul3A_476 {strides = array<i32>} : memref<320x128xf32, #tpu.memory_space<vmem>>, vector<16xf32>,
          %broadcast_in_dim3A_480 = arith.constant 7 : i32
          %broadcast_in_dim3A_481 = vector.broadcast %broadcast_in_dim3A_480 : i32 to vector<16x1xi32>
          %gather3A_482 = vector.shape_cast %broadcast_in_dim3A_481 : vector<16x1xi32> to vector<16xi32>
          %gather3A_483 = tpu.dynamic_gather %select_n3A_425[%gather3A_482] in [0] : vector<16xf32>, vector<16xi32> -> vector<16xf32>
          %mul3A_484 = arith.mulf %while3A_383#8, %gather3A_483 : vector<16xf32>
          %swap3A_485 = arith.index_cast %while3A_291 : i32 to index
          %swap3A_486 = arith.constant 112 : index
          %swap3A_487 = tpu.vector_load %arg9[%swap3A_485, %swap3A_486] {strides = array<i32>} : memref<320x128xf32, #tpu.memory_space<vmem>>, vector<16xf32>,
          tpu.vector_store %arg9[%swap3A_485, %swap3A_486], %mul3A_484 {strides = array<i32>} : memref<320x128xf32, #tpu.memory_space<vmem>>, vector<16xf32>,
        } else {
        }
        scf.yield %while3A_383#0, %while3A_383#1, %while3A_383#2, %while3A_383#3, %while3A_383#4, %while3A_383#5, %while3A_383#6, %while3A_383#7, %while3A_383#8 : vector<16xf32>, vector<16xf32>, vector<16xf32>, vector<16xf32>, vector<16xf32>, vector<16xf32>, vector<16xf32>, vector<16xf32>, vector<16xf32>
      }
      %while3A_279 = arith.constant 1 : i32
      %while3A_280:9 = scf.for %while3A_291 = %while3A_276 to %while3A_272 step %while3A_279 iter_args(%while3A_292 = %while3A_278#0, %while3A_293 = %while3A_278#1, %while3A_294 = %while3A_278#2, %while3A_295 = %while3A_278#3, %while3A_296 = %while3A_278#4, %while3A_297 = %while3A_278#5, %while3A_298 = %while3A_278#6, %while3A_299 = %while3A_278#7, %while3A_300 = %while3A_278#8) -> (vector<16xf32>, vector<16xf32>, vector<16xf32>, vector<16xf32>, vector<16xf32>, vector<16xf32>, vector<16xf32>, vector<16xf32>, vector<16xf32>)  : i32 {
        %get3A_301 = arith.index_cast %while3A_291 : i32 to index
        %get3A_302 = tpu.vector_load %arg7[%get3A_301] {strides = array<i32>} : memref<344xi32, #tpu.memory_space<vmem>>, vector<16xi32>,
        %slice3A_303 = vector.extract_strided_slice %get3A_302 {offsets = [0], sizes = [1], strides = [1]} : vector<16xi32> to vector<1xi32>
        %squeeze3A_304 = vector.extract %slice3A_303[0] : i32 from vector<1xi32>
        %add3A_305 = arith.constant 1 : i32
        %add3A_306 = arith.addi %while3A_291, %add3A_305 : i32
        %get3A_307 = arith.index_cast %add3A_306 : i32 to index
        %get3A_308 = tpu.vector_load %arg7[%get3A_307] {strides = array<i32>} : memref<344xi32, #tpu.memory_space<vmem>>, vector<16xi32>,
        %slice3A_309 = vector.extract_strided_slice %get3A_308 {offsets = [0], sizes = [1], strides = [1]} : vector<16xi32> to vector<1xi32>
        %squeeze3A_310 = vector.extract %slice3A_309[0] : i32 from vector<1xi32>
        %max3A = arith.maxsi %squeeze3A_304, %add3A_233 : i32
        %min3A_311 = arith.minsi %squeeze3A_310, %add3A_255 : i32
        %ge3A = arith.cmpi sge, %squeeze3A_304, %add3A_233 : i32
        %jit3A_312 = arith.constant 0.000000e+00 : f32
        %broadcast_in_dim3A_313 = vector.broadcast %jit3A_312 : f32 to vector<16xf32>
        %select_n3A_314 = arith.select %ge3A, %broadcast_in_dim3A_313, %while3A_292 : vector<16xf32>
        %jit3A_315 = arith.constant 0.000000e+00 : f32
        %broadcast_in_dim3A_316 = vector.broadcast %jit3A_315 : f32 to vector<16xf32>
        %select_n3A_317 = arith.select %ge3A, %broadcast_in_dim3A_316, %while3A_293 : vector<16xf32>
        %jit3A_318 = arith.constant 0.000000e+00 : f32
        %broadcast_in_dim3A_319 = vector.broadcast %jit3A_318 : f32 to vector<16xf32>
        %select_n3A_320 = arith.select %ge3A, %broadcast_in_dim3A_319, %while3A_294 : vector<16xf32>
        %jit3A_321 = arith.constant 0.000000e+00 : f32
        %broadcast_in_dim3A_322 = vector.broadcast %jit3A_321 : f32 to vector<16xf32>
        %select_n3A_323 = arith.select %ge3A, %broadcast_in_dim3A_322, %while3A_295 : vector<16xf32>
        %jit3A_324 = arith.constant 0.000000e+00 : f32
        %broadcast_in_dim3A_325 = vector.broadcast %jit3A_324 : f32 to vector<16xf32>
        %select_n3A_326 = arith.select %ge3A, %broadcast_in_dim3A_325, %while3A_296 : vector<16xf32>
        %jit3A_327 = arith.constant 0.000000e+00 : f32
        %broadcast_in_dim3A_328 = vector.broadcast %jit3A_327 : f32 to vector<16xf32>
        %select_n3A_329 = arith.select %ge3A, %broadcast_in_dim3A_328, %while3A_297 : vector<16xf32>
        %jit3A_330 = arith.constant 0.000000e+00 : f32
        %broadcast_in_dim3A_331 = vector.broadcast %jit3A_330 : f32 to vector<16xf32>
        %select_n3A_332 = arith.select %ge3A, %broadcast_in_dim3A_331, %while3A_298 : vector<16xf32>
        %jit3A_333 = arith.constant 0.000000e+00 : f32
        %broadcast_in_dim3A_334 = vector.broadcast %jit3A_333 : f32 to vector<16xf32>
        %select_n3A_335 = arith.select %ge3A, %broadcast_in_dim3A_334, %while3A_299 : vector<16xf32>
        %jit3A_336 = arith.constant 0.000000e+00 : f32
        %broadcast_in_dim3A_337 = vector.broadcast %jit3A_336 : f32 to vector<16xf32>
        %select_n3A_338 = arith.select %ge3A, %broadcast_in_dim3A_337, %while3A_300 : vector<16xf32>
        %mul3A_339 = arith.constant 16 : i32
        %mul3A_340 = arith.muli %while3A_291, %mul3A_339 : i32
        %get3A_341 = arith.index_cast %mul3A_340 : i32 to index
        %get3A_342 = tpu.vector_load %arg8[%get3A_341] {strides = array<i32>} : memref<5120xf32, #tpu.memory_space<vmem>>, vector<16xf32>,
        %sub3A_343 = arith.subi %squeeze3A_310, %squeeze3A_304 : i32
        %max3A_344 = arith.constant 1 : i32
        %max3A_345 = arith.maxsi %sub3A_343, %max3A_344 : i32
        %convert_element_type3A_346 = arith.sitofp %max3A_345 : i32 to f32
        %bitcast_convert_type3A = arith.bitcast %convert_element_type3A_346 : f32 to i32
        %shift_right_logical3A = arith.constant 1 : i32
        %shift_right_logical3A_347 = arith.shrui %bitcast_convert_type3A, %shift_right_logical3A : i32
        %sub3A_348 = arith.constant 1597463007 : i32
        %sub3A_349 = arith.subi %sub3A_348, %shift_right_logical3A_347 : i32
        %bitcast_convert_type3A_350 = arith.bitcast %sub3A_349 : i32 to f32
        %mul3A_351 = arith.constant 5.000000e-01 : f32
        %mul3A_352 = arith.mulf %mul3A_351, %convert_element_type3A_346 : f32
        %mul3A_353 = arith.mulf %mul3A_352, %bitcast_convert_type3A_350 : f32
        %mul3A_354 = arith.mulf %mul3A_353, %bitcast_convert_type3A_350 : f32
        %sub3A_355 = arith.constant 1.500000e+00 : f32
        %sub3A_356 = arith.subf %sub3A_355, %mul3A_354 : f32
        %mul3A_357 = arith.mulf %bitcast_convert_type3A_350, %sub3A_356 : f32
        %mul3A_358 = arith.constant 5.000000e-01 : f32
        %mul3A_359 = arith.mulf %mul3A_358, %convert_element_type3A_346 : f32
        %mul3A_360 = arith.mulf %mul3A_359, %mul3A_357 : f32
        %mul3A_361 = arith.mulf %mul3A_360, %mul3A_357 : f32
        %sub3A_362 = arith.constant 1.500000e+00 : f32
        %sub3A_363 = arith.subf %sub3A_362, %mul3A_361 : f32
        %mul3A_364 = arith.mulf %mul3A_357, %sub3A_363 : f32
        %mul3A_365 = arith.constant 5.000000e-01 : f32
        %mul3A_366 = arith.mulf %mul3A_365, %convert_element_type3A_346 : f32
        %mul3A_367 = arith.mulf %mul3A_366, %mul3A_364 : f32
        %mul3A_368 = arith.mulf %mul3A_367, %mul3A_364 : f32
        %sub3A_369 = arith.constant 1.500000e+00 : f32
        %sub3A_370 = arith.subf %sub3A_369, %mul3A_368 : f32
        %mul3A_371 = arith.mulf %mul3A_364, %sub3A_370 : f32
        %sub3A_372 = arith.subi %max3A, %add3A_233 : i32
        %sub3A_373 = arith.subi %min3A_311, %add3A_233 : i32
        %while3A_374 = arith.subi %sub3A_373, %sub3A_372 : i32
        %while3A_375 = arith.addi %sub3A_372, %while3A_374 : i32
        %while3A_376 = arith.constant 1 : i32
        %while3A_377 = arith.divsi %while3A_374, %while3A_376 : i32
        %while3A_378 = arith.muli %while3A_377, %while3A_376 : i32
        %while3A_379 = arith.addi %sub3A_372, %while3A_378 : i32
        %while3A_380 = arith.constant 1 : i32
        %while3A_381:9 = scf.for %while3A_388 = %sub3A_372 to %while3A_379 step %while3A_380 iter_args(%while3A_389 = %select_n3A_314, %while3A_390 = %select_n3A_317, %while3A_391 = %select_n3A_320, %while3A_392 = %select_n3A_323, %while3A_393 = %select_n3A_326, %while3A_394 = %select_n3A_329, %while3A_395 = %select_n3A_332, %while3A_396 = %select_n3A_335, %while3A_397 = %select_n3A_338) -> (vector<16xf32>, vector<16xf32>, vector<16xf32>, vector<16xf32>, vector<16xf32>, vector<16xf32>, vector<16xf32>, vector<16xf32>, vector<16xf32>)  : i32 {
          %add3A_398 = arith.addi %while3A_388, %sub3A_237 : i32
          %mul3A_399 = arith.constant 8 : i32
          %mul3A_400 = arith.muli %add3A_398, %mul3A_399 : i32
          %get3A_401 = arith.index_cast %mul3A_400 : i32 to index
          %get3A_402 = tpu.vector_load %arg13[%get3A_401] {strides = array<i32>} : memref<2064xf32, #tpu.memory_space<vmem>>, vector<16xf32>,
          %sub3A_403 = arith.subf %get3A_402, %get3A_342 : vector<16xf32>
          %mul3A_404 = vector.broadcast %mul3A_371 : f32 to vector<16xf32>
          %mul3A_405 = arith.mulf %sub3A_403, %mul3A_404 : vector<16xf32>
          %exp3A = math.exp %mul3A_405 : vector<16xf32>
          %jit3A_406 = arith.constant 0.000000e+00 : f32
          %broadcast_in_dim3A_407 = vector.broadcast %jit3A_406 : f32 to vector<16xf32>
          %select_n3A_408 = arith.select %lt3A_27, %exp3A, %broadcast_in_dim3A_407 : vector<16xi1>, vector<16xf32>
          %add3A_409 = arith.addf %while3A_389, %select_n3A_408 : vector<16xf32>
          %broadcast_in_dim3A_410 = arith.constant 0 : i32
          %broadcast_in_dim3A_411 = vector.broadcast %broadcast_in_dim3A_410 : i32 to vector<16x1xi32>
          %gather3A = vector.shape_cast %broadcast_in_dim3A_411 : vector<16x1xi32> to vector<16xi32>
          %gather3A_412 = tpu.dynamic_gather %exp3A[%gather3A] in [0] : vector<16xf32>, vector<16xi32> -> vector<16xf32>
          %get3A_413 = arith.index_cast %add3A_398 : i32 to index
          %get3A_414 = arith.constant 0 : index
          %get3A_415 = tpu.vector_load %arg15[%get3A_413, %get3A_414] {strides = array<i32>} : memref<256x128xf32, #tpu.memory_space<vmem>>, vector<16xf32>,
          %mul3A_416 = arith.mulf %gather3A_412, %get3A_415 : vector<16xf32>
          %add3A_417 = arith.addf %while3A_390, %mul3A_416 : vector<16xf32>
          %broadcast_in_dim3A_418 = arith.constant 1 : i32
          %broadcast_in_dim3A_419 = vector.broadcast %broadcast_in_dim3A_418 : i32 to vector<16x1xi32>
          %gather3A_420 = vector.shape_cast %broadcast_in_dim3A_419 : vector<16x1xi32> to vector<16xi32>
          %gather3A_421 = tpu.dynamic_gather %exp3A[%gather3A_420] in [0] : vector<16xf32>, vector<16xi32> -> vector<16xf32>
          %get3A_422 = arith.index_cast %add3A_398 : i32 to index
          %get3A_423 = arith.constant 16 : index
          %get3A_424 = tpu.vector_load %arg15[%get3A_422, %get3A_423] {strides = array<i32>} : memref<256x128xf32, #tpu.memory_space<vmem>>, vector<16xf32>,
          %mul3A_425 = arith.mulf %gather3A_421, %get3A_424 : vector<16xf32>
          %add3A_426 = arith.addf %while3A_391, %mul3A_425 : vector<16xf32>
          %broadcast_in_dim3A_427 = arith.constant 2 : i32
          %broadcast_in_dim3A_428 = vector.broadcast %broadcast_in_dim3A_427 : i32 to vector<16x1xi32>
          %gather3A_429 = vector.shape_cast %broadcast_in_dim3A_428 : vector<16x1xi32> to vector<16xi32>
          %gather3A_430 = tpu.dynamic_gather %exp3A[%gather3A_429] in [0] : vector<16xf32>, vector<16xi32> -> vector<16xf32>
          %get3A_431 = arith.index_cast %add3A_398 : i32 to index
          %get3A_432 = arith.constant 32 : index
          %get3A_433 = tpu.vector_load %arg15[%get3A_431, %get3A_432] {strides = array<i32>} : memref<256x128xf32, #tpu.memory_space<vmem>>, vector<16xf32>,
          %mul3A_434 = arith.mulf %gather3A_430, %get3A_433 : vector<16xf32>
          %add3A_435 = arith.addf %while3A_392, %mul3A_434 : vector<16xf32>
          %broadcast_in_dim3A_436 = arith.constant 3 : i32
          %broadcast_in_dim3A_437 = vector.broadcast %broadcast_in_dim3A_436 : i32 to vector<16x1xi32>
          %gather3A_438 = vector.shape_cast %broadcast_in_dim3A_437 : vector<16x1xi32> to vector<16xi32>
          %gather3A_439 = tpu.dynamic_gather %exp3A[%gather3A_438] in [0] : vector<16xf32>, vector<16xi32> -> vector<16xf32>
          %get3A_440 = arith.index_cast %add3A_398 : i32 to index
          %get3A_441 = arith.constant 48 : index
          %get3A_442 = tpu.vector_load %arg15[%get3A_440, %get3A_441] {strides = array<i32>} : memref<256x128xf32, #tpu.memory_space<vmem>>, vector<16xf32>,
          %mul3A_443 = arith.mulf %gather3A_439, %get3A_442 : vector<16xf32>
          %add3A_444 = arith.addf %while3A_393, %mul3A_443 : vector<16xf32>
          %broadcast_in_dim3A_445 = arith.constant 4 : i32
          %broadcast_in_dim3A_446 = vector.broadcast %broadcast_in_dim3A_445 : i32 to vector<16x1xi32>
          %gather3A_447 = vector.shape_cast %broadcast_in_dim3A_446 : vector<16x1xi32> to vector<16xi32>
          %gather3A_448 = tpu.dynamic_gather %exp3A[%gather3A_447] in [0] : vector<16xf32>, vector<16xi32> -> vector<16xf32>
          %get3A_449 = arith.index_cast %add3A_398 : i32 to index
          %get3A_450 = arith.constant 64 : index
          %get3A_451 = tpu.vector_load %arg15[%get3A_449, %get3A_450] {strides = array<i32>} : memref<256x128xf32, #tpu.memory_space<vmem>>, vector<16xf32>,
          %mul3A_452 = arith.mulf %gather3A_448, %get3A_451 : vector<16xf32>
          %add3A_453 = arith.addf %while3A_394, %mul3A_452 : vector<16xf32>
          %broadcast_in_dim3A_454 = arith.constant 5 : i32
          %broadcast_in_dim3A_455 = vector.broadcast %broadcast_in_dim3A_454 : i32 to vector<16x1xi32>
          %gather3A_456 = vector.shape_cast %broadcast_in_dim3A_455 : vector<16x1xi32> to vector<16xi32>
          %gather3A_457 = tpu.dynamic_gather %exp3A[%gather3A_456] in [0] : vector<16xf32>, vector<16xi32> -> vector<16xf32>
          %get3A_458 = arith.index_cast %add3A_398 : i32 to index
          %get3A_459 = arith.constant 80 : index
          %get3A_460 = tpu.vector_load %arg15[%get3A_458, %get3A_459] {strides = array<i32>} : memref<256x128xf32, #tpu.memory_space<vmem>>, vector<16xf32>,
          %mul3A_461 = arith.mulf %gather3A_457, %get3A_460 : vector<16xf32>
          %add3A_462 = arith.addf %while3A_395, %mul3A_461 : vector<16xf32>
          %broadcast_in_dim3A_463 = arith.constant 6 : i32
          %broadcast_in_dim3A_464 = vector.broadcast %broadcast_in_dim3A_463 : i32 to vector<16x1xi32>
          %gather3A_465 = vector.shape_cast %broadcast_in_dim3A_464 : vector<16x1xi32> to vector<16xi32>
          %gather3A_466 = tpu.dynamic_gather %exp3A[%gather3A_465] in [0] : vector<16xf32>, vector<16xi32> -> vector<16xf32>
          %get3A_467 = arith.index_cast %add3A_398 : i32 to index
          %get3A_468 = arith.constant 96 : index
          %get3A_469 = tpu.vector_load %arg15[%get3A_467, %get3A_468] {strides = array<i32>} : memref<256x128xf32, #tpu.memory_space<vmem>>, vector<16xf32>,
          %mul3A_470 = arith.mulf %gather3A_466, %get3A_469 : vector<16xf32>
          %add3A_471 = arith.addf %while3A_396, %mul3A_470 : vector<16xf32>
          %broadcast_in_dim3A_472 = arith.constant 7 : i32
          %broadcast_in_dim3A_473 = vector.broadcast %broadcast_in_dim3A_472 : i32 to vector<16x1xi32>
          %gather3A_474 = vector.shape_cast %broadcast_in_dim3A_473 : vector<16x1xi32> to vector<16xi32>
          %gather3A_475 = tpu.dynamic_gather %exp3A[%gather3A_474] in [0] : vector<16xf32>, vector<16xi32> -> vector<16xf32>
          %get3A_476 = arith.index_cast %add3A_398 : i32 to index
          %get3A_477 = arith.constant 112 : index
          %get3A_478 = tpu.vector_load %arg15[%get3A_476, %get3A_477] {strides = array<i32>} : memref<256x128xf32, #tpu.memory_space<vmem>>, vector<16xf32>,
          %mul3A_479 = arith.mulf %gather3A_475, %get3A_478 : vector<16xf32>
          %add3A_480 = arith.addf %while3A_397, %mul3A_479 : vector<16xf32>
          scf.yield %add3A_409, %add3A_417, %add3A_426, %add3A_435, %add3A_444, %add3A_453, %add3A_462, %add3A_471, %add3A_480 : vector<16xf32>, vector<16xf32>, vector<16xf32>, vector<16xf32>, vector<16xf32>, vector<16xf32>, vector<16xf32>, vector<16xf32>, vector<16xf32>
        }
        %while3A_382 = arith.constant 1 : i32
        %while3A_383:9 = scf.for %while3A_388 = %while3A_379 to %while3A_375 step %while3A_382 iter_args(%while3A_389 = %while3A_381#0, %while3A_390 = %while3A_381#1, %while3A_391 = %while3A_381#2, %while3A_392 = %while3A_381#3, %while3A_393 = %while3A_381#4, %while3A_394 = %while3A_381#5, %while3A_395 = %while3A_381#6, %while3A_396 = %while3A_381#7, %while3A_397 = %while3A_381#8) -> (vector<16xf32>, vector<16xf32>, vector<16xf32>, vector<16xf32>, vector<16xf32>, vector<16xf32>, vector<16xf32>, vector<16xf32>, vector<16xf32>)  : i32 {
          %add3A_398 = arith.addi %while3A_388, %sub3A_237 : i32
          %mul3A_399 = arith.constant 8 : i32
          %mul3A_400 = arith.muli %add3A_398, %mul3A_399 : i32
          %get3A_401 = arith.index_cast %mul3A_400 : i32 to index
          %get3A_402 = tpu.vector_load %arg13[%get3A_401] {strides = array<i32>} : memref<2064xf32, #tpu.memory_space<vmem>>, vector<16xf32>,
          %sub3A_403 = arith.subf %get3A_402, %get3A_342 : vector<16xf32>
          %mul3A_404 = vector.broadcast %mul3A_371 : f32 to vector<16xf32>
          %mul3A_405 = arith.mulf %sub3A_403, %mul3A_404 : vector<16xf32>
          %exp3A = math.exp %mul3A_405 : vector<16xf32>
          %jit3A_406 = arith.constant 0.000000e+00 : f32
          %broadcast_in_dim3A_407 = vector.broadcast %jit3A_406 : f32 to vector<16xf32>
          %select_n3A_408 = arith.select %lt3A_27, %exp3A, %broadcast_in_dim3A_407 : vector<16xi1>, vector<16xf32>
          %add3A_409 = arith.addf %while3A_389, %select_n3A_408 : vector<16xf32>
          %broadcast_in_dim3A_410 = arith.constant 0 : i32
          %broadcast_in_dim3A_411 = vector.broadcast %broadcast_in_dim3A_410 : i32 to vector<16x1xi32>
          %gather3A = vector.shape_cast %broadcast_in_dim3A_411 : vector<16x1xi32> to vector<16xi32>
          %gather3A_412 = tpu.dynamic_gather %exp3A[%gather3A] in [0] : vector<16xf32>, vector<16xi32> -> vector<16xf32>
          %get3A_413 = arith.index_cast %add3A_398 : i32 to index
          %get3A_414 = arith.constant 0 : index
          %get3A_415 = tpu.vector_load %arg15[%get3A_413, %get3A_414] {strides = array<i32>} : memref<256x128xf32, #tpu.memory_space<vmem>>, vector<16xf32>,
          %mul3A_416 = arith.mulf %gather3A_412, %get3A_415 : vector<16xf32>
          %add3A_417 = arith.addf %while3A_390, %mul3A_416 : vector<16xf32>
          %broadcast_in_dim3A_418 = arith.constant 1 : i32
          %broadcast_in_dim3A_419 = vector.broadcast %broadcast_in_dim3A_418 : i32 to vector<16x1xi32>
          %gather3A_420 = vector.shape_cast %broadcast_in_dim3A_419 : vector<16x1xi32> to vector<16xi32>
          %gather3A_421 = tpu.dynamic_gather %exp3A[%gather3A_420] in [0] : vector<16xf32>, vector<16xi32> -> vector<16xf32>
          %get3A_422 = arith.index_cast %add3A_398 : i32 to index
          %get3A_423 = arith.constant 16 : index
          %get3A_424 = tpu.vector_load %arg15[%get3A_422, %get3A_423] {strides = array<i32>} : memref<256x128xf32, #tpu.memory_space<vmem>>, vector<16xf32>,
          %mul3A_425 = arith.mulf %gather3A_421, %get3A_424 : vector<16xf32>
          %add3A_426 = arith.addf %while3A_391, %mul3A_425 : vector<16xf32>
          %broadcast_in_dim3A_427 = arith.constant 2 : i32
          %broadcast_in_dim3A_428 = vector.broadcast %broadcast_in_dim3A_427 : i32 to vector<16x1xi32>
          %gather3A_429 = vector.shape_cast %broadcast_in_dim3A_428 : vector<16x1xi32> to vector<16xi32>
          %gather3A_430 = tpu.dynamic_gather %exp3A[%gather3A_429] in [0] : vector<16xf32>, vector<16xi32> -> vector<16xf32>
          %get3A_431 = arith.index_cast %add3A_398 : i32 to index
          %get3A_432 = arith.constant 32 : index
          %get3A_433 = tpu.vector_load %arg15[%get3A_431, %get3A_432] {strides = array<i32>} : memref<256x128xf32, #tpu.memory_space<vmem>>, vector<16xf32>,
          %mul3A_434 = arith.mulf %gather3A_430, %get3A_433 : vector<16xf32>
          %add3A_435 = arith.addf %while3A_392, %mul3A_434 : vector<16xf32>
          %broadcast_in_dim3A_436 = arith.constant 3 : i32
          %broadcast_in_dim3A_437 = vector.broadcast %broadcast_in_dim3A_436 : i32 to vector<16x1xi32>
          %gather3A_438 = vector.shape_cast %broadcast_in_dim3A_437 : vector<16x1xi32> to vector<16xi32>
          %gather3A_439 = tpu.dynamic_gather %exp3A[%gather3A_438] in [0] : vector<16xf32>, vector<16xi32> -> vector<16xf32>
          %get3A_440 = arith.index_cast %add3A_398 : i32 to index
          %get3A_441 = arith.constant 48 : index
          %get3A_442 = tpu.vector_load %arg15[%get3A_440, %get3A_441] {strides = array<i32>} : memref<256x128xf32, #tpu.memory_space<vmem>>, vector<16xf32>,
          %mul3A_443 = arith.mulf %gather3A_439, %get3A_442 : vector<16xf32>
          %add3A_444 = arith.addf %while3A_393, %mul3A_443 : vector<16xf32>
          %broadcast_in_dim3A_445 = arith.constant 4 : i32
          %broadcast_in_dim3A_446 = vector.broadcast %broadcast_in_dim3A_445 : i32 to vector<16x1xi32>
          %gather3A_447 = vector.shape_cast %broadcast_in_dim3A_446 : vector<16x1xi32> to vector<16xi32>
          %gather3A_448 = tpu.dynamic_gather %exp3A[%gather3A_447] in [0] : vector<16xf32>, vector<16xi32> -> vector<16xf32>
          %get3A_449 = arith.index_cast %add3A_398 : i32 to index
          %get3A_450 = arith.constant 64 : index
          %get3A_451 = tpu.vector_load %arg15[%get3A_449, %get3A_450] {strides = array<i32>} : memref<256x128xf32, #tpu.memory_space<vmem>>, vector<16xf32>,
          %mul3A_452 = arith.mulf %gather3A_448, %get3A_451 : vector<16xf32>
          %add3A_453 = arith.addf %while3A_394, %mul3A_452 : vector<16xf32>
          %broadcast_in_dim3A_454 = arith.constant 5 : i32
          %broadcast_in_dim3A_455 = vector.broadcast %broadcast_in_dim3A_454 : i32 to vector<16x1xi32>
          %gather3A_456 = vector.shape_cast %broadcast_in_dim3A_455 : vector<16x1xi32> to vector<16xi32>
          %gather3A_457 = tpu.dynamic_gather %exp3A[%gather3A_456] in [0] : vector<16xf32>, vector<16xi32> -> vector<16xf32>
          %get3A_458 = arith.index_cast %add3A_398 : i32 to index
          %get3A_459 = arith.constant 80 : index
          %get3A_460 = tpu.vector_load %arg15[%get3A_458, %get3A_459] {strides = array<i32>} : memref<256x128xf32, #tpu.memory_space<vmem>>, vector<16xf32>,
          %mul3A_461 = arith.mulf %gather3A_457, %get3A_460 : vector<16xf32>
          %add3A_462 = arith.addf %while3A_395, %mul3A_461 : vector<16xf32>
          %broadcast_in_dim3A_463 = arith.constant 6 : i32
          %broadcast_in_dim3A_464 = vector.broadcast %broadcast_in_dim3A_463 : i32 to vector<16x1xi32>
          %gather3A_465 = vector.shape_cast %broadcast_in_dim3A_464 : vector<16x1xi32> to vector<16xi32>
          %gather3A_466 = tpu.dynamic_gather %exp3A[%gather3A_465] in [0] : vector<16xf32>, vector<16xi32> -> vector<16xf32>
          %get3A_467 = arith.index_cast %add3A_398 : i32 to index
          %get3A_468 = arith.constant 96 : index
          %get3A_469 = tpu.vector_load %arg15[%get3A_467, %get3A_468] {strides = array<i32>} : memref<256x128xf32, #tpu.memory_space<vmem>>, vector<16xf32>,
          %mul3A_470 = arith.mulf %gather3A_466, %get3A_469 : vector<16xf32>
          %add3A_471 = arith.addf %while3A_396, %mul3A_470 : vector<16xf32>
          %broadcast_in_dim3A_472 = arith.constant 7 : i32
          %broadcast_in_dim3A_473 = vector.broadcast %broadcast_in_dim3A_472 : i32 to vector<16x1xi32>
          %gather3A_474 = vector.shape_cast %broadcast_in_dim3A_473 : vector<16x1xi32> to vector<16xi32>
          %gather3A_475 = tpu.dynamic_gather %exp3A[%gather3A_474] in [0] : vector<16xf32>, vector<16xi32> -> vector<16xf32>
          %get3A_476 = arith.index_cast %add3A_398 : i32 to index
          %get3A_477 = arith.constant 112 : index
          %get3A_478 = tpu.vector_load %arg15[%get3A_476, %get3A_477] {strides = array<i32>} : memref<256x128xf32, #tpu.memory_space<vmem>>, vector<16xf32>,
          %mul3A_479 = arith.mulf %gather3A_475, %get3A_478 : vector<16xf32>
          %add3A_480 = arith.addf %while3A_397, %mul3A_479 : vector<16xf32>
          scf.yield %add3A_409, %add3A_417, %add3A_426, %add3A_435, %add3A_444, %add3A_453, %add3A_462, %add3A_471, %add3A_480 : vector<16xf32>, vector<16xf32>, vector<16xf32>, vector<16xf32>, vector<16xf32>, vector<16xf32>, vector<16xf32>, vector<16xf32>, vector<16xf32>
        }
        %le3A_384 = arith.cmpi sle, %squeeze3A_310, %add3A_255 : i32
        %convert_element_type3A_385 = arith.extui %le3A_384 : i1 to i32
        %cond3A_386 = arith.constant 0 : i32
        %cond3A_387 = arith.cmpi ne, %convert_element_type3A_385, %cond3A_386 : i32
        scf.if %cond3A_387 {
          %add3A_388 = arith.constant 1 : i32
          %add3A_389 = arith.addi %while3A_291, %add3A_388 : i32
          %get3A_390 = arith.index_cast %add3A_389 : i32 to index
          %get3A_391 = tpu.vector_load %arg7[%get3A_390] {strides = array<i32>} : memref<344xi32, #tpu.memory_space<vmem>>, vector<16xi32>,
          %slice3A_392 = vector.extract_strided_slice %get3A_391 {offsets = [0], sizes = [1], strides = [1]} : vector<16xi32> to vector<1xi32>
          %squeeze3A_393 = vector.extract %slice3A_392[0] : i32 from vector<1xi32>
          %get3A_394 = arith.index_cast %while3A_291 : i32 to index
          %get3A_395 = tpu.vector_load %arg7[%get3A_394] {strides = array<i32>} : memref<344xi32, #tpu.memory_space<vmem>>, vector<16xi32>,
          %slice3A_396 = vector.extract_strided_slice %get3A_395 {offsets = [0], sizes = [1], strides = [1]} : vector<16xi32> to vector<1xi32>
          %squeeze3A_397 = vector.extract %slice3A_396[0] : i32 from vector<1xi32>
          %sub3A_398 = arith.subi %squeeze3A_393, %squeeze3A_397 : i32
          %jit3A_399 = arith.constant 0.000000e+00 : f32
          %broadcast_in_dim3A_400 = vector.broadcast %jit3A_399 : f32 to vector<16xf32>
          %select_n3A_401 = arith.select %lt3A_27, %get3A_342, %broadcast_in_dim3A_400 : vector<16xi1>, vector<16xf32>
          %mul3A_402 = arith.mulf %select_n3A_401, %get3A_71 : vector<16xf32>
          %add3A_403 = arith.addf %mul3A_402, %get3A_73 : vector<16xf32>
          %max3A_404 = arith.constant 0.000000e+00 : f32
          %max3A_405 = vector.broadcast %max3A_404 : f32 to vector<16xf32>
          %max3A_406 = arith.maximumf %add3A_403, %max3A_405 : vector<16xf32>
          %add3A_407 = arith.addf %max3A_406, %max3A_406 : vector<16xf32>
          %exp3A = math.exp %add3A_407 : vector<16xf32>
          %add3A_408 = arith.constant 1.000000e+00 : f32
          %add3A_409 = vector.broadcast %add3A_408 : f32 to vector<16xf32>
          %add3A_410 = arith.addf %exp3A, %add3A_409 : vector<16xf32>
          %div3A_411 = arith.constant 2.000000e+00 : f32
          %div3A_412 = vector.broadcast %div3A_411 : f32 to vector<16xf32>
          %div3A_413 = arith.divf %div3A_412, %add3A_410 : vector<16xf32>
          %sub3A_414 = arith.constant 1.000000e+00 : f32
          %sub3A_415 = vector.broadcast %sub3A_414 : f32 to vector<16xf32>
          %sub3A_416 = arith.subf %sub3A_415, %div3A_413 : vector<16xf32>
          %add3A_417 = arith.constant 9.99999996E-13 : f32
          %add3A_418 = vector.broadcast %add3A_417 : f32 to vector<16xf32>
          %add3A_419 = arith.addf %while3A_383#0, %add3A_418 : vector<16xf32>
          %div3A_420 = arith.divf %sub3A_416, %add3A_419 : vector<16xf32>
          %gt3A_421 = arith.constant 0 : i32
          %gt3A_422 = arith.cmpi sgt, %sub3A_398, %gt3A_421 : i32
          %jit3A_423 = arith.constant 0.000000e+00 : f32
          %broadcast_in_dim3A_424 = vector.broadcast %jit3A_423 : f32 to vector<16xf32>
          %select_n3A_425 = arith.select %gt3A_422, %div3A_420, %broadcast_in_dim3A_424 : vector<16xf32>
          %broadcast_in_dim3A_426 = arith.constant 0 : i32
          %broadcast_in_dim3A_427 = vector.broadcast %broadcast_in_dim3A_426 : i32 to vector<16x1xi32>
          %gather3A = vector.shape_cast %broadcast_in_dim3A_427 : vector<16x1xi32> to vector<16xi32>
          %gather3A_428 = tpu.dynamic_gather %select_n3A_425[%gather3A] in [0] : vector<16xf32>, vector<16xi32> -> vector<16xf32>
          %mul3A_429 = arith.mulf %while3A_383#1, %gather3A_428 : vector<16xf32>
          %swap3A = arith.index_cast %while3A_291 : i32 to index
          %swap3A_430 = arith.constant 0 : index
          %swap3A_431 = tpu.vector_load %arg9[%swap3A, %swap3A_430] {strides = array<i32>} : memref<320x128xf32, #tpu.memory_space<vmem>>, vector<16xf32>,
          tpu.vector_store %arg9[%swap3A, %swap3A_430], %mul3A_429 {strides = array<i32>} : memref<320x128xf32, #tpu.memory_space<vmem>>, vector<16xf32>,
          %broadcast_in_dim3A_432 = arith.constant 1 : i32
          %broadcast_in_dim3A_433 = vector.broadcast %broadcast_in_dim3A_432 : i32 to vector<16x1xi32>
          %gather3A_434 = vector.shape_cast %broadcast_in_dim3A_433 : vector<16x1xi32> to vector<16xi32>
          %gather3A_435 = tpu.dynamic_gather %select_n3A_425[%gather3A_434] in [0] : vector<16xf32>, vector<16xi32> -> vector<16xf32>
          %mul3A_436 = arith.mulf %while3A_383#2, %gather3A_435 : vector<16xf32>
          %swap3A_437 = arith.index_cast %while3A_291 : i32 to index
          %swap3A_438 = arith.constant 16 : index
          %swap3A_439 = tpu.vector_load %arg9[%swap3A_437, %swap3A_438] {strides = array<i32>} : memref<320x128xf32, #tpu.memory_space<vmem>>, vector<16xf32>,
          tpu.vector_store %arg9[%swap3A_437, %swap3A_438], %mul3A_436 {strides = array<i32>} : memref<320x128xf32, #tpu.memory_space<vmem>>, vector<16xf32>,
          %broadcast_in_dim3A_440 = arith.constant 2 : i32
          %broadcast_in_dim3A_441 = vector.broadcast %broadcast_in_dim3A_440 : i32 to vector<16x1xi32>
          %gather3A_442 = vector.shape_cast %broadcast_in_dim3A_441 : vector<16x1xi32> to vector<16xi32>
          %gather3A_443 = tpu.dynamic_gather %select_n3A_425[%gather3A_442] in [0] : vector<16xf32>, vector<16xi32> -> vector<16xf32>
          %mul3A_444 = arith.mulf %while3A_383#3, %gather3A_443 : vector<16xf32>
          %swap3A_445 = arith.index_cast %while3A_291 : i32 to index
          %swap3A_446 = arith.constant 32 : index
          %swap3A_447 = tpu.vector_load %arg9[%swap3A_445, %swap3A_446] {strides = array<i32>} : memref<320x128xf32, #tpu.memory_space<vmem>>, vector<16xf32>,
          tpu.vector_store %arg9[%swap3A_445, %swap3A_446], %mul3A_444 {strides = array<i32>} : memref<320x128xf32, #tpu.memory_space<vmem>>, vector<16xf32>,
          %broadcast_in_dim3A_448 = arith.constant 3 : i32
          %broadcast_in_dim3A_449 = vector.broadcast %broadcast_in_dim3A_448 : i32 to vector<16x1xi32>
          %gather3A_450 = vector.shape_cast %broadcast_in_dim3A_449 : vector<16x1xi32> to vector<16xi32>
          %gather3A_451 = tpu.dynamic_gather %select_n3A_425[%gather3A_450] in [0] : vector<16xf32>, vector<16xi32> -> vector<16xf32>
          %mul3A_452 = arith.mulf %while3A_383#4, %gather3A_451 : vector<16xf32>
          %swap3A_453 = arith.index_cast %while3A_291 : i32 to index
          %swap3A_454 = arith.constant 48 : index
          %swap3A_455 = tpu.vector_load %arg9[%swap3A_453, %swap3A_454] {strides = array<i32>} : memref<320x128xf32, #tpu.memory_space<vmem>>, vector<16xf32>,
          tpu.vector_store %arg9[%swap3A_453, %swap3A_454], %mul3A_452 {strides = array<i32>} : memref<320x128xf32, #tpu.memory_space<vmem>>, vector<16xf32>,
          %broadcast_in_dim3A_456 = arith.constant 4 : i32
          %broadcast_in_dim3A_457 = vector.broadcast %broadcast_in_dim3A_456 : i32 to vector<16x1xi32>
          %gather3A_458 = vector.shape_cast %broadcast_in_dim3A_457 : vector<16x1xi32> to vector<16xi32>
          %gather3A_459 = tpu.dynamic_gather %select_n3A_425[%gather3A_458] in [0] : vector<16xf32>, vector<16xi32> -> vector<16xf32>
          %mul3A_460 = arith.mulf %while3A_383#5, %gather3A_459 : vector<16xf32>
          %swap3A_461 = arith.index_cast %while3A_291 : i32 to index
          %swap3A_462 = arith.constant 64 : index
          %swap3A_463 = tpu.vector_load %arg9[%swap3A_461, %swap3A_462] {strides = array<i32>} : memref<320x128xf32, #tpu.memory_space<vmem>>, vector<16xf32>,
          tpu.vector_store %arg9[%swap3A_461, %swap3A_462], %mul3A_460 {strides = array<i32>} : memref<320x128xf32, #tpu.memory_space<vmem>>, vector<16xf32>,
          %broadcast_in_dim3A_464 = arith.constant 5 : i32
          %broadcast_in_dim3A_465 = vector.broadcast %broadcast_in_dim3A_464 : i32 to vector<16x1xi32>
          %gather3A_466 = vector.shape_cast %broadcast_in_dim3A_465 : vector<16x1xi32> to vector<16xi32>
          %gather3A_467 = tpu.dynamic_gather %select_n3A_425[%gather3A_466] in [0] : vector<16xf32>, vector<16xi32> -> vector<16xf32>
          %mul3A_468 = arith.mulf %while3A_383#6, %gather3A_467 : vector<16xf32>
          %swap3A_469 = arith.index_cast %while3A_291 : i32 to index
          %swap3A_470 = arith.constant 80 : index
          %swap3A_471 = tpu.vector_load %arg9[%swap3A_469, %swap3A_470] {strides = array<i32>} : memref<320x128xf32, #tpu.memory_space<vmem>>, vector<16xf32>,
          tpu.vector_store %arg9[%swap3A_469, %swap3A_470], %mul3A_468 {strides = array<i32>} : memref<320x128xf32, #tpu.memory_space<vmem>>, vector<16xf32>,
          %broadcast_in_dim3A_472 = arith.constant 6 : i32
          %broadcast_in_dim3A_473 = vector.broadcast %broadcast_in_dim3A_472 : i32 to vector<16x1xi32>
          %gather3A_474 = vector.shape_cast %broadcast_in_dim3A_473 : vector<16x1xi32> to vector<16xi32>
          %gather3A_475 = tpu.dynamic_gather %select_n3A_425[%gather3A_474] in [0] : vector<16xf32>, vector<16xi32> -> vector<16xf32>
          %mul3A_476 = arith.mulf %while3A_383#7, %gather3A_475 : vector<16xf32>
          %swap3A_477 = arith.index_cast %while3A_291 : i32 to index
          %swap3A_478 = arith.constant 96 : index
          %swap3A_479 = tpu.vector_load %arg9[%swap3A_477, %swap3A_478] {strides = array<i32>} : memref<320x128xf32, #tpu.memory_space<vmem>>, vector<16xf32>,
          tpu.vector_store %arg9[%swap3A_477, %swap3A_478], %mul3A_476 {strides = array<i32>} : memref<320x128xf32, #tpu.memory_space<vmem>>, vector<16xf32>,
          %broadcast_in_dim3A_480 = arith.constant 7 : i32
          %broadcast_in_dim3A_481 = vector.broadcast %broadcast_in_dim3A_480 : i32 to vector<16x1xi32>
          %gather3A_482 = vector.shape_cast %broadcast_in_dim3A_481 : vector<16x1xi32> to vector<16xi32>
          %gather3A_483 = tpu.dynamic_gather %select_n3A_425[%gather3A_482] in [0] : vector<16xf32>, vector<16xi32> -> vector<16xf32>
          %mul3A_484 = arith.mulf %while3A_383#8, %gather3A_483 : vector<16xf32>
          %swap3A_485 = arith.index_cast %while3A_291 : i32 to index
          %swap3A_486 = arith.constant 112 : index
          %swap3A_487 = tpu.vector_load %arg9[%swap3A_485, %swap3A_486] {strides = array<i32>} : memref<320x128xf32, #tpu.memory_space<vmem>>, vector<16xf32>,
          tpu.vector_store %arg9[%swap3A_485, %swap3A_486], %mul3A_484 {strides = array<i32>} : memref<320x128xf32, #tpu.memory_space<vmem>>, vector<16xf32>,
        } else {
        }
        scf.yield %while3A_383#0, %while3A_383#1, %while3A_383#2, %while3A_383#3, %while3A_383#4, %while3A_383#5, %while3A_383#6, %while3A_383#7, %while3A_383#8 : vector<16xf32>, vector<16xf32>, vector<16xf32>, vector<16xf32>, vector<16xf32>, vector<16xf32>, vector<16xf32>, vector<16xf32>, vector<16xf32>
      }
      %add3A_281 = arith.constant 1 : i32
      %add3A_282 = arith.addi %select_n3A_268, %add3A_281 : i32
      %get3A_283 = arith.index_cast %add3A_282 : i32 to index
      %get3A_284 = tpu.vector_load %arg7[%get3A_283] {strides = array<i32>} : memref<344xi32, #tpu.memory_space<vmem>>, vector<16xi32>,
      %slice3A_285 = vector.extract_strided_slice %get3A_284 {offsets = [0], sizes = [1], strides = [1]} : vector<16xi32> to vector<1xi32>
      %squeeze3A_286 = vector.extract %slice3A_285[0] : i32 from vector<1xi32>
      %le3A_287 = arith.cmpi sle, %squeeze3A_286, %add3A_255 : i32
      %add3A_288 = arith.constant 1 : i32
      %add3A_289 = arith.addi %select_n3A_268, %add3A_288 : i32
      %select_n3A_290 = arith.select %le3A_287, %add3A_289, %select_n3A_268 : i32
      scf.yield %select_n3A_290, %while3A_280#0, %while3A_280#1, %while3A_280#2, %while3A_280#3, %while3A_280#4, %while3A_280#5, %while3A_280#6, %while3A_280#7, %while3A_280#8 : i32, vector<16xf32>, vector<16xf32>, vector<16xf32>, vector<16xf32>, vector<16xf32>, vector<16xf32>, vector<16xf32>, vector<16xf32>, vector<16xf32>
    }
    %while3A_139 = arith.constant 1 : i32
    %while3A_140:10 = scf.for %while3A_153 = %while3A_136 to %while3A_132 step %while3A_139 iter_args(%while3A_154 = %while3A_138#0, %while3A_155 = %while3A_138#1, %while3A_156 = %while3A_138#2, %while3A_157 = %while3A_138#3, %while3A_158 = %while3A_138#4, %while3A_159 = %while3A_138#5, %while3A_160 = %while3A_138#6, %while3A_161 = %while3A_138#7, %while3A_162 = %while3A_138#8, %while3A_163 = %while3A_138#9) -> (i32, vector<16xf32>, vector<16xf32>, vector<16xf32>, vector<16xf32>, vector<16xf32>, vector<16xf32>, vector<16xf32>, vector<16xf32>, vector<16xf32>)  : i32 {
      %mul3A_164 = arith.constant 2 : i32
      %mul3A_165 = arith.muli %while3A_153, %mul3A_164 : i32
      %add3A_166 = arith.constant 0 : i32
      %add3A_167 = arith.addi %mul3A_165, %add3A_166 : i32
      %lt3A_168 = arith.cmpi slt, %add3A_167, %select_n3A_100 : i32
      %mul3A_169 = arith.constant 256 : i32
      %mul3A_170 = arith.muli %add3A_167, %mul3A_169 : i32
      %add3A_171 = arith.addi %mul3A_25, %mul3A_170 : i32
      %min3A = arith.constant 319744 : i32
      %min3A_172 = arith.minsi %add3A_171, %min3A : i32
      %multiple_of3A_173 = tpu.assume_multiple %min3A_172, 128 : i32
      %sub3A_174 = arith.subi %add3A_171, %multiple_of3A_173 : i32
      %convert_element_type3A_175 = arith.extui %lt3A_168 : i1 to i32
      %cond3A_176 = arith.constant 0 : i32
      %cond3A_177 = arith.cmpi ne, %convert_element_type3A_175, %cond3A_176 : i32
      scf.if %cond3A_177 {
        %mul3A_291 = arith.constant 256 : i32
        %mul3A_292 = arith.muli %add3A_167, %mul3A_291 : i32
        %add3A_293 = arith.addi %mul3A_25, %mul3A_292 : i32
        %min3A_294 = arith.constant 319744 : i32
        %min3A_295 = arith.minsi %add3A_293, %min3A_294 : i32
        %multiple_of3A_296 = tpu.assume_multiple %min3A_295, 128 : i32
        %dma_wait3A = arith.constant 0 : i32
        %dma_wait3A_297 = tpu.memref_slice %arg3[%dma_wait3A, %multiple_of3A_296] : memref<8x320000xf32, #tpu.memory_space<hbm>> -> memref<8x256xf32, #tpu.memory_space<hbm>>
        %dma_wait3A_298 = arith.constant 0 : i32
        %dma_wait3A_299 = tpu.memref_slice %arg3[%dma_wait3A_298, %multiple_of3A_296] : memref<8x320000xf32, #tpu.memory_space<hbm>> -> memref<8x256xf32, #tpu.memory_space<hbm>>
        tpu.wait_dma2 semaphore(%arg17 : memref<!tpu.dma_semaphore, #tpu.memory_space<semaphore_mem>>) src(%dma_wait3A_299 : memref<8x256xf32, #tpu.memory_space<hbm>>) dst(%arg11 : memref<8x256xf32, #tpu.memory_space<vmem>>)
        %dma_wait3A_300 = arith.constant 0 : i32
        %dma_wait3A_301 = tpu.memref_slice %arg4[%multiple_of3A_296, %dma_wait3A_300] : memref<320000x128xf32, #tpu.memory_space<hbm>> -> memref<256x128xf32, #tpu.memory_space<hbm>>
        %dma_wait3A_302 = arith.constant 0 : i32
        %dma_wait3A_303 = tpu.memref_slice %arg4[%multiple_of3A_296, %dma_wait3A_302] : memref<320000x128xf32, #tpu.memory_space<hbm>> -> memref<256x128xf32, #tpu.memory_space<hbm>>
        tpu.wait_dma2 semaphore(%arg17 : memref<!tpu.dma_semaphore, #tpu.memory_space<semaphore_mem>>) src(%dma_wait3A_303 : memref<256x128xf32, #tpu.memory_space<hbm>>) dst(%arg14 : memref<256x128xf32, #tpu.memory_space<vmem>>)
      } else {
      }
      %add3A_178 = arith.constant 1 : i32
      %add3A_179 = arith.addi %add3A_167, %add3A_178 : i32
      %lt3A_180 = arith.cmpi slt, %add3A_179, %select_n3A_100 : i32
      %convert_element_type3A_181 = arith.extui %lt3A_180 : i1 to i32
      %cond3A_182 = arith.constant 0 : i32
      %cond3A_183 = arith.cmpi ne, %convert_element_type3A_181, %cond3A_182 : i32
      scf.if %cond3A_183 {
        %add3A_291 = arith.constant 1 : i32
        %add3A_292 = arith.addi %add3A_167, %add3A_291 : i32
        %mul3A_293 = arith.constant 256 : i32
        %mul3A_294 = arith.muli %add3A_292, %mul3A_293 : i32
        %add3A_295 = arith.addi %mul3A_25, %mul3A_294 : i32
        %min3A_296 = arith.constant 319744 : i32
        %min3A_297 = arith.minsi %add3A_295, %min3A_296 : i32
        %multiple_of3A_298 = tpu.assume_multiple %min3A_297, 128 : i32
        %dma_start3A = arith.constant 0 : i32
        %dma_start3A_299 = tpu.memref_slice %arg3[%dma_start3A, %multiple_of3A_298] : memref<8x320000xf32, #tpu.memory_space<hbm>> -> memref<8x256xf32, #tpu.memory_space<hbm>>
        %dma_start3A_300 = arith.constant 0 : i32
        %dma_start3A_301 = tpu.memref_slice %arg3[%dma_start3A_300, %multiple_of3A_298] : memref<8x320000xf32, #tpu.memory_space<hbm>> -> memref<8x256xf32, #tpu.memory_space<hbm>>
        tpu.enqueue_dma source(%dma_start3A_301 : memref<8x256xf32, #tpu.memory_space<hbm>>) target(%arg12 : memref<8x256xf32, #tpu.memory_space<vmem>>) target_semaphore(%arg18 : memref<!tpu.dma_semaphore, #tpu.memory_space<semaphore_mem>>)
        %dma_start3A_302 = arith.constant 0 : i32
        %dma_start3A_303 = tpu.memref_slice %arg4[%multiple_of3A_298, %dma_start3A_302] : memref<320000x128xf32, #tpu.memory_space<hbm>> -> memref<256x128xf32, #tpu.memory_space<hbm>>
        %dma_start3A_304 = arith.constant 0 : i32
        %dma_start3A_305 = tpu.memref_slice %arg4[%multiple_of3A_298, %dma_start3A_304] : memref<320000x128xf32, #tpu.memory_space<hbm>> -> memref<256x128xf32, #tpu.memory_space<hbm>>
        tpu.enqueue_dma source(%dma_start3A_305 : memref<256x128xf32, #tpu.memory_space<hbm>>) target(%arg15 : memref<256x128xf32, #tpu.memory_space<vmem>>) target_semaphore(%arg18 : memref<!tpu.dma_semaphore, #tpu.memory_space<semaphore_mem>>)
      } else {
      }
      %convert_element_type3A_184 = arith.extui %lt3A_168 : i1 to i32
      %cond3A_185 = arith.constant 0 : i32
      %cond3A_186 = arith.cmpi ne, %convert_element_type3A_184, %cond3A_185 : i32
      scf.if %cond3A_186 {
        %scan3A_291 = arith.constant 0 : i32
        %scan3A_292 = arith.constant 0 : i32
        %scan3A_293 = arith.constant 16 : i32
        %scan3A_294 = arith.addi %scan3A_292, %scan3A_293 : i32
        %scan3A_295 = arith.constant 1 : i32
        %scan3A_296 = scf.for %scan3A_298 = %scan3A_292 to %scan3A_294 step %scan3A_295 iter_args(%scan3A_299 = %scan3A_291) -> (i32)  : i32 {
          %mul3A_300 = arith.constant 16 : i32
          %mul3A_301 = arith.muli %scan3A_298, %mul3A_300 : i32
          %add3A_302 = vector.broadcast %mul3A_301 : i32 to vector<16xi32>
          %add3A_303 = arith.addi %add3A_302, %iota3A : vector<16xi32>
          %mul3A_304 = arith.constant 8 : i32
          %mul3A_305 = vector.broadcast %mul3A_304 : i32 to vector<16xi32>
          %mul3A_306 = arith.muli %add3A_303, %mul3A_305 : vector<16xi32>
          %add3A_307 = arith.constant 0 : i32
          %add3A_308 = vector.broadcast %add3A_307 : i32 to vector<16xi32>
          %add3A_309 = arith.addi %mul3A_306, %add3A_308 : vector<16xi32>
          %get3A_310 = arith.constant 0 : i32
          %get3A_311 = arith.index_cast %get3A_310 : i32 to index
          %get3A_312 = arith.index_cast %mul3A_301 : i32 to index
          %get3A_313 = tpu.vector_load %arg11[%get3A_311, %get3A_312] {strides = array<i32>} : memref<8x256xf32, #tpu.memory_space<vmem>>, vector<16xf32>,
          tpu.vector_store_idx %arg13[%add3A_309], %get3A_313 : memref<2064xf32, #tpu.memory_space<vmem>>[vector<16xi32>], vector<16xf32>,
          %add3A_314 = arith.constant 1 : i32
          %add3A_315 = vector.broadcast %add3A_314 : i32 to vector<16xi32>
          %add3A_316 = arith.addi %mul3A_306, %add3A_315 : vector<16xi32>
          %get3A_317 = arith.constant 1 : i32
          %get3A_318 = arith.index_cast %get3A_317 : i32 to index
          %get3A_319 = arith.index_cast %mul3A_301 : i32 to index
          %get3A_320 = tpu.vector_load %arg11[%get3A_318, %get3A_319] {strides = array<i32>} : memref<8x256xf32, #tpu.memory_space<vmem>>, vector<16xf32>,
          tpu.vector_store_idx %arg13[%add3A_316], %get3A_320 : memref<2064xf32, #tpu.memory_space<vmem>>[vector<16xi32>], vector<16xf32>,
          %add3A_321 = arith.constant 2 : i32
          %add3A_322 = vector.broadcast %add3A_321 : i32 to vector<16xi32>
          %add3A_323 = arith.addi %mul3A_306, %add3A_322 : vector<16xi32>
          %get3A_324 = arith.constant 2 : i32
          %get3A_325 = arith.index_cast %get3A_324 : i32 to index
          %get3A_326 = arith.index_cast %mul3A_301 : i32 to index
          %get3A_327 = tpu.vector_load %arg11[%get3A_325, %get3A_326] {strides = array<i32>} : memref<8x256xf32, #tpu.memory_space<vmem>>, vector<16xf32>,
          tpu.vector_store_idx %arg13[%add3A_323], %get3A_327 : memref<2064xf32, #tpu.memory_space<vmem>>[vector<16xi32>], vector<16xf32>,
          %add3A_328 = arith.constant 3 : i32
          %add3A_329 = vector.broadcast %add3A_328 : i32 to vector<16xi32>
          %add3A_330 = arith.addi %mul3A_306, %add3A_329 : vector<16xi32>
          %get3A_331 = arith.constant 3 : i32
          %get3A_332 = arith.index_cast %get3A_331 : i32 to index
          %get3A_333 = arith.index_cast %mul3A_301 : i32 to index
          %get3A_334 = tpu.vector_load %arg11[%get3A_332, %get3A_333] {strides = array<i32>} : memref<8x256xf32, #tpu.memory_space<vmem>>, vector<16xf32>,
          tpu.vector_store_idx %arg13[%add3A_330], %get3A_334 : memref<2064xf32, #tpu.memory_space<vmem>>[vector<16xi32>], vector<16xf32>,
          %add3A_335 = arith.constant 4 : i32
          %add3A_336 = vector.broadcast %add3A_335 : i32 to vector<16xi32>
          %add3A_337 = arith.addi %mul3A_306, %add3A_336 : vector<16xi32>
          %get3A_338 = arith.constant 4 : i32
          %get3A_339 = arith.index_cast %get3A_338 : i32 to index
          %get3A_340 = arith.index_cast %mul3A_301 : i32 to index
          %get3A_341 = tpu.vector_load %arg11[%get3A_339, %get3A_340] {strides = array<i32>} : memref<8x256xf32, #tpu.memory_space<vmem>>, vector<16xf32>,
          tpu.vector_store_idx %arg13[%add3A_337], %get3A_341 : memref<2064xf32, #tpu.memory_space<vmem>>[vector<16xi32>], vector<16xf32>,
          %add3A_342 = arith.constant 5 : i32
          %add3A_343 = vector.broadcast %add3A_342 : i32 to vector<16xi32>
          %add3A_344 = arith.addi %mul3A_306, %add3A_343 : vector<16xi32>
          %get3A_345 = arith.constant 5 : i32
          %get3A_346 = arith.index_cast %get3A_345 : i32 to index
          %get3A_347 = arith.index_cast %mul3A_301 : i32 to index
          %get3A_348 = tpu.vector_load %arg11[%get3A_346, %get3A_347] {strides = array<i32>} : memref<8x256xf32, #tpu.memory_space<vmem>>, vector<16xf32>,
          tpu.vector_store_idx %arg13[%add3A_344], %get3A_348 : memref<2064xf32, #tpu.memory_space<vmem>>[vector<16xi32>], vector<16xf32>,
          %add3A_349 = arith.constant 6 : i32
          %add3A_350 = vector.broadcast %add3A_349 : i32 to vector<16xi32>
          %add3A_351 = arith.addi %mul3A_306, %add3A_350 : vector<16xi32>
          %get3A_352 = arith.constant 6 : i32
          %get3A_353 = arith.index_cast %get3A_352 : i32 to index
          %get3A_354 = arith.index_cast %mul3A_301 : i32 to index
          %get3A_355 = tpu.vector_load %arg11[%get3A_353, %get3A_354] {strides = array<i32>} : memref<8x256xf32, #tpu.memory_space<vmem>>, vector<16xf32>,
          tpu.vector_store_idx %arg13[%add3A_351], %get3A_355 : memref<2064xf32, #tpu.memory_space<vmem>>[vector<16xi32>], vector<16xf32>,
          %add3A_356 = arith.constant 7 : i32
          %add3A_357 = vector.broadcast %add3A_356 : i32 to vector<16xi32>
          %add3A_358 = arith.addi %mul3A_306, %add3A_357 : vector<16xi32>
          %get3A_359 = arith.constant 7 : i32
          %get3A_360 = arith.index_cast %get3A_359 : i32 to index
          %get3A_361 = arith.index_cast %mul3A_301 : i32 to index
          %get3A_362 = tpu.vector_load %arg11[%get3A_360, %get3A_361] {strides = array<i32>} : memref<8x256xf32, #tpu.memory_space<vmem>>, vector<16xf32>,
          tpu.vector_store_idx %arg13[%add3A_358], %get3A_362 : memref<2064xf32, #tpu.memory_space<vmem>>[vector<16xi32>], vector<16xf32>,
          %scan3A_363 = arith.constant 0 : i32
          scf.yield %scan3A_363 : i32
        }
        %scan3A_297 = arith.constant 16 : i32
      } else {
      }
      %sub3A_187 = arith.subi %squeeze3A_7, %add3A_171 : i32
      %min3A_188 = arith.constant 256 : i32
      %min3A_189 = arith.minsi %min3A_188, %sub3A_187 : i32
      %jit3A_190 = arith.constant 0 : i32
      %select_n3A_191 = arith.select %lt3A_168, %min3A_189, %jit3A_190 : i32
      %add3A_192 = arith.addi %add3A_171, %select_n3A_191 : i32
      %sub3A_193 = arith.constant 1 : i32
      %sub3A_194 = arith.subi %add3A_192, %sub3A_193 : i32
      %scan3A = arith.constant 0 : i32
      %scan3A_195 = arith.constant 320 : i32
      %scan3A_196 = arith.constant 0 : i32
      %scan3A_197 = arith.constant 9 : i32
      %scan3A_198 = arith.addi %scan3A_196, %scan3A_197 : i32
      %scan3A_199 = arith.constant 1 : i32
      %scan3A_200:2 = scf.for %scan3A_291 = %scan3A_196 to %scan3A_198 step %scan3A_199 iter_args(%scan3A_292 = %scan3A, %scan3A_293 = %scan3A_195) -> (i32, i32)  : i32 {
        %add3A_294 = arith.addi %scan3A_292, %scan3A_293 : i32
        %shift_right_logical3A = arith.constant 1 : i32
        %shift_right_logical3A_295 = arith.shrui %add3A_294, %shift_right_logical3A : i32
        %get3A_296 = arith.index_cast %shift_right_logical3A_295 : i32 to index
        %get3A_297 = tpu.vector_load %arg7[%get3A_296] {strides = array<i32>} : memref<344xi32, #tpu.memory_space<vmem>>, vector<16xi32>,
        %slice3A_298 = vector.extract_strided_slice %get3A_297 {offsets = [0], sizes = [1], strides = [1]} : vector<16xi32> to vector<1xi32>
        %squeeze3A_299 = vector.extract %slice3A_298[0] : i32 from vector<1xi32>
        %le3A_300 = arith.cmpi sle, %squeeze3A_299, %sub3A_194 : i32
        %select_n3A_301 = arith.select %le3A_300, %shift_right_logical3A_295, %scan3A_292 : i32
        %select_n3A_302 = arith.select %le3A_300, %scan3A_293, %shift_right_logical3A_295 : i32
        scf.yield %select_n3A_301, %select_n3A_302 : i32, i32
      }
      %scan3A_201 = arith.constant 9 : i32
      %sub3A_202 = arith.constant 1 : i32
      %sub3A_203 = arith.subi %while3A_154, %sub3A_202 : i32
      %select_n3A_204 = arith.select %lt3A_168, %scan3A_200#0, %sub3A_203 : i32
      %add3A_205 = arith.constant 1 : i32
      %add3A_206 = arith.addi %select_n3A_204, %add3A_205 : i32
      %while3A_207 = arith.subi %add3A_206, %while3A_154 : i32
      %while3A_208 = arith.addi %while3A_154, %while3A_207 : i32
      %while3A_209 = arith.constant 1 : i32
      %while3A_210 = arith.divsi %while3A_207, %while3A_209 : i32
      %while3A_211 = arith.muli %while3A_210, %while3A_209 : i32
      %while3A_212 = arith.addi %while3A_154, %while3A_211 : i32
      %while3A_213 = arith.constant 1 : i32
      %while3A_214:9 = scf.for %while3A_291 = %while3A_154 to %while3A_212 step %while3A_213 iter_args(%while3A_292 = %while3A_155, %while3A_293 = %while3A_156, %while3A_294 = %while3A_157, %while3A_295 = %while3A_158, %while3A_296 = %while3A_159, %while3A_297 = %while3A_160, %while3A_298 = %while3A_161, %while3A_299 = %while3A_162, %while3A_300 = %while3A_163) -> (vector<16xf32>, vector<16xf32>, vector<16xf32>, vector<16xf32>, vector<16xf32>, vector<16xf32>, vector<16xf32>, vector<16xf32>, vector<16xf32>)  : i32 {
        %get3A_301 = arith.index_cast %while3A_291 : i32 to index
        %get3A_302 = tpu.vector_load %arg7[%get3A_301] {strides = array<i32>} : memref<344xi32, #tpu.memory_space<vmem>>, vector<16xi32>,
        %slice3A_303 = vector.extract_strided_slice %get3A_302 {offsets = [0], sizes = [1], strides = [1]} : vector<16xi32> to vector<1xi32>
        %squeeze3A_304 = vector.extract %slice3A_303[0] : i32 from vector<1xi32>
        %add3A_305 = arith.constant 1 : i32
        %add3A_306 = arith.addi %while3A_291, %add3A_305 : i32
        %get3A_307 = arith.index_cast %add3A_306 : i32 to index
        %get3A_308 = tpu.vector_load %arg7[%get3A_307] {strides = array<i32>} : memref<344xi32, #tpu.memory_space<vmem>>, vector<16xi32>,
        %slice3A_309 = vector.extract_strided_slice %get3A_308 {offsets = [0], sizes = [1], strides = [1]} : vector<16xi32> to vector<1xi32>
        %squeeze3A_310 = vector.extract %slice3A_309[0] : i32 from vector<1xi32>
        %max3A = arith.maxsi %squeeze3A_304, %add3A_171 : i32
        %min3A_311 = arith.minsi %squeeze3A_310, %add3A_192 : i32
        %ge3A = arith.cmpi sge, %squeeze3A_304, %add3A_171 : i32
        %jit3A_312 = arith.constant 0.000000e+00 : f32
        %broadcast_in_dim3A_313 = vector.broadcast %jit3A_312 : f32 to vector<16xf32>
        %select_n3A_314 = arith.select %ge3A, %broadcast_in_dim3A_313, %while3A_292 : vector<16xf32>
        %jit3A_315 = arith.constant 0.000000e+00 : f32
        %broadcast_in_dim3A_316 = vector.broadcast %jit3A_315 : f32 to vector<16xf32>
        %select_n3A_317 = arith.select %ge3A, %broadcast_in_dim3A_316, %while3A_293 : vector<16xf32>
        %jit3A_318 = arith.constant 0.000000e+00 : f32
        %broadcast_in_dim3A_319 = vector.broadcast %jit3A_318 : f32 to vector<16xf32>
        %select_n3A_320 = arith.select %ge3A, %broadcast_in_dim3A_319, %while3A_294 : vector<16xf32>
        %jit3A_321 = arith.constant 0.000000e+00 : f32
        %broadcast_in_dim3A_322 = vector.broadcast %jit3A_321 : f32 to vector<16xf32>
        %select_n3A_323 = arith.select %ge3A, %broadcast_in_dim3A_322, %while3A_295 : vector<16xf32>
        %jit3A_324 = arith.constant 0.000000e+00 : f32
        %broadcast_in_dim3A_325 = vector.broadcast %jit3A_324 : f32 to vector<16xf32>
        %select_n3A_326 = arith.select %ge3A, %broadcast_in_dim3A_325, %while3A_296 : vector<16xf32>
        %jit3A_327 = arith.constant 0.000000e+00 : f32
        %broadcast_in_dim3A_328 = vector.broadcast %jit3A_327 : f32 to vector<16xf32>
        %select_n3A_329 = arith.select %ge3A, %broadcast_in_dim3A_328, %while3A_297 : vector<16xf32>
        %jit3A_330 = arith.constant 0.000000e+00 : f32
        %broadcast_in_dim3A_331 = vector.broadcast %jit3A_330 : f32 to vector<16xf32>
        %select_n3A_332 = arith.select %ge3A, %broadcast_in_dim3A_331, %while3A_298 : vector<16xf32>
        %jit3A_333 = arith.constant 0.000000e+00 : f32
        %broadcast_in_dim3A_334 = vector.broadcast %jit3A_333 : f32 to vector<16xf32>
        %select_n3A_335 = arith.select %ge3A, %broadcast_in_dim3A_334, %while3A_299 : vector<16xf32>
        %jit3A_336 = arith.constant 0.000000e+00 : f32
        %broadcast_in_dim3A_337 = vector.broadcast %jit3A_336 : f32 to vector<16xf32>
        %select_n3A_338 = arith.select %ge3A, %broadcast_in_dim3A_337, %while3A_300 : vector<16xf32>
        %mul3A_339 = arith.constant 16 : i32
        %mul3A_340 = arith.muli %while3A_291, %mul3A_339 : i32
        %get3A_341 = arith.index_cast %mul3A_340 : i32 to index
        %get3A_342 = tpu.vector_load %arg8[%get3A_341] {strides = array<i32>} : memref<5120xf32, #tpu.memory_space<vmem>>, vector<16xf32>,
        %sub3A_343 = arith.subi %squeeze3A_310, %squeeze3A_304 : i32
        %max3A_344 = arith.constant 1 : i32
        %max3A_345 = arith.maxsi %sub3A_343, %max3A_344 : i32
        %convert_element_type3A_346 = arith.sitofp %max3A_345 : i32 to f32
        %bitcast_convert_type3A = arith.bitcast %convert_element_type3A_346 : f32 to i32
        %shift_right_logical3A = arith.constant 1 : i32
        %shift_right_logical3A_347 = arith.shrui %bitcast_convert_type3A, %shift_right_logical3A : i32
        %sub3A_348 = arith.constant 1597463007 : i32
        %sub3A_349 = arith.subi %sub3A_348, %shift_right_logical3A_347 : i32
        %bitcast_convert_type3A_350 = arith.bitcast %sub3A_349 : i32 to f32
        %mul3A_351 = arith.constant 5.000000e-01 : f32
        %mul3A_352 = arith.mulf %mul3A_351, %convert_element_type3A_346 : f32
        %mul3A_353 = arith.mulf %mul3A_352, %bitcast_convert_type3A_350 : f32
        %mul3A_354 = arith.mulf %mul3A_353, %bitcast_convert_type3A_350 : f32
        %sub3A_355 = arith.constant 1.500000e+00 : f32
        %sub3A_356 = arith.subf %sub3A_355, %mul3A_354 : f32
        %mul3A_357 = arith.mulf %bitcast_convert_type3A_350, %sub3A_356 : f32
        %mul3A_358 = arith.constant 5.000000e-01 : f32
        %mul3A_359 = arith.mulf %mul3A_358, %convert_element_type3A_346 : f32
        %mul3A_360 = arith.mulf %mul3A_359, %mul3A_357 : f32
        %mul3A_361 = arith.mulf %mul3A_360, %mul3A_357 : f32
        %sub3A_362 = arith.constant 1.500000e+00 : f32
        %sub3A_363 = arith.subf %sub3A_362, %mul3A_361 : f32
        %mul3A_364 = arith.mulf %mul3A_357, %sub3A_363 : f32
        %mul3A_365 = arith.constant 5.000000e-01 : f32
        %mul3A_366 = arith.mulf %mul3A_365, %convert_element_type3A_346 : f32
        %mul3A_367 = arith.mulf %mul3A_366, %mul3A_364 : f32
        %mul3A_368 = arith.mulf %mul3A_367, %mul3A_364 : f32
        %sub3A_369 = arith.constant 1.500000e+00 : f32
        %sub3A_370 = arith.subf %sub3A_369, %mul3A_368 : f32
        %mul3A_371 = arith.mulf %mul3A_364, %sub3A_370 : f32
        %sub3A_372 = arith.subi %max3A, %add3A_171 : i32
        %sub3A_373 = arith.subi %min3A_311, %add3A_171 : i32
        %while3A_374 = arith.subi %sub3A_373, %sub3A_372 : i32
        %while3A_375 = arith.addi %sub3A_372, %while3A_374 : i32
        %while3A_376 = arith.constant 1 : i32
        %while3A_377 = arith.divsi %while3A_374, %while3A_376 : i32
        %while3A_378 = arith.muli %while3A_377, %while3A_376 : i32
        %while3A_379 = arith.addi %sub3A_372, %while3A_378 : i32
        %while3A_380 = arith.constant 1 : i32
        %while3A_381:9 = scf.for %while3A_388 = %sub3A_372 to %while3A_379 step %while3A_380 iter_args(%while3A_389 = %select_n3A_314, %while3A_390 = %select_n3A_317, %while3A_391 = %select_n3A_320, %while3A_392 = %select_n3A_323, %while3A_393 = %select_n3A_326, %while3A_394 = %select_n3A_329, %while3A_395 = %select_n3A_332, %while3A_396 = %select_n3A_335, %while3A_397 = %select_n3A_338) -> (vector<16xf32>, vector<16xf32>, vector<16xf32>, vector<16xf32>, vector<16xf32>, vector<16xf32>, vector<16xf32>, vector<16xf32>, vector<16xf32>)  : i32 {
          %add3A_398 = arith.addi %while3A_388, %sub3A_174 : i32
          %mul3A_399 = arith.constant 8 : i32
          %mul3A_400 = arith.muli %add3A_398, %mul3A_399 : i32
          %get3A_401 = arith.index_cast %mul3A_400 : i32 to index
          %get3A_402 = tpu.vector_load %arg13[%get3A_401] {strides = array<i32>} : memref<2064xf32, #tpu.memory_space<vmem>>, vector<16xf32>,
          %sub3A_403 = arith.subf %get3A_402, %get3A_342 : vector<16xf32>
          %mul3A_404 = vector.broadcast %mul3A_371 : f32 to vector<16xf32>
          %mul3A_405 = arith.mulf %sub3A_403, %mul3A_404 : vector<16xf32>
          %exp3A = math.exp %mul3A_405 : vector<16xf32>
          %jit3A_406 = arith.constant 0.000000e+00 : f32
          %broadcast_in_dim3A_407 = vector.broadcast %jit3A_406 : f32 to vector<16xf32>
          %select_n3A_408 = arith.select %lt3A_27, %exp3A, %broadcast_in_dim3A_407 : vector<16xi1>, vector<16xf32>
          %add3A_409 = arith.addf %while3A_389, %select_n3A_408 : vector<16xf32>
          %broadcast_in_dim3A_410 = arith.constant 0 : i32
          %broadcast_in_dim3A_411 = vector.broadcast %broadcast_in_dim3A_410 : i32 to vector<16x1xi32>
          %gather3A = vector.shape_cast %broadcast_in_dim3A_411 : vector<16x1xi32> to vector<16xi32>
          %gather3A_412 = tpu.dynamic_gather %exp3A[%gather3A] in [0] : vector<16xf32>, vector<16xi32> -> vector<16xf32>
          %get3A_413 = arith.index_cast %add3A_398 : i32 to index
          %get3A_414 = arith.constant 0 : index
          %get3A_415 = tpu.vector_load %arg14[%get3A_413, %get3A_414] {strides = array<i32>} : memref<256x128xf32, #tpu.memory_space<vmem>>, vector<16xf32>,
          %mul3A_416 = arith.mulf %gather3A_412, %get3A_415 : vector<16xf32>
          %add3A_417 = arith.addf %while3A_390, %mul3A_416 : vector<16xf32>
          %broadcast_in_dim3A_418 = arith.constant 1 : i32
          %broadcast_in_dim3A_419 = vector.broadcast %broadcast_in_dim3A_418 : i32 to vector<16x1xi32>
          %gather3A_420 = vector.shape_cast %broadcast_in_dim3A_419 : vector<16x1xi32> to vector<16xi32>
          %gather3A_421 = tpu.dynamic_gather %exp3A[%gather3A_420] in [0] : vector<16xf32>, vector<16xi32> -> vector<16xf32>
          %get3A_422 = arith.index_cast %add3A_398 : i32 to index
          %get3A_423 = arith.constant 16 : index
          %get3A_424 = tpu.vector_load %arg14[%get3A_422, %get3A_423] {strides = array<i32>} : memref<256x128xf32, #tpu.memory_space<vmem>>, vector<16xf32>,
          %mul3A_425 = arith.mulf %gather3A_421, %get3A_424 : vector<16xf32>
          %add3A_426 = arith.addf %while3A_391, %mul3A_425 : vector<16xf32>
          %broadcast_in_dim3A_427 = arith.constant 2 : i32
          %broadcast_in_dim3A_428 = vector.broadcast %broadcast_in_dim3A_427 : i32 to vector<16x1xi32>
          %gather3A_429 = vector.shape_cast %broadcast_in_dim3A_428 : vector<16x1xi32> to vector<16xi32>
          %gather3A_430 = tpu.dynamic_gather %exp3A[%gather3A_429] in [0] : vector<16xf32>, vector<16xi32> -> vector<16xf32>
          %get3A_431 = arith.index_cast %add3A_398 : i32 to index
          %get3A_432 = arith.constant 32 : index
          %get3A_433 = tpu.vector_load %arg14[%get3A_431, %get3A_432] {strides = array<i32>} : memref<256x128xf32, #tpu.memory_space<vmem>>, vector<16xf32>,
          %mul3A_434 = arith.mulf %gather3A_430, %get3A_433 : vector<16xf32>
          %add3A_435 = arith.addf %while3A_392, %mul3A_434 : vector<16xf32>
          %broadcast_in_dim3A_436 = arith.constant 3 : i32
          %broadcast_in_dim3A_437 = vector.broadcast %broadcast_in_dim3A_436 : i32 to vector<16x1xi32>
          %gather3A_438 = vector.shape_cast %broadcast_in_dim3A_437 : vector<16x1xi32> to vector<16xi32>
          %gather3A_439 = tpu.dynamic_gather %exp3A[%gather3A_438] in [0] : vector<16xf32>, vector<16xi32> -> vector<16xf32>
          %get3A_440 = arith.index_cast %add3A_398 : i32 to index
          %get3A_441 = arith.constant 48 : index
          %get3A_442 = tpu.vector_load %arg14[%get3A_440, %get3A_441] {strides = array<i32>} : memref<256x128xf32, #tpu.memory_space<vmem>>, vector<16xf32>,
          %mul3A_443 = arith.mulf %gather3A_439, %get3A_442 : vector<16xf32>
          %add3A_444 = arith.addf %while3A_393, %mul3A_443 : vector<16xf32>
          %broadcast_in_dim3A_445 = arith.constant 4 : i32
          %broadcast_in_dim3A_446 = vector.broadcast %broadcast_in_dim3A_445 : i32 to vector<16x1xi32>
          %gather3A_447 = vector.shape_cast %broadcast_in_dim3A_446 : vector<16x1xi32> to vector<16xi32>
          %gather3A_448 = tpu.dynamic_gather %exp3A[%gather3A_447] in [0] : vector<16xf32>, vector<16xi32> -> vector<16xf32>
          %get3A_449 = arith.index_cast %add3A_398 : i32 to index
          %get3A_450 = arith.constant 64 : index
          %get3A_451 = tpu.vector_load %arg14[%get3A_449, %get3A_450] {strides = array<i32>} : memref<256x128xf32, #tpu.memory_space<vmem>>, vector<16xf32>,
          %mul3A_452 = arith.mulf %gather3A_448, %get3A_451 : vector<16xf32>
          %add3A_453 = arith.addf %while3A_394, %mul3A_452 : vector<16xf32>
          %broadcast_in_dim3A_454 = arith.constant 5 : i32
          %broadcast_in_dim3A_455 = vector.broadcast %broadcast_in_dim3A_454 : i32 to vector<16x1xi32>
          %gather3A_456 = vector.shape_cast %broadcast_in_dim3A_455 : vector<16x1xi32> to vector<16xi32>
          %gather3A_457 = tpu.dynamic_gather %exp3A[%gather3A_456] in [0] : vector<16xf32>, vector<16xi32> -> vector<16xf32>
          %get3A_458 = arith.index_cast %add3A_398 : i32 to index
          %get3A_459 = arith.constant 80 : index
          %get3A_460 = tpu.vector_load %arg14[%get3A_458, %get3A_459] {strides = array<i32>} : memref<256x128xf32, #tpu.memory_space<vmem>>, vector<16xf32>,
          %mul3A_461 = arith.mulf %gather3A_457, %get3A_460 : vector<16xf32>
          %add3A_462 = arith.addf %while3A_395, %mul3A_461 : vector<16xf32>
          %broadcast_in_dim3A_463 = arith.constant 6 : i32
          %broadcast_in_dim3A_464 = vector.broadcast %broadcast_in_dim3A_463 : i32 to vector<16x1xi32>
          %gather3A_465 = vector.shape_cast %broadcast_in_dim3A_464 : vector<16x1xi32> to vector<16xi32>
          %gather3A_466 = tpu.dynamic_gather %exp3A[%gather3A_465] in [0] : vector<16xf32>, vector<16xi32> -> vector<16xf32>
          %get3A_467 = arith.index_cast %add3A_398 : i32 to index
          %get3A_468 = arith.constant 96 : index
          %get3A_469 = tpu.vector_load %arg14[%get3A_467, %get3A_468] {strides = array<i32>} : memref<256x128xf32, #tpu.memory_space<vmem>>, vector<16xf32>,
          %mul3A_470 = arith.mulf %gather3A_466, %get3A_469 : vector<16xf32>
          %add3A_471 = arith.addf %while3A_396, %mul3A_470 : vector<16xf32>
          %broadcast_in_dim3A_472 = arith.constant 7 : i32
          %broadcast_in_dim3A_473 = vector.broadcast %broadcast_in_dim3A_472 : i32 to vector<16x1xi32>
          %gather3A_474 = vector.shape_cast %broadcast_in_dim3A_473 : vector<16x1xi32> to vector<16xi32>
          %gather3A_475 = tpu.dynamic_gather %exp3A[%gather3A_474] in [0] : vector<16xf32>, vector<16xi32> -> vector<16xf32>
          %get3A_476 = arith.index_cast %add3A_398 : i32 to index
          %get3A_477 = arith.constant 112 : index
          %get3A_478 = tpu.vector_load %arg14[%get3A_476, %get3A_477] {strides = array<i32>} : memref<256x128xf32, #tpu.memory_space<vmem>>, vector<16xf32>,
          %mul3A_479 = arith.mulf %gather3A_475, %get3A_478 : vector<16xf32>
          %add3A_480 = arith.addf %while3A_397, %mul3A_479 : vector<16xf32>
          scf.yield %add3A_409, %add3A_417, %add3A_426, %add3A_435, %add3A_444, %add3A_453, %add3A_462, %add3A_471, %add3A_480 : vector<16xf32>, vector<16xf32>, vector<16xf32>, vector<16xf32>, vector<16xf32>, vector<16xf32>, vector<16xf32>, vector<16xf32>, vector<16xf32>
        }
        %while3A_382 = arith.constant 1 : i32
        %while3A_383:9 = scf.for %while3A_388 = %while3A_379 to %while3A_375 step %while3A_382 iter_args(%while3A_389 = %while3A_381#0, %while3A_390 = %while3A_381#1, %while3A_391 = %while3A_381#2, %while3A_392 = %while3A_381#3, %while3A_393 = %while3A_381#4, %while3A_394 = %while3A_381#5, %while3A_395 = %while3A_381#6, %while3A_396 = %while3A_381#7, %while3A_397 = %while3A_381#8) -> (vector<16xf32>, vector<16xf32>, vector<16xf32>, vector<16xf32>, vector<16xf32>, vector<16xf32>, vector<16xf32>, vector<16xf32>, vector<16xf32>)  : i32 {
          %add3A_398 = arith.addi %while3A_388, %sub3A_174 : i32
          %mul3A_399 = arith.constant 8 : i32
          %mul3A_400 = arith.muli %add3A_398, %mul3A_399 : i32
          %get3A_401 = arith.index_cast %mul3A_400 : i32 to index
          %get3A_402 = tpu.vector_load %arg13[%get3A_401] {strides = array<i32>} : memref<2064xf32, #tpu.memory_space<vmem>>, vector<16xf32>,
          %sub3A_403 = arith.subf %get3A_402, %get3A_342 : vector<16xf32>
          %mul3A_404 = vector.broadcast %mul3A_371 : f32 to vector<16xf32>
          %mul3A_405 = arith.mulf %sub3A_403, %mul3A_404 : vector<16xf32>
          %exp3A = math.exp %mul3A_405 : vector<16xf32>
          %jit3A_406 = arith.constant 0.000000e+00 : f32
          %broadcast_in_dim3A_407 = vector.broadcast %jit3A_406 : f32 to vector<16xf32>
          %select_n3A_408 = arith.select %lt3A_27, %exp3A, %broadcast_in_dim3A_407 : vector<16xi1>, vector<16xf32>
          %add3A_409 = arith.addf %while3A_389, %select_n3A_408 : vector<16xf32>
          %broadcast_in_dim3A_410 = arith.constant 0 : i32
          %broadcast_in_dim3A_411 = vector.broadcast %broadcast_in_dim3A_410 : i32 to vector<16x1xi32>
          %gather3A = vector.shape_cast %broadcast_in_dim3A_411 : vector<16x1xi32> to vector<16xi32>
          %gather3A_412 = tpu.dynamic_gather %exp3A[%gather3A] in [0] : vector<16xf32>, vector<16xi32> -> vector<16xf32>
          %get3A_413 = arith.index_cast %add3A_398 : i32 to index
          %get3A_414 = arith.constant 0 : index
          %get3A_415 = tpu.vector_load %arg14[%get3A_413, %get3A_414] {strides = array<i32>} : memref<256x128xf32, #tpu.memory_space<vmem>>, vector<16xf32>,
          %mul3A_416 = arith.mulf %gather3A_412, %get3A_415 : vector<16xf32>
          %add3A_417 = arith.addf %while3A_390, %mul3A_416 : vector<16xf32>
          %broadcast_in_dim3A_418 = arith.constant 1 : i32
          %broadcast_in_dim3A_419 = vector.broadcast %broadcast_in_dim3A_418 : i32 to vector<16x1xi32>
          %gather3A_420 = vector.shape_cast %broadcast_in_dim3A_419 : vector<16x1xi32> to vector<16xi32>
          %gather3A_421 = tpu.dynamic_gather %exp3A[%gather3A_420] in [0] : vector<16xf32>, vector<16xi32> -> vector<16xf32>
          %get3A_422 = arith.index_cast %add3A_398 : i32 to index
          %get3A_423 = arith.constant 16 : index
          %get3A_424 = tpu.vector_load %arg14[%get3A_422, %get3A_423] {strides = array<i32>} : memref<256x128xf32, #tpu.memory_space<vmem>>, vector<16xf32>,
          %mul3A_425 = arith.mulf %gather3A_421, %get3A_424 : vector<16xf32>
          %add3A_426 = arith.addf %while3A_391, %mul3A_425 : vector<16xf32>
          %broadcast_in_dim3A_427 = arith.constant 2 : i32
          %broadcast_in_dim3A_428 = vector.broadcast %broadcast_in_dim3A_427 : i32 to vector<16x1xi32>
          %gather3A_429 = vector.shape_cast %broadcast_in_dim3A_428 : vector<16x1xi32> to vector<16xi32>
          %gather3A_430 = tpu.dynamic_gather %exp3A[%gather3A_429] in [0] : vector<16xf32>, vector<16xi32> -> vector<16xf32>
          %get3A_431 = arith.index_cast %add3A_398 : i32 to index
          %get3A_432 = arith.constant 32 : index
          %get3A_433 = tpu.vector_load %arg14[%get3A_431, %get3A_432] {strides = array<i32>} : memref<256x128xf32, #tpu.memory_space<vmem>>, vector<16xf32>,
          %mul3A_434 = arith.mulf %gather3A_430, %get3A_433 : vector<16xf32>
          %add3A_435 = arith.addf %while3A_392, %mul3A_434 : vector<16xf32>
          %broadcast_in_dim3A_436 = arith.constant 3 : i32
          %broadcast_in_dim3A_437 = vector.broadcast %broadcast_in_dim3A_436 : i32 to vector<16x1xi32>
          %gather3A_438 = vector.shape_cast %broadcast_in_dim3A_437 : vector<16x1xi32> to vector<16xi32>
          %gather3A_439 = tpu.dynamic_gather %exp3A[%gather3A_438] in [0] : vector<16xf32>, vector<16xi32> -> vector<16xf32>
          %get3A_440 = arith.index_cast %add3A_398 : i32 to index
          %get3A_441 = arith.constant 48 : index
          %get3A_442 = tpu.vector_load %arg14[%get3A_440, %get3A_441] {strides = array<i32>} : memref<256x128xf32, #tpu.memory_space<vmem>>, vector<16xf32>,
          %mul3A_443 = arith.mulf %gather3A_439, %get3A_442 : vector<16xf32>
          %add3A_444 = arith.addf %while3A_393, %mul3A_443 : vector<16xf32>
          %broadcast_in_dim3A_445 = arith.constant 4 : i32
          %broadcast_in_dim3A_446 = vector.broadcast %broadcast_in_dim3A_445 : i32 to vector<16x1xi32>
          %gather3A_447 = vector.shape_cast %broadcast_in_dim3A_446 : vector<16x1xi32> to vector<16xi32>
          %gather3A_448 = tpu.dynamic_gather %exp3A[%gather3A_447] in [0] : vector<16xf32>, vector<16xi32> -> vector<16xf32>
          %get3A_449 = arith.index_cast %add3A_398 : i32 to index
          %get3A_450 = arith.constant 64 : index
          %get3A_451 = tpu.vector_load %arg14[%get3A_449, %get3A_450] {strides = array<i32>} : memref<256x128xf32, #tpu.memory_space<vmem>>, vector<16xf32>,
          %mul3A_452 = arith.mulf %gather3A_448, %get3A_451 : vector<16xf32>
          %add3A_453 = arith.addf %while3A_394, %mul3A_452 : vector<16xf32>
          %broadcast_in_dim3A_454 = arith.constant 5 : i32
          %broadcast_in_dim3A_455 = vector.broadcast %broadcast_in_dim3A_454 : i32 to vector<16x1xi32>
          %gather3A_456 = vector.shape_cast %broadcast_in_dim3A_455 : vector<16x1xi32> to vector<16xi32>
          %gather3A_457 = tpu.dynamic_gather %exp3A[%gather3A_456] in [0] : vector<16xf32>, vector<16xi32> -> vector<16xf32>
          %get3A_458 = arith.index_cast %add3A_398 : i32 to index
          %get3A_459 = arith.constant 80 : index
          %get3A_460 = tpu.vector_load %arg14[%get3A_458, %get3A_459] {strides = array<i32>} : memref<256x128xf32, #tpu.memory_space<vmem>>, vector<16xf32>,
          %mul3A_461 = arith.mulf %gather3A_457, %get3A_460 : vector<16xf32>
          %add3A_462 = arith.addf %while3A_395, %mul3A_461 : vector<16xf32>
          %broadcast_in_dim3A_463 = arith.constant 6 : i32
          %broadcast_in_dim3A_464 = vector.broadcast %broadcast_in_dim3A_463 : i32 to vector<16x1xi32>
          %gather3A_465 = vector.shape_cast %broadcast_in_dim3A_464 : vector<16x1xi32> to vector<16xi32>
          %gather3A_466 = tpu.dynamic_gather %exp3A[%gather3A_465] in [0] : vector<16xf32>, vector<16xi32> -> vector<16xf32>
          %get3A_467 = arith.index_cast %add3A_398 : i32 to index
          %get3A_468 = arith.constant 96 : index
          %get3A_469 = tpu.vector_load %arg14[%get3A_467, %get3A_468] {strides = array<i32>} : memref<256x128xf32, #tpu.memory_space<vmem>>, vector<16xf32>,
          %mul3A_470 = arith.mulf %gather3A_466, %get3A_469 : vector<16xf32>
          %add3A_471 = arith.addf %while3A_396, %mul3A_470 : vector<16xf32>
          %broadcast_in_dim3A_472 = arith.constant 7 : i32
          %broadcast_in_dim3A_473 = vector.broadcast %broadcast_in_dim3A_472 : i32 to vector<16x1xi32>
          %gather3A_474 = vector.shape_cast %broadcast_in_dim3A_473 : vector<16x1xi32> to vector<16xi32>
          %gather3A_475 = tpu.dynamic_gather %exp3A[%gather3A_474] in [0] : vector<16xf32>, vector<16xi32> -> vector<16xf32>
          %get3A_476 = arith.index_cast %add3A_398 : i32 to index
          %get3A_477 = arith.constant 112 : index
          %get3A_478 = tpu.vector_load %arg14[%get3A_476, %get3A_477] {strides = array<i32>} : memref<256x128xf32, #tpu.memory_space<vmem>>, vector<16xf32>,
          %mul3A_479 = arith.mulf %gather3A_475, %get3A_478 : vector<16xf32>
          %add3A_480 = arith.addf %while3A_397, %mul3A_479 : vector<16xf32>
          scf.yield %add3A_409, %add3A_417, %add3A_426, %add3A_435, %add3A_444, %add3A_453, %add3A_462, %add3A_471, %add3A_480 : vector<16xf32>, vector<16xf32>, vector<16xf32>, vector<16xf32>, vector<16xf32>, vector<16xf32>, vector<16xf32>, vector<16xf32>, vector<16xf32>
        }
        %le3A_384 = arith.cmpi sle, %squeeze3A_310, %add3A_192 : i32
        %convert_element_type3A_385 = arith.extui %le3A_384 : i1 to i32
        %cond3A_386 = arith.constant 0 : i32
        %cond3A_387 = arith.cmpi ne, %convert_element_type3A_385, %cond3A_386 : i32
        scf.if %cond3A_387 {
          %add3A_388 = arith.constant 1 : i32
          %add3A_389 = arith.addi %while3A_291, %add3A_388 : i32
          %get3A_390 = arith.index_cast %add3A_389 : i32 to index
          %get3A_391 = tpu.vector_load %arg7[%get3A_390] {strides = array<i32>} : memref<344xi32, #tpu.memory_space<vmem>>, vector<16xi32>,
          %slice3A_392 = vector.extract_strided_slice %get3A_391 {offsets = [0], sizes = [1], strides = [1]} : vector<16xi32> to vector<1xi32>
          %squeeze3A_393 = vector.extract %slice3A_392[0] : i32 from vector<1xi32>
          %get3A_394 = arith.index_cast %while3A_291 : i32 to index
          %get3A_395 = tpu.vector_load %arg7[%get3A_394] {strides = array<i32>} : memref<344xi32, #tpu.memory_space<vmem>>, vector<16xi32>,
          %slice3A_396 = vector.extract_strided_slice %get3A_395 {offsets = [0], sizes = [1], strides = [1]} : vector<16xi32> to vector<1xi32>
          %squeeze3A_397 = vector.extract %slice3A_396[0] : i32 from vector<1xi32>
          %sub3A_398 = arith.subi %squeeze3A_393, %squeeze3A_397 : i32
          %jit3A_399 = arith.constant 0.000000e+00 : f32
          %broadcast_in_dim3A_400 = vector.broadcast %jit3A_399 : f32 to vector<16xf32>
          %select_n3A_401 = arith.select %lt3A_27, %get3A_342, %broadcast_in_dim3A_400 : vector<16xi1>, vector<16xf32>
          %mul3A_402 = arith.mulf %select_n3A_401, %get3A_71 : vector<16xf32>
          %add3A_403 = arith.addf %mul3A_402, %get3A_73 : vector<16xf32>
          %max3A_404 = arith.constant 0.000000e+00 : f32
          %max3A_405 = vector.broadcast %max3A_404 : f32 to vector<16xf32>
          %max3A_406 = arith.maximumf %add3A_403, %max3A_405 : vector<16xf32>
          %add3A_407 = arith.addf %max3A_406, %max3A_406 : vector<16xf32>
          %exp3A = math.exp %add3A_407 : vector<16xf32>
          %add3A_408 = arith.constant 1.000000e+00 : f32
          %add3A_409 = vector.broadcast %add3A_408 : f32 to vector<16xf32>
          %add3A_410 = arith.addf %exp3A, %add3A_409 : vector<16xf32>
          %div3A_411 = arith.constant 2.000000e+00 : f32
          %div3A_412 = vector.broadcast %div3A_411 : f32 to vector<16xf32>
          %div3A_413 = arith.divf %div3A_412, %add3A_410 : vector<16xf32>
          %sub3A_414 = arith.constant 1.000000e+00 : f32
          %sub3A_415 = vector.broadcast %sub3A_414 : f32 to vector<16xf32>
          %sub3A_416 = arith.subf %sub3A_415, %div3A_413 : vector<16xf32>
          %add3A_417 = arith.constant 9.99999996E-13 : f32
          %add3A_418 = vector.broadcast %add3A_417 : f32 to vector<16xf32>
          %add3A_419 = arith.addf %while3A_383#0, %add3A_418 : vector<16xf32>
          %div3A_420 = arith.divf %sub3A_416, %add3A_419 : vector<16xf32>
          %gt3A_421 = arith.constant 0 : i32
          %gt3A_422 = arith.cmpi sgt, %sub3A_398, %gt3A_421 : i32
          %jit3A_423 = arith.constant 0.000000e+00 : f32
          %broadcast_in_dim3A_424 = vector.broadcast %jit3A_423 : f32 to vector<16xf32>
          %select_n3A_425 = arith.select %gt3A_422, %div3A_420, %broadcast_in_dim3A_424 : vector<16xf32>
          %broadcast_in_dim3A_426 = arith.constant 0 : i32
          %broadcast_in_dim3A_427 = vector.broadcast %broadcast_in_dim3A_426 : i32 to vector<16x1xi32>
          %gather3A = vector.shape_cast %broadcast_in_dim3A_427 : vector<16x1xi32> to vector<16xi32>
          %gather3A_428 = tpu.dynamic_gather %select_n3A_425[%gather3A] in [0] : vector<16xf32>, vector<16xi32> -> vector<16xf32>
          %mul3A_429 = arith.mulf %while3A_383#1, %gather3A_428 : vector<16xf32>
          %swap3A = arith.index_cast %while3A_291 : i32 to index
          %swap3A_430 = arith.constant 0 : index
          %swap3A_431 = tpu.vector_load %arg9[%swap3A, %swap3A_430] {strides = array<i32>} : memref<320x128xf32, #tpu.memory_space<vmem>>, vector<16xf32>,
          tpu.vector_store %arg9[%swap3A, %swap3A_430], %mul3A_429 {strides = array<i32>} : memref<320x128xf32, #tpu.memory_space<vmem>>, vector<16xf32>,
          %broadcast_in_dim3A_432 = arith.constant 1 : i32
          %broadcast_in_dim3A_433 = vector.broadcast %broadcast_in_dim3A_432 : i32 to vector<16x1xi32>
          %gather3A_434 = vector.shape_cast %broadcast_in_dim3A_433 : vector<16x1xi32> to vector<16xi32>
          %gather3A_435 = tpu.dynamic_gather %select_n3A_425[%gather3A_434] in [0] : vector<16xf32>, vector<16xi32> -> vector<16xf32>
          %mul3A_436 = arith.mulf %while3A_383#2, %gather3A_435 : vector<16xf32>
          %swap3A_437 = arith.index_cast %while3A_291 : i32 to index
          %swap3A_438 = arith.constant 16 : index
          %swap3A_439 = tpu.vector_load %arg9[%swap3A_437, %swap3A_438] {strides = array<i32>} : memref<320x128xf32, #tpu.memory_space<vmem>>, vector<16xf32>,
          tpu.vector_store %arg9[%swap3A_437, %swap3A_438], %mul3A_436 {strides = array<i32>} : memref<320x128xf32, #tpu.memory_space<vmem>>, vector<16xf32>,
          %broadcast_in_dim3A_440 = arith.constant 2 : i32
          %broadcast_in_dim3A_441 = vector.broadcast %broadcast_in_dim3A_440 : i32 to vector<16x1xi32>
          %gather3A_442 = vector.shape_cast %broadcast_in_dim3A_441 : vector<16x1xi32> to vector<16xi32>
          %gather3A_443 = tpu.dynamic_gather %select_n3A_425[%gather3A_442] in [0] : vector<16xf32>, vector<16xi32> -> vector<16xf32>
          %mul3A_444 = arith.mulf %while3A_383#3, %gather3A_443 : vector<16xf32>
          %swap3A_445 = arith.index_cast %while3A_291 : i32 to index
          %swap3A_446 = arith.constant 32 : index
          %swap3A_447 = tpu.vector_load %arg9[%swap3A_445, %swap3A_446] {strides = array<i32>} : memref<320x128xf32, #tpu.memory_space<vmem>>, vector<16xf32>,
          tpu.vector_store %arg9[%swap3A_445, %swap3A_446], %mul3A_444 {strides = array<i32>} : memref<320x128xf32, #tpu.memory_space<vmem>>, vector<16xf32>,
          %broadcast_in_dim3A_448 = arith.constant 3 : i32
          %broadcast_in_dim3A_449 = vector.broadcast %broadcast_in_dim3A_448 : i32 to vector<16x1xi32>
          %gather3A_450 = vector.shape_cast %broadcast_in_dim3A_449 : vector<16x1xi32> to vector<16xi32>
          %gather3A_451 = tpu.dynamic_gather %select_n3A_425[%gather3A_450] in [0] : vector<16xf32>, vector<16xi32> -> vector<16xf32>
          %mul3A_452 = arith.mulf %while3A_383#4, %gather3A_451 : vector<16xf32>
          %swap3A_453 = arith.index_cast %while3A_291 : i32 to index
          %swap3A_454 = arith.constant 48 : index
          %swap3A_455 = tpu.vector_load %arg9[%swap3A_453, %swap3A_454] {strides = array<i32>} : memref<320x128xf32, #tpu.memory_space<vmem>>, vector<16xf32>,
          tpu.vector_store %arg9[%swap3A_453, %swap3A_454], %mul3A_452 {strides = array<i32>} : memref<320x128xf32, #tpu.memory_space<vmem>>, vector<16xf32>,
          %broadcast_in_dim3A_456 = arith.constant 4 : i32
          %broadcast_in_dim3A_457 = vector.broadcast %broadcast_in_dim3A_456 : i32 to vector<16x1xi32>
          %gather3A_458 = vector.shape_cast %broadcast_in_dim3A_457 : vector<16x1xi32> to vector<16xi32>
          %gather3A_459 = tpu.dynamic_gather %select_n3A_425[%gather3A_458] in [0] : vector<16xf32>, vector<16xi32> -> vector<16xf32>
          %mul3A_460 = arith.mulf %while3A_383#5, %gather3A_459 : vector<16xf32>
          %swap3A_461 = arith.index_cast %while3A_291 : i32 to index
          %swap3A_462 = arith.constant 64 : index
          %swap3A_463 = tpu.vector_load %arg9[%swap3A_461, %swap3A_462] {strides = array<i32>} : memref<320x128xf32, #tpu.memory_space<vmem>>, vector<16xf32>,
          tpu.vector_store %arg9[%swap3A_461, %swap3A_462], %mul3A_460 {strides = array<i32>} : memref<320x128xf32, #tpu.memory_space<vmem>>, vector<16xf32>,
          %broadcast_in_dim3A_464 = arith.constant 5 : i32
          %broadcast_in_dim3A_465 = vector.broadcast %broadcast_in_dim3A_464 : i32 to vector<16x1xi32>
          %gather3A_466 = vector.shape_cast %broadcast_in_dim3A_465 : vector<16x1xi32> to vector<16xi32>
          %gather3A_467 = tpu.dynamic_gather %select_n3A_425[%gather3A_466] in [0] : vector<16xf32>, vector<16xi32> -> vector<16xf32>
          %mul3A_468 = arith.mulf %while3A_383#6, %gather3A_467 : vector<16xf32>
          %swap3A_469 = arith.index_cast %while3A_291 : i32 to index
          %swap3A_470 = arith.constant 80 : index
          %swap3A_471 = tpu.vector_load %arg9[%swap3A_469, %swap3A_470] {strides = array<i32>} : memref<320x128xf32, #tpu.memory_space<vmem>>, vector<16xf32>,
          tpu.vector_store %arg9[%swap3A_469, %swap3A_470], %mul3A_468 {strides = array<i32>} : memref<320x128xf32, #tpu.memory_space<vmem>>, vector<16xf32>,
          %broadcast_in_dim3A_472 = arith.constant 6 : i32
          %broadcast_in_dim3A_473 = vector.broadcast %broadcast_in_dim3A_472 : i32 to vector<16x1xi32>
          %gather3A_474 = vector.shape_cast %broadcast_in_dim3A_473 : vector<16x1xi32> to vector<16xi32>
          %gather3A_475 = tpu.dynamic_gather %select_n3A_425[%gather3A_474] in [0] : vector<16xf32>, vector<16xi32> -> vector<16xf32>
          %mul3A_476 = arith.mulf %while3A_383#7, %gather3A_475 : vector<16xf32>
          %swap3A_477 = arith.index_cast %while3A_291 : i32 to index
          %swap3A_478 = arith.constant 96 : index
          %swap3A_479 = tpu.vector_load %arg9[%swap3A_477, %swap3A_478] {strides = array<i32>} : memref<320x128xf32, #tpu.memory_space<vmem>>, vector<16xf32>,
          tpu.vector_store %arg9[%swap3A_477, %swap3A_478], %mul3A_476 {strides = array<i32>} : memref<320x128xf32, #tpu.memory_space<vmem>>, vector<16xf32>,
          %broadcast_in_dim3A_480 = arith.constant 7 : i32
          %broadcast_in_dim3A_481 = vector.broadcast %broadcast_in_dim3A_480 : i32 to vector<16x1xi32>
          %gather3A_482 = vector.shape_cast %broadcast_in_dim3A_481 : vector<16x1xi32> to vector<16xi32>
          %gather3A_483 = tpu.dynamic_gather %select_n3A_425[%gather3A_482] in [0] : vector<16xf32>, vector<16xi32> -> vector<16xf32>
          %mul3A_484 = arith.mulf %while3A_383#8, %gather3A_483 : vector<16xf32>
          %swap3A_485 = arith.index_cast %while3A_291 : i32 to index
          %swap3A_486 = arith.constant 112 : index
          %swap3A_487 = tpu.vector_load %arg9[%swap3A_485, %swap3A_486] {strides = array<i32>} : memref<320x128xf32, #tpu.memory_space<vmem>>, vector<16xf32>,
          tpu.vector_store %arg9[%swap3A_485, %swap3A_486], %mul3A_484 {strides = array<i32>} : memref<320x128xf32, #tpu.memory_space<vmem>>, vector<16xf32>,
        } else {
        }
        scf.yield %while3A_383#0, %while3A_383#1, %while3A_383#2, %while3A_383#3, %while3A_383#4, %while3A_383#5, %while3A_383#6, %while3A_383#7, %while3A_383#8 : vector<16xf32>, vector<16xf32>, vector<16xf32>, vector<16xf32>, vector<16xf32>, vector<16xf32>, vector<16xf32>, vector<16xf32>, vector<16xf32>
      }
      %while3A_215 = arith.constant 1 : i32
      %while3A_216:9 = scf.for %while3A_291 = %while3A_212 to %while3A_208 step %while3A_215 iter_args(%while3A_292 = %while3A_214#0, %while3A_293 = %while3A_214#1, %while3A_294 = %while3A_214#2, %while3A_295 = %while3A_214#3, %while3A_296 = %while3A_214#4, %while3A_297 = %while3A_214#5, %while3A_298 = %while3A_214#6, %while3A_299 = %while3A_214#7, %while3A_300 = %while3A_214#8) -> (vector<16xf32>, vector<16xf32>, vector<16xf32>, vector<16xf32>, vector<16xf32>, vector<16xf32>, vector<16xf32>, vector<16xf32>, vector<16xf32>)  : i32 {
        %get3A_301 = arith.index_cast %while3A_291 : i32 to index
        %get3A_302 = tpu.vector_load %arg7[%get3A_301] {strides = array<i32>} : memref<344xi32, #tpu.memory_space<vmem>>, vector<16xi32>,
        %slice3A_303 = vector.extract_strided_slice %get3A_302 {offsets = [0], sizes = [1], strides = [1]} : vector<16xi32> to vector<1xi32>
        %squeeze3A_304 = vector.extract %slice3A_303[0] : i32 from vector<1xi32>
        %add3A_305 = arith.constant 1 : i32
        %add3A_306 = arith.addi %while3A_291, %add3A_305 : i32
        %get3A_307 = arith.index_cast %add3A_306 : i32 to index
        %get3A_308 = tpu.vector_load %arg7[%get3A_307] {strides = array<i32>} : memref<344xi32, #tpu.memory_space<vmem>>, vector<16xi32>,
        %slice3A_309 = vector.extract_strided_slice %get3A_308 {offsets = [0], sizes = [1], strides = [1]} : vector<16xi32> to vector<1xi32>
        %squeeze3A_310 = vector.extract %slice3A_309[0] : i32 from vector<1xi32>
        %max3A = arith.maxsi %squeeze3A_304, %add3A_171 : i32
        %min3A_311 = arith.minsi %squeeze3A_310, %add3A_192 : i32
        %ge3A = arith.cmpi sge, %squeeze3A_304, %add3A_171 : i32
        %jit3A_312 = arith.constant 0.000000e+00 : f32
        %broadcast_in_dim3A_313 = vector.broadcast %jit3A_312 : f32 to vector<16xf32>
        %select_n3A_314 = arith.select %ge3A, %broadcast_in_dim3A_313, %while3A_292 : vector<16xf32>
        %jit3A_315 = arith.constant 0.000000e+00 : f32
        %broadcast_in_dim3A_316 = vector.broadcast %jit3A_315 : f32 to vector<16xf32>
        %select_n3A_317 = arith.select %ge3A, %broadcast_in_dim3A_316, %while3A_293 : vector<16xf32>
        %jit3A_318 = arith.constant 0.000000e+00 : f32
        %broadcast_in_dim3A_319 = vector.broadcast %jit3A_318 : f32 to vector<16xf32>
        %select_n3A_320 = arith.select %ge3A, %broadcast_in_dim3A_319, %while3A_294 : vector<16xf32>
        %jit3A_321 = arith.constant 0.000000e+00 : f32
        %broadcast_in_dim3A_322 = vector.broadcast %jit3A_321 : f32 to vector<16xf32>
        %select_n3A_323 = arith.select %ge3A, %broadcast_in_dim3A_322, %while3A_295 : vector<16xf32>
        %jit3A_324 = arith.constant 0.000000e+00 : f32
        %broadcast_in_dim3A_325 = vector.broadcast %jit3A_324 : f32 to vector<16xf32>
        %select_n3A_326 = arith.select %ge3A, %broadcast_in_dim3A_325, %while3A_296 : vector<16xf32>
        %jit3A_327 = arith.constant 0.000000e+00 : f32
        %broadcast_in_dim3A_328 = vector.broadcast %jit3A_327 : f32 to vector<16xf32>
        %select_n3A_329 = arith.select %ge3A, %broadcast_in_dim3A_328, %while3A_297 : vector<16xf32>
        %jit3A_330 = arith.constant 0.000000e+00 : f32
        %broadcast_in_dim3A_331 = vector.broadcast %jit3A_330 : f32 to vector<16xf32>
        %select_n3A_332 = arith.select %ge3A, %broadcast_in_dim3A_331, %while3A_298 : vector<16xf32>
        %jit3A_333 = arith.constant 0.000000e+00 : f32
        %broadcast_in_dim3A_334 = vector.broadcast %jit3A_333 : f32 to vector<16xf32>
        %select_n3A_335 = arith.select %ge3A, %broadcast_in_dim3A_334, %while3A_299 : vector<16xf32>
        %jit3A_336 = arith.constant 0.000000e+00 : f32
        %broadcast_in_dim3A_337 = vector.broadcast %jit3A_336 : f32 to vector<16xf32>
        %select_n3A_338 = arith.select %ge3A, %broadcast_in_dim3A_337, %while3A_300 : vector<16xf32>
        %mul3A_339 = arith.constant 16 : i32
        %mul3A_340 = arith.muli %while3A_291, %mul3A_339 : i32
        %get3A_341 = arith.index_cast %mul3A_340 : i32 to index
        %get3A_342 = tpu.vector_load %arg8[%get3A_341] {strides = array<i32>} : memref<5120xf32, #tpu.memory_space<vmem>>, vector<16xf32>,
        %sub3A_343 = arith.subi %squeeze3A_310, %squeeze3A_304 : i32
        %max3A_344 = arith.constant 1 : i32
        %max3A_345 = arith.maxsi %sub3A_343, %max3A_344 : i32
        %convert_element_type3A_346 = arith.sitofp %max3A_345 : i32 to f32
        %bitcast_convert_type3A = arith.bitcast %convert_element_type3A_346 : f32 to i32
        %shift_right_logical3A = arith.constant 1 : i32
        %shift_right_logical3A_347 = arith.shrui %bitcast_convert_type3A, %shift_right_logical3A : i32
        %sub3A_348 = arith.constant 1597463007 : i32
        %sub3A_349 = arith.subi %sub3A_348, %shift_right_logical3A_347 : i32
        %bitcast_convert_type3A_350 = arith.bitcast %sub3A_349 : i32 to f32
        %mul3A_351 = arith.constant 5.000000e-01 : f32
        %mul3A_352 = arith.mulf %mul3A_351, %convert_element_type3A_346 : f32
        %mul3A_353 = arith.mulf %mul3A_352, %bitcast_convert_type3A_350 : f32
        %mul3A_354 = arith.mulf %mul3A_353, %bitcast_convert_type3A_350 : f32
        %sub3A_355 = arith.constant 1.500000e+00 : f32
        %sub3A_356 = arith.subf %sub3A_355, %mul3A_354 : f32
        %mul3A_357 = arith.mulf %bitcast_convert_type3A_350, %sub3A_356 : f32
        %mul3A_358 = arith.constant 5.000000e-01 : f32
        %mul3A_359 = arith.mulf %mul3A_358, %convert_element_type3A_346 : f32
        %mul3A_360 = arith.mulf %mul3A_359, %mul3A_357 : f32
        %mul3A_361 = arith.mulf %mul3A_360, %mul3A_357 : f32
        %sub3A_362 = arith.constant 1.500000e+00 : f32
        %sub3A_363 = arith.subf %sub3A_362, %mul3A_361 : f32
        %mul3A_364 = arith.mulf %mul3A_357, %sub3A_363 : f32
        %mul3A_365 = arith.constant 5.000000e-01 : f32
        %mul3A_366 = arith.mulf %mul3A_365, %convert_element_type3A_346 : f32
        %mul3A_367 = arith.mulf %mul3A_366, %mul3A_364 : f32
        %mul3A_368 = arith.mulf %mul3A_367, %mul3A_364 : f32
        %sub3A_369 = arith.constant 1.500000e+00 : f32
        %sub3A_370 = arith.subf %sub3A_369, %mul3A_368 : f32
        %mul3A_371 = arith.mulf %mul3A_364, %sub3A_370 : f32
        %sub3A_372 = arith.subi %max3A, %add3A_171 : i32
        %sub3A_373 = arith.subi %min3A_311, %add3A_171 : i32
        %while3A_374 = arith.subi %sub3A_373, %sub3A_372 : i32
        %while3A_375 = arith.addi %sub3A_372, %while3A_374 : i32
        %while3A_376 = arith.constant 1 : i32
        %while3A_377 = arith.divsi %while3A_374, %while3A_376 : i32
        %while3A_378 = arith.muli %while3A_377, %while3A_376 : i32
        %while3A_379 = arith.addi %sub3A_372, %while3A_378 : i32
        %while3A_380 = arith.constant 1 : i32
        %while3A_381:9 = scf.for %while3A_388 = %sub3A_372 to %while3A_379 step %while3A_380 iter_args(%while3A_389 = %select_n3A_314, %while3A_390 = %select_n3A_317, %while3A_391 = %select_n3A_320, %while3A_392 = %select_n3A_323, %while3A_393 = %select_n3A_326, %while3A_394 = %select_n3A_329, %while3A_395 = %select_n3A_332, %while3A_396 = %select_n3A_335, %while3A_397 = %select_n3A_338) -> (vector<16xf32>, vector<16xf32>, vector<16xf32>, vector<16xf32>, vector<16xf32>, vector<16xf32>, vector<16xf32>, vector<16xf32>, vector<16xf32>)  : i32 {
          %add3A_398 = arith.addi %while3A_388, %sub3A_174 : i32
          %mul3A_399 = arith.constant 8 : i32
          %mul3A_400 = arith.muli %add3A_398, %mul3A_399 : i32
          %get3A_401 = arith.index_cast %mul3A_400 : i32 to index
          %get3A_402 = tpu.vector_load %arg13[%get3A_401] {strides = array<i32>} : memref<2064xf32, #tpu.memory_space<vmem>>, vector<16xf32>,
          %sub3A_403 = arith.subf %get3A_402, %get3A_342 : vector<16xf32>
          %mul3A_404 = vector.broadcast %mul3A_371 : f32 to vector<16xf32>
          %mul3A_405 = arith.mulf %sub3A_403, %mul3A_404 : vector<16xf32>
          %exp3A = math.exp %mul3A_405 : vector<16xf32>
          %jit3A_406 = arith.constant 0.000000e+00 : f32
          %broadcast_in_dim3A_407 = vector.broadcast %jit3A_406 : f32 to vector<16xf32>
          %select_n3A_408 = arith.select %lt3A_27, %exp3A, %broadcast_in_dim3A_407 : vector<16xi1>, vector<16xf32>
          %add3A_409 = arith.addf %while3A_389, %select_n3A_408 : vector<16xf32>
          %broadcast_in_dim3A_410 = arith.constant 0 : i32
          %broadcast_in_dim3A_411 = vector.broadcast %broadcast_in_dim3A_410 : i32 to vector<16x1xi32>
          %gather3A = vector.shape_cast %broadcast_in_dim3A_411 : vector<16x1xi32> to vector<16xi32>
          %gather3A_412 = tpu.dynamic_gather %exp3A[%gather3A] in [0] : vector<16xf32>, vector<16xi32> -> vector<16xf32>
          %get3A_413 = arith.index_cast %add3A_398 : i32 to index
          %get3A_414 = arith.constant 0 : index
          %get3A_415 = tpu.vector_load %arg14[%get3A_413, %get3A_414] {strides = array<i32>} : memref<256x128xf32, #tpu.memory_space<vmem>>, vector<16xf32>,
          %mul3A_416 = arith.mulf %gather3A_412, %get3A_415 : vector<16xf32>
          %add3A_417 = arith.addf %while3A_390, %mul3A_416 : vector<16xf32>
          %broadcast_in_dim3A_418 = arith.constant 1 : i32
          %broadcast_in_dim3A_419 = vector.broadcast %broadcast_in_dim3A_418 : i32 to vector<16x1xi32>
          %gather3A_420 = vector.shape_cast %broadcast_in_dim3A_419 : vector<16x1xi32> to vector<16xi32>
          %gather3A_421 = tpu.dynamic_gather %exp3A[%gather3A_420] in [0] : vector<16xf32>, vector<16xi32> -> vector<16xf32>
          %get3A_422 = arith.index_cast %add3A_398 : i32 to index
          %get3A_423 = arith.constant 16 : index
          %get3A_424 = tpu.vector_load %arg14[%get3A_422, %get3A_423] {strides = array<i32>} : memref<256x128xf32, #tpu.memory_space<vmem>>, vector<16xf32>,
          %mul3A_425 = arith.mulf %gather3A_421, %get3A_424 : vector<16xf32>
          %add3A_426 = arith.addf %while3A_391, %mul3A_425 : vector<16xf32>
          %broadcast_in_dim3A_427 = arith.constant 2 : i32
          %broadcast_in_dim3A_428 = vector.broadcast %broadcast_in_dim3A_427 : i32 to vector<16x1xi32>
          %gather3A_429 = vector.shape_cast %broadcast_in_dim3A_428 : vector<16x1xi32> to vector<16xi32>
          %gather3A_430 = tpu.dynamic_gather %exp3A[%gather3A_429] in [0] : vector<16xf32>, vector<16xi32> -> vector<16xf32>
          %get3A_431 = arith.index_cast %add3A_398 : i32 to index
          %get3A_432 = arith.constant 32 : index
          %get3A_433 = tpu.vector_load %arg14[%get3A_431, %get3A_432] {strides = array<i32>} : memref<256x128xf32, #tpu.memory_space<vmem>>, vector<16xf32>,
          %mul3A_434 = arith.mulf %gather3A_430, %get3A_433 : vector<16xf32>
          %add3A_435 = arith.addf %while3A_392, %mul3A_434 : vector<16xf32>
          %broadcast_in_dim3A_436 = arith.constant 3 : i32
          %broadcast_in_dim3A_437 = vector.broadcast %broadcast_in_dim3A_436 : i32 to vector<16x1xi32>
          %gather3A_438 = vector.shape_cast %broadcast_in_dim3A_437 : vector<16x1xi32> to vector<16xi32>
          %gather3A_439 = tpu.dynamic_gather %exp3A[%gather3A_438] in [0] : vector<16xf32>, vector<16xi32> -> vector<16xf32>
          %get3A_440 = arith.index_cast %add3A_398 : i32 to index
          %get3A_441 = arith.constant 48 : index
          %get3A_442 = tpu.vector_load %arg14[%get3A_440, %get3A_441] {strides = array<i32>} : memref<256x128xf32, #tpu.memory_space<vmem>>, vector<16xf32>,
          %mul3A_443 = arith.mulf %gather3A_439, %get3A_442 : vector<16xf32>
          %add3A_444 = arith.addf %while3A_393, %mul3A_443 : vector<16xf32>
          %broadcast_in_dim3A_445 = arith.constant 4 : i32
          %broadcast_in_dim3A_446 = vector.broadcast %broadcast_in_dim3A_445 : i32 to vector<16x1xi32>
          %gather3A_447 = vector.shape_cast %broadcast_in_dim3A_446 : vector<16x1xi32> to vector<16xi32>
          %gather3A_448 = tpu.dynamic_gather %exp3A[%gather3A_447] in [0] : vector<16xf32>, vector<16xi32> -> vector<16xf32>
          %get3A_449 = arith.index_cast %add3A_398 : i32 to index
          %get3A_450 = arith.constant 64 : index
          %get3A_451 = tpu.vector_load %arg14[%get3A_449, %get3A_450] {strides = array<i32>} : memref<256x128xf32, #tpu.memory_space<vmem>>, vector<16xf32>,
          %mul3A_452 = arith.mulf %gather3A_448, %get3A_451 : vector<16xf32>
          %add3A_453 = arith.addf %while3A_394, %mul3A_452 : vector<16xf32>
          %broadcast_in_dim3A_454 = arith.constant 5 : i32
          %broadcast_in_dim3A_455 = vector.broadcast %broadcast_in_dim3A_454 : i32 to vector<16x1xi32>
          %gather3A_456 = vector.shape_cast %broadcast_in_dim3A_455 : vector<16x1xi32> to vector<16xi32>
          %gather3A_457 = tpu.dynamic_gather %exp3A[%gather3A_456] in [0] : vector<16xf32>, vector<16xi32> -> vector<16xf32>
          %get3A_458 = arith.index_cast %add3A_398 : i32 to index
          %get3A_459 = arith.constant 80 : index
          %get3A_460 = tpu.vector_load %arg14[%get3A_458, %get3A_459] {strides = array<i32>} : memref<256x128xf32, #tpu.memory_space<vmem>>, vector<16xf32>,
          %mul3A_461 = arith.mulf %gather3A_457, %get3A_460 : vector<16xf32>
          %add3A_462 = arith.addf %while3A_395, %mul3A_461 : vector<16xf32>
          %broadcast_in_dim3A_463 = arith.constant 6 : i32
          %broadcast_in_dim3A_464 = vector.broadcast %broadcast_in_dim3A_463 : i32 to vector<16x1xi32>
          %gather3A_465 = vector.shape_cast %broadcast_in_dim3A_464 : vector<16x1xi32> to vector<16xi32>
          %gather3A_466 = tpu.dynamic_gather %exp3A[%gather3A_465] in [0] : vector<16xf32>, vector<16xi32> -> vector<16xf32>
          %get3A_467 = arith.index_cast %add3A_398 : i32 to index
          %get3A_468 = arith.constant 96 : index
          %get3A_469 = tpu.vector_load %arg14[%get3A_467, %get3A_468] {strides = array<i32>} : memref<256x128xf32, #tpu.memory_space<vmem>>, vector<16xf32>,
          %mul3A_470 = arith.mulf %gather3A_466, %get3A_469 : vector<16xf32>
          %add3A_471 = arith.addf %while3A_396, %mul3A_470 : vector<16xf32>
          %broadcast_in_dim3A_472 = arith.constant 7 : i32
          %broadcast_in_dim3A_473 = vector.broadcast %broadcast_in_dim3A_472 : i32 to vector<16x1xi32>
          %gather3A_474 = vector.shape_cast %broadcast_in_dim3A_473 : vector<16x1xi32> to vector<16xi32>
          %gather3A_475 = tpu.dynamic_gather %exp3A[%gather3A_474] in [0] : vector<16xf32>, vector<16xi32> -> vector<16xf32>
          %get3A_476 = arith.index_cast %add3A_398 : i32 to index
          %get3A_477 = arith.constant 112 : index
          %get3A_478 = tpu.vector_load %arg14[%get3A_476, %get3A_477] {strides = array<i32>} : memref<256x128xf32, #tpu.memory_space<vmem>>, vector<16xf32>,
          %mul3A_479 = arith.mulf %gather3A_475, %get3A_478 : vector<16xf32>
          %add3A_480 = arith.addf %while3A_397, %mul3A_479 : vector<16xf32>
          scf.yield %add3A_409, %add3A_417, %add3A_426, %add3A_435, %add3A_444, %add3A_453, %add3A_462, %add3A_471, %add3A_480 : vector<16xf32>, vector<16xf32>, vector<16xf32>, vector<16xf32>, vector<16xf32>, vector<16xf32>, vector<16xf32>, vector<16xf32>, vector<16xf32>
        }
        %while3A_382 = arith.constant 1 : i32
        %while3A_383:9 = scf.for %while3A_388 = %while3A_379 to %while3A_375 step %while3A_382 iter_args(%while3A_389 = %while3A_381#0, %while3A_390 = %while3A_381#1, %while3A_391 = %while3A_381#2, %while3A_392 = %while3A_381#3, %while3A_393 = %while3A_381#4, %while3A_394 = %while3A_381#5, %while3A_395 = %while3A_381#6, %while3A_396 = %while3A_381#7, %while3A_397 = %while3A_381#8) -> (vector<16xf32>, vector<16xf32>, vector<16xf32>, vector<16xf32>, vector<16xf32>, vector<16xf32>, vector<16xf32>, vector<16xf32>, vector<16xf32>)  : i32 {
          %add3A_398 = arith.addi %while3A_388, %sub3A_174 : i32
          %mul3A_399 = arith.constant 8 : i32
          %mul3A_400 = arith.muli %add3A_398, %mul3A_399 : i32
          %get3A_401 = arith.index_cast %mul3A_400 : i32 to index
          %get3A_402 = tpu.vector_load %arg13[%get3A_401] {strides = array<i32>} : memref<2064xf32, #tpu.memory_space<vmem>>, vector<16xf32>,
          %sub3A_403 = arith.subf %get3A_402, %get3A_342 : vector<16xf32>
          %mul3A_404 = vector.broadcast %mul3A_371 : f32 to vector<16xf32>
          %mul3A_405 = arith.mulf %sub3A_403, %mul3A_404 : vector<16xf32>
          %exp3A = math.exp %mul3A_405 : vector<16xf32>
          %jit3A_406 = arith.constant 0.000000e+00 : f32
          %broadcast_in_dim3A_407 = vector.broadcast %jit3A_406 : f32 to vector<16xf32>
          %select_n3A_408 = arith.select %lt3A_27, %exp3A, %broadcast_in_dim3A_407 : vector<16xi1>, vector<16xf32>
          %add3A_409 = arith.addf %while3A_389, %select_n3A_408 : vector<16xf32>
          %broadcast_in_dim3A_410 = arith.constant 0 : i32
          %broadcast_in_dim3A_411 = vector.broadcast %broadcast_in_dim3A_410 : i32 to vector<16x1xi32>
          %gather3A = vector.shape_cast %broadcast_in_dim3A_411 : vector<16x1xi32> to vector<16xi32>
          %gather3A_412 = tpu.dynamic_gather %exp3A[%gather3A] in [0] : vector<16xf32>, vector<16xi32> -> vector<16xf32>
          %get3A_413 = arith.index_cast %add3A_398 : i32 to index
          %get3A_414 = arith.constant 0 : index
          %get3A_415 = tpu.vector_load %arg14[%get3A_413, %get3A_414] {strides = array<i32>} : memref<256x128xf32, #tpu.memory_space<vmem>>, vector<16xf32>,
          %mul3A_416 = arith.mulf %gather3A_412, %get3A_415 : vector<16xf32>
          %add3A_417 = arith.addf %while3A_390, %mul3A_416 : vector<16xf32>
          %broadcast_in_dim3A_418 = arith.constant 1 : i32
          %broadcast_in_dim3A_419 = vector.broadcast %broadcast_in_dim3A_418 : i32 to vector<16x1xi32>
          %gather3A_420 = vector.shape_cast %broadcast_in_dim3A_419 : vector<16x1xi32> to vector<16xi32>
          %gather3A_421 = tpu.dynamic_gather %exp3A[%gather3A_420] in [0] : vector<16xf32>, vector<16xi32> -> vector<16xf32>
          %get3A_422 = arith.index_cast %add3A_398 : i32 to index
          %get3A_423 = arith.constant 16 : index
          %get3A_424 = tpu.vector_load %arg14[%get3A_422, %get3A_423] {strides = array<i32>} : memref<256x128xf32, #tpu.memory_space<vmem>>, vector<16xf32>,
          %mul3A_425 = arith.mulf %gather3A_421, %get3A_424 : vector<16xf32>
          %add3A_426 = arith.addf %while3A_391, %mul3A_425 : vector<16xf32>
          %broadcast_in_dim3A_427 = arith.constant 2 : i32
          %broadcast_in_dim3A_428 = vector.broadcast %broadcast_in_dim3A_427 : i32 to vector<16x1xi32>
          %gather3A_429 = vector.shape_cast %broadcast_in_dim3A_428 : vector<16x1xi32> to vector<16xi32>
          %gather3A_430 = tpu.dynamic_gather %exp3A[%gather3A_429] in [0] : vector<16xf32>, vector<16xi32> -> vector<16xf32>
          %get3A_431 = arith.index_cast %add3A_398 : i32 to index
          %get3A_432 = arith.constant 32 : index
          %get3A_433 = tpu.vector_load %arg14[%get3A_431, %get3A_432] {strides = array<i32>} : memref<256x128xf32, #tpu.memory_space<vmem>>, vector<16xf32>,
          %mul3A_434 = arith.mulf %gather3A_430, %get3A_433 : vector<16xf32>
          %add3A_435 = arith.addf %while3A_392, %mul3A_434 : vector<16xf32>
          %broadcast_in_dim3A_436 = arith.constant 3 : i32
          %broadcast_in_dim3A_437 = vector.broadcast %broadcast_in_dim3A_436 : i32 to vector<16x1xi32>
          %gather3A_438 = vector.shape_cast %broadcast_in_dim3A_437 : vector<16x1xi32> to vector<16xi32>
          %gather3A_439 = tpu.dynamic_gather %exp3A[%gather3A_438] in [0] : vector<16xf32>, vector<16xi32> -> vector<16xf32>
          %get3A_440 = arith.index_cast %add3A_398 : i32 to index
          %get3A_441 = arith.constant 48 : index
          %get3A_442 = tpu.vector_load %arg14[%get3A_440, %get3A_441] {strides = array<i32>} : memref<256x128xf32, #tpu.memory_space<vmem>>, vector<16xf32>,
          %mul3A_443 = arith.mulf %gather3A_439, %get3A_442 : vector<16xf32>
          %add3A_444 = arith.addf %while3A_393, %mul3A_443 : vector<16xf32>
          %broadcast_in_dim3A_445 = arith.constant 4 : i32
          %broadcast_in_dim3A_446 = vector.broadcast %broadcast_in_dim3A_445 : i32 to vector<16x1xi32>
          %gather3A_447 = vector.shape_cast %broadcast_in_dim3A_446 : vector<16x1xi32> to vector<16xi32>
          %gather3A_448 = tpu.dynamic_gather %exp3A[%gather3A_447] in [0] : vector<16xf32>, vector<16xi32> -> vector<16xf32>
          %get3A_449 = arith.index_cast %add3A_398 : i32 to index
          %get3A_450 = arith.constant 64 : index
          %get3A_451 = tpu.vector_load %arg14[%get3A_449, %get3A_450] {strides = array<i32>} : memref<256x128xf32, #tpu.memory_space<vmem>>, vector<16xf32>,
          %mul3A_452 = arith.mulf %gather3A_448, %get3A_451 : vector<16xf32>
          %add3A_453 = arith.addf %while3A_394, %mul3A_452 : vector<16xf32>
          %broadcast_in_dim3A_454 = arith.constant 5 : i32
          %broadcast_in_dim3A_455 = vector.broadcast %broadcast_in_dim3A_454 : i32 to vector<16x1xi32>
          %gather3A_456 = vector.shape_cast %broadcast_in_dim3A_455 : vector<16x1xi32> to vector<16xi32>
          %gather3A_457 = tpu.dynamic_gather %exp3A[%gather3A_456] in [0] : vector<16xf32>, vector<16xi32> -> vector<16xf32>
          %get3A_458 = arith.index_cast %add3A_398 : i32 to index
          %get3A_459 = arith.constant 80 : index
          %get3A_460 = tpu.vector_load %arg14[%get3A_458, %get3A_459] {strides = array<i32>} : memref<256x128xf32, #tpu.memory_space<vmem>>, vector<16xf32>,
          %mul3A_461 = arith.mulf %gather3A_457, %get3A_460 : vector<16xf32>
          %add3A_462 = arith.addf %while3A_395, %mul3A_461 : vector<16xf32>
          %broadcast_in_dim3A_463 = arith.constant 6 : i32
          %broadcast_in_dim3A_464 = vector.broadcast %broadcast_in_dim3A_463 : i32 to vector<16x1xi32>
          %gather3A_465 = vector.shape_cast %broadcast_in_dim3A_464 : vector<16x1xi32> to vector<16xi32>
          %gather3A_466 = tpu.dynamic_gather %exp3A[%gather3A_465] in [0] : vector<16xf32>, vector<16xi32> -> vector<16xf32>
          %get3A_467 = arith.index_cast %add3A_398 : i32 to index
          %get3A_468 = arith.constant 96 : index
          %get3A_469 = tpu.vector_load %arg14[%get3A_467, %get3A_468] {strides = array<i32>} : memref<256x128xf32, #tpu.memory_space<vmem>>, vector<16xf32>,
          %mul3A_470 = arith.mulf %gather3A_466, %get3A_469 : vector<16xf32>
          %add3A_471 = arith.addf %while3A_396, %mul3A_470 : vector<16xf32>
          %broadcast_in_dim3A_472 = arith.constant 7 : i32
          %broadcast_in_dim3A_473 = vector.broadcast %broadcast_in_dim3A_472 : i32 to vector<16x1xi32>
          %gather3A_474 = vector.shape_cast %broadcast_in_dim3A_473 : vector<16x1xi32> to vector<16xi32>
          %gather3A_475 = tpu.dynamic_gather %exp3A[%gather3A_474] in [0] : vector<16xf32>, vector<16xi32> -> vector<16xf32>
          %get3A_476 = arith.index_cast %add3A_398 : i32 to index
          %get3A_477 = arith.constant 112 : index
          %get3A_478 = tpu.vector_load %arg14[%get3A_476, %get3A_477] {strides = array<i32>} : memref<256x128xf32, #tpu.memory_space<vmem>>, vector<16xf32>,
          %mul3A_479 = arith.mulf %gather3A_475, %get3A_478 : vector<16xf32>
          %add3A_480 = arith.addf %while3A_397, %mul3A_479 : vector<16xf32>
          scf.yield %add3A_409, %add3A_417, %add3A_426, %add3A_435, %add3A_444, %add3A_453, %add3A_462, %add3A_471, %add3A_480 : vector<16xf32>, vector<16xf32>, vector<16xf32>, vector<16xf32>, vector<16xf32>, vector<16xf32>, vector<16xf32>, vector<16xf32>, vector<16xf32>
        }
        %le3A_384 = arith.cmpi sle, %squeeze3A_310, %add3A_192 : i32
        %convert_element_type3A_385 = arith.extui %le3A_384 : i1 to i32
        %cond3A_386 = arith.constant 0 : i32
        %cond3A_387 = arith.cmpi ne, %convert_element_type3A_385, %cond3A_386 : i32
        scf.if %cond3A_387 {
          %add3A_388 = arith.constant 1 : i32
          %add3A_389 = arith.addi %while3A_291, %add3A_388 : i32
          %get3A_390 = arith.index_cast %add3A_389 : i32 to index
          %get3A_391 = tpu.vector_load %arg7[%get3A_390] {strides = array<i32>} : memref<344xi32, #tpu.memory_space<vmem>>, vector<16xi32>,
          %slice3A_392 = vector.extract_strided_slice %get3A_391 {offsets = [0], sizes = [1], strides = [1]} : vector<16xi32> to vector<1xi32>
          %squeeze3A_393 = vector.extract %slice3A_392[0] : i32 from vector<1xi32>
          %get3A_394 = arith.index_cast %while3A_291 : i32 to index
          %get3A_395 = tpu.vector_load %arg7[%get3A_394] {strides = array<i32>} : memref<344xi32, #tpu.memory_space<vmem>>, vector<16xi32>,
          %slice3A_396 = vector.extract_strided_slice %get3A_395 {offsets = [0], sizes = [1], strides = [1]} : vector<16xi32> to vector<1xi32>
          %squeeze3A_397 = vector.extract %slice3A_396[0] : i32 from vector<1xi32>
          %sub3A_398 = arith.subi %squeeze3A_393, %squeeze3A_397 : i32
          %jit3A_399 = arith.constant 0.000000e+00 : f32
          %broadcast_in_dim3A_400 = vector.broadcast %jit3A_399 : f32 to vector<16xf32>
          %select_n3A_401 = arith.select %lt3A_27, %get3A_342, %broadcast_in_dim3A_400 : vector<16xi1>, vector<16xf32>
          %mul3A_402 = arith.mulf %select_n3A_401, %get3A_71 : vector<16xf32>
          %add3A_403 = arith.addf %mul3A_402, %get3A_73 : vector<16xf32>
          %max3A_404 = arith.constant 0.000000e+00 : f32
          %max3A_405 = vector.broadcast %max3A_404 : f32 to vector<16xf32>
          %max3A_406 = arith.maximumf %add3A_403, %max3A_405 : vector<16xf32>
          %add3A_407 = arith.addf %max3A_406, %max3A_406 : vector<16xf32>
          %exp3A = math.exp %add3A_407 : vector<16xf32>
          %add3A_408 = arith.constant 1.000000e+00 : f32
          %add3A_409 = vector.broadcast %add3A_408 : f32 to vector<16xf32>
          %add3A_410 = arith.addf %exp3A, %add3A_409 : vector<16xf32>
          %div3A_411 = arith.constant 2.000000e+00 : f32
          %div3A_412 = vector.broadcast %div3A_411 : f32 to vector<16xf32>
          %div3A_413 = arith.divf %div3A_412, %add3A_410 : vector<16xf32>
          %sub3A_414 = arith.constant 1.000000e+00 : f32
          %sub3A_415 = vector.broadcast %sub3A_414 : f32 to vector<16xf32>
          %sub3A_416 = arith.subf %sub3A_415, %div3A_413 : vector<16xf32>
          %add3A_417 = arith.constant 9.99999996E-13 : f32
          %add3A_418 = vector.broadcast %add3A_417 : f32 to vector<16xf32>
          %add3A_419 = arith.addf %while3A_383#0, %add3A_418 : vector<16xf32>
          %div3A_420 = arith.divf %sub3A_416, %add3A_419 : vector<16xf32>
          %gt3A_421 = arith.constant 0 : i32
          %gt3A_422 = arith.cmpi sgt, %sub3A_398, %gt3A_421 : i32
          %jit3A_423 = arith.constant 0.000000e+00 : f32
          %broadcast_in_dim3A_424 = vector.broadcast %jit3A_423 : f32 to vector<16xf32>
          %select_n3A_425 = arith.select %gt3A_422, %div3A_420, %broadcast_in_dim3A_424 : vector<16xf32>
          %broadcast_in_dim3A_426 = arith.constant 0 : i32
          %broadcast_in_dim3A_427 = vector.broadcast %broadcast_in_dim3A_426 : i32 to vector<16x1xi32>
          %gather3A = vector.shape_cast %broadcast_in_dim3A_427 : vector<16x1xi32> to vector<16xi32>
          %gather3A_428 = tpu.dynamic_gather %select_n3A_425[%gather3A] in [0] : vector<16xf32>, vector<16xi32> -> vector<16xf32>
          %mul3A_429 = arith.mulf %while3A_383#1, %gather3A_428 : vector<16xf32>
          %swap3A = arith.index_cast %while3A_291 : i32 to index
          %swap3A_430 = arith.constant 0 : index
          %swap3A_431 = tpu.vector_load %arg9[%swap3A, %swap3A_430] {strides = array<i32>} : memref<320x128xf32, #tpu.memory_space<vmem>>, vector<16xf32>,
          tpu.vector_store %arg9[%swap3A, %swap3A_430], %mul3A_429 {strides = array<i32>} : memref<320x128xf32, #tpu.memory_space<vmem>>, vector<16xf32>,
          %broadcast_in_dim3A_432 = arith.constant 1 : i32
          %broadcast_in_dim3A_433 = vector.broadcast %broadcast_in_dim3A_432 : i32 to vector<16x1xi32>
          %gather3A_434 = vector.shape_cast %broadcast_in_dim3A_433 : vector<16x1xi32> to vector<16xi32>
          %gather3A_435 = tpu.dynamic_gather %select_n3A_425[%gather3A_434] in [0] : vector<16xf32>, vector<16xi32> -> vector<16xf32>
          %mul3A_436 = arith.mulf %while3A_383#2, %gather3A_435 : vector<16xf32>
          %swap3A_437 = arith.index_cast %while3A_291 : i32 to index
          %swap3A_438 = arith.constant 16 : index
          %swap3A_439 = tpu.vector_load %arg9[%swap3A_437, %swap3A_438] {strides = array<i32>} : memref<320x128xf32, #tpu.memory_space<vmem>>, vector<16xf32>,
          tpu.vector_store %arg9[%swap3A_437, %swap3A_438], %mul3A_436 {strides = array<i32>} : memref<320x128xf32, #tpu.memory_space<vmem>>, vector<16xf32>,
          %broadcast_in_dim3A_440 = arith.constant 2 : i32
          %broadcast_in_dim3A_441 = vector.broadcast %broadcast_in_dim3A_440 : i32 to vector<16x1xi32>
          %gather3A_442 = vector.shape_cast %broadcast_in_dim3A_441 : vector<16x1xi32> to vector<16xi32>
          %gather3A_443 = tpu.dynamic_gather %select_n3A_425[%gather3A_442] in [0] : vector<16xf32>, vector<16xi32> -> vector<16xf32>
          %mul3A_444 = arith.mulf %while3A_383#3, %gather3A_443 : vector<16xf32>
          %swap3A_445 = arith.index_cast %while3A_291 : i32 to index
          %swap3A_446 = arith.constant 32 : index
          %swap3A_447 = tpu.vector_load %arg9[%swap3A_445, %swap3A_446] {strides = array<i32>} : memref<320x128xf32, #tpu.memory_space<vmem>>, vector<16xf32>,
          tpu.vector_store %arg9[%swap3A_445, %swap3A_446], %mul3A_444 {strides = array<i32>} : memref<320x128xf32, #tpu.memory_space<vmem>>, vector<16xf32>,
          %broadcast_in_dim3A_448 = arith.constant 3 : i32
          %broadcast_in_dim3A_449 = vector.broadcast %broadcast_in_dim3A_448 : i32 to vector<16x1xi32>
          %gather3A_450 = vector.shape_cast %broadcast_in_dim3A_449 : vector<16x1xi32> to vector<16xi32>
          %gather3A_451 = tpu.dynamic_gather %select_n3A_425[%gather3A_450] in [0] : vector<16xf32>, vector<16xi32> -> vector<16xf32>
          %mul3A_452 = arith.mulf %while3A_383#4, %gather3A_451 : vector<16xf32>
          %swap3A_453 = arith.index_cast %while3A_291 : i32 to index
          %swap3A_454 = arith.constant 48 : index
          %swap3A_455 = tpu.vector_load %arg9[%swap3A_453, %swap3A_454] {strides = array<i32>} : memref<320x128xf32, #tpu.memory_space<vmem>>, vector<16xf32>,
          tpu.vector_store %arg9[%swap3A_453, %swap3A_454], %mul3A_452 {strides = array<i32>} : memref<320x128xf32, #tpu.memory_space<vmem>>, vector<16xf32>,
          %broadcast_in_dim3A_456 = arith.constant 4 : i32
          %broadcast_in_dim3A_457 = vector.broadcast %broadcast_in_dim3A_456 : i32 to vector<16x1xi32>
          %gather3A_458 = vector.shape_cast %broadcast_in_dim3A_457 : vector<16x1xi32> to vector<16xi32>
          %gather3A_459 = tpu.dynamic_gather %select_n3A_425[%gather3A_458] in [0] : vector<16xf32>, vector<16xi32> -> vector<16xf32>
          %mul3A_460 = arith.mulf %while3A_383#5, %gather3A_459 : vector<16xf32>
          %swap3A_461 = arith.index_cast %while3A_291 : i32 to index
          %swap3A_462 = arith.constant 64 : index
          %swap3A_463 = tpu.vector_load %arg9[%swap3A_461, %swap3A_462] {strides = array<i32>} : memref<320x128xf32, #tpu.memory_space<vmem>>, vector<16xf32>,
          tpu.vector_store %arg9[%swap3A_461, %swap3A_462], %mul3A_460 {strides = array<i32>} : memref<320x128xf32, #tpu.memory_space<vmem>>, vector<16xf32>,
          %broadcast_in_dim3A_464 = arith.constant 5 : i32
          %broadcast_in_dim3A_465 = vector.broadcast %broadcast_in_dim3A_464 : i32 to vector<16x1xi32>
          %gather3A_466 = vector.shape_cast %broadcast_in_dim3A_465 : vector<16x1xi32> to vector<16xi32>
          %gather3A_467 = tpu.dynamic_gather %select_n3A_425[%gather3A_466] in [0] : vector<16xf32>, vector<16xi32> -> vector<16xf32>
          %mul3A_468 = arith.mulf %while3A_383#6, %gather3A_467 : vector<16xf32>
          %swap3A_469 = arith.index_cast %while3A_291 : i32 to index
          %swap3A_470 = arith.constant 80 : index
          %swap3A_471 = tpu.vector_load %arg9[%swap3A_469, %swap3A_470] {strides = array<i32>} : memref<320x128xf32, #tpu.memory_space<vmem>>, vector<16xf32>,
          tpu.vector_store %arg9[%swap3A_469, %swap3A_470], %mul3A_468 {strides = array<i32>} : memref<320x128xf32, #tpu.memory_space<vmem>>, vector<16xf32>,
          %broadcast_in_dim3A_472 = arith.constant 6 : i32
          %broadcast_in_dim3A_473 = vector.broadcast %broadcast_in_dim3A_472 : i32 to vector<16x1xi32>
          %gather3A_474 = vector.shape_cast %broadcast_in_dim3A_473 : vector<16x1xi32> to vector<16xi32>
          %gather3A_475 = tpu.dynamic_gather %select_n3A_425[%gather3A_474] in [0] : vector<16xf32>, vector<16xi32> -> vector<16xf32>
          %mul3A_476 = arith.mulf %while3A_383#7, %gather3A_475 : vector<16xf32>
          %swap3A_477 = arith.index_cast %while3A_291 : i32 to index
          %swap3A_478 = arith.constant 96 : index
          %swap3A_479 = tpu.vector_load %arg9[%swap3A_477, %swap3A_478] {strides = array<i32>} : memref<320x128xf32, #tpu.memory_space<vmem>>, vector<16xf32>,
          tpu.vector_store %arg9[%swap3A_477, %swap3A_478], %mul3A_476 {strides = array<i32>} : memref<320x128xf32, #tpu.memory_space<vmem>>, vector<16xf32>,
          %broadcast_in_dim3A_480 = arith.constant 7 : i32
          %broadcast_in_dim3A_481 = vector.broadcast %broadcast_in_dim3A_480 : i32 to vector<16x1xi32>
          %gather3A_482 = vector.shape_cast %broadcast_in_dim3A_481 : vector<16x1xi32> to vector<16xi32>
          %gather3A_483 = tpu.dynamic_gather %select_n3A_425[%gather3A_482] in [0] : vector<16xf32>, vector<16xi32> -> vector<16xf32>
          %mul3A_484 = arith.mulf %while3A_383#8, %gather3A_483 : vector<16xf32>
          %swap3A_485 = arith.index_cast %while3A_291 : i32 to index
          %swap3A_486 = arith.constant 112 : index
          %swap3A_487 = tpu.vector_load %arg9[%swap3A_485, %swap3A_486] {strides = array<i32>} : memref<320x128xf32, #tpu.memory_space<vmem>>, vector<16xf32>,
          tpu.vector_store %arg9[%swap3A_485, %swap3A_486], %mul3A_484 {strides = array<i32>} : memref<320x128xf32, #tpu.memory_space<vmem>>, vector<16xf32>,
        } else {
        }
        scf.yield %while3A_383#0, %while3A_383#1, %while3A_383#2, %while3A_383#3, %while3A_383#4, %while3A_383#5, %while3A_383#6, %while3A_383#7, %while3A_383#8 : vector<16xf32>, vector<16xf32>, vector<16xf32>, vector<16xf32>, vector<16xf32>, vector<16xf32>, vector<16xf32>, vector<16xf32>, vector<16xf32>
      }
      %add3A_217 = arith.constant 1 : i32
      %add3A_218 = arith.addi %select_n3A_204, %add3A_217 : i32
      %get3A_219 = arith.index_cast %add3A_218 : i32 to index
      %get3A_220 = tpu.vector_load %arg7[%get3A_219] {strides = array<i32>} : memref<344xi32, #tpu.memory_space<vmem>>, vector<16xi32>,
      %slice3A_221 = vector.extract_strided_slice %get3A_220 {offsets = [0], sizes = [1], strides = [1]} : vector<16xi32> to vector<1xi32>
      %squeeze3A_222 = vector.extract %slice3A_221[0] : i32 from vector<1xi32>
      %le3A = arith.cmpi sle, %squeeze3A_222, %add3A_192 : i32
      %add3A_223 = arith.constant 1 : i32
      %add3A_224 = arith.addi %select_n3A_204, %add3A_223 : i32
      %select_n3A_225 = arith.select %le3A, %add3A_224, %select_n3A_204 : i32
      %mul3A_226 = arith.constant 2 : i32
      %mul3A_227 = arith.muli %while3A_153, %mul3A_226 : i32
      %add3A_228 = arith.constant 1 : i32
      %add3A_229 = arith.addi %mul3A_227, %add3A_228 : i32
      %lt3A_230 = arith.cmpi slt, %add3A_229, %select_n3A_100 : i32
      %mul3A_231 = arith.constant 256 : i32
      %mul3A_232 = arith.muli %add3A_229, %mul3A_231 : i32
      %add3A_233 = arith.addi %mul3A_25, %mul3A_232 : i32
      %min3A_234 = arith.constant 319744 : i32
      %min3A_235 = arith.minsi %add3A_233, %min3A_234 : i32
      %multiple_of3A_236 = tpu.assume_multiple %min3A_235, 128 : i32
      %sub3A_237 = arith.subi %add3A_233, %multiple_of3A_236 : i32
      %convert_element_type3A_238 = arith.extui %lt3A_230 : i1 to i32
      %cond3A_239 = arith.constant 0 : i32
      %cond3A_240 = arith.cmpi ne, %convert_element_type3A_238, %cond3A_239 : i32
      scf.if %cond3A_240 {
        %mul3A_291 = arith.constant 256 : i32
        %mul3A_292 = arith.muli %add3A_229, %mul3A_291 : i32
        %add3A_293 = arith.addi %mul3A_25, %mul3A_292 : i32
        %min3A_294 = arith.constant 319744 : i32
        %min3A_295 = arith.minsi %add3A_293, %min3A_294 : i32
        %multiple_of3A_296 = tpu.assume_multiple %min3A_295, 128 : i32
        %dma_wait3A = arith.constant 0 : i32
        %dma_wait3A_297 = tpu.memref_slice %arg3[%dma_wait3A, %multiple_of3A_296] : memref<8x320000xf32, #tpu.memory_space<hbm>> -> memref<8x256xf32, #tpu.memory_space<hbm>>
        %dma_wait3A_298 = arith.constant 0 : i32
        %dma_wait3A_299 = tpu.memref_slice %arg3[%dma_wait3A_298, %multiple_of3A_296] : memref<8x320000xf32, #tpu.memory_space<hbm>> -> memref<8x256xf32, #tpu.memory_space<hbm>>
        tpu.wait_dma2 semaphore(%arg18 : memref<!tpu.dma_semaphore, #tpu.memory_space<semaphore_mem>>) src(%dma_wait3A_299 : memref<8x256xf32, #tpu.memory_space<hbm>>) dst(%arg12 : memref<8x256xf32, #tpu.memory_space<vmem>>)
        %dma_wait3A_300 = arith.constant 0 : i32
        %dma_wait3A_301 = tpu.memref_slice %arg4[%multiple_of3A_296, %dma_wait3A_300] : memref<320000x128xf32, #tpu.memory_space<hbm>> -> memref<256x128xf32, #tpu.memory_space<hbm>>
        %dma_wait3A_302 = arith.constant 0 : i32
        %dma_wait3A_303 = tpu.memref_slice %arg4[%multiple_of3A_296, %dma_wait3A_302] : memref<320000x128xf32, #tpu.memory_space<hbm>> -> memref<256x128xf32, #tpu.memory_space<hbm>>
        tpu.wait_dma2 semaphore(%arg18 : memref<!tpu.dma_semaphore, #tpu.memory_space<semaphore_mem>>) src(%dma_wait3A_303 : memref<256x128xf32, #tpu.memory_space<hbm>>) dst(%arg15 : memref<256x128xf32, #tpu.memory_space<vmem>>)
      } else {
      }
      %add3A_241 = arith.constant 1 : i32
      %add3A_242 = arith.addi %add3A_229, %add3A_241 : i32
      %lt3A_243 = arith.cmpi slt, %add3A_242, %select_n3A_100 : i32
      %convert_element_type3A_244 = arith.extui %lt3A_243 : i1 to i32
      %cond3A_245 = arith.constant 0 : i32
      %cond3A_246 = arith.cmpi ne, %convert_element_type3A_244, %cond3A_245 : i32
      scf.if %cond3A_246 {
        %add3A_291 = arith.constant 1 : i32
        %add3A_292 = arith.addi %add3A_229, %add3A_291 : i32
        %mul3A_293 = arith.constant 256 : i32
        %mul3A_294 = arith.muli %add3A_292, %mul3A_293 : i32
        %add3A_295 = arith.addi %mul3A_25, %mul3A_294 : i32
        %min3A_296 = arith.constant 319744 : i32
        %min3A_297 = arith.minsi %add3A_295, %min3A_296 : i32
        %multiple_of3A_298 = tpu.assume_multiple %min3A_297, 128 : i32
        %dma_start3A = arith.constant 0 : i32
        %dma_start3A_299 = tpu.memref_slice %arg3[%dma_start3A, %multiple_of3A_298] : memref<8x320000xf32, #tpu.memory_space<hbm>> -> memref<8x256xf32, #tpu.memory_space<hbm>>
        %dma_start3A_300 = arith.constant 0 : i32
        %dma_start3A_301 = tpu.memref_slice %arg3[%dma_start3A_300, %multiple_of3A_298] : memref<8x320000xf32, #tpu.memory_space<hbm>> -> memref<8x256xf32, #tpu.memory_space<hbm>>
        tpu.enqueue_dma source(%dma_start3A_301 : memref<8x256xf32, #tpu.memory_space<hbm>>) target(%arg11 : memref<8x256xf32, #tpu.memory_space<vmem>>) target_semaphore(%arg17 : memref<!tpu.dma_semaphore, #tpu.memory_space<semaphore_mem>>)
        %dma_start3A_302 = arith.constant 0 : i32
        %dma_start3A_303 = tpu.memref_slice %arg4[%multiple_of3A_298, %dma_start3A_302] : memref<320000x128xf32, #tpu.memory_space<hbm>> -> memref<256x128xf32, #tpu.memory_space<hbm>>
        %dma_start3A_304 = arith.constant 0 : i32
        %dma_start3A_305 = tpu.memref_slice %arg4[%multiple_of3A_298, %dma_start3A_304] : memref<320000x128xf32, #tpu.memory_space<hbm>> -> memref<256x128xf32, #tpu.memory_space<hbm>>
        tpu.enqueue_dma source(%dma_start3A_305 : memref<256x128xf32, #tpu.memory_space<hbm>>) target(%arg14 : memref<256x128xf32, #tpu.memory_space<vmem>>) target_semaphore(%arg17 : memref<!tpu.dma_semaphore, #tpu.memory_space<semaphore_mem>>)
      } else {
      }
      %convert_element_type3A_247 = arith.extui %lt3A_230 : i1 to i32
      %cond3A_248 = arith.constant 0 : i32
      %cond3A_249 = arith.cmpi ne, %convert_element_type3A_247, %cond3A_248 : i32
      scf.if %cond3A_249 {
        %scan3A_291 = arith.constant 0 : i32
        %scan3A_292 = arith.constant 0 : i32
        %scan3A_293 = arith.constant 16 : i32
        %scan3A_294 = arith.addi %scan3A_292, %scan3A_293 : i32
        %scan3A_295 = arith.constant 1 : i32
        %scan3A_296 = scf.for %scan3A_298 = %scan3A_292 to %scan3A_294 step %scan3A_295 iter_args(%scan3A_299 = %scan3A_291) -> (i32)  : i32 {
          %mul3A_300 = arith.constant 16 : i32
          %mul3A_301 = arith.muli %scan3A_298, %mul3A_300 : i32
          %add3A_302 = vector.broadcast %mul3A_301 : i32 to vector<16xi32>
          %add3A_303 = arith.addi %add3A_302, %iota3A : vector<16xi32>
          %mul3A_304 = arith.constant 8 : i32
          %mul3A_305 = vector.broadcast %mul3A_304 : i32 to vector<16xi32>
          %mul3A_306 = arith.muli %add3A_303, %mul3A_305 : vector<16xi32>
          %add3A_307 = arith.constant 0 : i32
          %add3A_308 = vector.broadcast %add3A_307 : i32 to vector<16xi32>
          %add3A_309 = arith.addi %mul3A_306, %add3A_308 : vector<16xi32>
          %get3A_310 = arith.constant 0 : i32
          %get3A_311 = arith.index_cast %get3A_310 : i32 to index
          %get3A_312 = arith.index_cast %mul3A_301 : i32 to index
          %get3A_313 = tpu.vector_load %arg12[%get3A_311, %get3A_312] {strides = array<i32>} : memref<8x256xf32, #tpu.memory_space<vmem>>, vector<16xf32>,
          tpu.vector_store_idx %arg13[%add3A_309], %get3A_313 : memref<2064xf32, #tpu.memory_space<vmem>>[vector<16xi32>], vector<16xf32>,
          %add3A_314 = arith.constant 1 : i32
          %add3A_315 = vector.broadcast %add3A_314 : i32 to vector<16xi32>
          %add3A_316 = arith.addi %mul3A_306, %add3A_315 : vector<16xi32>
          %get3A_317 = arith.constant 1 : i32
          %get3A_318 = arith.index_cast %get3A_317 : i32 to index
          %get3A_319 = arith.index_cast %mul3A_301 : i32 to index
          %get3A_320 = tpu.vector_load %arg12[%get3A_318, %get3A_319] {strides = array<i32>} : memref<8x256xf32, #tpu.memory_space<vmem>>, vector<16xf32>,
          tpu.vector_store_idx %arg13[%add3A_316], %get3A_320 : memref<2064xf32, #tpu.memory_space<vmem>>[vector<16xi32>], vector<16xf32>,
          %add3A_321 = arith.constant 2 : i32
          %add3A_322 = vector.broadcast %add3A_321 : i32 to vector<16xi32>
          %add3A_323 = arith.addi %mul3A_306, %add3A_322 : vector<16xi32>
          %get3A_324 = arith.constant 2 : i32
          %get3A_325 = arith.index_cast %get3A_324 : i32 to index
          %get3A_326 = arith.index_cast %mul3A_301 : i32 to index
          %get3A_327 = tpu.vector_load %arg12[%get3A_325, %get3A_326] {strides = array<i32>} : memref<8x256xf32, #tpu.memory_space<vmem>>, vector<16xf32>,
          tpu.vector_store_idx %arg13[%add3A_323], %get3A_327 : memref<2064xf32, #tpu.memory_space<vmem>>[vector<16xi32>], vector<16xf32>,
          %add3A_328 = arith.constant 3 : i32
          %add3A_329 = vector.broadcast %add3A_328 : i32 to vector<16xi32>
          %add3A_330 = arith.addi %mul3A_306, %add3A_329 : vector<16xi32>
          %get3A_331 = arith.constant 3 : i32
          %get3A_332 = arith.index_cast %get3A_331 : i32 to index
          %get3A_333 = arith.index_cast %mul3A_301 : i32 to index
          %get3A_334 = tpu.vector_load %arg12[%get3A_332, %get3A_333] {strides = array<i32>} : memref<8x256xf32, #tpu.memory_space<vmem>>, vector<16xf32>,
          tpu.vector_store_idx %arg13[%add3A_330], %get3A_334 : memref<2064xf32, #tpu.memory_space<vmem>>[vector<16xi32>], vector<16xf32>,
          %add3A_335 = arith.constant 4 : i32
          %add3A_336 = vector.broadcast %add3A_335 : i32 to vector<16xi32>
          %add3A_337 = arith.addi %mul3A_306, %add3A_336 : vector<16xi32>
          %get3A_338 = arith.constant 4 : i32
          %get3A_339 = arith.index_cast %get3A_338 : i32 to index
          %get3A_340 = arith.index_cast %mul3A_301 : i32 to index
          %get3A_341 = tpu.vector_load %arg12[%get3A_339, %get3A_340] {strides = array<i32>} : memref<8x256xf32, #tpu.memory_space<vmem>>, vector<16xf32>,
          tpu.vector_store_idx %arg13[%add3A_337], %get3A_341 : memref<2064xf32, #tpu.memory_space<vmem>>[vector<16xi32>], vector<16xf32>,
          %add3A_342 = arith.constant 5 : i32
          %add3A_343 = vector.broadcast %add3A_342 : i32 to vector<16xi32>
          %add3A_344 = arith.addi %mul3A_306, %add3A_343 : vector<16xi32>
          %get3A_345 = arith.constant 5 : i32
          %get3A_346 = arith.index_cast %get3A_345 : i32 to index
          %get3A_347 = arith.index_cast %mul3A_301 : i32 to index
          %get3A_348 = tpu.vector_load %arg12[%get3A_346, %get3A_347] {strides = array<i32>} : memref<8x256xf32, #tpu.memory_space<vmem>>, vector<16xf32>,
          tpu.vector_store_idx %arg13[%add3A_344], %get3A_348 : memref<2064xf32, #tpu.memory_space<vmem>>[vector<16xi32>], vector<16xf32>,
          %add3A_349 = arith.constant 6 : i32
          %add3A_350 = vector.broadcast %add3A_349 : i32 to vector<16xi32>
          %add3A_351 = arith.addi %mul3A_306, %add3A_350 : vector<16xi32>
          %get3A_352 = arith.constant 6 : i32
          %get3A_353 = arith.index_cast %get3A_352 : i32 to index
          %get3A_354 = arith.index_cast %mul3A_301 : i32 to index
          %get3A_355 = tpu.vector_load %arg12[%get3A_353, %get3A_354] {strides = array<i32>} : memref<8x256xf32, #tpu.memory_space<vmem>>, vector<16xf32>,
          tpu.vector_store_idx %arg13[%add3A_351], %get3A_355 : memref<2064xf32, #tpu.memory_space<vmem>>[vector<16xi32>], vector<16xf32>,
          %add3A_356 = arith.constant 7 : i32
          %add3A_357 = vector.broadcast %add3A_356 : i32 to vector<16xi32>
          %add3A_358 = arith.addi %mul3A_306, %add3A_357 : vector<16xi32>
          %get3A_359 = arith.constant 7 : i32
          %get3A_360 = arith.index_cast %get3A_359 : i32 to index
          %get3A_361 = arith.index_cast %mul3A_301 : i32 to index
          %get3A_362 = tpu.vector_load %arg12[%get3A_360, %get3A_361] {strides = array<i32>} : memref<8x256xf32, #tpu.memory_space<vmem>>, vector<16xf32>,
          tpu.vector_store_idx %arg13[%add3A_358], %get3A_362 : memref<2064xf32, #tpu.memory_space<vmem>>[vector<16xi32>], vector<16xf32>,
          %scan3A_363 = arith.constant 0 : i32
          scf.yield %scan3A_363 : i32
        }
        %scan3A_297 = arith.constant 16 : i32
      } else {
      }
      %sub3A_250 = arith.subi %squeeze3A_7, %add3A_233 : i32
      %min3A_251 = arith.constant 256 : i32
      %min3A_252 = arith.minsi %min3A_251, %sub3A_250 : i32
      %jit3A_253 = arith.constant 0 : i32
      %select_n3A_254 = arith.select %lt3A_230, %min3A_252, %jit3A_253 : i32
      %add3A_255 = arith.addi %add3A_233, %select_n3A_254 : i32
      %sub3A_256 = arith.constant 1 : i32
      %sub3A_257 = arith.subi %add3A_255, %sub3A_256 : i32
      %scan3A_258 = arith.constant 0 : i32
      %scan3A_259 = arith.constant 320 : i32
      %scan3A_260 = arith.constant 0 : i32
      %scan3A_261 = arith.constant 9 : i32
      %scan3A_262 = arith.addi %scan3A_260, %scan3A_261 : i32
      %scan3A_263 = arith.constant 1 : i32
      %scan3A_264:2 = scf.for %scan3A_291 = %scan3A_260 to %scan3A_262 step %scan3A_263 iter_args(%scan3A_292 = %scan3A_258, %scan3A_293 = %scan3A_259) -> (i32, i32)  : i32 {
        %add3A_294 = arith.addi %scan3A_292, %scan3A_293 : i32
        %shift_right_logical3A = arith.constant 1 : i32
        %shift_right_logical3A_295 = arith.shrui %add3A_294, %shift_right_logical3A : i32
        %get3A_296 = arith.index_cast %shift_right_logical3A_295 : i32 to index
        %get3A_297 = tpu.vector_load %arg7[%get3A_296] {strides = array<i32>} : memref<344xi32, #tpu.memory_space<vmem>>, vector<16xi32>,
        %slice3A_298 = vector.extract_strided_slice %get3A_297 {offsets = [0], sizes = [1], strides = [1]} : vector<16xi32> to vector<1xi32>
        %squeeze3A_299 = vector.extract %slice3A_298[0] : i32 from vector<1xi32>
        %le3A_300 = arith.cmpi sle, %squeeze3A_299, %sub3A_257 : i32
        %select_n3A_301 = arith.select %le3A_300, %shift_right_logical3A_295, %scan3A_292 : i32
        %select_n3A_302 = arith.select %le3A_300, %scan3A_293, %shift_right_logical3A_295 : i32
        scf.yield %select_n3A_301, %select_n3A_302 : i32, i32
      }
      %scan3A_265 = arith.constant 9 : i32
      %sub3A_266 = arith.constant 1 : i32
      %sub3A_267 = arith.subi %select_n3A_225, %sub3A_266 : i32
      %select_n3A_268 = arith.select %lt3A_230, %scan3A_264#0, %sub3A_267 : i32
      %add3A_269 = arith.constant 1 : i32
      %add3A_270 = arith.addi %select_n3A_268, %add3A_269 : i32
      %while3A_271 = arith.subi %add3A_270, %select_n3A_225 : i32
      %while3A_272 = arith.addi %select_n3A_225, %while3A_271 : i32
      %while3A_273 = arith.constant 1 : i32
      %while3A_274 = arith.divsi %while3A_271, %while3A_273 : i32
      %while3A_275 = arith.muli %while3A_274, %while3A_273 : i32
      %while3A_276 = arith.addi %select_n3A_225, %while3A_275 : i32
      %while3A_277 = arith.constant 1 : i32
      %while3A_278:9 = scf.for %while3A_291 = %select_n3A_225 to %while3A_276 step %while3A_277 iter_args(%while3A_292 = %while3A_216#0, %while3A_293 = %while3A_216#1, %while3A_294 = %while3A_216#2, %while3A_295 = %while3A_216#3, %while3A_296 = %while3A_216#4, %while3A_297 = %while3A_216#5, %while3A_298 = %while3A_216#6, %while3A_299 = %while3A_216#7, %while3A_300 = %while3A_216#8) -> (vector<16xf32>, vector<16xf32>, vector<16xf32>, vector<16xf32>, vector<16xf32>, vector<16xf32>, vector<16xf32>, vector<16xf32>, vector<16xf32>)  : i32 {
        %get3A_301 = arith.index_cast %while3A_291 : i32 to index
        %get3A_302 = tpu.vector_load %arg7[%get3A_301] {strides = array<i32>} : memref<344xi32, #tpu.memory_space<vmem>>, vector<16xi32>,
        %slice3A_303 = vector.extract_strided_slice %get3A_302 {offsets = [0], sizes = [1], strides = [1]} : vector<16xi32> to vector<1xi32>
        %squeeze3A_304 = vector.extract %slice3A_303[0] : i32 from vector<1xi32>
        %add3A_305 = arith.constant 1 : i32
        %add3A_306 = arith.addi %while3A_291, %add3A_305 : i32
        %get3A_307 = arith.index_cast %add3A_306 : i32 to index
        %get3A_308 = tpu.vector_load %arg7[%get3A_307] {strides = array<i32>} : memref<344xi32, #tpu.memory_space<vmem>>, vector<16xi32>,
        %slice3A_309 = vector.extract_strided_slice %get3A_308 {offsets = [0], sizes = [1], strides = [1]} : vector<16xi32> to vector<1xi32>
        %squeeze3A_310 = vector.extract %slice3A_309[0] : i32 from vector<1xi32>
        %max3A = arith.maxsi %squeeze3A_304, %add3A_233 : i32
        %min3A_311 = arith.minsi %squeeze3A_310, %add3A_255 : i32
        %ge3A = arith.cmpi sge, %squeeze3A_304, %add3A_233 : i32
        %jit3A_312 = arith.constant 0.000000e+00 : f32
        %broadcast_in_dim3A_313 = vector.broadcast %jit3A_312 : f32 to vector<16xf32>
        %select_n3A_314 = arith.select %ge3A, %broadcast_in_dim3A_313, %while3A_292 : vector<16xf32>
        %jit3A_315 = arith.constant 0.000000e+00 : f32
        %broadcast_in_dim3A_316 = vector.broadcast %jit3A_315 : f32 to vector<16xf32>
        %select_n3A_317 = arith.select %ge3A, %broadcast_in_dim3A_316, %while3A_293 : vector<16xf32>
        %jit3A_318 = arith.constant 0.000000e+00 : f32
        %broadcast_in_dim3A_319 = vector.broadcast %jit3A_318 : f32 to vector<16xf32>
        %select_n3A_320 = arith.select %ge3A, %broadcast_in_dim3A_319, %while3A_294 : vector<16xf32>
        %jit3A_321 = arith.constant 0.000000e+00 : f32
        %broadcast_in_dim3A_322 = vector.broadcast %jit3A_321 : f32 to vector<16xf32>
        %select_n3A_323 = arith.select %ge3A, %broadcast_in_dim3A_322, %while3A_295 : vector<16xf32>
        %jit3A_324 = arith.constant 0.000000e+00 : f32
        %broadcast_in_dim3A_325 = vector.broadcast %jit3A_324 : f32 to vector<16xf32>
        %select_n3A_326 = arith.select %ge3A, %broadcast_in_dim3A_325, %while3A_296 : vector<16xf32>
        %jit3A_327 = arith.constant 0.000000e+00 : f32
        %broadcast_in_dim3A_328 = vector.broadcast %jit3A_327 : f32 to vector<16xf32>
        %select_n3A_329 = arith.select %ge3A, %broadcast_in_dim3A_328, %while3A_297 : vector<16xf32>
        %jit3A_330 = arith.constant 0.000000e+00 : f32
        %broadcast_in_dim3A_331 = vector.broadcast %jit3A_330 : f32 to vector<16xf32>
        %select_n3A_332 = arith.select %ge3A, %broadcast_in_dim3A_331, %while3A_298 : vector<16xf32>
        %jit3A_333 = arith.constant 0.000000e+00 : f32
        %broadcast_in_dim3A_334 = vector.broadcast %jit3A_333 : f32 to vector<16xf32>
        %select_n3A_335 = arith.select %ge3A, %broadcast_in_dim3A_334, %while3A_299 : vector<16xf32>
        %jit3A_336 = arith.constant 0.000000e+00 : f32
        %broadcast_in_dim3A_337 = vector.broadcast %jit3A_336 : f32 to vector<16xf32>
        %select_n3A_338 = arith.select %ge3A, %broadcast_in_dim3A_337, %while3A_300 : vector<16xf32>
        %mul3A_339 = arith.constant 16 : i32
        %mul3A_340 = arith.muli %while3A_291, %mul3A_339 : i32
        %get3A_341 = arith.index_cast %mul3A_340 : i32 to index
        %get3A_342 = tpu.vector_load %arg8[%get3A_341] {strides = array<i32>} : memref<5120xf32, #tpu.memory_space<vmem>>, vector<16xf32>,
        %sub3A_343 = arith.subi %squeeze3A_310, %squeeze3A_304 : i32
        %max3A_344 = arith.constant 1 : i32
        %max3A_345 = arith.maxsi %sub3A_343, %max3A_344 : i32
        %convert_element_type3A_346 = arith.sitofp %max3A_345 : i32 to f32
        %bitcast_convert_type3A = arith.bitcast %convert_element_type3A_346 : f32 to i32
        %shift_right_logical3A = arith.constant 1 : i32
        %shift_right_logical3A_347 = arith.shrui %bitcast_convert_type3A, %shift_right_logical3A : i32
        %sub3A_348 = arith.constant 1597463007 : i32
        %sub3A_349 = arith.subi %sub3A_348, %shift_right_logical3A_347 : i32
        %bitcast_convert_type3A_350 = arith.bitcast %sub3A_349 : i32 to f32
        %mul3A_351 = arith.constant 5.000000e-01 : f32
        %mul3A_352 = arith.mulf %mul3A_351, %convert_element_type3A_346 : f32
        %mul3A_353 = arith.mulf %mul3A_352, %bitcast_convert_type3A_350 : f32
        %mul3A_354 = arith.mulf %mul3A_353, %bitcast_convert_type3A_350 : f32
        %sub3A_355 = arith.constant 1.500000e+00 : f32
        %sub3A_356 = arith.subf %sub3A_355, %mul3A_354 : f32
        %mul3A_357 = arith.mulf %bitcast_convert_type3A_350, %sub3A_356 : f32
        %mul3A_358 = arith.constant 5.000000e-01 : f32
        %mul3A_359 = arith.mulf %mul3A_358, %convert_element_type3A_346 : f32
        %mul3A_360 = arith.mulf %mul3A_359, %mul3A_357 : f32
        %mul3A_361 = arith.mulf %mul3A_360, %mul3A_357 : f32
        %sub3A_362 = arith.constant 1.500000e+00 : f32
        %sub3A_363 = arith.subf %sub3A_362, %mul3A_361 : f32
        %mul3A_364 = arith.mulf %mul3A_357, %sub3A_363 : f32
        %mul3A_365 = arith.constant 5.000000e-01 : f32
        %mul3A_366 = arith.mulf %mul3A_365, %convert_element_type3A_346 : f32
        %mul3A_367 = arith.mulf %mul3A_366, %mul3A_364 : f32
        %mul3A_368 = arith.mulf %mul3A_367, %mul3A_364 : f32
        %sub3A_369 = arith.constant 1.500000e+00 : f32
        %sub3A_370 = arith.subf %sub3A_369, %mul3A_368 : f32
        %mul3A_371 = arith.mulf %mul3A_364, %sub3A_370 : f32
        %sub3A_372 = arith.subi %max3A, %add3A_233 : i32
        %sub3A_373 = arith.subi %min3A_311, %add3A_233 : i32
        %while3A_374 = arith.subi %sub3A_373, %sub3A_372 : i32
        %while3A_375 = arith.addi %sub3A_372, %while3A_374 : i32
        %while3A_376 = arith.constant 1 : i32
        %while3A_377 = arith.divsi %while3A_374, %while3A_376 : i32
        %while3A_378 = arith.muli %while3A_377, %while3A_376 : i32
        %while3A_379 = arith.addi %sub3A_372, %while3A_378 : i32
        %while3A_380 = arith.constant 1 : i32
        %while3A_381:9 = scf.for %while3A_388 = %sub3A_372 to %while3A_379 step %while3A_380 iter_args(%while3A_389 = %select_n3A_314, %while3A_390 = %select_n3A_317, %while3A_391 = %select_n3A_320, %while3A_392 = %select_n3A_323, %while3A_393 = %select_n3A_326, %while3A_394 = %select_n3A_329, %while3A_395 = %select_n3A_332, %while3A_396 = %select_n3A_335, %while3A_397 = %select_n3A_338) -> (vector<16xf32>, vector<16xf32>, vector<16xf32>, vector<16xf32>, vector<16xf32>, vector<16xf32>, vector<16xf32>, vector<16xf32>, vector<16xf32>)  : i32 {
          %add3A_398 = arith.addi %while3A_388, %sub3A_237 : i32
          %mul3A_399 = arith.constant 8 : i32
          %mul3A_400 = arith.muli %add3A_398, %mul3A_399 : i32
          %get3A_401 = arith.index_cast %mul3A_400 : i32 to index
          %get3A_402 = tpu.vector_load %arg13[%get3A_401] {strides = array<i32>} : memref<2064xf32, #tpu.memory_space<vmem>>, vector<16xf32>,
          %sub3A_403 = arith.subf %get3A_402, %get3A_342 : vector<16xf32>
          %mul3A_404 = vector.broadcast %mul3A_371 : f32 to vector<16xf32>
          %mul3A_405 = arith.mulf %sub3A_403, %mul3A_404 : vector<16xf32>
          %exp3A = math.exp %mul3A_405 : vector<16xf32>
          %jit3A_406 = arith.constant 0.000000e+00 : f32
          %broadcast_in_dim3A_407 = vector.broadcast %jit3A_406 : f32 to vector<16xf32>
          %select_n3A_408 = arith.select %lt3A_27, %exp3A, %broadcast_in_dim3A_407 : vector<16xi1>, vector<16xf32>
          %add3A_409 = arith.addf %while3A_389, %select_n3A_408 : vector<16xf32>
          %broadcast_in_dim3A_410 = arith.constant 0 : i32
          %broadcast_in_dim3A_411 = vector.broadcast %broadcast_in_dim3A_410 : i32 to vector<16x1xi32>
          %gather3A = vector.shape_cast %broadcast_in_dim3A_411 : vector<16x1xi32> to vector<16xi32>
          %gather3A_412 = tpu.dynamic_gather %exp3A[%gather3A] in [0] : vector<16xf32>, vector<16xi32> -> vector<16xf32>
          %get3A_413 = arith.index_cast %add3A_398 : i32 to index
          %get3A_414 = arith.constant 0 : index
          %get3A_415 = tpu.vector_load %arg15[%get3A_413, %get3A_414] {strides = array<i32>} : memref<256x128xf32, #tpu.memory_space<vmem>>, vector<16xf32>,
          %mul3A_416 = arith.mulf %gather3A_412, %get3A_415 : vector<16xf32>
          %add3A_417 = arith.addf %while3A_390, %mul3A_416 : vector<16xf32>
          %broadcast_in_dim3A_418 = arith.constant 1 : i32
          %broadcast_in_dim3A_419 = vector.broadcast %broadcast_in_dim3A_418 : i32 to vector<16x1xi32>
          %gather3A_420 = vector.shape_cast %broadcast_in_dim3A_419 : vector<16x1xi32> to vector<16xi32>
          %gather3A_421 = tpu.dynamic_gather %exp3A[%gather3A_420] in [0] : vector<16xf32>, vector<16xi32> -> vector<16xf32>
          %get3A_422 = arith.index_cast %add3A_398 : i32 to index
          %get3A_423 = arith.constant 16 : index
          %get3A_424 = tpu.vector_load %arg15[%get3A_422, %get3A_423] {strides = array<i32>} : memref<256x128xf32, #tpu.memory_space<vmem>>, vector<16xf32>,
          %mul3A_425 = arith.mulf %gather3A_421, %get3A_424 : vector<16xf32>
          %add3A_426 = arith.addf %while3A_391, %mul3A_425 : vector<16xf32>
          %broadcast_in_dim3A_427 = arith.constant 2 : i32
          %broadcast_in_dim3A_428 = vector.broadcast %broadcast_in_dim3A_427 : i32 to vector<16x1xi32>
          %gather3A_429 = vector.shape_cast %broadcast_in_dim3A_428 : vector<16x1xi32> to vector<16xi32>
          %gather3A_430 = tpu.dynamic_gather %exp3A[%gather3A_429] in [0] : vector<16xf32>, vector<16xi32> -> vector<16xf32>
          %get3A_431 = arith.index_cast %add3A_398 : i32 to index
          %get3A_432 = arith.constant 32 : index
          %get3A_433 = tpu.vector_load %arg15[%get3A_431, %get3A_432] {strides = array<i32>} : memref<256x128xf32, #tpu.memory_space<vmem>>, vector<16xf32>,
          %mul3A_434 = arith.mulf %gather3A_430, %get3A_433 : vector<16xf32>
          %add3A_435 = arith.addf %while3A_392, %mul3A_434 : vector<16xf32>
          %broadcast_in_dim3A_436 = arith.constant 3 : i32
          %broadcast_in_dim3A_437 = vector.broadcast %broadcast_in_dim3A_436 : i32 to vector<16x1xi32>
          %gather3A_438 = vector.shape_cast %broadcast_in_dim3A_437 : vector<16x1xi32> to vector<16xi32>
          %gather3A_439 = tpu.dynamic_gather %exp3A[%gather3A_438] in [0] : vector<16xf32>, vector<16xi32> -> vector<16xf32>
          %get3A_440 = arith.index_cast %add3A_398 : i32 to index
          %get3A_441 = arith.constant 48 : index
          %get3A_442 = tpu.vector_load %arg15[%get3A_440, %get3A_441] {strides = array<i32>} : memref<256x128xf32, #tpu.memory_space<vmem>>, vector<16xf32>,
          %mul3A_443 = arith.mulf %gather3A_439, %get3A_442 : vector<16xf32>
          %add3A_444 = arith.addf %while3A_393, %mul3A_443 : vector<16xf32>
          %broadcast_in_dim3A_445 = arith.constant 4 : i32
          %broadcast_in_dim3A_446 = vector.broadcast %broadcast_in_dim3A_445 : i32 to vector<16x1xi32>
          %gather3A_447 = vector.shape_cast %broadcast_in_dim3A_446 : vector<16x1xi32> to vector<16xi32>
          %gather3A_448 = tpu.dynamic_gather %exp3A[%gather3A_447] in [0] : vector<16xf32>, vector<16xi32> -> vector<16xf32>
          %get3A_449 = arith.index_cast %add3A_398 : i32 to index
          %get3A_450 = arith.constant 64 : index
          %get3A_451 = tpu.vector_load %arg15[%get3A_449, %get3A_450] {strides = array<i32>} : memref<256x128xf32, #tpu.memory_space<vmem>>, vector<16xf32>,
          %mul3A_452 = arith.mulf %gather3A_448, %get3A_451 : vector<16xf32>
          %add3A_453 = arith.addf %while3A_394, %mul3A_452 : vector<16xf32>
          %broadcast_in_dim3A_454 = arith.constant 5 : i32
          %broadcast_in_dim3A_455 = vector.broadcast %broadcast_in_dim3A_454 : i32 to vector<16x1xi32>
          %gather3A_456 = vector.shape_cast %broadcast_in_dim3A_455 : vector<16x1xi32> to vector<16xi32>
          %gather3A_457 = tpu.dynamic_gather %exp3A[%gather3A_456] in [0] : vector<16xf32>, vector<16xi32> -> vector<16xf32>
          %get3A_458 = arith.index_cast %add3A_398 : i32 to index
          %get3A_459 = arith.constant 80 : index
          %get3A_460 = tpu.vector_load %arg15[%get3A_458, %get3A_459] {strides = array<i32>} : memref<256x128xf32, #tpu.memory_space<vmem>>, vector<16xf32>,
          %mul3A_461 = arith.mulf %gather3A_457, %get3A_460 : vector<16xf32>
          %add3A_462 = arith.addf %while3A_395, %mul3A_461 : vector<16xf32>
          %broadcast_in_dim3A_463 = arith.constant 6 : i32
          %broadcast_in_dim3A_464 = vector.broadcast %broadcast_in_dim3A_463 : i32 to vector<16x1xi32>
          %gather3A_465 = vector.shape_cast %broadcast_in_dim3A_464 : vector<16x1xi32> to vector<16xi32>
          %gather3A_466 = tpu.dynamic_gather %exp3A[%gather3A_465] in [0] : vector<16xf32>, vector<16xi32> -> vector<16xf32>
          %get3A_467 = arith.index_cast %add3A_398 : i32 to index
          %get3A_468 = arith.constant 96 : index
          %get3A_469 = tpu.vector_load %arg15[%get3A_467, %get3A_468] {strides = array<i32>} : memref<256x128xf32, #tpu.memory_space<vmem>>, vector<16xf32>,
          %mul3A_470 = arith.mulf %gather3A_466, %get3A_469 : vector<16xf32>
          %add3A_471 = arith.addf %while3A_396, %mul3A_470 : vector<16xf32>
          %broadcast_in_dim3A_472 = arith.constant 7 : i32
          %broadcast_in_dim3A_473 = vector.broadcast %broadcast_in_dim3A_472 : i32 to vector<16x1xi32>
          %gather3A_474 = vector.shape_cast %broadcast_in_dim3A_473 : vector<16x1xi32> to vector<16xi32>
          %gather3A_475 = tpu.dynamic_gather %exp3A[%gather3A_474] in [0] : vector<16xf32>, vector<16xi32> -> vector<16xf32>
          %get3A_476 = arith.index_cast %add3A_398 : i32 to index
          %get3A_477 = arith.constant 112 : index
          %get3A_478 = tpu.vector_load %arg15[%get3A_476, %get3A_477] {strides = array<i32>} : memref<256x128xf32, #tpu.memory_space<vmem>>, vector<16xf32>,
          %mul3A_479 = arith.mulf %gather3A_475, %get3A_478 : vector<16xf32>
          %add3A_480 = arith.addf %while3A_397, %mul3A_479 : vector<16xf32>
          scf.yield %add3A_409, %add3A_417, %add3A_426, %add3A_435, %add3A_444, %add3A_453, %add3A_462, %add3A_471, %add3A_480 : vector<16xf32>, vector<16xf32>, vector<16xf32>, vector<16xf32>, vector<16xf32>, vector<16xf32>, vector<16xf32>, vector<16xf32>, vector<16xf32>
        }
        %while3A_382 = arith.constant 1 : i32
        %while3A_383:9 = scf.for %while3A_388 = %while3A_379 to %while3A_375 step %while3A_382 iter_args(%while3A_389 = %while3A_381#0, %while3A_390 = %while3A_381#1, %while3A_391 = %while3A_381#2, %while3A_392 = %while3A_381#3, %while3A_393 = %while3A_381#4, %while3A_394 = %while3A_381#5, %while3A_395 = %while3A_381#6, %while3A_396 = %while3A_381#7, %while3A_397 = %while3A_381#8) -> (vector<16xf32>, vector<16xf32>, vector<16xf32>, vector<16xf32>, vector<16xf32>, vector<16xf32>, vector<16xf32>, vector<16xf32>, vector<16xf32>)  : i32 {
          %add3A_398 = arith.addi %while3A_388, %sub3A_237 : i32
          %mul3A_399 = arith.constant 8 : i32
          %mul3A_400 = arith.muli %add3A_398, %mul3A_399 : i32
          %get3A_401 = arith.index_cast %mul3A_400 : i32 to index
          %get3A_402 = tpu.vector_load %arg13[%get3A_401] {strides = array<i32>} : memref<2064xf32, #tpu.memory_space<vmem>>, vector<16xf32>,
          %sub3A_403 = arith.subf %get3A_402, %get3A_342 : vector<16xf32>
          %mul3A_404 = vector.broadcast %mul3A_371 : f32 to vector<16xf32>
          %mul3A_405 = arith.mulf %sub3A_403, %mul3A_404 : vector<16xf32>
          %exp3A = math.exp %mul3A_405 : vector<16xf32>
          %jit3A_406 = arith.constant 0.000000e+00 : f32
          %broadcast_in_dim3A_407 = vector.broadcast %jit3A_406 : f32 to vector<16xf32>
          %select_n3A_408 = arith.select %lt3A_27, %exp3A, %broadcast_in_dim3A_407 : vector<16xi1>, vector<16xf32>
          %add3A_409 = arith.addf %while3A_389, %select_n3A_408 : vector<16xf32>
          %broadcast_in_dim3A_410 = arith.constant 0 : i32
          %broadcast_in_dim3A_411 = vector.broadcast %broadcast_in_dim3A_410 : i32 to vector<16x1xi32>
          %gather3A = vector.shape_cast %broadcast_in_dim3A_411 : vector<16x1xi32> to vector<16xi32>
          %gather3A_412 = tpu.dynamic_gather %exp3A[%gather3A] in [0] : vector<16xf32>, vector<16xi32> -> vector<16xf32>
          %get3A_413 = arith.index_cast %add3A_398 : i32 to index
          %get3A_414 = arith.constant 0 : index
          %get3A_415 = tpu.vector_load %arg15[%get3A_413, %get3A_414] {strides = array<i32>} : memref<256x128xf32, #tpu.memory_space<vmem>>, vector<16xf32>,
          %mul3A_416 = arith.mulf %gather3A_412, %get3A_415 : vector<16xf32>
          %add3A_417 = arith.addf %while3A_390, %mul3A_416 : vector<16xf32>
          %broadcast_in_dim3A_418 = arith.constant 1 : i32
          %broadcast_in_dim3A_419 = vector.broadcast %broadcast_in_dim3A_418 : i32 to vector<16x1xi32>
          %gather3A_420 = vector.shape_cast %broadcast_in_dim3A_419 : vector<16x1xi32> to vector<16xi32>
          %gather3A_421 = tpu.dynamic_gather %exp3A[%gather3A_420] in [0] : vector<16xf32>, vector<16xi32> -> vector<16xf32>
          %get3A_422 = arith.index_cast %add3A_398 : i32 to index
          %get3A_423 = arith.constant 16 : index
          %get3A_424 = tpu.vector_load %arg15[%get3A_422, %get3A_423] {strides = array<i32>} : memref<256x128xf32, #tpu.memory_space<vmem>>, vector<16xf32>,
          %mul3A_425 = arith.mulf %gather3A_421, %get3A_424 : vector<16xf32>
          %add3A_426 = arith.addf %while3A_391, %mul3A_425 : vector<16xf32>
          %broadcast_in_dim3A_427 = arith.constant 2 : i32
          %broadcast_in_dim3A_428 = vector.broadcast %broadcast_in_dim3A_427 : i32 to vector<16x1xi32>
          %gather3A_429 = vector.shape_cast %broadcast_in_dim3A_428 : vector<16x1xi32> to vector<16xi32>
          %gather3A_430 = tpu.dynamic_gather %exp3A[%gather3A_429] in [0] : vector<16xf32>, vector<16xi32> -> vector<16xf32>
          %get3A_431 = arith.index_cast %add3A_398 : i32 to index
          %get3A_432 = arith.constant 32 : index
          %get3A_433 = tpu.vector_load %arg15[%get3A_431, %get3A_432] {strides = array<i32>} : memref<256x128xf32, #tpu.memory_space<vmem>>, vector<16xf32>,
          %mul3A_434 = arith.mulf %gather3A_430, %get3A_433 : vector<16xf32>
          %add3A_435 = arith.addf %while3A_392, %mul3A_434 : vector<16xf32>
          %broadcast_in_dim3A_436 = arith.constant 3 : i32
          %broadcast_in_dim3A_437 = vector.broadcast %broadcast_in_dim3A_436 : i32 to vector<16x1xi32>
          %gather3A_438 = vector.shape_cast %broadcast_in_dim3A_437 : vector<16x1xi32> to vector<16xi32>
          %gather3A_439 = tpu.dynamic_gather %exp3A[%gather3A_438] in [0] : vector<16xf32>, vector<16xi32> -> vector<16xf32>
          %get3A_440 = arith.index_cast %add3A_398 : i32 to index
          %get3A_441 = arith.constant 48 : index
          %get3A_442 = tpu.vector_load %arg15[%get3A_440, %get3A_441] {strides = array<i32>} : memref<256x128xf32, #tpu.memory_space<vmem>>, vector<16xf32>,
          %mul3A_443 = arith.mulf %gather3A_439, %get3A_442 : vector<16xf32>
          %add3A_444 = arith.addf %while3A_393, %mul3A_443 : vector<16xf32>
          %broadcast_in_dim3A_445 = arith.constant 4 : i32
          %broadcast_in_dim3A_446 = vector.broadcast %broadcast_in_dim3A_445 : i32 to vector<16x1xi32>
          %gather3A_447 = vector.shape_cast %broadcast_in_dim3A_446 : vector<16x1xi32> to vector<16xi32>
          %gather3A_448 = tpu.dynamic_gather %exp3A[%gather3A_447] in [0] : vector<16xf32>, vector<16xi32> -> vector<16xf32>
          %get3A_449 = arith.index_cast %add3A_398 : i32 to index
          %get3A_450 = arith.constant 64 : index
          %get3A_451 = tpu.vector_load %arg15[%get3A_449, %get3A_450] {strides = array<i32>} : memref<256x128xf32, #tpu.memory_space<vmem>>, vector<16xf32>,
          %mul3A_452 = arith.mulf %gather3A_448, %get3A_451 : vector<16xf32>
          %add3A_453 = arith.addf %while3A_394, %mul3A_452 : vector<16xf32>
          %broadcast_in_dim3A_454 = arith.constant 5 : i32
          %broadcast_in_dim3A_455 = vector.broadcast %broadcast_in_dim3A_454 : i32 to vector<16x1xi32>
          %gather3A_456 = vector.shape_cast %broadcast_in_dim3A_455 : vector<16x1xi32> to vector<16xi32>
          %gather3A_457 = tpu.dynamic_gather %exp3A[%gather3A_456] in [0] : vector<16xf32>, vector<16xi32> -> vector<16xf32>
          %get3A_458 = arith.index_cast %add3A_398 : i32 to index
          %get3A_459 = arith.constant 80 : index
          %get3A_460 = tpu.vector_load %arg15[%get3A_458, %get3A_459] {strides = array<i32>} : memref<256x128xf32, #tpu.memory_space<vmem>>, vector<16xf32>,
          %mul3A_461 = arith.mulf %gather3A_457, %get3A_460 : vector<16xf32>
          %add3A_462 = arith.addf %while3A_395, %mul3A_461 : vector<16xf32>
          %broadcast_in_dim3A_463 = arith.constant 6 : i32
          %broadcast_in_dim3A_464 = vector.broadcast %broadcast_in_dim3A_463 : i32 to vector<16x1xi32>
          %gather3A_465 = vector.shape_cast %broadcast_in_dim3A_464 : vector<16x1xi32> to vector<16xi32>
          %gather3A_466 = tpu.dynamic_gather %exp3A[%gather3A_465] in [0] : vector<16xf32>, vector<16xi32> -> vector<16xf32>
          %get3A_467 = arith.index_cast %add3A_398 : i32 to index
          %get3A_468 = arith.constant 96 : index
          %get3A_469 = tpu.vector_load %arg15[%get3A_467, %get3A_468] {strides = array<i32>} : memref<256x128xf32, #tpu.memory_space<vmem>>, vector<16xf32>,
          %mul3A_470 = arith.mulf %gather3A_466, %get3A_469 : vector<16xf32>
          %add3A_471 = arith.addf %while3A_396, %mul3A_470 : vector<16xf32>
          %broadcast_in_dim3A_472 = arith.constant 7 : i32
          %broadcast_in_dim3A_473 = vector.broadcast %broadcast_in_dim3A_472 : i32 to vector<16x1xi32>
          %gather3A_474 = vector.shape_cast %broadcast_in_dim3A_473 : vector<16x1xi32> to vector<16xi32>
          %gather3A_475 = tpu.dynamic_gather %exp3A[%gather3A_474] in [0] : vector<16xf32>, vector<16xi32> -> vector<16xf32>
          %get3A_476 = arith.index_cast %add3A_398 : i32 to index
          %get3A_477 = arith.constant 112 : index
          %get3A_478 = tpu.vector_load %arg15[%get3A_476, %get3A_477] {strides = array<i32>} : memref<256x128xf32, #tpu.memory_space<vmem>>, vector<16xf32>,
          %mul3A_479 = arith.mulf %gather3A_475, %get3A_478 : vector<16xf32>
          %add3A_480 = arith.addf %while3A_397, %mul3A_479 : vector<16xf32>
          scf.yield %add3A_409, %add3A_417, %add3A_426, %add3A_435, %add3A_444, %add3A_453, %add3A_462, %add3A_471, %add3A_480 : vector<16xf32>, vector<16xf32>, vector<16xf32>, vector<16xf32>, vector<16xf32>, vector<16xf32>, vector<16xf32>, vector<16xf32>, vector<16xf32>
        }
        %le3A_384 = arith.cmpi sle, %squeeze3A_310, %add3A_255 : i32
        %convert_element_type3A_385 = arith.extui %le3A_384 : i1 to i32
        %cond3A_386 = arith.constant 0 : i32
        %cond3A_387 = arith.cmpi ne, %convert_element_type3A_385, %cond3A_386 : i32
        scf.if %cond3A_387 {
          %add3A_388 = arith.constant 1 : i32
          %add3A_389 = arith.addi %while3A_291, %add3A_388 : i32
          %get3A_390 = arith.index_cast %add3A_389 : i32 to index
          %get3A_391 = tpu.vector_load %arg7[%get3A_390] {strides = array<i32>} : memref<344xi32, #tpu.memory_space<vmem>>, vector<16xi32>,
          %slice3A_392 = vector.extract_strided_slice %get3A_391 {offsets = [0], sizes = [1], strides = [1]} : vector<16xi32> to vector<1xi32>
          %squeeze3A_393 = vector.extract %slice3A_392[0] : i32 from vector<1xi32>
          %get3A_394 = arith.index_cast %while3A_291 : i32 to index
          %get3A_395 = tpu.vector_load %arg7[%get3A_394] {strides = array<i32>} : memref<344xi32, #tpu.memory_space<vmem>>, vector<16xi32>,
          %slice3A_396 = vector.extract_strided_slice %get3A_395 {offsets = [0], sizes = [1], strides = [1]} : vector<16xi32> to vector<1xi32>
          %squeeze3A_397 = vector.extract %slice3A_396[0] : i32 from vector<1xi32>
          %sub3A_398 = arith.subi %squeeze3A_393, %squeeze3A_397 : i32
          %jit3A_399 = arith.constant 0.000000e+00 : f32
          %broadcast_in_dim3A_400 = vector.broadcast %jit3A_399 : f32 to vector<16xf32>
          %select_n3A_401 = arith.select %lt3A_27, %get3A_342, %broadcast_in_dim3A_400 : vector<16xi1>, vector<16xf32>
          %mul3A_402 = arith.mulf %select_n3A_401, %get3A_71 : vector<16xf32>
          %add3A_403 = arith.addf %mul3A_402, %get3A_73 : vector<16xf32>
          %max3A_404 = arith.constant 0.000000e+00 : f32
          %max3A_405 = vector.broadcast %max3A_404 : f32 to vector<16xf32>
          %max3A_406 = arith.maximumf %add3A_403, %max3A_405 : vector<16xf32>
          %add3A_407 = arith.addf %max3A_406, %max3A_406 : vector<16xf32>
          %exp3A = math.exp %add3A_407 : vector<16xf32>
          %add3A_408 = arith.constant 1.000000e+00 : f32
          %add3A_409 = vector.broadcast %add3A_408 : f32 to vector<16xf32>
          %add3A_410 = arith.addf %exp3A, %add3A_409 : vector<16xf32>
          %div3A_411 = arith.constant 2.000000e+00 : f32
          %div3A_412 = vector.broadcast %div3A_411 : f32 to vector<16xf32>
          %div3A_413 = arith.divf %div3A_412, %add3A_410 : vector<16xf32>
          %sub3A_414 = arith.constant 1.000000e+00 : f32
          %sub3A_415 = vector.broadcast %sub3A_414 : f32 to vector<16xf32>
          %sub3A_416 = arith.subf %sub3A_415, %div3A_413 : vector<16xf32>
          %add3A_417 = arith.constant 9.99999996E-13 : f32
          %add3A_418 = vector.broadcast %add3A_417 : f32 to vector<16xf32>
          %add3A_419 = arith.addf %while3A_383#0, %add3A_418 : vector<16xf32>
          %div3A_420 = arith.divf %sub3A_416, %add3A_419 : vector<16xf32>
          %gt3A_421 = arith.constant 0 : i32
          %gt3A_422 = arith.cmpi sgt, %sub3A_398, %gt3A_421 : i32
          %jit3A_423 = arith.constant 0.000000e+00 : f32
          %broadcast_in_dim3A_424 = vector.broadcast %jit3A_423 : f32 to vector<16xf32>
          %select_n3A_425 = arith.select %gt3A_422, %div3A_420, %broadcast_in_dim3A_424 : vector<16xf32>
          %broadcast_in_dim3A_426 = arith.constant 0 : i32
          %broadcast_in_dim3A_427 = vector.broadcast %broadcast_in_dim3A_426 : i32 to vector<16x1xi32>
          %gather3A = vector.shape_cast %broadcast_in_dim3A_427 : vector<16x1xi32> to vector<16xi32>
          %gather3A_428 = tpu.dynamic_gather %select_n3A_425[%gather3A] in [0] : vector<16xf32>, vector<16xi32> -> vector<16xf32>
          %mul3A_429 = arith.mulf %while3A_383#1, %gather3A_428 : vector<16xf32>
          %swap3A = arith.index_cast %while3A_291 : i32 to index
          %swap3A_430 = arith.constant 0 : index
          %swap3A_431 = tpu.vector_load %arg9[%swap3A, %swap3A_430] {strides = array<i32>} : memref<320x128xf32, #tpu.memory_space<vmem>>, vector<16xf32>,
          tpu.vector_store %arg9[%swap3A, %swap3A_430], %mul3A_429 {strides = array<i32>} : memref<320x128xf32, #tpu.memory_space<vmem>>, vector<16xf32>,
          %broadcast_in_dim3A_432 = arith.constant 1 : i32
          %broadcast_in_dim3A_433 = vector.broadcast %broadcast_in_dim3A_432 : i32 to vector<16x1xi32>
          %gather3A_434 = vector.shape_cast %broadcast_in_dim3A_433 : vector<16x1xi32> to vector<16xi32>
          %gather3A_435 = tpu.dynamic_gather %select_n3A_425[%gather3A_434] in [0] : vector<16xf32>, vector<16xi32> -> vector<16xf32>
          %mul3A_436 = arith.mulf %while3A_383#2, %gather3A_435 : vector<16xf32>
          %swap3A_437 = arith.index_cast %while3A_291 : i32 to index
          %swap3A_438 = arith.constant 16 : index
          %swap3A_439 = tpu.vector_load %arg9[%swap3A_437, %swap3A_438] {strides = array<i32>} : memref<320x128xf32, #tpu.memory_space<vmem>>, vector<16xf32>,
          tpu.vector_store %arg9[%swap3A_437, %swap3A_438], %mul3A_436 {strides = array<i32>} : memref<320x128xf32, #tpu.memory_space<vmem>>, vector<16xf32>,
          %broadcast_in_dim3A_440 = arith.constant 2 : i32
          %broadcast_in_dim3A_441 = vector.broadcast %broadcast_in_dim3A_440 : i32 to vector<16x1xi32>
          %gather3A_442 = vector.shape_cast %broadcast_in_dim3A_441 : vector<16x1xi32> to vector<16xi32>
          %gather3A_443 = tpu.dynamic_gather %select_n3A_425[%gather3A_442] in [0] : vector<16xf32>, vector<16xi32> -> vector<16xf32>
          %mul3A_444 = arith.mulf %while3A_383#3, %gather3A_443 : vector<16xf32>
          %swap3A_445 = arith.index_cast %while3A_291 : i32 to index
          %swap3A_446 = arith.constant 32 : index
          %swap3A_447 = tpu.vector_load %arg9[%swap3A_445, %swap3A_446] {strides = array<i32>} : memref<320x128xf32, #tpu.memory_space<vmem>>, vector<16xf32>,
          tpu.vector_store %arg9[%swap3A_445, %swap3A_446], %mul3A_444 {strides = array<i32>} : memref<320x128xf32, #tpu.memory_space<vmem>>, vector<16xf32>,
          %broadcast_in_dim3A_448 = arith.constant 3 : i32
          %broadcast_in_dim3A_449 = vector.broadcast %broadcast_in_dim3A_448 : i32 to vector<16x1xi32>
          %gather3A_450 = vector.shape_cast %broadcast_in_dim3A_449 : vector<16x1xi32> to vector<16xi32>
          %gather3A_451 = tpu.dynamic_gather %select_n3A_425[%gather3A_450] in [0] : vector<16xf32>, vector<16xi32> -> vector<16xf32>
          %mul3A_452 = arith.mulf %while3A_383#4, %gather3A_451 : vector<16xf32>
          %swap3A_453 = arith.index_cast %while3A_291 : i32 to index
          %swap3A_454 = arith.constant 48 : index
          %swap3A_455 = tpu.vector_load %arg9[%swap3A_453, %swap3A_454] {strides = array<i32>} : memref<320x128xf32, #tpu.memory_space<vmem>>, vector<16xf32>,
          tpu.vector_store %arg9[%swap3A_453, %swap3A_454], %mul3A_452 {strides = array<i32>} : memref<320x128xf32, #tpu.memory_space<vmem>>, vector<16xf32>,
          %broadcast_in_dim3A_456 = arith.constant 4 : i32
          %broadcast_in_dim3A_457 = vector.broadcast %broadcast_in_dim3A_456 : i32 to vector<16x1xi32>
          %gather3A_458 = vector.shape_cast %broadcast_in_dim3A_457 : vector<16x1xi32> to vector<16xi32>
          %gather3A_459 = tpu.dynamic_gather %select_n3A_425[%gather3A_458] in [0] : vector<16xf32>, vector<16xi32> -> vector<16xf32>
          %mul3A_460 = arith.mulf %while3A_383#5, %gather3A_459 : vector<16xf32>
          %swap3A_461 = arith.index_cast %while3A_291 : i32 to index
          %swap3A_462 = arith.constant 64 : index
          %swap3A_463 = tpu.vector_load %arg9[%swap3A_461, %swap3A_462] {strides = array<i32>} : memref<320x128xf32, #tpu.memory_space<vmem>>, vector<16xf32>,
          tpu.vector_store %arg9[%swap3A_461, %swap3A_462], %mul3A_460 {strides = array<i32>} : memref<320x128xf32, #tpu.memory_space<vmem>>, vector<16xf32>,
          %broadcast_in_dim3A_464 = arith.constant 5 : i32
          %broadcast_in_dim3A_465 = vector.broadcast %broadcast_in_dim3A_464 : i32 to vector<16x1xi32>
          %gather3A_466 = vector.shape_cast %broadcast_in_dim3A_465 : vector<16x1xi32> to vector<16xi32>
          %gather3A_467 = tpu.dynamic_gather %select_n3A_425[%gather3A_466] in [0] : vector<16xf32>, vector<16xi32> -> vector<16xf32>
          %mul3A_468 = arith.mulf %while3A_383#6, %gather3A_467 : vector<16xf32>
          %swap3A_469 = arith.index_cast %while3A_291 : i32 to index
          %swap3A_470 = arith.constant 80 : index
          %swap3A_471 = tpu.vector_load %arg9[%swap3A_469, %swap3A_470] {strides = array<i32>} : memref<320x128xf32, #tpu.memory_space<vmem>>, vector<16xf32>,
          tpu.vector_store %arg9[%swap3A_469, %swap3A_470], %mul3A_468 {strides = array<i32>} : memref<320x128xf32, #tpu.memory_space<vmem>>, vector<16xf32>,
          %broadcast_in_dim3A_472 = arith.constant 6 : i32
          %broadcast_in_dim3A_473 = vector.broadcast %broadcast_in_dim3A_472 : i32 to vector<16x1xi32>
          %gather3A_474 = vector.shape_cast %broadcast_in_dim3A_473 : vector<16x1xi32> to vector<16xi32>
          %gather3A_475 = tpu.dynamic_gather %select_n3A_425[%gather3A_474] in [0] : vector<16xf32>, vector<16xi32> -> vector<16xf32>
          %mul3A_476 = arith.mulf %while3A_383#7, %gather3A_475 : vector<16xf32>
          %swap3A_477 = arith.index_cast %while3A_291 : i32 to index
          %swap3A_478 = arith.constant 96 : index
          %swap3A_479 = tpu.vector_load %arg9[%swap3A_477, %swap3A_478] {strides = array<i32>} : memref<320x128xf32, #tpu.memory_space<vmem>>, vector<16xf32>,
          tpu.vector_store %arg9[%swap3A_477, %swap3A_478], %mul3A_476 {strides = array<i32>} : memref<320x128xf32, #tpu.memory_space<vmem>>, vector<16xf32>,
          %broadcast_in_dim3A_480 = arith.constant 7 : i32
          %broadcast_in_dim3A_481 = vector.broadcast %broadcast_in_dim3A_480 : i32 to vector<16x1xi32>
          %gather3A_482 = vector.shape_cast %broadcast_in_dim3A_481 : vector<16x1xi32> to vector<16xi32>
          %gather3A_483 = tpu.dynamic_gather %select_n3A_425[%gather3A_482] in [0] : vector<16xf32>, vector<16xi32> -> vector<16xf32>
          %mul3A_484 = arith.mulf %while3A_383#8, %gather3A_483 : vector<16xf32>
          %swap3A_485 = arith.index_cast %while3A_291 : i32 to index
          %swap3A_486 = arith.constant 112 : index
          %swap3A_487 = tpu.vector_load %arg9[%swap3A_485, %swap3A_486] {strides = array<i32>} : memref<320x128xf32, #tpu.memory_space<vmem>>, vector<16xf32>,
          tpu.vector_store %arg9[%swap3A_485, %swap3A_486], %mul3A_484 {strides = array<i32>} : memref<320x128xf32, #tpu.memory_space<vmem>>, vector<16xf32>,
        } else {
        }
        scf.yield %while3A_383#0, %while3A_383#1, %while3A_383#2, %while3A_383#3, %while3A_383#4, %while3A_383#5, %while3A_383#6, %while3A_383#7, %while3A_383#8 : vector<16xf32>, vector<16xf32>, vector<16xf32>, vector<16xf32>, vector<16xf32>, vector<16xf32>, vector<16xf32>, vector<16xf32>, vector<16xf32>
      }
      %while3A_279 = arith.constant 1 : i32
      %while3A_280:9 = scf.for %while3A_291 = %while3A_276 to %while3A_272 step %while3A_279 iter_args(%while3A_292 = %while3A_278#0, %while3A_293 = %while3A_278#1, %while3A_294 = %while3A_278#2, %while3A_295 = %while3A_278#3, %while3A_296 = %while3A_278#4, %while3A_297 = %while3A_278#5, %while3A_298 = %while3A_278#6, %while3A_299 = %while3A_278#7, %while3A_300 = %while3A_278#8) -> (vector<16xf32>, vector<16xf32>, vector<16xf32>, vector<16xf32>, vector<16xf32>, vector<16xf32>, vector<16xf32>, vector<16xf32>, vector<16xf32>)  : i32 {
        %get3A_301 = arith.index_cast %while3A_291 : i32 to index
        %get3A_302 = tpu.vector_load %arg7[%get3A_301] {strides = array<i32>} : memref<344xi32, #tpu.memory_space<vmem>>, vector<16xi32>,
        %slice3A_303 = vector.extract_strided_slice %get3A_302 {offsets = [0], sizes = [1], strides = [1]} : vector<16xi32> to vector<1xi32>
        %squeeze3A_304 = vector.extract %slice3A_303[0] : i32 from vector<1xi32>
        %add3A_305 = arith.constant 1 : i32
        %add3A_306 = arith.addi %while3A_291, %add3A_305 : i32
        %get3A_307 = arith.index_cast %add3A_306 : i32 to index
        %get3A_308 = tpu.vector_load %arg7[%get3A_307] {strides = array<i32>} : memref<344xi32, #tpu.memory_space<vmem>>, vector<16xi32>,
        %slice3A_309 = vector.extract_strided_slice %get3A_308 {offsets = [0], sizes = [1], strides = [1]} : vector<16xi32> to vector<1xi32>
        %squeeze3A_310 = vector.extract %slice3A_309[0] : i32 from vector<1xi32>
        %max3A = arith.maxsi %squeeze3A_304, %add3A_233 : i32
        %min3A_311 = arith.minsi %squeeze3A_310, %add3A_255 : i32
        %ge3A = arith.cmpi sge, %squeeze3A_304, %add3A_233 : i32
        %jit3A_312 = arith.constant 0.000000e+00 : f32
        %broadcast_in_dim3A_313 = vector.broadcast %jit3A_312 : f32 to vector<16xf32>
        %select_n3A_314 = arith.select %ge3A, %broadcast_in_dim3A_313, %while3A_292 : vector<16xf32>
        %jit3A_315 = arith.constant 0.000000e+00 : f32
        %broadcast_in_dim3A_316 = vector.broadcast %jit3A_315 : f32 to vector<16xf32>
        %select_n3A_317 = arith.select %ge3A, %broadcast_in_dim3A_316, %while3A_293 : vector<16xf32>
        %jit3A_318 = arith.constant 0.000000e+00 : f32
        %broadcast_in_dim3A_319 = vector.broadcast %jit3A_318 : f32 to vector<16xf32>
        %select_n3A_320 = arith.select %ge3A, %broadcast_in_dim3A_319, %while3A_294 : vector<16xf32>
        %jit3A_321 = arith.constant 0.000000e+00 : f32
        %broadcast_in_dim3A_322 = vector.broadcast %jit3A_321 : f32 to vector<16xf32>
        %select_n3A_323 = arith.select %ge3A, %broadcast_in_dim3A_322, %while3A_295 : vector<16xf32>
        %jit3A_324 = arith.constant 0.000000e+00 : f32
        %broadcast_in_dim3A_325 = vector.broadcast %jit3A_324 : f32 to vector<16xf32>
        %select_n3A_326 = arith.select %ge3A, %broadcast_in_dim3A_325, %while3A_296 : vector<16xf32>
        %jit3A_327 = arith.constant 0.000000e+00 : f32
        %broadcast_in_dim3A_328 = vector.broadcast %jit3A_327 : f32 to vector<16xf32>
        %select_n3A_329 = arith.select %ge3A, %broadcast_in_dim3A_328, %while3A_297 : vector<16xf32>
        %jit3A_330 = arith.constant 0.000000e+00 : f32
        %broadcast_in_dim3A_331 = vector.broadcast %jit3A_330 : f32 to vector<16xf32>
        %select_n3A_332 = arith.select %ge3A, %broadcast_in_dim3A_331, %while3A_298 : vector<16xf32>
        %jit3A_333 = arith.constant 0.000000e+00 : f32
        %broadcast_in_dim3A_334 = vector.broadcast %jit3A_333 : f32 to vector<16xf32>
        %select_n3A_335 = arith.select %ge3A, %broadcast_in_dim3A_334, %while3A_299 : vector<16xf32>
        %jit3A_336 = arith.constant 0.000000e+00 : f32
        %broadcast_in_dim3A_337 = vector.broadcast %jit3A_336 : f32 to vector<16xf32>
        %select_n3A_338 = arith.select %ge3A, %broadcast_in_dim3A_337, %while3A_300 : vector<16xf32>
        %mul3A_339 = arith.constant 16 : i32
        %mul3A_340 = arith.muli %while3A_291, %mul3A_339 : i32
        %get3A_341 = arith.index_cast %mul3A_340 : i32 to index
        %get3A_342 = tpu.vector_load %arg8[%get3A_341] {strides = array<i32>} : memref<5120xf32, #tpu.memory_space<vmem>>, vector<16xf32>,
        %sub3A_343 = arith.subi %squeeze3A_310, %squeeze3A_304 : i32
        %max3A_344 = arith.constant 1 : i32
        %max3A_345 = arith.maxsi %sub3A_343, %max3A_344 : i32
        %convert_element_type3A_346 = arith.sitofp %max3A_345 : i32 to f32
        %bitcast_convert_type3A = arith.bitcast %convert_element_type3A_346 : f32 to i32
        %shift_right_logical3A = arith.constant 1 : i32
        %shift_right_logical3A_347 = arith.shrui %bitcast_convert_type3A, %shift_right_logical3A : i32
        %sub3A_348 = arith.constant 1597463007 : i32
        %sub3A_349 = arith.subi %sub3A_348, %shift_right_logical3A_347 : i32
        %bitcast_convert_type3A_350 = arith.bitcast %sub3A_349 : i32 to f32
        %mul3A_351 = arith.constant 5.000000e-01 : f32
        %mul3A_352 = arith.mulf %mul3A_351, %convert_element_type3A_346 : f32
        %mul3A_353 = arith.mulf %mul3A_352, %bitcast_convert_type3A_350 : f32
        %mul3A_354 = arith.mulf %mul3A_353, %bitcast_convert_type3A_350 : f32
        %sub3A_355 = arith.constant 1.500000e+00 : f32
        %sub3A_356 = arith.subf %sub3A_355, %mul3A_354 : f32
        %mul3A_357 = arith.mulf %bitcast_convert_type3A_350, %sub3A_356 : f32
        %mul3A_358 = arith.constant 5.000000e-01 : f32
        %mul3A_359 = arith.mulf %mul3A_358, %convert_element_type3A_346 : f32
        %mul3A_360 = arith.mulf %mul3A_359, %mul3A_357 : f32
        %mul3A_361 = arith.mulf %mul3A_360, %mul3A_357 : f32
        %sub3A_362 = arith.constant 1.500000e+00 : f32
        %sub3A_363 = arith.subf %sub3A_362, %mul3A_361 : f32
        %mul3A_364 = arith.mulf %mul3A_357, %sub3A_363 : f32
        %mul3A_365 = arith.constant 5.000000e-01 : f32
        %mul3A_366 = arith.mulf %mul3A_365, %convert_element_type3A_346 : f32
        %mul3A_367 = arith.mulf %mul3A_366, %mul3A_364 : f32
        %mul3A_368 = arith.mulf %mul3A_367, %mul3A_364 : f32
        %sub3A_369 = arith.constant 1.500000e+00 : f32
        %sub3A_370 = arith.subf %sub3A_369, %mul3A_368 : f32
        %mul3A_371 = arith.mulf %mul3A_364, %sub3A_370 : f32
        %sub3A_372 = arith.subi %max3A, %add3A_233 : i32
        %sub3A_373 = arith.subi %min3A_311, %add3A_233 : i32
        %while3A_374 = arith.subi %sub3A_373, %sub3A_372 : i32
        %while3A_375 = arith.addi %sub3A_372, %while3A_374 : i32
        %while3A_376 = arith.constant 1 : i32
        %while3A_377 = arith.divsi %while3A_374, %while3A_376 : i32
        %while3A_378 = arith.muli %while3A_377, %while3A_376 : i32
        %while3A_379 = arith.addi %sub3A_372, %while3A_378 : i32
        %while3A_380 = arith.constant 1 : i32
        %while3A_381:9 = scf.for %while3A_388 = %sub3A_372 to %while3A_379 step %while3A_380 iter_args(%while3A_389 = %select_n3A_314, %while3A_390 = %select_n3A_317, %while3A_391 = %select_n3A_320, %while3A_392 = %select_n3A_323, %while3A_393 = %select_n3A_326, %while3A_394 = %select_n3A_329, %while3A_395 = %select_n3A_332, %while3A_396 = %select_n3A_335, %while3A_397 = %select_n3A_338) -> (vector<16xf32>, vector<16xf32>, vector<16xf32>, vector<16xf32>, vector<16xf32>, vector<16xf32>, vector<16xf32>, vector<16xf32>, vector<16xf32>)  : i32 {
          %add3A_398 = arith.addi %while3A_388, %sub3A_237 : i32
          %mul3A_399 = arith.constant 8 : i32
          %mul3A_400 = arith.muli %add3A_398, %mul3A_399 : i32
          %get3A_401 = arith.index_cast %mul3A_400 : i32 to index
          %get3A_402 = tpu.vector_load %arg13[%get3A_401] {strides = array<i32>} : memref<2064xf32, #tpu.memory_space<vmem>>, vector<16xf32>,
          %sub3A_403 = arith.subf %get3A_402, %get3A_342 : vector<16xf32>
          %mul3A_404 = vector.broadcast %mul3A_371 : f32 to vector<16xf32>
          %mul3A_405 = arith.mulf %sub3A_403, %mul3A_404 : vector<16xf32>
          %exp3A = math.exp %mul3A_405 : vector<16xf32>
          %jit3A_406 = arith.constant 0.000000e+00 : f32
          %broadcast_in_dim3A_407 = vector.broadcast %jit3A_406 : f32 to vector<16xf32>
          %select_n3A_408 = arith.select %lt3A_27, %exp3A, %broadcast_in_dim3A_407 : vector<16xi1>, vector<16xf32>
          %add3A_409 = arith.addf %while3A_389, %select_n3A_408 : vector<16xf32>
          %broadcast_in_dim3A_410 = arith.constant 0 : i32
          %broadcast_in_dim3A_411 = vector.broadcast %broadcast_in_dim3A_410 : i32 to vector<16x1xi32>
          %gather3A = vector.shape_cast %broadcast_in_dim3A_411 : vector<16x1xi32> to vector<16xi32>
          %gather3A_412 = tpu.dynamic_gather %exp3A[%gather3A] in [0] : vector<16xf32>, vector<16xi32> -> vector<16xf32>
          %get3A_413 = arith.index_cast %add3A_398 : i32 to index
          %get3A_414 = arith.constant 0 : index
          %get3A_415 = tpu.vector_load %arg15[%get3A_413, %get3A_414] {strides = array<i32>} : memref<256x128xf32, #tpu.memory_space<vmem>>, vector<16xf32>,
          %mul3A_416 = arith.mulf %gather3A_412, %get3A_415 : vector<16xf32>
          %add3A_417 = arith.addf %while3A_390, %mul3A_416 : vector<16xf32>
          %broadcast_in_dim3A_418 = arith.constant 1 : i32
          %broadcast_in_dim3A_419 = vector.broadcast %broadcast_in_dim3A_418 : i32 to vector<16x1xi32>
          %gather3A_420 = vector.shape_cast %broadcast_in_dim3A_419 : vector<16x1xi32> to vector<16xi32>
          %gather3A_421 = tpu.dynamic_gather %exp3A[%gather3A_420] in [0] : vector<16xf32>, vector<16xi32> -> vector<16xf32>
          %get3A_422 = arith.index_cast %add3A_398 : i32 to index
          %get3A_423 = arith.constant 16 : index
          %get3A_424 = tpu.vector_load %arg15[%get3A_422, %get3A_423] {strides = array<i32>} : memref<256x128xf32, #tpu.memory_space<vmem>>, vector<16xf32>,
          %mul3A_425 = arith.mulf %gather3A_421, %get3A_424 : vector<16xf32>
          %add3A_426 = arith.addf %while3A_391, %mul3A_425 : vector<16xf32>
          %broadcast_in_dim3A_427 = arith.constant 2 : i32
          %broadcast_in_dim3A_428 = vector.broadcast %broadcast_in_dim3A_427 : i32 to vector<16x1xi32>
          %gather3A_429 = vector.shape_cast %broadcast_in_dim3A_428 : vector<16x1xi32> to vector<16xi32>
          %gather3A_430 = tpu.dynamic_gather %exp3A[%gather3A_429] in [0] : vector<16xf32>, vector<16xi32> -> vector<16xf32>
          %get3A_431 = arith.index_cast %add3A_398 : i32 to index
          %get3A_432 = arith.constant 32 : index
          %get3A_433 = tpu.vector_load %arg15[%get3A_431, %get3A_432] {strides = array<i32>} : memref<256x128xf32, #tpu.memory_space<vmem>>, vector<16xf32>,
          %mul3A_434 = arith.mulf %gather3A_430, %get3A_433 : vector<16xf32>
          %add3A_435 = arith.addf %while3A_392, %mul3A_434 : vector<16xf32>
          %broadcast_in_dim3A_436 = arith.constant 3 : i32
          %broadcast_in_dim3A_437 = vector.broadcast %broadcast_in_dim3A_436 : i32 to vector<16x1xi32>
          %gather3A_438 = vector.shape_cast %broadcast_in_dim3A_437 : vector<16x1xi32> to vector<16xi32>
          %gather3A_439 = tpu.dynamic_gather %exp3A[%gather3A_438] in [0] : vector<16xf32>, vector<16xi32> -> vector<16xf32>
          %get3A_440 = arith.index_cast %add3A_398 : i32 to index
          %get3A_441 = arith.constant 48 : index
          %get3A_442 = tpu.vector_load %arg15[%get3A_440, %get3A_441] {strides = array<i32>} : memref<256x128xf32, #tpu.memory_space<vmem>>, vector<16xf32>,
          %mul3A_443 = arith.mulf %gather3A_439, %get3A_442 : vector<16xf32>
          %add3A_444 = arith.addf %while3A_393, %mul3A_443 : vector<16xf32>
          %broadcast_in_dim3A_445 = arith.constant 4 : i32
          %broadcast_in_dim3A_446 = vector.broadcast %broadcast_in_dim3A_445 : i32 to vector<16x1xi32>
          %gather3A_447 = vector.shape_cast %broadcast_in_dim3A_446 : vector<16x1xi32> to vector<16xi32>
          %gather3A_448 = tpu.dynamic_gather %exp3A[%gather3A_447] in [0] : vector<16xf32>, vector<16xi32> -> vector<16xf32>
          %get3A_449 = arith.index_cast %add3A_398 : i32 to index
          %get3A_450 = arith.constant 64 : index
          %get3A_451 = tpu.vector_load %arg15[%get3A_449, %get3A_450] {strides = array<i32>} : memref<256x128xf32, #tpu.memory_space<vmem>>, vector<16xf32>,
          %mul3A_452 = arith.mulf %gather3A_448, %get3A_451 : vector<16xf32>
          %add3A_453 = arith.addf %while3A_394, %mul3A_452 : vector<16xf32>
          %broadcast_in_dim3A_454 = arith.constant 5 : i32
          %broadcast_in_dim3A_455 = vector.broadcast %broadcast_in_dim3A_454 : i32 to vector<16x1xi32>
          %gather3A_456 = vector.shape_cast %broadcast_in_dim3A_455 : vector<16x1xi32> to vector<16xi32>
          %gather3A_457 = tpu.dynamic_gather %exp3A[%gather3A_456] in [0] : vector<16xf32>, vector<16xi32> -> vector<16xf32>
          %get3A_458 = arith.index_cast %add3A_398 : i32 to index
          %get3A_459 = arith.constant 80 : index
          %get3A_460 = tpu.vector_load %arg15[%get3A_458, %get3A_459] {strides = array<i32>} : memref<256x128xf32, #tpu.memory_space<vmem>>, vector<16xf32>,
          %mul3A_461 = arith.mulf %gather3A_457, %get3A_460 : vector<16xf32>
          %add3A_462 = arith.addf %while3A_395, %mul3A_461 : vector<16xf32>
          %broadcast_in_dim3A_463 = arith.constant 6 : i32
          %broadcast_in_dim3A_464 = vector.broadcast %broadcast_in_dim3A_463 : i32 to vector<16x1xi32>
          %gather3A_465 = vector.shape_cast %broadcast_in_dim3A_464 : vector<16x1xi32> to vector<16xi32>
          %gather3A_466 = tpu.dynamic_gather %exp3A[%gather3A_465] in [0] : vector<16xf32>, vector<16xi32> -> vector<16xf32>
          %get3A_467 = arith.index_cast %add3A_398 : i32 to index
          %get3A_468 = arith.constant 96 : index
          %get3A_469 = tpu.vector_load %arg15[%get3A_467, %get3A_468] {strides = array<i32>} : memref<256x128xf32, #tpu.memory_space<vmem>>, vector<16xf32>,
          %mul3A_470 = arith.mulf %gather3A_466, %get3A_469 : vector<16xf32>
          %add3A_471 = arith.addf %while3A_396, %mul3A_470 : vector<16xf32>
          %broadcast_in_dim3A_472 = arith.constant 7 : i32
          %broadcast_in_dim3A_473 = vector.broadcast %broadcast_in_dim3A_472 : i32 to vector<16x1xi32>
          %gather3A_474 = vector.shape_cast %broadcast_in_dim3A_473 : vector<16x1xi32> to vector<16xi32>
          %gather3A_475 = tpu.dynamic_gather %exp3A[%gather3A_474] in [0] : vector<16xf32>, vector<16xi32> -> vector<16xf32>
          %get3A_476 = arith.index_cast %add3A_398 : i32 to index
          %get3A_477 = arith.constant 112 : index
          %get3A_478 = tpu.vector_load %arg15[%get3A_476, %get3A_477] {strides = array<i32>} : memref<256x128xf32, #tpu.memory_space<vmem>>, vector<16xf32>,
          %mul3A_479 = arith.mulf %gather3A_475, %get3A_478 : vector<16xf32>
          %add3A_480 = arith.addf %while3A_397, %mul3A_479 : vector<16xf32>
          scf.yield %add3A_409, %add3A_417, %add3A_426, %add3A_435, %add3A_444, %add3A_453, %add3A_462, %add3A_471, %add3A_480 : vector<16xf32>, vector<16xf32>, vector<16xf32>, vector<16xf32>, vector<16xf32>, vector<16xf32>, vector<16xf32>, vector<16xf32>, vector<16xf32>
        }
        %while3A_382 = arith.constant 1 : i32
        %while3A_383:9 = scf.for %while3A_388 = %while3A_379 to %while3A_375 step %while3A_382 iter_args(%while3A_389 = %while3A_381#0, %while3A_390 = %while3A_381#1, %while3A_391 = %while3A_381#2, %while3A_392 = %while3A_381#3, %while3A_393 = %while3A_381#4, %while3A_394 = %while3A_381#5, %while3A_395 = %while3A_381#6, %while3A_396 = %while3A_381#7, %while3A_397 = %while3A_381#8) -> (vector<16xf32>, vector<16xf32>, vector<16xf32>, vector<16xf32>, vector<16xf32>, vector<16xf32>, vector<16xf32>, vector<16xf32>, vector<16xf32>)  : i32 {
          %add3A_398 = arith.addi %while3A_388, %sub3A_237 : i32
          %mul3A_399 = arith.constant 8 : i32
          %mul3A_400 = arith.muli %add3A_398, %mul3A_399 : i32
          %get3A_401 = arith.index_cast %mul3A_400 : i32 to index
          %get3A_402 = tpu.vector_load %arg13[%get3A_401] {strides = array<i32>} : memref<2064xf32, #tpu.memory_space<vmem>>, vector<16xf32>,
          %sub3A_403 = arith.subf %get3A_402, %get3A_342 : vector<16xf32>
          %mul3A_404 = vector.broadcast %mul3A_371 : f32 to vector<16xf32>
          %mul3A_405 = arith.mulf %sub3A_403, %mul3A_404 : vector<16xf32>
          %exp3A = math.exp %mul3A_405 : vector<16xf32>
          %jit3A_406 = arith.constant 0.000000e+00 : f32
          %broadcast_in_dim3A_407 = vector.broadcast %jit3A_406 : f32 to vector<16xf32>
          %select_n3A_408 = arith.select %lt3A_27, %exp3A, %broadcast_in_dim3A_407 : vector<16xi1>, vector<16xf32>
          %add3A_409 = arith.addf %while3A_389, %select_n3A_408 : vector<16xf32>
          %broadcast_in_dim3A_410 = arith.constant 0 : i32
          %broadcast_in_dim3A_411 = vector.broadcast %broadcast_in_dim3A_410 : i32 to vector<16x1xi32>
          %gather3A = vector.shape_cast %broadcast_in_dim3A_411 : vector<16x1xi32> to vector<16xi32>
          %gather3A_412 = tpu.dynamic_gather %exp3A[%gather3A] in [0] : vector<16xf32>, vector<16xi32> -> vector<16xf32>
          %get3A_413 = arith.index_cast %add3A_398 : i32 to index
          %get3A_414 = arith.constant 0 : index
          %get3A_415 = tpu.vector_load %arg15[%get3A_413, %get3A_414] {strides = array<i32>} : memref<256x128xf32, #tpu.memory_space<vmem>>, vector<16xf32>,
          %mul3A_416 = arith.mulf %gather3A_412, %get3A_415 : vector<16xf32>
          %add3A_417 = arith.addf %while3A_390, %mul3A_416 : vector<16xf32>
          %broadcast_in_dim3A_418 = arith.constant 1 : i32
          %broadcast_in_dim3A_419 = vector.broadcast %broadcast_in_dim3A_418 : i32 to vector<16x1xi32>
          %gather3A_420 = vector.shape_cast %broadcast_in_dim3A_419 : vector<16x1xi32> to vector<16xi32>
          %gather3A_421 = tpu.dynamic_gather %exp3A[%gather3A_420] in [0] : vector<16xf32>, vector<16xi32> -> vector<16xf32>
          %get3A_422 = arith.index_cast %add3A_398 : i32 to index
          %get3A_423 = arith.constant 16 : index
          %get3A_424 = tpu.vector_load %arg15[%get3A_422, %get3A_423] {strides = array<i32>} : memref<256x128xf32, #tpu.memory_space<vmem>>, vector<16xf32>,
          %mul3A_425 = arith.mulf %gather3A_421, %get3A_424 : vector<16xf32>
          %add3A_426 = arith.addf %while3A_391, %mul3A_425 : vector<16xf32>
          %broadcast_in_dim3A_427 = arith.constant 2 : i32
          %broadcast_in_dim3A_428 = vector.broadcast %broadcast_in_dim3A_427 : i32 to vector<16x1xi32>
          %gather3A_429 = vector.shape_cast %broadcast_in_dim3A_428 : vector<16x1xi32> to vector<16xi32>
          %gather3A_430 = tpu.dynamic_gather %exp3A[%gather3A_429] in [0] : vector<16xf32>, vector<16xi32> -> vector<16xf32>
          %get3A_431 = arith.index_cast %add3A_398 : i32 to index
          %get3A_432 = arith.constant 32 : index
          %get3A_433 = tpu.vector_load %arg15[%get3A_431, %get3A_432] {strides = array<i32>} : memref<256x128xf32, #tpu.memory_space<vmem>>, vector<16xf32>,
          %mul3A_434 = arith.mulf %gather3A_430, %get3A_433 : vector<16xf32>
          %add3A_435 = arith.addf %while3A_392, %mul3A_434 : vector<16xf32>
          %broadcast_in_dim3A_436 = arith.constant 3 : i32
          %broadcast_in_dim3A_437 = vector.broadcast %broadcast_in_dim3A_436 : i32 to vector<16x1xi32>
          %gather3A_438 = vector.shape_cast %broadcast_in_dim3A_437 : vector<16x1xi32> to vector<16xi32>
          %gather3A_439 = tpu.dynamic_gather %exp3A[%gather3A_438] in [0] : vector<16xf32>, vector<16xi32> -> vector<16xf32>
          %get3A_440 = arith.index_cast %add3A_398 : i32 to index
          %get3A_441 = arith.constant 48 : index
          %get3A_442 = tpu.vector_load %arg15[%get3A_440, %get3A_441] {strides = array<i32>} : memref<256x128xf32, #tpu.memory_space<vmem>>, vector<16xf32>,
          %mul3A_443 = arith.mulf %gather3A_439, %get3A_442 : vector<16xf32>
          %add3A_444 = arith.addf %while3A_393, %mul3A_443 : vector<16xf32>
          %broadcast_in_dim3A_445 = arith.constant 4 : i32
          %broadcast_in_dim3A_446 = vector.broadcast %broadcast_in_dim3A_445 : i32 to vector<16x1xi32>
          %gather3A_447 = vector.shape_cast %broadcast_in_dim3A_446 : vector<16x1xi32> to vector<16xi32>
          %gather3A_448 = tpu.dynamic_gather %exp3A[%gather3A_447] in [0] : vector<16xf32>, vector<16xi32> -> vector<16xf32>
          %get3A_449 = arith.index_cast %add3A_398 : i32 to index
          %get3A_450 = arith.constant 64 : index
          %get3A_451 = tpu.vector_load %arg15[%get3A_449, %get3A_450] {strides = array<i32>} : memref<256x128xf32, #tpu.memory_space<vmem>>, vector<16xf32>,
          %mul3A_452 = arith.mulf %gather3A_448, %get3A_451 : vector<16xf32>
          %add3A_453 = arith.addf %while3A_394, %mul3A_452 : vector<16xf32>
          %broadcast_in_dim3A_454 = arith.constant 5 : i32
          %broadcast_in_dim3A_455 = vector.broadcast %broadcast_in_dim3A_454 : i32 to vector<16x1xi32>
          %gather3A_456 = vector.shape_cast %broadcast_in_dim3A_455 : vector<16x1xi32> to vector<16xi32>
          %gather3A_457 = tpu.dynamic_gather %exp3A[%gather3A_456] in [0] : vector<16xf32>, vector<16xi32> -> vector<16xf32>
          %get3A_458 = arith.index_cast %add3A_398 : i32 to index
          %get3A_459 = arith.constant 80 : index
          %get3A_460 = tpu.vector_load %arg15[%get3A_458, %get3A_459] {strides = array<i32>} : memref<256x128xf32, #tpu.memory_space<vmem>>, vector<16xf32>,
          %mul3A_461 = arith.mulf %gather3A_457, %get3A_460 : vector<16xf32>
          %add3A_462 = arith.addf %while3A_395, %mul3A_461 : vector<16xf32>
          %broadcast_in_dim3A_463 = arith.constant 6 : i32
          %broadcast_in_dim3A_464 = vector.broadcast %broadcast_in_dim3A_463 : i32 to vector<16x1xi32>
          %gather3A_465 = vector.shape_cast %broadcast_in_dim3A_464 : vector<16x1xi32> to vector<16xi32>
          %gather3A_466 = tpu.dynamic_gather %exp3A[%gather3A_465] in [0] : vector<16xf32>, vector<16xi32> -> vector<16xf32>
          %get3A_467 = arith.index_cast %add3A_398 : i32 to index
          %get3A_468 = arith.constant 96 : index
          %get3A_469 = tpu.vector_load %arg15[%get3A_467, %get3A_468] {strides = array<i32>} : memref<256x128xf32, #tpu.memory_space<vmem>>, vector<16xf32>,
          %mul3A_470 = arith.mulf %gather3A_466, %get3A_469 : vector<16xf32>
          %add3A_471 = arith.addf %while3A_396, %mul3A_470 : vector<16xf32>
          %broadcast_in_dim3A_472 = arith.constant 7 : i32
          %broadcast_in_dim3A_473 = vector.broadcast %broadcast_in_dim3A_472 : i32 to vector<16x1xi32>
          %gather3A_474 = vector.shape_cast %broadcast_in_dim3A_473 : vector<16x1xi32> to vector<16xi32>
          %gather3A_475 = tpu.dynamic_gather %exp3A[%gather3A_474] in [0] : vector<16xf32>, vector<16xi32> -> vector<16xf32>
          %get3A_476 = arith.index_cast %add3A_398 : i32 to index
          %get3A_477 = arith.constant 112 : index
          %get3A_478 = tpu.vector_load %arg15[%get3A_476, %get3A_477] {strides = array<i32>} : memref<256x128xf32, #tpu.memory_space<vmem>>, vector<16xf32>,
          %mul3A_479 = arith.mulf %gather3A_475, %get3A_478 : vector<16xf32>
          %add3A_480 = arith.addf %while3A_397, %mul3A_479 : vector<16xf32>
          scf.yield %add3A_409, %add3A_417, %add3A_426, %add3A_435, %add3A_444, %add3A_453, %add3A_462, %add3A_471, %add3A_480 : vector<16xf32>, vector<16xf32>, vector<16xf32>, vector<16xf32>, vector<16xf32>, vector<16xf32>, vector<16xf32>, vector<16xf32>, vector<16xf32>
        }
        %le3A_384 = arith.cmpi sle, %squeeze3A_310, %add3A_255 : i32
        %convert_element_type3A_385 = arith.extui %le3A_384 : i1 to i32
        %cond3A_386 = arith.constant 0 : i32
        %cond3A_387 = arith.cmpi ne, %convert_element_type3A_385, %cond3A_386 : i32
        scf.if %cond3A_387 {
          %add3A_388 = arith.constant 1 : i32
          %add3A_389 = arith.addi %while3A_291, %add3A_388 : i32
          %get3A_390 = arith.index_cast %add3A_389 : i32 to index
          %get3A_391 = tpu.vector_load %arg7[%get3A_390] {strides = array<i32>} : memref<344xi32, #tpu.memory_space<vmem>>, vector<16xi32>,
          %slice3A_392 = vector.extract_strided_slice %get3A_391 {offsets = [0], sizes = [1], strides = [1]} : vector<16xi32> to vector<1xi32>
          %squeeze3A_393 = vector.extract %slice3A_392[0] : i32 from vector<1xi32>
          %get3A_394 = arith.index_cast %while3A_291 : i32 to index
          %get3A_395 = tpu.vector_load %arg7[%get3A_394] {strides = array<i32>} : memref<344xi32, #tpu.memory_space<vmem>>, vector<16xi32>,
          %slice3A_396 = vector.extract_strided_slice %get3A_395 {offsets = [0], sizes = [1], strides = [1]} : vector<16xi32> to vector<1xi32>
          %squeeze3A_397 = vector.extract %slice3A_396[0] : i32 from vector<1xi32>
          %sub3A_398 = arith.subi %squeeze3A_393, %squeeze3A_397 : i32
          %jit3A_399 = arith.constant 0.000000e+00 : f32
          %broadcast_in_dim3A_400 = vector.broadcast %jit3A_399 : f32 to vector<16xf32>
          %select_n3A_401 = arith.select %lt3A_27, %get3A_342, %broadcast_in_dim3A_400 : vector<16xi1>, vector<16xf32>
          %mul3A_402 = arith.mulf %select_n3A_401, %get3A_71 : vector<16xf32>
          %add3A_403 = arith.addf %mul3A_402, %get3A_73 : vector<16xf32>
          %max3A_404 = arith.constant 0.000000e+00 : f32
          %max3A_405 = vector.broadcast %max3A_404 : f32 to vector<16xf32>
          %max3A_406 = arith.maximumf %add3A_403, %max3A_405 : vector<16xf32>
          %add3A_407 = arith.addf %max3A_406, %max3A_406 : vector<16xf32>
          %exp3A = math.exp %add3A_407 : vector<16xf32>
          %add3A_408 = arith.constant 1.000000e+00 : f32
          %add3A_409 = vector.broadcast %add3A_408 : f32 to vector<16xf32>
          %add3A_410 = arith.addf %exp3A, %add3A_409 : vector<16xf32>
          %div3A_411 = arith.constant 2.000000e+00 : f32
          %div3A_412 = vector.broadcast %div3A_411 : f32 to vector<16xf32>
          %div3A_413 = arith.divf %div3A_412, %add3A_410 : vector<16xf32>
          %sub3A_414 = arith.constant 1.000000e+00 : f32
          %sub3A_415 = vector.broadcast %sub3A_414 : f32 to vector<16xf32>
          %sub3A_416 = arith.subf %sub3A_415, %div3A_413 : vector<16xf32>
          %add3A_417 = arith.constant 9.99999996E-13 : f32
          %add3A_418 = vector.broadcast %add3A_417 : f32 to vector<16xf32>
          %add3A_419 = arith.addf %while3A_383#0, %add3A_418 : vector<16xf32>
          %div3A_420 = arith.divf %sub3A_416, %add3A_419 : vector<16xf32>
          %gt3A_421 = arith.constant 0 : i32
          %gt3A_422 = arith.cmpi sgt, %sub3A_398, %gt3A_421 : i32
          %jit3A_423 = arith.constant 0.000000e+00 : f32
          %broadcast_in_dim3A_424 = vector.broadcast %jit3A_423 : f32 to vector<16xf32>
          %select_n3A_425 = arith.select %gt3A_422, %div3A_420, %broadcast_in_dim3A_424 : vector<16xf32>
          %broadcast_in_dim3A_426 = arith.constant 0 : i32
          %broadcast_in_dim3A_427 = vector.broadcast %broadcast_in_dim3A_426 : i32 to vector<16x1xi32>
          %gather3A = vector.shape_cast %broadcast_in_dim3A_427 : vector<16x1xi32> to vector<16xi32>
          %gather3A_428 = tpu.dynamic_gather %select_n3A_425[%gather3A] in [0] : vector<16xf32>, vector<16xi32> -> vector<16xf32>
          %mul3A_429 = arith.mulf %while3A_383#1, %gather3A_428 : vector<16xf32>
          %swap3A = arith.index_cast %while3A_291 : i32 to index
          %swap3A_430 = arith.constant 0 : index
          %swap3A_431 = tpu.vector_load %arg9[%swap3A, %swap3A_430] {strides = array<i32>} : memref<320x128xf32, #tpu.memory_space<vmem>>, vector<16xf32>,
          tpu.vector_store %arg9[%swap3A, %swap3A_430], %mul3A_429 {strides = array<i32>} : memref<320x128xf32, #tpu.memory_space<vmem>>, vector<16xf32>,
          %broadcast_in_dim3A_432 = arith.constant 1 : i32
          %broadcast_in_dim3A_433 = vector.broadcast %broadcast_in_dim3A_432 : i32 to vector<16x1xi32>
          %gather3A_434 = vector.shape_cast %broadcast_in_dim3A_433 : vector<16x1xi32> to vector<16xi32>
          %gather3A_435 = tpu.dynamic_gather %select_n3A_425[%gather3A_434] in [0] : vector<16xf32>, vector<16xi32> -> vector<16xf32>
          %mul3A_436 = arith.mulf %while3A_383#2, %gather3A_435 : vector<16xf32>
          %swap3A_437 = arith.index_cast %while3A_291 : i32 to index
          %swap3A_438 = arith.constant 16 : index
          %swap3A_439 = tpu.vector_load %arg9[%swap3A_437, %swap3A_438] {strides = array<i32>} : memref<320x128xf32, #tpu.memory_space<vmem>>, vector<16xf32>,
          tpu.vector_store %arg9[%swap3A_437, %swap3A_438], %mul3A_436 {strides = array<i32>} : memref<320x128xf32, #tpu.memory_space<vmem>>, vector<16xf32>,
          %broadcast_in_dim3A_440 = arith.constant 2 : i32
          %broadcast_in_dim3A_441 = vector.broadcast %broadcast_in_dim3A_440 : i32 to vector<16x1xi32>
          %gather3A_442 = vector.shape_cast %broadcast_in_dim3A_441 : vector<16x1xi32> to vector<16xi32>
          %gather3A_443 = tpu.dynamic_gather %select_n3A_425[%gather3A_442] in [0] : vector<16xf32>, vector<16xi32> -> vector<16xf32>
          %mul3A_444 = arith.mulf %while3A_383#3, %gather3A_443 : vector<16xf32>
          %swap3A_445 = arith.index_cast %while3A_291 : i32 to index
          %swap3A_446 = arith.constant 32 : index
          %swap3A_447 = tpu.vector_load %arg9[%swap3A_445, %swap3A_446] {strides = array<i32>} : memref<320x128xf32, #tpu.memory_space<vmem>>, vector<16xf32>,
          tpu.vector_store %arg9[%swap3A_445, %swap3A_446], %mul3A_444 {strides = array<i32>} : memref<320x128xf32, #tpu.memory_space<vmem>>, vector<16xf32>,
          %broadcast_in_dim3A_448 = arith.constant 3 : i32
          %broadcast_in_dim3A_449 = vector.broadcast %broadcast_in_dim3A_448 : i32 to vector<16x1xi32>
          %gather3A_450 = vector.shape_cast %broadcast_in_dim3A_449 : vector<16x1xi32> to vector<16xi32>
          %gather3A_451 = tpu.dynamic_gather %select_n3A_425[%gather3A_450] in [0] : vector<16xf32>, vector<16xi32> -> vector<16xf32>
          %mul3A_452 = arith.mulf %while3A_383#4, %gather3A_451 : vector<16xf32>
          %swap3A_453 = arith.index_cast %while3A_291 : i32 to index
          %swap3A_454 = arith.constant 48 : index
          %swap3A_455 = tpu.vector_load %arg9[%swap3A_453, %swap3A_454] {strides = array<i32>} : memref<320x128xf32, #tpu.memory_space<vmem>>, vector<16xf32>,
          tpu.vector_store %arg9[%swap3A_453, %swap3A_454], %mul3A_452 {strides = array<i32>} : memref<320x128xf32, #tpu.memory_space<vmem>>, vector<16xf32>,
          %broadcast_in_dim3A_456 = arith.constant 4 : i32
          %broadcast_in_dim3A_457 = vector.broadcast %broadcast_in_dim3A_456 : i32 to vector<16x1xi32>
          %gather3A_458 = vector.shape_cast %broadcast_in_dim3A_457 : vector<16x1xi32> to vector<16xi32>
          %gather3A_459 = tpu.dynamic_gather %select_n3A_425[%gather3A_458] in [0] : vector<16xf32>, vector<16xi32> -> vector<16xf32>
          %mul3A_460 = arith.mulf %while3A_383#5, %gather3A_459 : vector<16xf32>
          %swap3A_461 = arith.index_cast %while3A_291 : i32 to index
          %swap3A_462 = arith.constant 64 : index
          %swap3A_463 = tpu.vector_load %arg9[%swap3A_461, %swap3A_462] {strides = array<i32>} : memref<320x128xf32, #tpu.memory_space<vmem>>, vector<16xf32>,
          tpu.vector_store %arg9[%swap3A_461, %swap3A_462], %mul3A_460 {strides = array<i32>} : memref<320x128xf32, #tpu.memory_space<vmem>>, vector<16xf32>,
          %broadcast_in_dim3A_464 = arith.constant 5 : i32
          %broadcast_in_dim3A_465 = vector.broadcast %broadcast_in_dim3A_464 : i32 to vector<16x1xi32>
          %gather3A_466 = vector.shape_cast %broadcast_in_dim3A_465 : vector<16x1xi32> to vector<16xi32>
          %gather3A_467 = tpu.dynamic_gather %select_n3A_425[%gather3A_466] in [0] : vector<16xf32>, vector<16xi32> -> vector<16xf32>
          %mul3A_468 = arith.mulf %while3A_383#6, %gather3A_467 : vector<16xf32>
          %swap3A_469 = arith.index_cast %while3A_291 : i32 to index
          %swap3A_470 = arith.constant 80 : index
          %swap3A_471 = tpu.vector_load %arg9[%swap3A_469, %swap3A_470] {strides = array<i32>} : memref<320x128xf32, #tpu.memory_space<vmem>>, vector<16xf32>,
          tpu.vector_store %arg9[%swap3A_469, %swap3A_470], %mul3A_468 {strides = array<i32>} : memref<320x128xf32, #tpu.memory_space<vmem>>, vector<16xf32>,
          %broadcast_in_dim3A_472 = arith.constant 6 : i32
          %broadcast_in_dim3A_473 = vector.broadcast %broadcast_in_dim3A_472 : i32 to vector<16x1xi32>
          %gather3A_474 = vector.shape_cast %broadcast_in_dim3A_473 : vector<16x1xi32> to vector<16xi32>
          %gather3A_475 = tpu.dynamic_gather %select_n3A_425[%gather3A_474] in [0] : vector<16xf32>, vector<16xi32> -> vector<16xf32>
          %mul3A_476 = arith.mulf %while3A_383#7, %gather3A_475 : vector<16xf32>
          %swap3A_477 = arith.index_cast %while3A_291 : i32 to index
          %swap3A_478 = arith.constant 96 : index
          %swap3A_479 = tpu.vector_load %arg9[%swap3A_477, %swap3A_478] {strides = array<i32>} : memref<320x128xf32, #tpu.memory_space<vmem>>, vector<16xf32>,
          tpu.vector_store %arg9[%swap3A_477, %swap3A_478], %mul3A_476 {strides = array<i32>} : memref<320x128xf32, #tpu.memory_space<vmem>>, vector<16xf32>,
          %broadcast_in_dim3A_480 = arith.constant 7 : i32
          %broadcast_in_dim3A_481 = vector.broadcast %broadcast_in_dim3A_480 : i32 to vector<16x1xi32>
          %gather3A_482 = vector.shape_cast %broadcast_in_dim3A_481 : vector<16x1xi32> to vector<16xi32>
          %gather3A_483 = tpu.dynamic_gather %select_n3A_425[%gather3A_482] in [0] : vector<16xf32>, vector<16xi32> -> vector<16xf32>
          %mul3A_484 = arith.mulf %while3A_383#8, %gather3A_483 : vector<16xf32>
          %swap3A_485 = arith.index_cast %while3A_291 : i32 to index
          %swap3A_486 = arith.constant 112 : index
          %swap3A_487 = tpu.vector_load %arg9[%swap3A_485, %swap3A_486] {strides = array<i32>} : memref<320x128xf32, #tpu.memory_space<vmem>>, vector<16xf32>,
          tpu.vector_store %arg9[%swap3A_485, %swap3A_486], %mul3A_484 {strides = array<i32>} : memref<320x128xf32, #tpu.memory_space<vmem>>, vector<16xf32>,
        } else {
        }
        scf.yield %while3A_383#0, %while3A_383#1, %while3A_383#2, %while3A_383#3, %while3A_383#4, %while3A_383#5, %while3A_383#6, %while3A_383#7, %while3A_383#8 : vector<16xf32>, vector<16xf32>, vector<16xf32>, vector<16xf32>, vector<16xf32>, vector<16xf32>, vector<16xf32>, vector<16xf32>, vector<16xf32>
      }
      %add3A_281 = arith.constant 1 : i32
      %add3A_282 = arith.addi %select_n3A_268, %add3A_281 : i32
      %get3A_283 = arith.index_cast %add3A_282 : i32 to index
      %get3A_284 = tpu.vector_load %arg7[%get3A_283] {strides = array<i32>} : memref<344xi32, #tpu.memory_space<vmem>>, vector<16xi32>,
      %slice3A_285 = vector.extract_strided_slice %get3A_284 {offsets = [0], sizes = [1], strides = [1]} : vector<16xi32> to vector<1xi32>
      %squeeze3A_286 = vector.extract %slice3A_285[0] : i32 from vector<1xi32>
      %le3A_287 = arith.cmpi sle, %squeeze3A_286, %add3A_255 : i32
      %add3A_288 = arith.constant 1 : i32
      %add3A_289 = arith.addi %select_n3A_268, %add3A_288 : i32
      %select_n3A_290 = arith.select %le3A_287, %add3A_289, %select_n3A_268 : i32
      scf.yield %select_n3A_290, %while3A_280#0, %while3A_280#1, %while3A_280#2, %while3A_280#3, %while3A_280#4, %while3A_280#5, %while3A_280#6, %while3A_280#7, %while3A_280#8 : i32, vector<16xf32>, vector<16xf32>, vector<16xf32>, vector<16xf32>, vector<16xf32>, vector<16xf32>, vector<16xf32>, vector<16xf32>, vector<16xf32>
    }
    %while3A_141 = arith.constant 320 : i32
    %while3A_142 = arith.constant 0 : i32
    %while3A_143 = arith.subi %while3A_141, %while3A_140#0 : i32
    %while3A_144 = arith.addi %while3A_140#0, %while3A_143 : i32
    %while3A_145 = arith.constant 1 : i32
    %while3A_146 = arith.divsi %while3A_143, %while3A_145 : i32
    %while3A_147 = arith.muli %while3A_146, %while3A_145 : i32
    %while3A_148 = arith.addi %while3A_140#0, %while3A_147 : i32
    %while3A_149 = arith.constant 1 : i32
    %while3A_150 = scf.for %while3A_153 = %while3A_140#0 to %while3A_148 step %while3A_149 iter_args(%while3A_154 = %while3A_142) -> (i32)  : i32 {
      %add3A_155 = arith.constant 1 : i32
      %add3A_156 = arith.addi %while3A_153, %add3A_155 : i32
      %get3A_157 = arith.index_cast %add3A_156 : i32 to index
      %get3A_158 = tpu.vector_load %arg7[%get3A_157] {strides = array<i32>} : memref<344xi32, #tpu.memory_space<vmem>>, vector<16xi32>,
      %slice3A_159 = vector.extract_strided_slice %get3A_158 {offsets = [0], sizes = [1], strides = [1]} : vector<16xi32> to vector<1xi32>
      %squeeze3A_160 = vector.extract %slice3A_159[0] : i32 from vector<1xi32>
      %get3A_161 = arith.index_cast %while3A_153 : i32 to index
      %get3A_162 = tpu.vector_load %arg7[%get3A_161] {strides = array<i32>} : memref<344xi32, #tpu.memory_space<vmem>>, vector<16xi32>,
      %slice3A_163 = vector.extract_strided_slice %get3A_162 {offsets = [0], sizes = [1], strides = [1]} : vector<16xi32> to vector<1xi32>
      %squeeze3A_164 = vector.extract %slice3A_163[0] : i32 from vector<1xi32>
      %sub3A_165 = arith.subi %squeeze3A_160, %squeeze3A_164 : i32
      %jit3A_166 = arith.constant 0.000000e+00 : f32
      %broadcast_in_dim3A_167 = vector.broadcast %jit3A_166 : f32 to vector<16xf32>
      %select_n3A_168 = arith.select %lt3A_27, %broadcast_in_dim3A_30, %broadcast_in_dim3A_167 : vector<16xi1>, vector<16xf32>
      %mul3A_169 = arith.mulf %select_n3A_168, %get3A_71 : vector<16xf32>
      %add3A_170 = arith.addf %mul3A_169, %get3A_73 : vector<16xf32>
      %max3A = arith.constant 0.000000e+00 : f32
      %max3A_171 = vector.broadcast %max3A : f32 to vector<16xf32>
      %max3A_172 = arith.maximumf %add3A_170, %max3A_171 : vector<16xf32>
      %add3A_173 = arith.addf %max3A_172, %max3A_172 : vector<16xf32>
      %exp3A = math.exp %add3A_173 : vector<16xf32>
      %add3A_174 = arith.constant 1.000000e+00 : f32
      %add3A_175 = vector.broadcast %add3A_174 : f32 to vector<16xf32>
      %add3A_176 = arith.addf %exp3A, %add3A_175 : vector<16xf32>
      %div3A_177 = arith.constant 2.000000e+00 : f32
      %div3A_178 = vector.broadcast %div3A_177 : f32 to vector<16xf32>
      %div3A_179 = arith.divf %div3A_178, %add3A_176 : vector<16xf32>
      %sub3A_180 = arith.constant 1.000000e+00 : f32
      %sub3A_181 = vector.broadcast %sub3A_180 : f32 to vector<16xf32>
      %sub3A_182 = arith.subf %sub3A_181, %div3A_179 : vector<16xf32>
      %add3A_183 = arith.constant 9.99999996E-13 : f32
      %add3A_184 = vector.broadcast %add3A_183 : f32 to vector<16xf32>
      %add3A_185 = arith.addf %broadcast_in_dim3A_30, %add3A_184 : vector<16xf32>
      %div3A_186 = arith.divf %sub3A_182, %add3A_185 : vector<16xf32>
      %gt3A_187 = arith.constant 0 : i32
      %gt3A_188 = arith.cmpi sgt, %sub3A_165, %gt3A_187 : i32
      %jit3A_189 = arith.constant 0.000000e+00 : f32
      %broadcast_in_dim3A_190 = vector.broadcast %jit3A_189 : f32 to vector<16xf32>
      %select_n3A_191 = arith.select %gt3A_188, %div3A_186, %broadcast_in_dim3A_190 : vector<16xf32>
      %broadcast_in_dim3A_192 = arith.constant 0 : i32
      %broadcast_in_dim3A_193 = vector.broadcast %broadcast_in_dim3A_192 : i32 to vector<16x1xi32>
      %gather3A = vector.shape_cast %broadcast_in_dim3A_193 : vector<16x1xi32> to vector<16xi32>
      %gather3A_194 = tpu.dynamic_gather %select_n3A_191[%gather3A] in [0] : vector<16xf32>, vector<16xi32> -> vector<16xf32>
      %mul3A_195 = arith.mulf %broadcast_in_dim3A_30, %gather3A_194 : vector<16xf32>
      %swap3A = arith.index_cast %while3A_153 : i32 to index
      %swap3A_196 = arith.constant 0 : index
      %swap3A_197 = tpu.vector_load %arg9[%swap3A, %swap3A_196] {strides = array<i32>} : memref<320x128xf32, #tpu.memory_space<vmem>>, vector<16xf32>,
      tpu.vector_store %arg9[%swap3A, %swap3A_196], %mul3A_195 {strides = array<i32>} : memref<320x128xf32, #tpu.memory_space<vmem>>, vector<16xf32>,
      %broadcast_in_dim3A_198 = arith.constant 1 : i32
      %broadcast_in_dim3A_199 = vector.broadcast %broadcast_in_dim3A_198 : i32 to vector<16x1xi32>
      %gather3A_200 = vector.shape_cast %broadcast_in_dim3A_199 : vector<16x1xi32> to vector<16xi32>
      %gather3A_201 = tpu.dynamic_gather %select_n3A_191[%gather3A_200] in [0] : vector<16xf32>, vector<16xi32> -> vector<16xf32>
      %mul3A_202 = arith.mulf %broadcast_in_dim3A_30, %gather3A_201 : vector<16xf32>
      %swap3A_203 = arith.index_cast %while3A_153 : i32 to index
      %swap3A_204 = arith.constant 16 : index
      %swap3A_205 = tpu.vector_load %arg9[%swap3A_203, %swap3A_204] {strides = array<i32>} : memref<320x128xf32, #tpu.memory_space<vmem>>, vector<16xf32>,
      tpu.vector_store %arg9[%swap3A_203, %swap3A_204], %mul3A_202 {strides = array<i32>} : memref<320x128xf32, #tpu.memory_space<vmem>>, vector<16xf32>,
      %broadcast_in_dim3A_206 = arith.constant 2 : i32
      %broadcast_in_dim3A_207 = vector.broadcast %broadcast_in_dim3A_206 : i32 to vector<16x1xi32>
      %gather3A_208 = vector.shape_cast %broadcast_in_dim3A_207 : vector<16x1xi32> to vector<16xi32>
      %gather3A_209 = tpu.dynamic_gather %select_n3A_191[%gather3A_208] in [0] : vector<16xf32>, vector<16xi32> -> vector<16xf32>
      %mul3A_210 = arith.mulf %broadcast_in_dim3A_30, %gather3A_209 : vector<16xf32>
      %swap3A_211 = arith.index_cast %while3A_153 : i32 to index
      %swap3A_212 = arith.constant 32 : index
      %swap3A_213 = tpu.vector_load %arg9[%swap3A_211, %swap3A_212] {strides = array<i32>} : memref<320x128xf32, #tpu.memory_space<vmem>>, vector<16xf32>,
      tpu.vector_store %arg9[%swap3A_211, %swap3A_212], %mul3A_210 {strides = array<i32>} : memref<320x128xf32, #tpu.memory_space<vmem>>, vector<16xf32>,
      %broadcast_in_dim3A_214 = arith.constant 3 : i32
      %broadcast_in_dim3A_215 = vector.broadcast %broadcast_in_dim3A_214 : i32 to vector<16x1xi32>
      %gather3A_216 = vector.shape_cast %broadcast_in_dim3A_215 : vector<16x1xi32> to vector<16xi32>
      %gather3A_217 = tpu.dynamic_gather %select_n3A_191[%gather3A_216] in [0] : vector<16xf32>, vector<16xi32> -> vector<16xf32>
      %mul3A_218 = arith.mulf %broadcast_in_dim3A_30, %gather3A_217 : vector<16xf32>
      %swap3A_219 = arith.index_cast %while3A_153 : i32 to index
      %swap3A_220 = arith.constant 48 : index
      %swap3A_221 = tpu.vector_load %arg9[%swap3A_219, %swap3A_220] {strides = array<i32>} : memref<320x128xf32, #tpu.memory_space<vmem>>, vector<16xf32>,
      tpu.vector_store %arg9[%swap3A_219, %swap3A_220], %mul3A_218 {strides = array<i32>} : memref<320x128xf32, #tpu.memory_space<vmem>>, vector<16xf32>,
      %broadcast_in_dim3A_222 = arith.constant 4 : i32
      %broadcast_in_dim3A_223 = vector.broadcast %broadcast_in_dim3A_222 : i32 to vector<16x1xi32>
      %gather3A_224 = vector.shape_cast %broadcast_in_dim3A_223 : vector<16x1xi32> to vector<16xi32>
      %gather3A_225 = tpu.dynamic_gather %select_n3A_191[%gather3A_224] in [0] : vector<16xf32>, vector<16xi32> -> vector<16xf32>
      %mul3A_226 = arith.mulf %broadcast_in_dim3A_30, %gather3A_225 : vector<16xf32>
      %swap3A_227 = arith.index_cast %while3A_153 : i32 to index
      %swap3A_228 = arith.constant 64 : index
      %swap3A_229 = tpu.vector_load %arg9[%swap3A_227, %swap3A_228] {strides = array<i32>} : memref<320x128xf32, #tpu.memory_space<vmem>>, vector<16xf32>,
      tpu.vector_store %arg9[%swap3A_227, %swap3A_228], %mul3A_226 {strides = array<i32>} : memref<320x128xf32, #tpu.memory_space<vmem>>, vector<16xf32>,
      %broadcast_in_dim3A_230 = arith.constant 5 : i32
      %broadcast_in_dim3A_231 = vector.broadcast %broadcast_in_dim3A_230 : i32 to vector<16x1xi32>
      %gather3A_232 = vector.shape_cast %broadcast_in_dim3A_231 : vector<16x1xi32> to vector<16xi32>
      %gather3A_233 = tpu.dynamic_gather %select_n3A_191[%gather3A_232] in [0] : vector<16xf32>, vector<16xi32> -> vector<16xf32>
      %mul3A_234 = arith.mulf %broadcast_in_dim3A_30, %gather3A_233 : vector<16xf32>
      %swap3A_235 = arith.index_cast %while3A_153 : i32 to index
      %swap3A_236 = arith.constant 80 : index
      %swap3A_237 = tpu.vector_load %arg9[%swap3A_235, %swap3A_236] {strides = array<i32>} : memref<320x128xf32, #tpu.memory_space<vmem>>, vector<16xf32>,
      tpu.vector_store %arg9[%swap3A_235, %swap3A_236], %mul3A_234 {strides = array<i32>} : memref<320x128xf32, #tpu.memory_space<vmem>>, vector<16xf32>,
      %broadcast_in_dim3A_238 = arith.constant 6 : i32
      %broadcast_in_dim3A_239 = vector.broadcast %broadcast_in_dim3A_238 : i32 to vector<16x1xi32>
      %gather3A_240 = vector.shape_cast %broadcast_in_dim3A_239 : vector<16x1xi32> to vector<16xi32>
      %gather3A_241 = tpu.dynamic_gather %select_n3A_191[%gather3A_240] in [0] : vector<16xf32>, vector<16xi32> -> vector<16xf32>
      %mul3A_242 = arith.mulf %broadcast_in_dim3A_30, %gather3A_241 : vector<16xf32>
      %swap3A_243 = arith.index_cast %while3A_153 : i32 to index
      %swap3A_244 = arith.constant 96 : index
      %swap3A_245 = tpu.vector_load %arg9[%swap3A_243, %swap3A_244] {strides = array<i32>} : memref<320x128xf32, #tpu.memory_space<vmem>>, vector<16xf32>,
      tpu.vector_store %arg9[%swap3A_243, %swap3A_244], %mul3A_242 {strides = array<i32>} : memref<320x128xf32, #tpu.memory_space<vmem>>, vector<16xf32>,
      %broadcast_in_dim3A_246 = arith.constant 7 : i32
      %broadcast_in_dim3A_247 = vector.broadcast %broadcast_in_dim3A_246 : i32 to vector<16x1xi32>
      %gather3A_248 = vector.shape_cast %broadcast_in_dim3A_247 : vector<16x1xi32> to vector<16xi32>
      %gather3A_249 = tpu.dynamic_gather %select_n3A_191[%gather3A_248] in [0] : vector<16xf32>, vector<16xi32> -> vector<16xf32>
      %mul3A_250 = arith.mulf %broadcast_in_dim3A_30, %gather3A_249 : vector<16xf32>
      %swap3A_251 = arith.index_cast %while3A_153 : i32 to index
      %swap3A_252 = arith.constant 112 : index
      %swap3A_253 = tpu.vector_load %arg9[%swap3A_251, %swap3A_252] {strides = array<i32>} : memref<320x128xf32, #tpu.memory_space<vmem>>, vector<16xf32>,
      tpu.vector_store %arg9[%swap3A_251, %swap3A_252], %mul3A_250 {strides = array<i32>} : memref<320x128xf32, #tpu.memory_space<vmem>>, vector<16xf32>,
      %while3A_254 = arith.constant 0 : i32
      scf.yield %while3A_254 : i32
    }
    %while3A_151 = arith.constant 1 : i32
    %while3A_152 = scf.for %while3A_153 = %while3A_148 to %while3A_144 step %while3A_151 iter_args(%while3A_154 = %while3A_150) -> (i32)  : i32 {
      %add3A_155 = arith.constant 1 : i32
      %add3A_156 = arith.addi %while3A_153, %add3A_155 : i32
      %get3A_157 = arith.index_cast %add3A_156 : i32 to index
      %get3A_158 = tpu.vector_load %arg7[%get3A_157] {strides = array<i32>} : memref<344xi32, #tpu.memory_space<vmem>>, vector<16xi32>,
      %slice3A_159 = vector.extract_strided_slice %get3A_158 {offsets = [0], sizes = [1], strides = [1]} : vector<16xi32> to vector<1xi32>
      %squeeze3A_160 = vector.extract %slice3A_159[0] : i32 from vector<1xi32>
      %get3A_161 = arith.index_cast %while3A_153 : i32 to index
      %get3A_162 = tpu.vector_load %arg7[%get3A_161] {strides = array<i32>} : memref<344xi32, #tpu.memory_space<vmem>>, vector<16xi32>,
      %slice3A_163 = vector.extract_strided_slice %get3A_162 {offsets = [0], sizes = [1], strides = [1]} : vector<16xi32> to vector<1xi32>
      %squeeze3A_164 = vector.extract %slice3A_163[0] : i32 from vector<1xi32>
      %sub3A_165 = arith.subi %squeeze3A_160, %squeeze3A_164 : i32
      %jit3A_166 = arith.constant 0.000000e+00 : f32
      %broadcast_in_dim3A_167 = vector.broadcast %jit3A_166 : f32 to vector<16xf32>
      %select_n3A_168 = arith.select %lt3A_27, %broadcast_in_dim3A_30, %broadcast_in_dim3A_167 : vector<16xi1>, vector<16xf32>
      %mul3A_169 = arith.mulf %select_n3A_168, %get3A_71 : vector<16xf32>
      %add3A_170 = arith.addf %mul3A_169, %get3A_73 : vector<16xf32>
      %max3A = arith.constant 0.000000e+00 : f32
      %max3A_171 = vector.broadcast %max3A : f32 to vector<16xf32>
      %max3A_172 = arith.maximumf %add3A_170, %max3A_171 : vector<16xf32>
      %add3A_173 = arith.addf %max3A_172, %max3A_172 : vector<16xf32>
      %exp3A = math.exp %add3A_173 : vector<16xf32>
      %add3A_174 = arith.constant 1.000000e+00 : f32
      %add3A_175 = vector.broadcast %add3A_174 : f32 to vector<16xf32>
      %add3A_176 = arith.addf %exp3A, %add3A_175 : vector<16xf32>
      %div3A_177 = arith.constant 2.000000e+00 : f32
      %div3A_178 = vector.broadcast %div3A_177 : f32 to vector<16xf32>
      %div3A_179 = arith.divf %div3A_178, %add3A_176 : vector<16xf32>
      %sub3A_180 = arith.constant 1.000000e+00 : f32
      %sub3A_181 = vector.broadcast %sub3A_180 : f32 to vector<16xf32>
      %sub3A_182 = arith.subf %sub3A_181, %div3A_179 : vector<16xf32>
      %add3A_183 = arith.constant 9.99999996E-13 : f32
      %add3A_184 = vector.broadcast %add3A_183 : f32 to vector<16xf32>
      %add3A_185 = arith.addf %broadcast_in_dim3A_30, %add3A_184 : vector<16xf32>
      %div3A_186 = arith.divf %sub3A_182, %add3A_185 : vector<16xf32>
      %gt3A_187 = arith.constant 0 : i32
      %gt3A_188 = arith.cmpi sgt, %sub3A_165, %gt3A_187 : i32
      %jit3A_189 = arith.constant 0.000000e+00 : f32
      %broadcast_in_dim3A_190 = vector.broadcast %jit3A_189 : f32 to vector<16xf32>
      %select_n3A_191 = arith.select %gt3A_188, %div3A_186, %broadcast_in_dim3A_190 : vector<16xf32>
      %broadcast_in_dim3A_192 = arith.constant 0 : i32
      %broadcast_in_dim3A_193 = vector.broadcast %broadcast_in_dim3A_192 : i32 to vector<16x1xi32>
      %gather3A = vector.shape_cast %broadcast_in_dim3A_193 : vector<16x1xi32> to vector<16xi32>
      %gather3A_194 = tpu.dynamic_gather %select_n3A_191[%gather3A] in [0] : vector<16xf32>, vector<16xi32> -> vector<16xf32>
      %mul3A_195 = arith.mulf %broadcast_in_dim3A_30, %gather3A_194 : vector<16xf32>
      %swap3A = arith.index_cast %while3A_153 : i32 to index
      %swap3A_196 = arith.constant 0 : index
      %swap3A_197 = tpu.vector_load %arg9[%swap3A, %swap3A_196] {strides = array<i32>} : memref<320x128xf32, #tpu.memory_space<vmem>>, vector<16xf32>,
      tpu.vector_store %arg9[%swap3A, %swap3A_196], %mul3A_195 {strides = array<i32>} : memref<320x128xf32, #tpu.memory_space<vmem>>, vector<16xf32>,
      %broadcast_in_dim3A_198 = arith.constant 1 : i32
      %broadcast_in_dim3A_199 = vector.broadcast %broadcast_in_dim3A_198 : i32 to vector<16x1xi32>
      %gather3A_200 = vector.shape_cast %broadcast_in_dim3A_199 : vector<16x1xi32> to vector<16xi32>
      %gather3A_201 = tpu.dynamic_gather %select_n3A_191[%gather3A_200] in [0] : vector<16xf32>, vector<16xi32> -> vector<16xf32>
      %mul3A_202 = arith.mulf %broadcast_in_dim3A_30, %gather3A_201 : vector<16xf32>
      %swap3A_203 = arith.index_cast %while3A_153 : i32 to index
      %swap3A_204 = arith.constant 16 : index
      %swap3A_205 = tpu.vector_load %arg9[%swap3A_203, %swap3A_204] {strides = array<i32>} : memref<320x128xf32, #tpu.memory_space<vmem>>, vector<16xf32>,
      tpu.vector_store %arg9[%swap3A_203, %swap3A_204], %mul3A_202 {strides = array<i32>} : memref<320x128xf32, #tpu.memory_space<vmem>>, vector<16xf32>,
      %broadcast_in_dim3A_206 = arith.constant 2 : i32
      %broadcast_in_dim3A_207 = vector.broadcast %broadcast_in_dim3A_206 : i32 to vector<16x1xi32>
      %gather3A_208 = vector.shape_cast %broadcast_in_dim3A_207 : vector<16x1xi32> to vector<16xi32>
      %gather3A_209 = tpu.dynamic_gather %select_n3A_191[%gather3A_208] in [0] : vector<16xf32>, vector<16xi32> -> vector<16xf32>
      %mul3A_210 = arith.mulf %broadcast_in_dim3A_30, %gather3A_209 : vector<16xf32>
      %swap3A_211 = arith.index_cast %while3A_153 : i32 to index
      %swap3A_212 = arith.constant 32 : index
      %swap3A_213 = tpu.vector_load %arg9[%swap3A_211, %swap3A_212] {strides = array<i32>} : memref<320x128xf32, #tpu.memory_space<vmem>>, vector<16xf32>,
      tpu.vector_store %arg9[%swap3A_211, %swap3A_212], %mul3A_210 {strides = array<i32>} : memref<320x128xf32, #tpu.memory_space<vmem>>, vector<16xf32>,
      %broadcast_in_dim3A_214 = arith.constant 3 : i32
      %broadcast_in_dim3A_215 = vector.broadcast %broadcast_in_dim3A_214 : i32 to vector<16x1xi32>
      %gather3A_216 = vector.shape_cast %broadcast_in_dim3A_215 : vector<16x1xi32> to vector<16xi32>
      %gather3A_217 = tpu.dynamic_gather %select_n3A_191[%gather3A_216] in [0] : vector<16xf32>, vector<16xi32> -> vector<16xf32>
      %mul3A_218 = arith.mulf %broadcast_in_dim3A_30, %gather3A_217 : vector<16xf32>
      %swap3A_219 = arith.index_cast %while3A_153 : i32 to index
      %swap3A_220 = arith.constant 48 : index
      %swap3A_221 = tpu.vector_load %arg9[%swap3A_219, %swap3A_220] {strides = array<i32>} : memref<320x128xf32, #tpu.memory_space<vmem>>, vector<16xf32>,
      tpu.vector_store %arg9[%swap3A_219, %swap3A_220], %mul3A_218 {strides = array<i32>} : memref<320x128xf32, #tpu.memory_space<vmem>>, vector<16xf32>,
      %broadcast_in_dim3A_222 = arith.constant 4 : i32
      %broadcast_in_dim3A_223 = vector.broadcast %broadcast_in_dim3A_222 : i32 to vector<16x1xi32>
      %gather3A_224 = vector.shape_cast %broadcast_in_dim3A_223 : vector<16x1xi32> to vector<16xi32>
      %gather3A_225 = tpu.dynamic_gather %select_n3A_191[%gather3A_224] in [0] : vector<16xf32>, vector<16xi32> -> vector<16xf32>
      %mul3A_226 = arith.mulf %broadcast_in_dim3A_30, %gather3A_225 : vector<16xf32>
      %swap3A_227 = arith.index_cast %while3A_153 : i32 to index
      %swap3A_228 = arith.constant 64 : index
      %swap3A_229 = tpu.vector_load %arg9[%swap3A_227, %swap3A_228] {strides = array<i32>} : memref<320x128xf32, #tpu.memory_space<vmem>>, vector<16xf32>,
      tpu.vector_store %arg9[%swap3A_227, %swap3A_228], %mul3A_226 {strides = array<i32>} : memref<320x128xf32, #tpu.memory_space<vmem>>, vector<16xf32>,
      %broadcast_in_dim3A_230 = arith.constant 5 : i32
      %broadcast_in_dim3A_231 = vector.broadcast %broadcast_in_dim3A_230 : i32 to vector<16x1xi32>
      %gather3A_232 = vector.shape_cast %broadcast_in_dim3A_231 : vector<16x1xi32> to vector<16xi32>
      %gather3A_233 = tpu.dynamic_gather %select_n3A_191[%gather3A_232] in [0] : vector<16xf32>, vector<16xi32> -> vector<16xf32>
      %mul3A_234 = arith.mulf %broadcast_in_dim3A_30, %gather3A_233 : vector<16xf32>
      %swap3A_235 = arith.index_cast %while3A_153 : i32 to index
      %swap3A_236 = arith.constant 80 : index
      %swap3A_237 = tpu.vector_load %arg9[%swap3A_235, %swap3A_236] {strides = array<i32>} : memref<320x128xf32, #tpu.memory_space<vmem>>, vector<16xf32>,
      tpu.vector_store %arg9[%swap3A_235, %swap3A_236], %mul3A_234 {strides = array<i32>} : memref<320x128xf32, #tpu.memory_space<vmem>>, vector<16xf32>,
      %broadcast_in_dim3A_238 = arith.constant 6 : i32
      %broadcast_in_dim3A_239 = vector.broadcast %broadcast_in_dim3A_238 : i32 to vector<16x1xi32>
      %gather3A_240 = vector.shape_cast %broadcast_in_dim3A_239 : vector<16x1xi32> to vector<16xi32>
      %gather3A_241 = tpu.dynamic_gather %select_n3A_191[%gather3A_240] in [0] : vector<16xf32>, vector<16xi32> -> vector<16xf32>
      %mul3A_242 = arith.mulf %broadcast_in_dim3A_30, %gather3A_241 : vector<16xf32>
      %swap3A_243 = arith.index_cast %while3A_153 : i32 to index
      %swap3A_244 = arith.constant 96 : index
      %swap3A_245 = tpu.vector_load %arg9[%swap3A_243, %swap3A_244] {strides = array<i32>} : memref<320x128xf32, #tpu.memory_space<vmem>>, vector<16xf32>,
      tpu.vector_store %arg9[%swap3A_243, %swap3A_244], %mul3A_242 {strides = array<i32>} : memref<320x128xf32, #tpu.memory_space<vmem>>, vector<16xf32>,
      %broadcast_in_dim3A_246 = arith.constant 7 : i32
      %broadcast_in_dim3A_247 = vector.broadcast %broadcast_in_dim3A_246 : i32 to vector<16x1xi32>
      %gather3A_248 = vector.shape_cast %broadcast_in_dim3A_247 : vector<16x1xi32> to vector<16xi32>
      %gather3A_249 = tpu.dynamic_gather %select_n3A_191[%gather3A_248] in [0] : vector<16xf32>, vector<16xi32> -> vector<16xf32>
      %mul3A_250 = arith.mulf %broadcast_in_dim3A_30, %gather3A_249 : vector<16xf32>
      %swap3A_251 = arith.index_cast %while3A_153 : i32 to index
      %swap3A_252 = arith.constant 112 : index
      %swap3A_253 = tpu.vector_load %arg9[%swap3A_251, %swap3A_252] {strides = array<i32>} : memref<320x128xf32, #tpu.memory_space<vmem>>, vector<16xf32>,
      tpu.vector_store %arg9[%swap3A_251, %swap3A_252], %mul3A_250 {strides = array<i32>} : memref<320x128xf32, #tpu.memory_space<vmem>>, vector<16xf32>,
      %while3A_254 = arith.constant 0 : i32
      scf.yield %while3A_254 : i32
    }
    "tpu.region"() ({
      %run_scoped3A = tpu.sem_alloc : memref<!tpu.dma_semaphore, #tpu.memory_space<semaphore_mem>>
      %dma_start3A = arith.constant 0 : i32
      %dma_start3A_153 = tpu.memref_slice %arg6[%multiple_of3A, %dma_start3A] : memref<10240x128xf32, #tpu.memory_space<hbm>> -> memref<320x128xf32, #tpu.memory_space<hbm>>
      %dma_start3A_154 = arith.constant 0 : i32
      %dma_start3A_155 = tpu.memref_slice %arg6[%multiple_of3A, %dma_start3A_154] : memref<10240x128xf32, #tpu.memory_space<hbm>> -> memref<320x128xf32, #tpu.memory_space<hbm>>
      tpu.enqueue_dma source(%arg9 : memref<320x128xf32, #tpu.memory_space<vmem>>) target(%dma_start3A_155 : memref<320x128xf32, #tpu.memory_space<hbm>>) target_semaphore(%run_scoped3A : memref<!tpu.dma_semaphore, #tpu.memory_space<semaphore_mem>>)
      %dma_wait3A = arith.constant 0 : i32
      %dma_wait3A_156 = tpu.memref_slice %arg6[%multiple_of3A, %dma_wait3A] : memref<10240x128xf32, #tpu.memory_space<hbm>> -> memref<320x128xf32, #tpu.memory_space<hbm>>
      %dma_wait3A_157 = arith.constant 0 : i32
      %dma_wait3A_158 = tpu.memref_slice %arg6[%multiple_of3A, %dma_wait3A_157] : memref<10240x128xf32, #tpu.memory_space<hbm>> -> memref<320x128xf32, #tpu.memory_space<hbm>>
      tpu.wait_dma2 semaphore(%run_scoped3A : memref<!tpu.dma_semaphore, #tpu.memory_space<semaphore_mem>>) src(%arg9 : memref<320x128xf32, #tpu.memory_space<vmem>>) dst(%dma_wait3A_158 : memref<320x128xf32, #tpu.memory_space<hbm>>)
      tpu.yield
    }) : () -> ()
    return
  }
}

module attributes {stable_mosaic.version = 14 : i64} {
  func.func @_tc_h_stats_body(%arg0: i32, %arg1: memref<64x2560xf32, #tpu.memory_space<vmem>>, %arg2: memref<8x64xf32, #tpu.memory_space<vmem>>, %arg3: memref<8x2560xf32, #tpu.memory_space<vmem>>, %arg4: memref<8x128xf32, #tpu.memory_space<vmem>>) attributes {dimension_semantics = [#tpu.dimension_semantics<arbitrary>], iteration_bounds = array<i64: 125>, scalar_prefetch = 0 : i64, scratch_operands = 0 : i64, tpu.core_type = #tpu.core_type<tc>, window_params = [{transform_indices = @transform_0, window_bounds = array<i64: 64, 2560>}, {pipeline_mode = #tpu.pipeline_mode<synchronous>, transform_indices = @transform_1, window_bounds = array<i64: 8, 64>}, {transform_indices = @transform_2, window_bounds = array<i64: 8, 2560>}, {pipeline_mode = #tpu.pipeline_mode<synchronous>, transform_indices = @transform_3, window_bounds = array<i64: 8, 128>}]} {
    %get3A = arith.constant 0 : index
    %get3A_0 = arith.constant 0 : index
    %get3A_1 = vector.load %arg1[%get3A, %get3A_0] : memref<64x2560xf32, #tpu.memory_space<vmem>>, vector<64x2560xf32>
    %get3A_2 = arith.constant 0 : index
    %get3A_3 = arith.constant 0 : index
    %get3A_4 = vector.load %arg2[%get3A_2, %get3A_3] : memref<8x64xf32, #tpu.memory_space<vmem>>, vector<8x64xf32>
    %dot_general3A = arith.constant dense<0.000000e+00> : vector<8x2560xf32>
    %dot_general3A_5 = tpu.matmul %get3A_4, %get3A_1, %dot_general3A {dimension_numbers = #tpu.dot_dimension_numbers<[1], [0], [0], [1], [0, 0, 1, 1], [], []>, transpose_lhs_hint = false} : vector<8x64xf32>, vector<64x2560xf32>, vector<8x2560xf32> -> vector<8x2560xf32>
    %swap3A = arith.constant 0 : index
    %swap3A_6 = arith.constant 0 : index
    %swap3A_7 = vector.load %arg3[%swap3A, %swap3A_6] : memref<8x2560xf32, #tpu.memory_space<vmem>>, vector<8x2560xf32>
    tpu.vector_store %arg3[%swap3A, %swap3A_6], %dot_general3A_5 {strides = array<i32>} : memref<8x2560xf32, #tpu.memory_space<vmem>>, vector<8x2560xf32>,
    %reduce_sum3A = arith.constant dense<0.000000e+00> : vector<8xf32>
    %reduce_sum3A_8 = vector.multi_reduction <add>, %dot_general3A_5, %reduce_sum3A [1] : vector<8x2560xf32> to vector<8xf32>
    %broadcast_in_dim3A = vector.shape_cast %reduce_sum3A_8 : vector<8xf32> to vector<8x1xf32>
    %mul3A = arith.mulf %dot_general3A_5, %dot_general3A_5 : vector<8x2560xf32>
    %reduce_sum3A_9 = arith.constant dense<0.000000e+00> : vector<8xf32>
    %reduce_sum3A_10 = vector.multi_reduction <add>, %mul3A, %reduce_sum3A_9 [1] : vector<8x2560xf32> to vector<8xf32>
    %broadcast_in_dim3A_11 = vector.shape_cast %reduce_sum3A_10 : vector<8xf32> to vector<8x1xf32>
    %concatenate3A = tpu.concatenate %broadcast_in_dim3A, %broadcast_in_dim3A_11 in 1 : vector<8x1xf32>, vector<8x1xf32> -> vector<8x2xf32>
    %jit3A = arith.constant 0 : i32
    %convert_element_type3A = arith.sitofp %jit3A : i32 to f32
    %pad3A = vector.broadcast %convert_element_type3A : f32 to vector<8x126xf32>
    %pad3A_12 = tpu.concatenate %concatenate3A, %pad3A in 1 : vector<8x2xf32>, vector<8x126xf32> -> vector<8x128xf32>
    %eq3A = arith.constant 0 : i32
    %eq3A_13 = arith.cmpi eq, %arg0, %eq3A : i32
    %convert_element_type3A_14 = arith.extui %eq3A_13 : i1 to i32
    %cond3A = arith.constant 0 : i32
    %cond3A_15 = arith.cmpi ne, %convert_element_type3A_14, %cond3A : i32
    scf.if %cond3A_15 {
      %swap3A_20 = arith.constant 0 : index
      %swap3A_21 = arith.constant 0 : index
      %swap3A_22 = vector.load %arg4[%swap3A_20, %swap3A_21] : memref<8x128xf32, #tpu.memory_space<vmem>>, vector<8x128xf32>
      tpu.vector_store %arg4[%swap3A_20, %swap3A_21], %pad3A_12 {strides = array<i32>} : memref<8x128xf32, #tpu.memory_space<vmem>>, vector<8x128xf32>,
    } else {
    }
    %gt3A = arith.constant 0 : i32
    %gt3A_16 = arith.cmpi sgt, %arg0, %gt3A : i32
    %convert_element_type3A_17 = arith.extui %gt3A_16 : i1 to i32
    %cond3A_18 = arith.constant 0 : i32
    %cond3A_19 = arith.cmpi ne, %convert_element_type3A_17, %cond3A_18 : i32
    scf.if %cond3A_19 {
      %get3A_20 = arith.constant 0 : index
      %get3A_21 = arith.constant 0 : index
      %get3A_22 = vector.load %arg4[%get3A_20, %get3A_21] : memref<8x128xf32, #tpu.memory_space<vmem>>, vector<8x128xf32>
      %add3A = arith.addf %get3A_22, %pad3A_12 : vector<8x128xf32>
      %swap3A_23 = arith.constant 0 : index
      %swap3A_24 = arith.constant 0 : index
      %swap3A_25 = vector.load %arg4[%swap3A_23, %swap3A_24] : memref<8x128xf32, #tpu.memory_space<vmem>>, vector<8x128xf32>
      tpu.vector_store %arg4[%swap3A_23, %swap3A_24], %add3A {strides = array<i32>} : memref<8x128xf32, #tpu.memory_space<vmem>>, vector<8x128xf32>,
    } else {
    }
    return
  }
  func.func @transform_0(%arg0: i32) -> (i32, i32) {
    %c0_i32 = arith.constant 0 : i32
    %c0_i32_0 = arith.constant 0 : i32
    return %c0_i32, %arg0 : i32, i32
  }
  func.func @transform_1(%arg0: i32) -> (i32, i32) {
    %c0_i32 = arith.constant 0 : i32
    %c0_i32_0 = arith.constant 0 : i32
    %c0_i32_1 = arith.constant 0 : i32
    return %c0_i32, %c0_i32_0 : i32, i32
  }
  func.func @transform_2(%arg0: i32) -> (i32, i32) {
    %c0_i32 = arith.constant 0 : i32
    %c0_i32_0 = arith.constant 0 : i32
    return %c0_i32, %arg0 : i32, i32
  }
  func.func @transform_3(%arg0: i32) -> (i32, i32) {
    %c0_i32 = arith.constant 0 : i32
    %c0_i32_0 = arith.constant 0 : i32
    %c0_i32_1 = arith.constant 0 : i32
    return %c0_i32, %c0_i32_0 : i32, i32
  }
}

module attributes {stable_mosaic.version = 14 : i64} {
  func.func @_tc_compat_body(%arg0: i32, %arg1: memref<8x12800xf32, #tpu.memory_space<vmem>>, %arg2: memref<8x128xf32, #tpu.memory_space<vmem>>, %arg3: memref<8x128xf32, #tpu.memory_space<vmem>>, %arg4: memref<8x8xf32, #tpu.memory_space<vmem>>, %arg5: memref<8x128xf32, #tpu.memory_space<vmem>>, %arg6: memref<8x12800xf32, #tpu.memory_space<vmem>>) attributes {dimension_semantics = [#tpu.dimension_semantics<arbitrary>], iteration_bounds = array<i64: 25>, scalar_prefetch = 0 : i64, scratch_operands = 0 : i64, tpu.core_type = #tpu.core_type<tc>, window_params = [{transform_indices = @transform_0, window_bounds = array<i64: 8, 12800>}, {pipeline_mode = #tpu.pipeline_mode<synchronous>, transform_indices = @transform_1, window_bounds = array<i64: 8, 128>}, {pipeline_mode = #tpu.pipeline_mode<synchronous>, transform_indices = @transform_2, window_bounds = array<i64: 8, 128>}, {pipeline_mode = #tpu.pipeline_mode<synchronous>, transform_indices = @transform_3, window_bounds = array<i64: 8, 8>}, {pipeline_mode = #tpu.pipeline_mode<synchronous>, transform_indices = @transform_4, window_bounds = array<i64: 8, 128>}, {transform_indices = @transform_5, window_bounds = array<i64: 8, 12800>}]} {
    %get3A = arith.constant 0 : index
    %get3A_0 = arith.constant 0 : index
    %get3A_1 = vector.load %arg2[%get3A, %get3A_0] : memref<8x128xf32, #tpu.memory_space<vmem>>, vector<8x128xf32>
    %slice3A = vector.extract_strided_slice %get3A_1 {offsets = [0, 0], sizes = [8, 1], strides = [1, 1]} : vector<8x128xf32> to vector<8x1xf32>
    %get3A_2 = arith.constant 0 : index
    %get3A_3 = arith.constant 0 : index
    %get3A_4 = vector.load %arg3[%get3A_2, %get3A_3] : memref<8x128xf32, #tpu.memory_space<vmem>>, vector<8x128xf32>
    %slice3A_5 = vector.extract_strided_slice %get3A_4 {offsets = [0, 0], sizes = [8, 1], strides = [1, 1]} : vector<8x128xf32> to vector<8x1xf32>
    %get3A_6 = arith.constant 0 : index
    %get3A_7 = arith.constant 0 : index
    %get3A_8 = vector.load %arg5[%get3A_6, %get3A_7] : memref<8x128xf32, #tpu.memory_space<vmem>>, vector<8x128xf32>
    %slice3A_9 = vector.extract_strided_slice %get3A_8 {offsets = [0, 0], sizes = [8, 1], strides = [1, 1]} : vector<8x128xf32> to vector<8x1xf32>
    %get3A_10 = arith.constant 0 : index
    %get3A_11 = arith.constant 0 : index
    %get3A_12 = vector.load %arg1[%get3A_10, %get3A_11] : memref<8x12800xf32, #tpu.memory_space<vmem>>, vector<8x12800xf32>
    %mul3A = vector.broadcast %slice3A : vector<8x1xf32> to vector<8x12800xf32>
    %mul3A_13 = arith.mulf %get3A_12, %mul3A : vector<8x12800xf32>
    %add3A = vector.broadcast %slice3A_5 : vector<8x1xf32> to vector<8x12800xf32>
    %add3A_14 = arith.addf %mul3A_13, %add3A : vector<8x12800xf32>
    %max3A = arith.constant 0.000000e+00 : f32
    %max3A_15 = vector.broadcast %max3A : f32 to vector<8x12800xf32>
    %max3A_16 = arith.maximumf %add3A_14, %max3A_15 : vector<8x12800xf32>
    %get3A_17 = arith.constant 0 : index
    %get3A_18 = arith.constant 0 : index
    %get3A_19 = vector.load %arg4[%get3A_17, %get3A_18] : memref<8x8xf32, #tpu.memory_space<vmem>>, vector<8x8xf32>
    %dot_general3A = arith.constant dense<0.000000e+00> : vector<8x12800xf32>
    %dot_general3A_20 = tpu.matmul %get3A_19, %max3A_16, %dot_general3A {dimension_numbers = #tpu.dot_dimension_numbers<[1], [0], [0], [1], [0, 0, 1, 1], [], []>, transpose_lhs_hint = false} : vector<8x8xf32>, vector<8x12800xf32>, vector<8x12800xf32> -> vector<8x12800xf32>
    %add3A_21 = vector.broadcast %slice3A_9 : vector<8x1xf32> to vector<8x12800xf32>
    %add3A_22 = arith.addf %dot_general3A_20, %add3A_21 : vector<8x12800xf32>
    %swap3A = arith.constant 0 : index
    %swap3A_23 = arith.constant 0 : index
    %swap3A_24 = vector.load %arg6[%swap3A, %swap3A_23] : memref<8x12800xf32, #tpu.memory_space<vmem>>, vector<8x12800xf32>
    tpu.vector_store %arg6[%swap3A, %swap3A_23], %add3A_22 {strides = array<i32>} : memref<8x12800xf32, #tpu.memory_space<vmem>>, vector<8x12800xf32>,
    return
  }
  func.func @transform_0(%arg0: i32) -> (i32, i32) {
    %c0_i32 = arith.constant 0 : i32
    %c0_i32_0 = arith.constant 0 : i32
    return %c0_i32, %arg0 : i32, i32
  }
  func.func @transform_1(%arg0: i32) -> (i32, i32) {
    %c0_i32 = arith.constant 0 : i32
    %c0_i32_0 = arith.constant 0 : i32
    %c0_i32_1 = arith.constant 0 : i32
    return %c0_i32, %c0_i32_0 : i32, i32
  }
  func.func @transform_2(%arg0: i32) -> (i32, i32) {
    %c0_i32 = arith.constant 0 : i32
    %c0_i32_0 = arith.constant 0 : i32
    %c0_i32_1 = arith.constant 0 : i32
    return %c0_i32, %c0_i32_0 : i32, i32
  }
  func.func @transform_3(%arg0: i32) -> (i32, i32) {
    %c0_i32 = arith.constant 0 : i32
    %c0_i32_0 = arith.constant 0 : i32
    %c0_i32_1 = arith.constant 0 : i32
    return %c0_i32, %c0_i32_0 : i32, i32
  }
  func.func @transform_4(%arg0: i32) -> (i32, i32) {
    %c0_i32 = arith.constant 0 : i32
    %c0_i32_0 = arith.constant 0 : i32
    %c0_i32_1 = arith.constant 0 : i32
    return %c0_i32, %c0_i32_0 : i32, i32
  }
  func.func @transform_5(%arg0: i32) -> (i32, i32) {
    %c0_i32 = arith.constant 0 : i32
    %c0_i32_0 = arith.constant 0 : i32
    return %c0_i32, %arg0 : i32, i32
  }
}

</mosaic_0001>

<sc_bundles>
// kernel: kernel.5.cloned.1.call-start
scs
__scs_entry_jumppad:
0x0: {  	(pc) =	sbr.rel $0x88, $3  }
0x1: {  	(tag) =	ssettag $0x0;
	lr =	simm.s32 $0x1  }
0x2: {  	[smem:$0x3F97] =	sst lr;
	_ =	strace $0xD0000000  }
0x3: {  	_ = 	snop  }
0x4: {  	_ = 	snop  }
0x5: {  	_ = 	snop  }
0x6: {  	_ = 	snop  }
0x7: {  	_ = 	snop  }
__scs_overlays_trampoline_lowered:
0x8: {  	[smem:$0x3FA6] =	sst s0  }
0x9: {  	[smem:$0x3FA7] =	sst s1  }
0xa: {  	[smem:$0x3FA8] =	sst s2  }
0xb: {  	[smem:$0x3FA9] =	sst s3  }
0xc: {  	[smem:$0x3FAA] =	sst s4  }
0xd: {  	[smem:$0x3FAB] =	sst s5  }
0xe: {  	[smem:$0x3FAC] =	sst s6  }
0xf: {  	[smem:$0x3FAD] =	sst s7  }
0x10: {  	[smem:$0x3FAE] =	sst s8  }
0x11: {  	[smem:$0x3FAF] =	sst s9;
	s0 =	simm.s32 @!p0 $0x0  }
0x12: {  	s1 =	sld [smem:$0x3F95];
	s0 =	simm.s32 @p0 $0x1  }
0x13: {  	[smem:$0x3FB0] =	sst s0;
	s0 =	simm.s32 @!p1 $0x0  }
0x14: {  	s2 =	sld [smem:$0x3F94];
	s0 =	simm.s32 @p1 $0x1  }
0x15: {  	[smem:$0x3FB1] =	sst s0;
	s0 =	simm.s32 @!p2 $0x0  }
0x16: {  	s3 =	sld [smem:$0x3FDB];
	s0 =	simm.s32 @p2 $0x1  }
0x17: {  	s4 =	simm.s32 $0x1BF5;
	[smem:$0x3FB3] =	sst s0  }
0x18: {  	s0 =	sld [smem:$0x3F96];
	_ =	swait.ge [sflag:s4], $0x0  }
0x19: {  	s7 =	sld [smem:$0x3F97]  }
0x1a: {  	s8 =	sadd.s32 $0xFFFFE003, lr  }
0x1b: {  	s9 =	sadd.s32 $0xFFFFFEF7, lr;
	s5 =	simm.s32 $0xFFFFFFFF;
	p2 =	slt.u32 s8, $0xFFFFF086  }
0x1c: {  	p1 =	slt.u32 s9, $0xF7A;
	s5 =	simm.s32 @!p2 $0x0  }
0x1d: {  	s5 =	simm.s32 @p1 $0x1;
	p0 =	seq.s32 s7, s2  }
0x1e: {  	s7 =	smul.u32 @!p0 $0xF7A, s2;
	p2 =	seq.s32 @!p0 s5, $0x0  }
0x1f: {  	s9 =	smul.u32 $0xF7A, s1;
	s8 =	simm.s32 @!p0 $0x1BF5;
	p2 =	por !p2, p0  }
0x20: {  	[sflag:s8] =	ssyncset.s32 @!p0 $0xFFFFF086;
	s6 =	sadd.s32 @!p0 s3, s7;
	s7 =	simm.s32 @!p0 $0x108  }
0x21: {  	s3 =	sadd.s32 s3, s9;
	s6 =	sadd.s32 @!p0 $0x88, s6;
	s7 =	simm.s32 @p2 $0x1082  }
0x22: {  	[simem:s7], [sflag:s8] =	dma.local @!p0 [hbm:s6], $0xF7A  }
0x23: {  	s9 =	sor.u32 $0xD0000000, s2;
	s6 =	simm.s32 $0x108;
	_ =	swait.ge @!p0 [sflag:s8], $0x0  }
0x24: {  	s3 =	sadd.s32 $0x88, s3;
	s6 =	simm.s32 @!p1 $0x1082;
	[sflag:s4] =	ssyncset.s32 $0xFFFFF086  }
0x25: {  	[simem:s6], [sflag:s4] =	dma.local [hbm:s3], $0xF7A  }
0x26: {  	[smem:$0x3F97] =	sst s1;
	(tag) =	ssettag s2;
	_ =	strace s9  }
0x27: {  	s1 =	sld [smem:$0x3FA7]  }
0x28: {  	s2 =	sld [smem:$0x3FA8]  }
0x29: {  	s4 =	sld [smem:$0x3FAA]  }
0x2a: {  	p0 =	seq.s32 s5, $0x0;
	s5 =	sld [smem:$0x3FAB]  }
0x2b: {  	s6 =	sld [smem:$0x3FAC]  }
0x2c: {  	s7 =	sld [smem:$0x3FAD]  }
0x2d: {  	s3 =	simm.s32 $0x108;
	s8 =	sld [smem:$0x3FAE]  }
0x2e: {  	s3 =	simm.s32 @!p0 $0x1082;
	s9 =	sld [smem:$0x3FAF]  }
0x2f: {  	lr =	sadd.s32 s0, s3;
	s0 =	sld [smem:$0x3FA6]  }
0x30: {  	s3 =	sld [smem:$0x3FA9]  }
0x31: {  	[smem:$0x3FB2] =	sst s10  }
0x32: {  	s10 =	sld [smem:$0x3FB0];
	_ =	sdelay $0x3  }
0x33: {  	p0 =	seq.s32 s10, $0x1;
	s10 =	sld [smem:$0x3FB2];
	_ =	sdelay $0x3  }
0x34: {  	[smem:$0x3FB2] =	sst s10  }
0x35: {  	s10 =	sld [smem:$0x3FB1];
	_ =	sdelay $0x3  }
0x36: {  	p1 =	seq.s32 s10, $0x1;
	s10 =	sld [smem:$0x3FB2];
	_ =	sdelay $0x3  }
0x37: {  	[smem:$0x3FB2] =	sst s10  }
0x38: {  	s10 =	sld [smem:$0x3FB3]  }
0x39: {  	_ = 	snop;
	(pc) =	sbr.ind lr, $3  }
0x3a: {  	_ = 	snop  }
0x3b: {  	_ = 	snop  }
0x3c: {  	p2 =	seq.s32 s10, $0x1;
	s10 =	sld [smem:$0x3FB2]  }
0x3d: {  	_ =	shalt  }
0x3e: {  	_ =	shalt  }
0x3f: {  	_ =	shalt  }
0x40: {  	_ =	shalt  }
0x41: {  	_ =	shalt  }
0x42: {  	_ =	shalt  }
0x43: {  	_ =	shalt  }
0x44: {  	_ =	shalt  }
0x45: {  	_ =	shalt  }
0x46: {  	_ =	shalt  }
0x47: {  	_ =	shalt  }
0x48: {  	_ =	shalt  }
0x49: {  	_ =	shalt  }
0x4a: {  	_ =	shalt  }
0x4b: {  	_ =	shalt  }
0x4c: {  	_ =	shalt  }
0x4d: {  	_ =	shalt  }
0x4e: {  	_ =	shalt  }
0x4f: {  	_ =	shalt  }
0x50: {  	_ =	shalt  }
0x51: {  	_ =	shalt  }
0x52: {  	_ =	shalt  }
0x53: {  	_ =	shalt  }
0x54: {  	_ =	shalt  }
0x55: {  	_ =	shalt  }
0x56: {  	_ =	shalt  }
0x57: {  	_ =	shalt  }
0x58: {  	_ =	shalt  }
0x59: {  	_ =	shalt  }
0x5a: {  	_ =	shalt  }
0x5b: {  	_ =	shalt  }
0x5c: {  	_ =	shalt  }
0x5d: {  	_ =	shalt  }
0x5e: {  	_ =	shalt  }
0x5f: {  	_ =	shalt  }
0x60: {  	_ =	shalt  }
0x61: {  	_ =	shalt  }
0x62: {  	_ =	shalt  }
0x63: {  	_ =	shalt  }
0x64: {  	_ =	shalt  }
0x65: {  	_ =	shalt  }
0x66: {  	_ =	shalt  }
0x67: {  	_ =	shalt  }
0x68: {  	_ =	shalt  }
0x69: {  	_ =	shalt  }
0x6a: {  	_ =	shalt  }
0x6b: {  	_ =	shalt  }
0x6c: {  	_ =	shalt  }
0x6d: {  	_ =	shalt  }
0x6e: {  	_ =	shalt  }
0x6f: {  	_ =	shalt  }
0x70: {  	_ =	shalt  }
0x71: {  	_ =	shalt  }
0x72: {  	_ =	shalt  }
0x73: {  	_ =	shalt  }
0x74: {  	_ =	shalt  }
0x75: {  	_ =	shalt  }
0x76: {  	_ =	shalt  }
0x77: {  	_ =	shalt  }
0x78: {  	_ =	shalt  }
0x79: {  	_ =	shalt  }
0x7a: {  	_ =	shalt  }
0x7b: {  	_ =	shalt  }
0x7c: {  	_ =	shalt  }
0x7d: {  	_ =	shalt  }
0x7e: {  	_ =	shalt  }
0x7f: {  	_ =	shalt  }
0x80: {  	_ =	shalt  }
0x81: {  	_ =	shalt  }
0x82: {  	_ =	shalt  }
0x83: {  	_ =	shalt  }
0x84: {  	_ =	shalt  }
0x85: {  	_ =	shalt  }
0x86: {  	_ =	shalt  }
0x87: {  	_ =	shalt  }
.Lfunc_end0:
.L_simem_size_0:
called_computation_lowered:
.L_overlay_start_0:
0x88: {  	s2 =	sld [smem:$0x3FD9]  }
0x89: {  	s3 =	sld [smem:$0x3FFE];
	_ =	sdelay $0x1  }
0x8a: {  	s1 =	srdreg.scid  }
0x8b: {  	s0 =	sand.u32 $0x1, s1  }
0x8c: {  	s14 =	sshll.u32 s0, $0xA;
	s2 =	sadd.s32 s3, s2  }
0x8d: {  	s2 =	sadd.s32 s2, s14  }
0x8e: {  	[smem:$0x3FBE] =	sst s2  }
0x8f: {  	_ = 	snop  }
0x90: {  	s2 =	sld [smem:$0x3FD0];
	_ =	sdelay $0x2  }
0x91: {  	s4 =	simm.s32 $0xA;
	s5 =	simm.s32 $0x10;
	s15 =	sld [smem:$0x3FC9]  }
0x92: {  	[smem:s5], [sflag:s4] =	dma.local [hbm:s2], $0x1  }
0x93: {  	_ =	swait.eq [sflag:s4], $0x1  }
0x94: {  	[sflag:s4] =	ssyncset.done $0x0  }
0x95: {  	[sflag:s4] =	ssyncadd.s32 $0xFFFFFFFF  }
0x96: {  	s16 =	sld [smem:$0x10];
	(tm) =	ssettm $0x1  }
0x97: {  	s17 =	sld [smem:$0x3FFB];
	_ =	sdelay $0x3  }
0x98: {  	_ =	strace s17  }
0x99: {  	s4 =	sld [smem:$0x3FFC];
	_ =	sdelay $0x3  }
0x9a: {  	_ =	strace s4  }
0x9b: {  	s4 =	sld [smem:$0x3FFD];
	_ =	sdelay $0x3  }
0x9c: {  	_ =	strace s4  }
0x9d: {  	_ =	strace $0x8FFFFFFF  }
0x9e: {  	s18 =	sld [smem:$0x3FDB];
	_ =	sdelay $0x1  }
0x9f: {  	s19 =	simm.s32 $_scs_section_size  }
0xa0: {  	s6 =	simm.s32 $_size__tile_overlayer_lowered;
	s7 =	simm.s32 $_tile_overlayer_lowered  }
0xa1: {  	s22 =	simm.s32 $0x1BFF;
	s21 =	sshll.u32 s7, $0x1;
	s4 =	sadd.s32 s19, s18  }
0xa2: {  	s8 =	simm.s32 $0x0;
	s20 =	sshll.u32 s6, $0x1;
	s6 =	sadd.s32 s21, s4  }
0xa3: {  	[timem:s8], [sflag:s22] =	dma.local [hbm:s6], s20  }
0xa4: {  	_ =	swait.ge [sflag:s22], s20  }
0xa5: {  	s5 =	ssub.s32 $0x0, s20;
	[sflag:s22] =	ssyncset.done $0x0  }
0xa6: {  	[sflag:s22] =	ssyncadd.s32 s5;
	_ =	sdelay $0x1  }
0xa7: {  	s23 =	simm.s32 $0x1B8B  }
0xa8: {  	_ =	swait.ge [sflag:s23], $0x1  }
0xa9: {  	[sflag:s23] =	ssyncset.done $0x0  }
0xaa: {  	s25 =	simm.s32 $0x1B8E;
	s24 =	sld [smem:$0x3FFE];
	[sflag:s23] =	ssyncadd.s32 $0xFFFFFFFF  }
0xab: {  	s26 =	simm.s32 $execute0_lowered;
	[smem:$0x3FD2] =	sst s25  }
0xac: {  	s6 =	sshll.u32 s26, $0x1;
	_ =	strace $0x80000046;
	[dreg:$0x1] =	wrdreg $0xFFFFFFFF  }
0xad: {  	s28 =	simm.s32 $_size_execute0_lowered;
	s4 =	sadd.s32 s4, s6;
	[dreg:$0x0] =	wrdreg $0x0  }
0xae: {  	s6 =	sshll.u32 s28, $0x1;
	[dreg:$0x2] =	wrdreg s4  }
0xaf: {  	[dreg:$0x3] =	wrdreg s6  }
0xb0: {  	[dreg:$0x4] =	wrdreg $0xC0  }
0xb1: {  	_ =	task [dreg:s8], $0x5FFFF  }
0xb2: {  	[dreg:$0x1] =	wrdreg $0xFFFFFFFF  }
0xb3: {  	[dreg:$0x0] =	wrdreg $0x60  }
0xb4: {  	[dreg:$0x2] =	wrdreg s16  }
0xb5: {  	[dreg:$0x3] =	wrdreg s24  }
0xb6: {  	[dreg:$0x4] =	wrdreg s15  }
0xb7: {  	[dreg:$0x5] =	wrdreg $0x9  }
0xb8: {  	_ =	task.clear_ibuf [dreg:s8], $0x6FFFF;
	_ =	strace $0x90000046  }
0xb9: {  	s29 =	simm.s32 $0x9;
	_ =	strace $0x80000048  }
0xba: {  	_ =	swait.ge [sflag:s29], $0x1  }
0xbb: {  	[sflag:s29] =	ssyncadd.s32 $0xFFFFFFFF  }
0xbc: {  	_ =	strace $0x90000048  }
0xbd: {  	_ =	sfence  }
0xbe: {  	s30 =	sld [smem:$0x0];
	_ =	sdelay $0x2  }
0xbf: {  	s31 =	sshll.u32 s1, $0xD;
	s1 =	sshrl.u32 s1, $0x2  }
0xc0: {  	s3 =	sand.u32 $0x4000, s31;
	s1 =	sadd.s32 s1, s30  }
0xc1: {  	s0 =	sor.u32 s3, s0;
	s1 =	sshll.u32 s1, $0x11  }
0xc2: {  	s0 =	sor.u32 s1, s0  }
0xc3: {  	s0 =	sadd.s32 $0x8F2B, s0  }
0xc4: {  	[sflag:s0] =	ssyncadd.remote.s32 $0x1  }
0xc5: {  	_ =	sfence.sel $0xFFFF  }
0xc6: {  	[dreg:$0x0] =	wrdreg $0xFFFFFFFF;
	(pc) =	sbr.abs _section_cstart, $3  }
0xc7: {  	[dreg:$0x1] =	wrdreg $0xFFFFFFFF  }
0xc8: {  	_ =	task.clear_ibuf [dreg:s8], $0x2FFFF;
	_ =	strace $0x9FFFFFFF  }
0xc9: {  	(tm) =	ssettm $0x7FFFFFFF  }
tec
execute0_lowered:
.L_overlay_start_1:
0x0: {  	(tag) =	ssettag $0x1  }
0x1: {  	s0 =	rddreg [dreg:$0x0]  }
0x2: {  	s3 =	rddreg [dreg:$0x1];
	s18 =	simm.s32 $0x0  }
0x3: {  	[smem:$0x7FF] =	sst s18  }
0x4: {  	s1 =	rddreg [dreg:$0x2];
	s4 =	srdreg.scid;
	v0 =	vimm.f32 $9.999999960e-13;
	_ =	strace $0x80000047  }
0x5: {  	s5 =	sand.u32 $0x1, s4;
	(erf) = vrcp.f32 v0  }
0x6: {  	s2 =	stileid.u32;
	s4 =	sshll.u32 s5, $0x4  }
0x7: {  	s6 =	sor.u32 s2, s4  }
0x8: {  	s5 =	ssub.s32 $0x2, s5;
	s7 =	smul.u32 $0x1400, s6  }
0x9: {  	s9 =	simm.s32 $0x3;
	s29 =	sshrl.u32 s5, $0x1;
	s6 =	smul.u32 $0x28, s6  }
.Ltmp0:
0xa: {  	s28 =	sadd.s32 $0xC00, s3;
	s5 =	ssub.s32 s5, s29;
	(pc) =	sbr.rel .LBB2_1-.Ltmp0, $4  }
0xb: {  	vm0 =	vmmov $0xff;
	v1 =	vimm.s32 $0x0;
	[dreg:$0x4] =	wrdreg s28;
	s4 =	sadd.s32 $0xE00, s3;
	s31 =	smax.u32 s5, $0x1  }
0xc: {  	v2 =	vimm.s32 $0x1;
	v3 =	vimm.s32 $0x2;
	v4 =	vimm.s32 $0x3;
	s3 =	sadd.s32 s7, s3;
	s0 =	sadd.s32 s0, s6;
	[dreg:$0x7] =	wrdreg s31  }
0xd: {  	s11 =	simm.s32 $0xB580;
	v5 =	vimm.s32 $0x4;
	v7 =	vimm.s32 $0x5;
	v0 =	vlaneseq.u32;
	[dreg:$0x5] =	wrdreg s0;
	s30 =	sadd.s32 $0x4F000, s3  }
0xe: {  	s12 =	simm.s32 $0xCD80;
	v8 =	vimm.s32 $0x6;
	v9 =	vimm.s32 $0x7;
	s22 =	simm.s32 $0x0;
	v0 =	vmul.u32 $0x8, v0;
	[dreg:$0x6] =	wrdreg s30;
	v6 =	vpop (erf)  }
.LBB2_21:
0xf: {  	s3 =	smov.u32 s0  }
.LBB2_63:
0x10: {  	(v2sf) =	vpush v11, $0x0  }
0x11: {  	(v2sf) =	vpush v12, $0x0;
	_ =	sdelay $0xd  }
0x12: {  	s2 =	spop (v2sf)  }
0x13: {  	s5 =	spop (v2sf)  }
0x14: {  	s2 =	ssub.s32 s2, s5  }
0x15: {  	p1 =	sgt.s32 s2, $0x0  }
0x16: {  	v10 =	vpsel !p1, $0x0, v10  }
0x17: {  	v11 =	vperm.xlane v10, v1  }
0x18: {  	v61 =	vperm.xlane v10, v2  }
0x19: {  	s2 =	sadd.s32 @p0 $0x80, s3;
	v13 =	vperm.xlane v10, v3;
	v11 =	vmul.f32 $0.0e+00, v11  }
0x1a: {  	s0 =	smov.u32 @p0 s2;
	v14 =	vperm.xlane v10, v4;
	v12 =	vmul.f32 $0.0e+00, v61  }
0x1b: {  	v15 =	vperm.xlane v10, v7;
	v13 =	vmul.f32 $0.0e+00, v13;
	[tilespmem:s0+$0xFFFFFFC0] =	vst v11  }
0x1c: {  	v62 =	vperm.xlane v10, v8;
	v14 =	vmul.f32 $0.0e+00, v14;
	[tilespmem:s0+$0xFFFFFFD0] =	vst v12  }
0x1d: {  	v63 =	vmul.f32 $0.0e+00, v15;
	v11 =	vperm.xlane v10, v5;
	[tilespmem:s0+$0xFFFFFFE0] =	vst v13  }
0x1e: {  	v10 =	vperm.xlane v10, v9;
	[tilespmem:s0+$0xFFFFFFF0] =	vst v14;
	v12 =	vmul.f32 $0.0e+00, v62  }
0x1f: {  	[tilespmem:s0+$0x10] =	vst v63;
	v11 =	vmul.f32 $0.0e+00, v11  }
0x20: {  	v10 =	vmul.f32 $0.0e+00, v10;
	[tilespmem:s0+$0x20] =	vst v12  }
0x21: {  	[tilespmem:s0+$0x0] =	vst v11  }
0x22: {  	[tilespmem:s0+$0x30] =	vst v10  }
.LBB2_64:
0x23: {  	s0 =	rddreg [dreg:$0x6];
	s2 =	simm.s32 $0x1580  }
0x24: {  	[hbm4b:s0+s18] =	stream.linear.scatter [tilespmem:s2], [sflag:$0x3], $0xA000, $0x38;
	[tilespmem:$0x1D680] =	vst v63  }
0x25: {  	_ =	swait.ge [sflag:s9], $0xA000  }
0x26: {  	s22 =	sadd.s32 $0x1, s22;
	s31 =	rddreg [dreg:$0x7]  }
0x27: {  	p0 =	sne.s32 s22, s31  }
.Ltmp1:
0x28: {  	_ = 	snop;
	(pc) =	sbr.rel @!p0 .LBB2_65-.Ltmp1, $3  }
0x29: {  	_ =	sdelay $0x1  }
0x2a: {  	[sflag:s9] =	ssyncset.done $0x0  }
0x2b: {  	[sflag:s9] =	ssyncadd.s32 $0xFFFF6000  }
.LBB2_1:
0x2c: {  	s0 =	rddreg [dreg:$0x5]  }
0x2d: {  	[tilespmem:s18], [sflag:$0x3] =	stream.linear.gather [hbm4b:s0+s18], $0x148, $0x38;
	[tilespmem:$0x1D680] =	vst v63  }
0x2e: {  	_ =	swait.ge [sflag:s9], $0x148  }
0x2f: {  	[sflag:s9] =	ssyncset.done $0x0  }
0x30: {  	s2 =	simm.s32 $0x1D600;
	s25 =	rddreg [dreg:$0x4];
	[sflag:s9] =	ssyncadd.s32 $0xFFFFFEB8  }
0x31: {  	[tilespmem:s2], [sflag:$0x3] =	stream.linear.gather [hbm4b:s25+s18], $0x80, $0x38;
	[tilespmem:$0x1D680] =	vst v63  }
0x32: {  	_ =	swait.ge [sflag:s9], $0x80  }
0x33: {  	[sflag:s9] =	ssyncset.done $0x0  }
0x34: {  	[sflag:s9] =	ssyncadd.s32 $0xFFFFFF80  }
0x35: {  	v10 =	vld [tilespmem:$0x0];
	_ =	sdelay $0x4  }
0x36: {  	(v2sf) =	vpush v10, $0x0;
	_ =	sdelay $0x1  }
0x37: {  	v10 =	vld [tilespmem:$0x140];
	_ =	sdelay $0x4  }
0x38: {  	(v2sf) =	vpush v10, $0x0;
	_ =	sdelay $0x7  }
0x39: {  	s26 =	spop (v2sf)  }
0x3a: {  	s3 =	sand.u32 $0x7F, s26  }
0x3b: {  	s5 =	sshra.s32 s26, $0x1F;
	p0 =	slt.s32 s26, $0x1;
	p1 =	sne.s32 s3, $0x0  }
0x3c: {  	s28 =	sshrl.u32 s5, $0x19;
	p0 =	por !p0, !p1  }
0x3d: {  	s3 =	simm.s32 $0x1;
	s0 =	sadd.s32 s28, s26;
	p0 =	por !p0, !p0  }
0x3e: {  	s0 =	sshrl.u32 s0, $0x7;
	s3 =	simm.s32 @!p0 $0x0  }
0x3f: {  	s0 =	ssub.s32 s0, s3  }
0x40: {  	s17 =	spop (v2sf);
	s16 =	sshll.u32 s0, $0x7  }
0x41: {  	s0 =	ssub.s32 s17, s16  }
0x42: {  	s0 =	sadd.s32 $0xFF, s0  }
0x43: {  	s29 =	sand.u32 $0xFF, s0  }
0x44: {  	s30 =	sshra.s32 s0, $0x1F;
	p5 =	slt.s32 s0, $0x1;
	p6 =	sne.s32 s29, $0x0  }
0x45: {  	s31 =	sshrl.u32 s30, $0x18;
	p0 =	por !p5, !p6  }
0x46: {  	s3 =	simm.s32 $0x1;
	s0 =	sadd.s32 s31, s0;
	p0 =	por !p0, !p0  }
0x47: {  	s0 =	sshra.s32 s0, $0x8;
	s3 =	simm.s32 @!p0 $0x0  }
0x48: {  	s19 =	ssub.s32 s0, s3  }
0x49: {  	p0 =	sgt.s32 s19, $0x0  }
.Ltmp2:
0x4a: {  	_ = 	snop;
	(pc) =	sbr.rel @p0 .LBB2_3-.Ltmp2, $2  }
0x4b: {  	_ =	sdelay $0x2  }
0x4c: {  	s10 =	simm.s32 $0x0;
	v10 =	vimm.f32 $-Inf;
	s0 =	smov.u32 s16;
	s3 =	simm.s32 $0x0  }
.Ltmp3:
0x4d: {  	(pc) =	sbr.rel .LBB2_17-.Ltmp3, $3  }
0x4e: {  	_ =	sdelay $0x1  }
0x4f: {  	v10 =	vld [tilespmem:$0x1D600]  }
0x50: {  	v11 =	vld [tilespmem:$0x1D610]  }
.LBB2_15:
0x51: {  	v11 =	vld [tilespmem:s14+$0x1];
	_ =	sdelay $0x4  }
0x52: {  	(v2sf) =	vpush v11, $0x0;
	_ =	sdelay $0xa  }
0x53: {  	s3 =	sadd.s32 $0x1, s3  }
0x54: {  	p1 =	sne.s32 s3, s19  }
.Ltmp4:
0x55: {  	_ = 	snop;
	(pc) =	sbr.rel @!p1 .LBB2_16-.Ltmp4, $4  }
0x56: {  	_ = 	snop  }
0x57: {  	s5 =	spop (v2sf)  }
0x58: {  	s10 =	sadd.s32 $0x1, s14;
	p0 =	sgt.s32 s5, s6  }
0x59: {  	s0 =	sadd.s32 $0x100, s0;
	s10 =	smov.u32 @p0 s14  }
.LBB2_3:
0x5a: {  	s5 =	sshll.u32 s3, $0x8  }
0x5b: {  	s13 =	sadd.s32 s16, s5  }
0x5c: {  	p0 =	slt.s32 s13, $0x4E100;
	s5 =	smov.u32 s13  }
0x5d: {  	s5 =	simm.s32 @!p0 $0x4E100  }
0x5e: {  	s6 =	simm.s32 $0x0;
	s5 =	sadd.s32 s4, s5  }
0x5f: {  	[tilespmem:s11], [sflag:$0x3] =	stream.linear.gather [hbm4b:s5+s6], $0x800, $0x38;
	[tilespmem:$0x1D680] =	vst v63  }
0x60: {  	_ =	swait.ge [sflag:s9], $0x800  }
0x61: {  	v11 =	vmov s6;
	s30 =	sand.u32 $0x70, s6;
	s7 =	sand.u32 $0x400, s6;
	[sflag:s9] =	ssyncset.done $0x0  }
0x62: {  	v11 =	vshll.u32 v11, $0x3;
	s5 =	sor.u32 s30, s7;
	[sflag:s9] =	ssyncadd.s32 $0xFFFFF800  }
0x63: {  	v12 =	vor.u32 v0, v11;
	v11 =	vld [tilespmem:s5+$0xB580];
	_ =	sdelay $0x4  }
0x64: {  	[tilespmem:v12+s12+$0x0] =	vst.idx.msk $0xffff, v11  }
0x65: {  	v13 =	vor.u32 $0x1, v12;
	v11 =	vld [tilespmem:s5+$0xB600];
	_ =	sdelay $0x4  }
0x66: {  	[tilespmem:v13+s12+$0x0] =	vst.idx.msk $0xffff, v11  }
0x67: {  	v13 =	vor.u32 $0x2, v12;
	v11 =	vld [tilespmem:s5+$0xB680];
	_ =	sdelay $0x4  }
0x68: {  	[tilespmem:v13+s12+$0x0] =	vst.idx.msk $0xffff, v11  }
0x69: {  	v13 =	vor.u32 $0x3, v12;
	v11 =	vld [tilespmem:s5+$0xB700];
	_ =	sdelay $0x4  }
0x6a: {  	[tilespmem:v13+s12+$0x0] =	vst.idx.msk $0xffff, v11  }
0x6b: {  	v13 =	vor.u32 $0x4, v12;
	v11 =	vld [tilespmem:s5+$0xB780];
	_ =	sdelay $0x4  }
0x6c: {  	[tilespmem:v13+s12+$0x0] =	vst.idx.msk $0xffff, v11  }
0x6d: {  	v13 =	vor.u32 $0x5, v12;
	v11 =	vld [tilespmem:s5+$0xB800];
	_ =	sdelay $0x4  }
0x6e: {  	[tilespmem:v13+s12+$0x0] =	vst.idx.msk $0xffff, v11  }
0x6f: {  	v13 =	vor.u32 $0x6, v12;
	v11 =	vld [tilespmem:s5+$0xB880];
	_ =	sdelay $0x3  }
0x70: {  	s31 =	sor.u32 s6, s6  }
0x71: {  	s7 =	sor.u32 $0x380, s31;
	[tilespmem:v13+s12+$0x0] =	vst.idx.msk $0xffff, v11  }
0x72: {  	v12 =	vor.u32 $0x7, v12;
	v11 =	vld [tilespmem:s7+$0xB580]  }
0x73: {  	p0 =	slt.s32 s0, $0x4E100;
	s5 =	smov.u32 s0  }
0x74: {  	s14 =	simm.s32 $0x80;
	s5 =	simm.s32 @!p0 $0x4E100  }
0x75: {  	s15 =	simm.s32 $0x20;
	s6 =	simm.s32 $0x10;
	s5 =	sshll.u32 s5, $0x5  }
0x76: {  	s8 =	sand.u32 $0x400, s14;
	s5 =	ssub.s32 $0x0, s5;
	v13 =	vmov s6;
	s7 =	sand.u32 $0x70, s6  }
.LBB2_4:
0x77: {  	p0 =	sne.s32 s15, $0xF0;
	v13 =	vshll.u32 v13, $0x3;
	s7 =	sor.u32 s7, s8;
	[tilespmem:v12+s12+$0x0] =	vst.idx.msk $0xffff, v11  }
0x78: {  	v12 =	vor.u32 v0, v13;
	v11 =	vld [tilespmem:s7+$0xB580];
	_ =	sdelay $0x4  }
0x79: {  	[tilespmem:v12+s12+$0x0] =	vst.idx.msk $0xffff, v11  }
0x7a: {  	v13 =	vor.u32 $0x1, v12;
	v11 =	vld [tilespmem:s7+$0xB600];
	_ =	sdelay $0x4  }
0x7b: {  	[tilespmem:v13+s12+$0x0] =	vst.idx.msk $0xffff, v11  }
0x7c: {  	v13 =	vor.u32 $0x2, v12;
	v11 =	vld [tilespmem:s7+$0xB680];
	_ =	sdelay $0x4  }
0x7d: {  	[tilespmem:v13+s12+$0x0] =	vst.idx.msk $0xffff, v11  }
0x7e: {  	v13 =	vor.u32 $0x3, v12;
	v11 =	vld [tilespmem:s7+$0xB700];
	_ =	sdelay $0x4  }
0x7f: {  	[tilespmem:v13+s12+$0x0] =	vst.idx.msk $0xffff, v11  }
0x80: {  	v13 =	vor.u32 $0x4, v12;
	v11 =	vld [tilespmem:s7+$0xB780];
	_ =	sdelay $0x4  }
0x81: {  	[tilespmem:v13+s12+$0x0] =	vst.idx.msk $0xffff, v11  }
0x82: {  	v13 =	vor.u32 $0x5, v12;
	v11 =	vld [tilespmem:s7+$0xB800];
	_ =	sdelay $0x4  }
0x83: {  	[tilespmem:v13+s12+$0x0] =	vst.idx.msk $0xffff, v11  }
0x84: {  	v13 =	vor.u32 $0x6, v12;
	v11 =	vld [tilespmem:s7+$0xB880];
	_ =	sdelay $0x3  }
0x85: {  	s7 =	sor.u32 s14, s6;
	s6 =	smov.u32 s15  }
0x86: {  	s7 =	sor.u32 $0x380, s7;
	[tilespmem:v13+s12+$0x0] =	vst.idx.msk $0xffff, v11  }
.Ltmp5:
0x87: {  	v12 =	vor.u32 $0x7, v12;
	v11 =	vld [tilespmem:s7+$0xB580];
	(pc) =	sbr.rel @p0 .LBB2_4-.Ltmp5, $3  }
0x88: {  	_ =	sdelay $0x1  }
0x89: {  	s14 =	sadd.s32 $0x80, s14  }
0x8a: {  	s15 =	sadd.s32 $0x10, s15;
	s8 =	sand.u32 $0x400, s14;
	v13 =	vmov s6;
	s7 =	sand.u32 $0x70, s6  }
0x8b: {  	_ =	sdelay $0x3  }
0x8c: {  	v13 =	vshll.u32 v13, $0x3;
	s7 =	sor.u32 s7, s8;
	[tilespmem:v12+s12+$0x0] =	vst.idx.msk $0xffff, v11  }
0x8d: {  	v11 =	vor.u32 v0, v13;
	v12 =	vld [tilespmem:s7+$0xB580];
	_ =	sdelay $0x4  }
0x8e: {  	[tilespmem:v11+s12+$0x0] =	vst.idx.msk $0xffff, v12  }
0x8f: {  	v13 =	vor.u32 $0x1, v11;
	v12 =	vld [tilespmem:s7+$0xB600];
	_ =	sdelay $0x4  }
0x90: {  	[tilespmem:v13+s12+$0x0] =	vst.idx.msk $0xffff, v12  }
0x91: {  	v59 =	vor.u32 $0x2, v11;
	v12 =	vld [tilespmem:s7+$0xB680];
	_ =	sdelay $0x4  }
0x92: {  	[tilespmem:v59+s12+$0x0] =	vst.idx.msk $0xffff, v12  }
0x93: {  	v60 =	vor.u32 $0x3, v11;
	v12 =	vld [tilespmem:s7+$0xB700];
	_ =	sdelay $0x4  }
0x94: {  	[tilespmem:v60+s12+$0x0] =	vst.idx.msk $0xffff, v12  }
0x95: {  	v61 =	vor.u32 $0x4, v11;
	v12 =	vld [tilespmem:s7+$0xB780];
	_ =	sdelay $0x4  }
0x96: {  	[tilespmem:v61+s12+$0x0] =	vst.idx.msk $0xffff, v12  }
0x97: {  	v62 =	vor.u32 $0x5, v11;
	v12 =	vld [tilespmem:s7+$0xB800];
	_ =	sdelay $0x4  }
0x98: {  	[tilespmem:v62+s12+$0x0] =	vst.idx.msk $0xffff, v12  }
0x99: {  	v63 =	vor.u32 $0x6, v11;
	v12 =	vld [tilespmem:s7+$0xB880];
	_ =	sdelay $0x3  }
0x9a: {  	s6 =	sor.u32 s14, s6  }
0x9b: {  	s6 =	sor.u32 $0x380, s6;
	[tilespmem:v63+s12+$0x0] =	vst.idx.msk $0xffff, v12  }
0x9c: {  	v11 =	vor.u32 $0x7, v11;
	v12 =	vld [tilespmem:s6+$0xB580];
	_ =	sdelay $0x4  }
0x9d: {  	[tilespmem:v11+s12+$0x0] =	vst.idx.msk $0xffff, v12  }
0x9e: {  	v11 =	vld [tilespmem:$0xA0];
	_ =	sdelay $0x4  }
0x9f: {  	(v2sf) =	vpush v11, $0x0;
	_ =	sdelay $0xa  }
0xa0: {  	s6 =	ssub.s32 s17, s13  }
0xa1: {  	p0 =	slt.s32 s6, $0x100  }
0xa2: {  	s6 =	simm.s32 @!p0 $0x100  }
0xa3: {  	s6 =	sadd.s32 s13, s6  }
0xa4: {  	s15 =	sadd.s32 $0xFFFFFFFF, s6;
	s21 =	spop (v2sf)  }
0xa5: {  	s8 =	simm.s32 $0x50;
	p0 =	sgt.s32 s21, s15  }
0xa6: {  	s8 =	simm.s32 @!p0 $0xF0  }
0xa7: {  	v11 =	vld [tilespmem:s8+$0x0];
	_ =	sdelay $0x4  }
0xa8: {  	(v2sf) =	vpush v11, $0x0;
	_ =	sdelay $0xe  }
0xa9: {  	s7 =	simm.s32 $0xA0;
	s23 =	spop (v2sf)  }
0xaa: {  	s20 =	simm.s32 $0x0;
	s7 =	simm.s32 @!p0 $0x140;
	p1 =	sgt.s32 s23, s15  }
0xab: {  	s20 =	simm.s32 @!p0 $0xA0;
	s14 =	smov.u32 s8;
	s7 =	smov.u32 @p1 s8  }
0xac: {  	s14 =	smov.u32 @p1 s20;
	s8 =	sadd.s32 $0xFFFFFFFF, s7  }
0xad: {  	s20 =	sxor.u32 s8, s14  }
0xae: {  	s8 =	sor.u32 s8, s14;
	s20 =	sshrl.u32 s20, $0x1  }
0xaf: {  	s8 =	ssub.s32 s8, s20  }
0xb0: {  	v11 =	vld [tilespmem:s8+$0x0];
	_ =	sdelay $0x4  }
0xb1: {  	(v2sf) =	vpush v11, $0x0;
	_ =	sdelay $0xe  }
0xb2: {  	s24 =	spop (v2sf)  }
0xb3: {  	p0 =	sgt.s32 s24, s15  }
0xb4: {  	s20 =	smov.u32 s8;
	s7 =	smov.u32 @p0 s8  }
0xb5: {  	s20 =	smov.u32 @p0 s14;
	s8 =	sadd.s32 $0xFFFFFFFF, s7  }
0xb6: {  	s14 =	sxor.u32 s8, s20  }
0xb7: {  	s8 =	sor.u32 s8, s20;
	s14 =	sshrl.u32 s14, $0x1  }
0xb8: {  	s8 =	ssub.s32 s8, s14  }
0xb9: {  	s14 =	sand.u32 $0x3FFFFFFF, s8  }
0xba: {  	v11 =	vld [tilespmem:s14+$0x0];
	_ =	sdelay $0x4  }
0xbb: {  	(v2sf) =	vpush v11, $0x0;
	_ =	sdelay $0xe  }
0xbc: {  	s25 =	spop (v2sf)  }
0xbd: {  	s14 =	smov.u32 s8;
	p0 =	sgt.s32 s25, s15  }
0xbe: {  	s14 =	smov.u32 @p0 s20;
	s7 =	smov.u32 @p0 s8  }
0xbf: {  	s8 =	sxor.u32 s14, s7  }
0xc0: {  	s20 =	sand.u32 s14, s7;
	s8 =	sshrl.u32 s8, $0x1  }
0xc1: {  	s8 =	sadd.s32 s8, s20  }
0xc2: {  	v11 =	vld [tilespmem:s8+$0x0];
	_ =	sdelay $0x4  }
0xc3: {  	(v2sf) =	vpush v11, $0x0;
	_ =	sdelay $0xe  }
0xc4: {  	s26 =	spop (v2sf)  }
0xc5: {  	s20 =	smov.u32 s8;
	p0 =	sgt.s32 s26, s15  }
0xc6: {  	s20 =	smov.u32 @p0 s14;
	s7 =	smov.u32 @p0 s8  }
0xc7: {  	s8 =	sxor.u32 s20, s7  }
0xc8: {  	s14 =	sand.u32 s20, s7;
	s8 =	sshrl.u32 s8, $0x1  }
0xc9: {  	s8 =	sadd.s32 s8, s14  }
0xca: {  	v11 =	vld [tilespmem:s8+$0x0];
	_ =	sdelay $0x4  }
0xcb: {  	(v2sf) =	vpush v11, $0x0;
	_ =	sdelay $0xe  }
0xcc: {  	s28 =	spop (v2sf)  }
0xcd: {  	s14 =	smov.u32 s8;
	p0 =	sgt.s32 s28, s15  }
0xce: {  	s14 =	smov.u32 @p0 s20;
	s7 =	smov.u32 @p0 s8  }
0xcf: {  	s8 =	sadd.s32 s14, s7  }
0xd0: {  	s8 =	sshrl.u32 s8, $0x1  }
0xd1: {  	v11 =	vld [tilespmem:s8+$0x0];
	_ =	sdelay $0x4  }
0xd2: {  	(v2sf) =	vpush v11, $0x0;
	_ =	sdelay $0xe  }
0xd3: {  	s29 =	spop (v2sf)  }
0xd4: {  	s20 =	smov.u32 s8;
	p0 =	sgt.s32 s29, s15  }
0xd5: {  	s20 =	smov.u32 @p0 s14;
	s7 =	smov.u32 @p0 s8  }
0xd6: {  	s8 =	sadd.s32 s20, s7  }
0xd7: {  	s8 =	sshrl.u32 s8, $0x1  }
0xd8: {  	v11 =	vld [tilespmem:s8+$0x0];
	_ =	sdelay $0x4  }
0xd9: {  	(v2sf) =	vpush v11, $0x0;
	_ =	sdelay $0xe  }
0xda: {  	s30 =	spop (v2sf)  }
0xdb: {  	s21 =	smov.u32 s8;
	p0 =	sgt.s32 s30, s15  }
0xdc: {  	s21 =	smov.u32 @p0 s20;
	s7 =	smov.u32 @p0 s8  }
0xdd: {  	s7 =	sadd.s32 s21, s7  }
0xde: {  	s14 =	sshrl.u32 s7, $0x1  }
0xdf: {  	v11 =	vld [tilespmem:s14+$0x0];
	_ =	sdelay $0x4  }
0xe0: {  	(v2sf) =	vpush v11, $0x0;
	_ =	sdelay $0xe  }
0xe1: {  	s31 =	spop (v2sf)  }
0xe2: {  	p0 =	sgt.s32 s31, s15  }
0xe3: {  	s14 =	smov.u32 @p0 s21  }
0xe4: {  	p0 =	sgt.s32 s10, s14  }
.Ltmp6:
0xe5: {  	_ = 	snop;
	(pc) =	sbr.rel @p0 .LBB2_15-.Ltmp6, $1  }
0xe6: {  	_ =	sdelay $0x3  }
.Ltmp7:
0xe7: {  	(pc) =	sbr.rel .LBB2_7-.Ltmp7, $3  }
0xe8: {  	_ =	sdelay $0x1  }
0xe9: {  	s5 =	sshra.s32 s5, $0x2  }
0xea: {  	s5 =	sadd.s32 $0xCD80, s5  }
.LBB2_9:
0xeb: {  	v11 =	vmov v10  }
.LBB2_13:
0xec: {  	v13 =	vld [tilespmem:s15+$0x0];
	_ =	sdelay $0x3  }
0xed: {  	v11 =	vmax.f32 @p0 v11, v12  }
0xee: {  	v10 =	vpsel p0, v11, v10;
	v63 =	vnsel vm0, $0xFF800000, v13  }
0xef: {  	v10 =	vmax.f32 v10, v63  }
.LBB2_14:
0xf0: {  	p1 =	sne.s32 s10, s14  }
.Ltmp8:
0xf1: {  	_ = 	snop;
	(pc) =	sbr.rel @!p1 .LBB2_15-.Ltmp8, $4  }
0xf2: {  	p0 =	sgt.s32 s7, s6  }
0xf3: {  	s7 =	sshll.u32 @!p0 s10, $0x6  }
0xf4: {  	s8 =	sadd.s32 $0x1, s10;
	s7 =	sshra.s32 @!p0 s7, $0x2  }
0xf5: {  	s10 =	smov.u32 s8;
	[tilespmem:s7+$0x180] =	vst @!p0 v10  }
.LBB2_7:
0xf6: {  	v11 =	vld [tilespmem:s10+$0x0]  }
0xf7: {  	v12 =	vld [tilespmem:s10+$0x1];
	_ =	sdelay $0x3  }
0xf8: {  	(v2sf) =	vpush v11, $0x0  }
0xf9: {  	(v2sf) =	vpush v12, $0x0;
	_ =	sdelay $0xd  }
0xfa: {  	s15 =	spop (v2sf)  }
0xfb: {  	s8 =	smov.u32 s13;
	s7 =	spop (v2sf)  }
0xfc: {  	s21 =	smov.u32 s6;
	p0 =	sgt.s32 s15, s13;
	p1 =	slt.s32 s7, s6  }
0xfd: {  	s8 =	smov.u32 @p0 s15;
	s21 =	smov.u32 @p1 s7  }
0xfe: {  	s20 =	ssub.s32 s8, s13;
	s8 =	ssub.s32 s21, s13  }
0xff: {  	p1 =	sge.s32 s20, s8  }
.Ltmp9:
0x100: {  	_ = 	snop;
	(pc) =	sbr.rel @p1 .LBB2_14-.Ltmp9, $3  }
0x101: {  	_ =	sdelay $0x1  }
0x102: {  	p6 =	slt.s32 s15, s13  }
0x103: {  	v10 =	vpsel !p6, $0xFF800000, v10  }
0x104: {  	s20 =	sadd.s32 $0x1, s20  }
0x105: {  	p1 =	slt.s32 s20, s8  }
.Ltmp10:
0x106: {  	p0 =	sgt.s32 s15, s0;
	s21 =	smov.u32 s0;
	(pc) =	sbr.rel @!p1 .LBB2_9-.Ltmp10, $4  }
0x107: {  	s21 =	smov.u32 @p0 s15  }
0x108: {  	s15 =	sshll.u32 s21, $0x5  }
0x109: {  	s15 =	sshra.s32 s15, $0x2  }
0x10a: {  	p0 =	por $0x0, $0x0;
	s15 =	sadd.s32 s15, s5  }
0x10b: {  	s20 =	sadd.s32 $0x1, s20  }
0x10c: {  	v11 =	vld [tilespmem:s15+$0x0];
	p1 =	slt.s32 s20, s8  }
.Ltmp11:
0x10d: {  	_ = 	snop;
	(pc) =	sbr.rel @!p1 .LBB2_11-.Ltmp11, $2  }
0x10e: {  	_ =	sdelay $0x2  }
0x10f: {  	s15 =	sadd.s32 $0x8, s15;
	p0 =	por $0x1, $0x1;
	v12 =	vnsel vm0, $0xFF800000, v11;
	v11 =	vmov v10  }
.LBB2_12:
0x110: {  	s20 =	sadd.s32 $0x1, s20  }
0x111: {  	v13 =	vld [tilespmem:s15+$0x0];
	v11 =	vmax.f32 v11, v12;
	p1 =	slt.s32 s20, s8  }
.Ltmp12:
0x112: {  	(pc) =	sbr.rel @p1 .LBB2_12-.Ltmp12, $2  }
0x113: {  	_ =	sdelay $0x2  }
0x114: {  	s15 =	sadd.s32 $0x8, s15;
	v12 =	vnsel vm0, $0xFF800000, v13  }
.Ltmp13:
0x115: {  	_ = 	snop;
	(pc) =	sbr.rel .LBB2_13-.Ltmp13, $1  }
0x116: {  	_ =	sdelay $0x3  }
.LBB2_11:
.Ltmp14:
0x117: {  	(pc) =	sbr.rel .LBB2_13-.Ltmp14, $2  }
0x118: {  	_ =	sdelay $0x2  }
0x119: {  	v11 =	vmov v10  }
.LBB2_16:
0x11a: {  	p0 =	slt.s32 s16, $0x4E100;
	s0 =	smov.u32 s16  }
0x11b: {  	s0 =	simm.s32 @!p0 $0x4E100  }
0x11c: {  	v10 =	vld [tilespmem:$0x1D600];
	s2 =	simm.s32 $0xBD80;
	s3 =	sadd.s32 s4, s0;
	s0 =	sshll.u32 s0, $0x4  }
0x11d: {  	v11 =	vld [tilespmem:$0x1D610];
	[tilespmem:s2], [sflag:$0x1] =	stream.linear.gather [hbm4b:s3+s18], $0x800, $0x38  }
0x11e: {  	s31 =	simm.s32 $0xD600;
	s0 =	sadd.s32 s1, s0  }
0x11f: {  	[tilespmem:s31], [sflag:$0x1] =	stream.linear.gather [hbm4b:s0+s18], $0x8000, $0x38;
	[tilespmem:$0x1D680] =	vst v63  }
.LBB2_17:
0x120: {  	s0 =	sadd.s32 $0x1, s19  }
0x121: {  	s3 =	sand.u32 $0x1, s0  }
0x122: {  	p0 =	slt.s32 s19, $0x0;
	p1 =	seq.s32 s3, $0x1  }
0x123: {  	s31 =	sshrl.u32 s0, $0x1F;
	p0 =	por !p0, !p1  }
0x124: {  	s0 =	sadd.s32 s31, s0;
	s3 =	simm.s32 $0x1;
	p0 =	por !p0, !p0  }
0x125: {  	s0 =	sshra.s32 s0, $0x1;
	s3 =	simm.s32 @!p0 $0x0  }
0x126: {  	s20 =	ssub.s32 s0, s3  }
0x127: {  	p0 =	slt.s32 s20, $0x1  }
.Ltmp15:
0x128: {  	_ = 	snop;
	(pc) =	sbr.rel @p0 .LBB2_18-.Ltmp15, $1  }
0x129: {  	_ =	sdelay $0x3  }
.Ltmp16:
0x12a: {  	(pc) =	sbr.rel .LBB2_23-.Ltmp16, $4  }
0x12b: {  	_ = 	snop  }
0x12c: {  	v17 =	vimm.f32 $0.0e+00;
	v12 =	vimm.f32 $0.0e+00;
	v13 =	vimm.f32 $0.0e+00  }
0x12d: {  	[dreg:$0x8] =	wrdreg s22;
	s21 =	sadd.s32 $0x100, s16;
	v14 =	vimm.f32 $0.0e+00;
	v16 =	vimm.f32 $0.0e+00;
	v15 =	vimm.f32 $0.0e+00;
	s22 =	simm.s32 $0x0  }
0x12e: {  	s18 =	smov.u32 s16;
	v20 =	vimm.f32 $0.0e+00;
	v19 =	vimm.f32 $0.0e+00;
	v18 =	vimm.f32 $0.0e+00;
	s25 =	simm.s32 $0x0;
	s24 =	simm.s32 $0x0  }
.LBB2_59:
0x12f: {  	v21 =	vld [tilespmem:s0+$0x1];
	_ =	sdelay $0x4  }
0x130: {  	(v2sf) =	vpush v21, $0x0;
	_ =	sdelay $0xa  }
0x131: {  	s24 =	sadd.s32 $0x1, s24  }
0x132: {  	p1 =	seq.s32 s24, s20  }
.Ltmp17:
0x133: {  	_ = 	snop;
	(pc) =	sbr.rel @p1 .LBB2_19-.Ltmp17, $4  }
0x134: {  	_ = 	snop  }
0x135: {  	s2 =	spop (v2sf)  }
0x136: {  	p0 =	sgt.s32 s2, s28  }
0x137: {  	s18 =	sadd.s32 $0x200, s18;
	s21 =	sadd.s32 $0x200, s21;
	s25 =	smov.u32 @p0 s0  }
.LBB2_23:
0x138: {  	s30 =	sshll.u32 s24, $0x1  }
0x139: {  	p1 =	sge.s32 s30, s19;
	s28 =	sor.u32 $0x1, s30  }
0x13a: {  	s0 =	simm.s32 @!p1 $0x1;
	p0 =	sge.s32 s28, s19  }
0x13b: {  	_ =	swait.ge @!p1 [sflag:s0], $0x800;
	s3 =	sshll.u32 @!p0 s28, $0x8  }
0x13c: {  	[sflag:s0] =	ssyncset.done @!p1 $0x0;
	s3 =	sadd.s32 @!p0 s16, s3  }
0x13d: {  	[sflag:s0] =	ssyncadd.s32 @!p1 $0xFFFFF800;
	p2 =	slt.s32 @!p0 s3, $0x4E100  }
0x13e: {  	s5 =	simm.s32 @!p0 $0x0;
	_ =	swait.ge @!p1 [sflag:s0], $0x8000;
	p2 =	por !p2, p0  }
0x13f: {  	s6 =	simm.s32 @!p0 $0xC580;
	[sflag:s0] =	ssyncset.done @!p1 $0x0;
	s3 =	simm.s32 @p2 $0x4E100  }
.Ltmp18:
0x140: {  	[sflag:s0] =	ssyncadd.s32 @!p1 $0xFFFF8000;
	s0 =	sadd.s32 @!p0 s4, s3;
	(pc) =	sbr.rel @p1 .LBB2_27-.Ltmp18, $4  }
0x141: {  	[tilespmem:s6], [sflag:$0x2] =	stream.linear.gather @!p0 [hbm4b:s0+s5], $0x800, $0x38;
	[tilespmem:$0x1D680] =	vst v63  }
0x142: {  	s0 =	sshll.u32 @!p0 s3, $0x4  }
0x143: {  	s3 =	simm.s32 @!p0 $0x15600;
	s0 =	sadd.s32 @!p0 s1, s0  }
0x144: {  	[tilespmem:s3], [sflag:$0x2] =	stream.linear.gather @!p0 [hbm4b:s0+s5], $0x8000, $0x38;
	[tilespmem:$0x1D680] =	vst v63  }
0x145: {  	v21 =	vmov s22;
	s0 =	sand.u32 $0x70, s22;
	s3 =	sand.u32 $0x400, s22  }
0x146: {  	v21 =	vshll.u32 v21, $0x3;
	s0 =	sor.u32 s0, s3  }
0x147: {  	v22 =	vor.u32 v0, v21;
	v21 =	vld [tilespmem:s0+$0xBD80];
	_ =	sdelay $0x4  }
0x148: {  	[tilespmem:v22+s12+$0x0] =	vst.idx.msk $0xffff, v21  }
0x149: {  	v23 =	vor.u32 $0x1, v22;
	v21 =	vld [tilespmem:s0+$0xBE00];
	_ =	sdelay $0x4  }
0x14a: {  	[tilespmem:v23+s12+$0x0] =	vst.idx.msk $0xffff, v21  }
0x14b: {  	v23 =	vor.u32 $0x2, v22;
	v21 =	vld [tilespmem:s0+$0xBE80];
	_ =	sdelay $0x4  }
0x14c: {  	[tilespmem:v23+s12+$0x0] =	vst.idx.msk $0xffff, v21  }
0x14d: {  	v23 =	vor.u32 $0x3, v22;
	v21 =	vld [tilespmem:s0+$0xBF00];
	_ =	sdelay $0x4  }
0x14e: {  	[tilespmem:v23+s12+$0x0] =	vst.idx.msk $0xffff, v21  }
0x14f: {  	v23 =	vor.u32 $0x4, v22;
	v21 =	vld [tilespmem:s0+$0xBF80];
	_ =	sdelay $0x4  }
0x150: {  	[tilespmem:v23+s12+$0x0] =	vst.idx.msk $0xffff, v21  }
0x151: {  	v23 =	vor.u32 $0x5, v22;
	v21 =	vld [tilespmem:s0+$0xC000];
	_ =	sdelay $0x4  }
0x152: {  	[tilespmem:v23+s12+$0x0] =	vst.idx.msk $0xffff, v21  }
0x153: {  	v23 =	vor.u32 $0x6, v22;
	v21 =	vld [tilespmem:s0+$0xC080];
	_ =	sdelay $0x3  }
0x154: {  	s31 =	sor.u32 s22, s22  }
0x155: {  	s5 =	sor.u32 $0x380, s31;
	[tilespmem:v23+s12+$0x0] =	vst.idx.msk $0xffff, v21  }
0x156: {  	v22 =	vor.u32 $0x7, v22;
	v21 =	vld [tilespmem:s5+$0xBD80];
	_ =	sdelay $0x2  }
0x157: {  	s3 =	simm.s32 $0x80;
	s0 =	simm.s32 $0x10  }
0x158: {  	s7 =	sand.u32 $0x400, s3;
	s6 =	sand.u32 $0x70, s0;
	v23 =	vmov s0;
	s5 =	simm.s32 $0x20  }
.LBB2_25:
0x159: {  	p1 =	sne.s32 s5, $0xF0;
	v23 =	vshll.u32 v23, $0x3;
	s6 =	sor.u32 s6, s7;
	[tilespmem:v22+s12+$0x0] =	vst.idx.msk $0xffff, v21  }
0x15a: {  	v22 =	vor.u32 v0, v23;
	v21 =	vld [tilespmem:s6+$0xBD80];
	_ =	sdelay $0x4  }
0x15b: {  	[tilespmem:v22+s12+$0x0] =	vst.idx.msk $0xffff, v21  }
0x15c: {  	v23 =	vor.u32 $0x1, v22;
	v21 =	vld [tilespmem:s6+$0xBE00];
	_ =	sdelay $0x4  }
0x15d: {  	[tilespmem:v23+s12+$0x0] =	vst.idx.msk $0xffff, v21  }
0x15e: {  	v23 =	vor.u32 $0x2, v22;
	v21 =	vld [tilespmem:s6+$0xBE80];
	_ =	sdelay $0x4  }
0x15f: {  	[tilespmem:v23+s12+$0x0] =	vst.idx.msk $0xffff, v21  }
0x160: {  	v23 =	vor.u32 $0x3, v22;
	v21 =	vld [tilespmem:s6+$0xBF00];
	_ =	sdelay $0x4  }
0x161: {  	[tilespmem:v23+s12+$0x0] =	vst.idx.msk $0xffff, v21  }
0x162: {  	v23 =	vor.u32 $0x4, v22;
	v21 =	vld [tilespmem:s6+$0xBF80];
	_ =	sdelay $0x4  }
0x163: {  	[tilespmem:v23+s12+$0x0] =	vst.idx.msk $0xffff, v21  }
0x164: {  	v23 =	vor.u32 $0x5, v22;
	v21 =	vld [tilespmem:s6+$0xC000];
	_ =	sdelay $0x4  }
0x165: {  	[tilespmem:v23+s12+$0x0] =	vst.idx.msk $0xffff, v21  }
0x166: {  	v23 =	vor.u32 $0x6, v22;
	v21 =	vld [tilespmem:s6+$0xC080];
	_ =	sdelay $0x3  }
0x167: {  	s6 =	sor.u32 s3, s0;
	s0 =	smov.u32 s5  }
0x168: {  	s6 =	sor.u32 $0x380, s6;
	[tilespmem:v23+s12+$0x0] =	vst.idx.msk $0xffff, v21  }
.Ltmp19:
0x169: {  	v22 =	vor.u32 $0x7, v22;
	v21 =	vld [tilespmem:s6+$0xBD80];
	(pc) =	sbr.rel @p1 .LBB2_25-.Ltmp19, $3  }
0x16a: {  	_ =	sdelay $0x1  }
0x16b: {  	s3 =	sadd.s32 $0x80, s3  }
0x16c: {  	s5 =	sadd.s32 $0x10, s5;
	s7 =	sand.u32 $0x400, s3;
	v23 =	vmov s0;
	s6 =	sand.u32 $0x70, s0  }
0x16d: {  	_ =	sdelay $0x3  }
0x16e: {  	v23 =	vshll.u32 v23, $0x3;
	s5 =	sor.u32 s6, s7;
	[tilespmem:v22+s12+$0x0] =	vst.idx.msk $0xffff, v21  }
0x16f: {  	v21 =	vor.u32 v0, v23;
	v22 =	vld [tilespmem:s5+$0xBD80];
	_ =	sdelay $0x4  }
0x170: {  	[tilespmem:v21+s12+$0x0] =	vst.idx.msk $0xffff, v22  }
0x171: {  	v23 =	vor.u32 $0x1, v21;
	v22 =	vld [tilespmem:s5+$0xBE00];
	_ =	sdelay $0x4  }
0x172: {  	[tilespmem:v23+s12+$0x0] =	vst.idx.msk $0xffff, v22  }
0x173: {  	v23 =	vor.u32 $0x2, v21;
	v22 =	vld [tilespmem:s5+$0xBE80];
	_ =	sdelay $0x4  }
0x174: {  	[tilespmem:v23+s12+$0x0] =	vst.idx.msk $0xffff, v22  }
0x175: {  	v23 =	vor.u32 $0x3, v21;
	v22 =	vld [tilespmem:s5+$0xBF00];
	_ =	sdelay $0x4  }
0x176: {  	[tilespmem:v23+s12+$0x0] =	vst.idx.msk $0xffff, v22  }
0x177: {  	v23 =	vor.u32 $0x4, v21;
	v22 =	vld [tilespmem:s5+$0xBF80];
	_ =	sdelay $0x4  }
0x178: {  	[tilespmem:v23+s12+$0x0] =	vst.idx.msk $0xffff, v22  }
0x179: {  	v23 =	vor.u32 $0x5, v21;
	v22 =	vld [tilespmem:s5+$0xC000];
	_ =	sdelay $0x4  }
0x17a: {  	[tilespmem:v23+s12+$0x0] =	vst.idx.msk $0xffff, v22  }
0x17b: {  	v23 =	vor.u32 $0x6, v21;
	v22 =	vld [tilespmem:s5+$0xC080];
	_ =	sdelay $0x3  }
0x17c: {  	s0 =	sor.u32 s3, s0  }
0x17d: {  	s0 =	sor.u32 $0x380, s0;
	[tilespmem:v23+s12+$0x0] =	vst.idx.msk $0xffff, v22  }
0x17e: {  	v21 =	vor.u32 $0x7, v21;
	v22 =	vld [tilespmem:s0+$0xBD80];
	_ =	sdelay $0x4  }
0x17f: {  	[tilespmem:v21+s12+$0x0] =	vst.idx.msk $0xffff, v22  }
.LBB2_27:
0x180: {  	v21 =	vld [tilespmem:$0xA0];
	_ =	sdelay $0x4  }
0x181: {  	(v2sf) =	vpush v21, $0x0;
	_ =	sdelay $0x7  }
0x182: {  	s0 =	sshll.u32 s24, $0x9  }
0x183: {  	s0 =	sadd.s32 s16, s0  }
0x184: {  	s3 =	ssub.s32 s17, s0  }
0x185: {  	p2 =	slt.s32 s3, $0x100  }
0x186: {  	p1 =	slt.s32 s30, s19;
	s3 =	simm.s32 @!p2 $0x100  }
0x187: {  	s3 =	simm.s32 @!p1 $0x0  }
0x188: {  	s29 =	sadd.s32 s0, s3  }
0x189: {  	s3 =	sadd.s32 $0xFFFFFFFF, s29;
	s5 =	spop (v2sf)  }
0x18a: {  	s6 =	simm.s32 $0x50;
	p2 =	sgt.s32 s5, s3  }
0x18b: {  	s6 =	simm.s32 @!p2 $0xF0  }
0x18c: {  	v21 =	vld [tilespmem:s6+$0x0];
	_ =	sdelay $0x4  }
0x18d: {  	(v2sf) =	vpush v21, $0x0;
	_ =	sdelay $0xe  }
0x18e: {  	s5 =	simm.s32 $0xA0;
	s7 =	spop (v2sf)  }
0x18f: {  	s8 =	simm.s32 $0x0;
	s5 =	simm.s32 @!p2 $0x140;
	p3 =	sgt.s32 s7, s3  }
0x190: {  	s8 =	simm.s32 @!p2 $0xA0;
	s7 =	smov.u32 s6;
	s5 =	smov.u32 @p3 s6  }
0x191: {  	s7 =	smov.u32 @p3 s8;
	s6 =	sadd.s32 $0xFFFFFFFF, s5  }
0x192: {  	s8 =	sxor.u32 s6, s7  }
0x193: {  	s6 =	sor.u32 s6, s7;
	s8 =	sshrl.u32 s8, $0x1  }
0x194: {  	s6 =	ssub.s32 s6, s8  }
0x195: {  	v21 =	vld [tilespmem:s6+$0x0];
	_ =	sdelay $0x4  }
0x196: {  	(v2sf) =	vpush v21, $0x0;
	_ =	sdelay $0xe  }
0x197: {  	s2 =	spop (v2sf)  }
0x198: {  	p2 =	sgt.s32 s2, s3  }
0x199: {  	s8 =	smov.u32 s6;
	s5 =	smov.u32 @p2 s6  }
0x19a: {  	s8 =	smov.u32 @p2 s7;
	s6 =	sadd.s32 $0xFFFFFFFF, s5  }
0x19b: {  	s7 =	sxor.u32 s6, s8  }
0x19c: {  	s6 =	sor.u32 s6, s8;
	s7 =	sshrl.u32 s7, $0x1  }
0x19d: {  	s6 =	ssub.s32 s6, s7  }
0x19e: {  	s7 =	sand.u32 $0x3FFFFFFF, s6  }
0x19f: {  	v21 =	vld [tilespmem:s7+$0x0];
	_ =	sdelay $0x4  }
0x1a0: {  	(v2sf) =	vpush v21, $0x0;
	_ =	sdelay $0xe  }
0x1a1: {  	s10 =	spop (v2sf)  }
0x1a2: {  	s7 =	smov.u32 s6;
	p2 =	sgt.s32 s10, s3  }
0x1a3: {  	s7 =	smov.u32 @p2 s8;
	s5 =	smov.u32 @p2 s6  }
0x1a4: {  	s6 =	sxor.u32 s7, s5  }
0x1a5: {  	s8 =	sand.u32 s7, s5;
	s6 =	sshrl.u32 s6, $0x1  }
0x1a6: {  	s6 =	sadd.s32 s6, s8  }
0x1a7: {  	v21 =	vld [tilespmem:s6+$0x0];
	_ =	sdelay $0x4  }
0x1a8: {  	(v2sf) =	vpush v21, $0x0;
	_ =	sdelay $0xe  }
0x1a9: {  	s13 =	spop (v2sf)  }
0x1aa: {  	s8 =	smov.u32 s6;
	p2 =	sgt.s32 s13, s3  }
0x1ab: {  	s8 =	smov.u32 @p2 s7;
	s5 =	smov.u32 @p2 s6  }
0x1ac: {  	s6 =	sxor.u32 s8, s5  }
0x1ad: {  	s7 =	sand.u32 s8, s5;
	s6 =	sshrl.u32 s6, $0x1  }
0x1ae: {  	s6 =	sadd.s32 s6, s7  }
0x1af: {  	v21 =	vld [tilespmem:s6+$0x0];
	_ =	sdelay $0x4  }
0x1b0: {  	(v2sf) =	vpush v21, $0x0;
	_ =	sdelay $0xe  }
0x1b1: {  	s14 =	spop (v2sf)  }
0x1b2: {  	s7 =	smov.u32 s6;
	p2 =	sgt.s32 s14, s3  }
0x1b3: {  	s7 =	smov.u32 @p2 s8;
	s5 =	smov.u32 @p2 s6  }
0x1b4: {  	s6 =	sadd.s32 s7, s5  }
0x1b5: {  	s6 =	sshrl.u32 s6, $0x1  }
0x1b6: {  	v21 =	vld [tilespmem:s6+$0x0];
	_ =	sdelay $0x4  }
0x1b7: {  	(v2sf) =	vpush v21, $0x0;
	_ =	sdelay $0xe  }
0x1b8: {  	s15 =	spop (v2sf)  }
0x1b9: {  	s8 =	smov.u32 s6;
	p2 =	sgt.s32 s15, s3  }
0x1ba: {  	s8 =	smov.u32 @p2 s7;
	s5 =	smov.u32 @p2 s6  }
0x1bb: {  	s6 =	sadd.s32 s8, s5  }
0x1bc: {  	s6 =	sshrl.u32 s6, $0x1  }
0x1bd: {  	v21 =	vld [tilespmem:s6+$0x0];
	_ =	sdelay $0x4  }
0x1be: {  	(v2sf) =	vpush v21, $0x0;
	_ =	sdelay $0xe  }
0x1bf: {  	s23 =	spop (v2sf)  }
0x1c0: {  	s7 =	smov.u32 s6;
	p2 =	sgt.s32 s23, s3  }
0x1c1: {  	s7 =	smov.u32 @p2 s8;
	s5 =	smov.u32 @p2 s6  }
0x1c2: {  	s5 =	sadd.s32 s7, s5  }
0x1c3: {  	s5 =	sshrl.u32 s5, $0x1  }
0x1c4: {  	v21 =	vld [tilespmem:s5+$0x0];
	_ =	sdelay $0x4  }
0x1c5: {  	(v2sf) =	vpush v21, $0x0;
	_ =	sdelay $0xe  }
0x1c6: {  	s26 =	spop (v2sf)  }
0x1c7: {  	p2 =	sgt.s32 s26, s3  }
0x1c8: {  	s31 =	sadd.s32 $0xFFFFFFFF, s25;
	s5 =	smov.u32 @p2 s7  }
0x1c9: {  	s31 =	smov.u32 @p1 s5  }
0x1ca: {  	s26 =	sadd.s32 $0x1, s31  }
0x1cb: {  	p1 =	sge.s32 s25, s26  }
.Ltmp20:
0x1cc: {  	_ = 	snop;
	(pc) =	sbr.rel @p1 .LBB2_41-.Ltmp20, $1  }
0x1cd: {  	_ =	sdelay $0x3  }
0x1ce: {  	p1 =	slt.s32 s18, $0x4E100;
	s3 =	smov.u32 s18  }
.Ltmp21:
0x1cf: {  	s3 =	simm.s32 @!p1 $0x4E100;
	(pc) =	sbr.rel .LBB2_29-.Ltmp21, $4  }
0x1d0: {  	s5 =	sshll.u32 s3, $0x5;
	s3 =	sshll.u32 s3, $0x9  }
0x1d1: {  	s5 =	ssub.s32 $0x0, s5;
	s3 =	ssub.s32 $0x0, s3  }
0x1d2: {  	s5 =	sshra.s32 s5, $0x2;
	s6 =	sshra.s32 s3, $0x2  }
0x1d3: {  	s3 =	sadd.s32 $0xCD80, s5;
	s13 =	sadd.s32 $0xD640, s6  }
.LBB2_31:
0x1d4: {  	v34 =	vmovc v15;
	v37 =	vmov v16;
	v38 =	vmov v14;
	v41 =	vmov v13  }
0x1d5: {  	s15 =	smov.u32 s5;
	v46 =	vmovc v12;
	v23 =	vmovc v17;
	v27 =	vmov v18;
	v28 =	vmov v19;
	v32 =	vmov v20  }
.LBB2_39:
0x1d6: {  	v43 =	vmul.f32 @p2 v44, v43;
	v44 =	vmul.f32 @p3 v47, v45  }
0x1d7: {  	v36 =	vpop @p1 (erf);
	v34 =	vadd.f32 @p2 v48, v34;
	(erf) = vpow2.f32 v42;
	v37 =	vadd.f32 @p2 v49, v37  }
0x1d8: {  	v42 =	vld @p1 [tilespmem:s15+$0xFFFFFFD0];
	v38 =	vadd.f32 @p2 v50, v38;
	v39 =	vpsel p2, v39, v0;
	v45 =	vperm.xlane @p1 v36, v9  }
0x1d9: {  	v52 =	vld @p1 [tilespmem:s15+$0xFFFFFFE0];
	v40 =	vpsel p2, v40, v0;
	v48 =	vperm.xlane @p1 v36, v1;
	v51 =	vperm.xlane @p1 v36, v2  }
0x1da: {  	v55 =	vld @p1 [tilespmem:s15+$0x10];
	v47 =	vnsel @p1 vm0, $0x0, v36;
	v49 =	vperm.xlane @p1 v36, v3;
	v50 =	vperm.xlane @p1 v36, v5  }
0x1db: {  	v53 =	vld @p1 [tilespmem:s15+$0xFFFFFFF0];
	v41 =	vadd.f32 @p2 v43, v41;
	v43 =	vperm.xlane @p1 v36, v7;
	v44 =	vadd.f32 @p3 v44, v46  }
0x1dc: {  	v54 =	vld @p1 [tilespmem:s15+$0x0];
	v18 =	vadd.f32 @p1 v47, v18;
	v34 =	vpsel p2, v34, v15;
	v35 =	vmul.f32 @p1 v35, v45  }
0x1dd: {  	v45 =	vperm.xlane @p1 v36, v4;
	v33 =	vmul.f32 @p1 v33, v48;
	v22 =	vpsel p1, v43, v22  }
0x1de: {  	v18 =	vpsel p1, v18, v27;
	v17 =	vadd.f32 @p1 v35, v17;
	v35 =	vperm.xlane @p1 v36, v8  }
0x1df: {  	v42 =	vmul.f32 @p1 v42, v51;
	v46 =	vmul.f32 @p1 v52, v49;
	v24 =	vpsel p1, v55, v24  }
0x1e0: {  	v19 =	vadd.f32 @p1 v33, v19;
	v33 =	vmul.f32 @p1 v53, v45;
	v22 =	vmul.f32 @p1 v24, v22  }
0x1e1: {  	v24 =	vmul.f32 @p2 v40, v39;
	v20 =	vadd.f32 @p1 v42, v20;
	v42 =	vmul.f32 @p1 v54, v50  }
0x1e2: {  	v29 =	vpsel p1, v46, v29;
	v25 =	vpsel p1, v35, v25;
	v35 =	vpsel p2, v37, v16  }
0x1e3: {  	s2 =	sadd.s32 @p1 $0x80, s15;
	v36 =	vld @p1 [tilespmem:s15+$0x20];
	v30 =	vpsel p1, v33, v30;
	v33 =	vpsel p2, v38, v14;
	v37 =	vpsel p2, v41, v13  }
0x1e4: {  	s5 =	smov.u32 @p1 s2;
	v17 =	vpsel p1, v17, v23;
	v23 =	vpsel p3, v44, v12;
	v29 =	vadd.f32 @p1 v29, v34  }
0x1e5: {  	v62 =	vld [tilespmem:s5+$0x30];
	v19 =	vpsel p1, v19, v28;
	v30 =	vadd.f32 @p1 v30, v35;
	v22 =	vadd.f32 @p1 v22, v37  }
0x1e6: {  	v63 =	vld [tilespmem:s5+$0xFFFFFFC0];
	v23 =	vadd.f32 @p2 v24, v23;
	v25 =	vpsel p1, v25, v0;
	v31 =	vpsel p1, v42, v31;
	v45 =	vpop (erf)  }
0x1e7: {  	v47 =	vld [tilespmem:s5+$0xFFFFFFD0];
	v20 =	vpsel p1, v20, v32;
	v48 =	vperm.xlane v45, v9;
	v49 =	vperm.xlane v45, v1  }
0x1e8: {  	v51 =	vld [tilespmem:s5+$0xFFFFFFE0];
	v26 =	vpsel p1, v36, v26;
	v50 =	vperm.xlane v45, v2;
	v52 =	vperm.xlane v45, v3  }
0x1e9: {  	v53 =	vld [tilespmem:s5+$0xFFFFFFF0];
	v46 =	vnsel vm0, $0x0, v45;
	v54 =	vperm.xlane v45, v4;
	v55 =	vperm.xlane v45, v5  }
0x1ea: {  	v56 =	vld [tilespmem:s5+$0x0];
	v31 =	vadd.f32 @p1 v31, v33;
	v57 =	vperm.xlane v45, v7;
	v28 =	vperm.xlane v45, v8  }
0x1eb: {  	v59 =	vld [tilespmem:s5+$0x20];
	v15 =	vpsel p1, v29, v15;
	v16 =	vpsel p1, v30, v16;
	v23 =	vpsel p2, v23, v12  }
0x1ec: {  	v58 =	vld [tilespmem:s5+$0x10];
	v13 =	vpsel p1, v22, v13;
	v24 =	vmovc @p1 v26;
	v36 =	vmul.f32 v62, v48;
	v27 =	vmul.f32 v63, v49  }
0x1ed: {  	v60 =	vmul.f32 v47, v50;
	v61 =	vmul.f32 v51, v52;
	v24 =	vpsel p1, v24, v0  }
0x1ee: {  	v18 =	vadd.f32 v46, v18;
	v33 =	vmul.f32 v53, v54;
	v24 =	vmul.f32 @p1 v24, v25  }
0x1ef: {  	v62 =	vmul.f32 v56, v55;
	v14 =	vpsel p1, v31, v14;
	v17 =	vadd.f32 v36, v17  }
0x1f0: {  	v63 =	vmul.f32 v59, v28;
	v19 =	vadd.f32 v27, v19;
	v22 =	vadd.f32 @p1 v24, v23  }
0x1f1: {  	v20 =	vadd.f32 v60, v20;
	v15 =	vadd.f32 v61, v15;
	v23 =	vmul.f32 v58, v57  }
0x1f2: {  	v16 =	vadd.f32 v33, v16;
	v14 =	vadd.f32 v62, v14;
	v12 =	vpsel p1, v22, v12  }
0x1f3: {  	v13 =	vadd.f32 v23, v13;
	v12 =	vadd.f32 v63, v12  }
.LBB2_40:
0x1f4: {  	p1 =	sgt.s32 s14, s29  }
0x1f5: {  	vm1 =	vmmov @!p1 $0xff  }
0x1f6: {  	v21 =	vnsel @!p1 vm1, $0x0, v21  }
0x1f7: {  	v21 =	vmul.f32 @!p1 v21, v10;
	_ =	sdelay $0x1  }
0x1f8: {  	v21 =	vadd.f32 @!p1 v21, v11;
	_ =	sdelay $0x1  }
0x1f9: {  	v21 =	vmax.f32 @!p1 v21, $0.0e+00  }
0x1fa: {  	v21 =	vadd.f32 @!p1 v21, v21;
	_ =	sdelay $0x1  }
0x1fb: {  	v21 =	vmul.f32 @!p1 $1.442695020e+00, v21;
	_ =	sdelay $0x1  }
0x1fc: {  	(erf) = vpow2.f32 @!p1 v21;
	_ =	sdelay $0x8  }
0x1fd: {  	v21 =	vpop @!p1 (erf)  }
0x1fe: {  	v21 =	vadd.f32 @!p1 $1.000000000e+00, v21;
	_ =	sdelay $0x1  }
0x1ff: {  	(erf) = vrcp.f32 @!p1 v21;
	_ =	sdelay $0x1  }
0x200: {  	v21 =	vadd.f32 @!p1 $9.999999960e-13, v18;
	_ =	sdelay $0x1  }
0x201: {  	(erf) = vrcp.f32 @!p1 v21;
	_ =	sdelay $0x4  }
0x202: {  	v21 =	vpop @!p1 (erf)  }
0x203: {  	v21 =	vadd.f32 @!p1 v21, v21;
	_ =	sdelay $0x1  }
0x204: {  	v21 =	vsub.f32 @!p1 $1.000000000e+00, v21  }
0x205: {  	v22 =	vpop @!p1 (erf)  }
0x206: {  	p2 =	sgt.s32 @!p1 s10, $0x0;
	v21 =	vmul.f32 @!p1 v22, v21  }
0x207: {  	p2 =	por !p2, p1  }
0x208: {  	v22 =	vimm.s32 @!p1 $0x0;
	v21 =	vpsel p2, $0x0, v21  }
0x209: {  	v23 =	vimm.s32 @!p1 $0x1;
	v22 =	vperm.xlane @!p1 v21, v22  }
0x20a: {  	v24 =	vimm.s32 @!p1 $0x2;
	v23 =	vperm.xlane @!p1 v21, v23  }
0x20b: {  	s2 =	sshll.u32 @!p1 s25, $0x9;
	v25 =	vimm.s32 @!p1 $0x3;
	v24 =	vperm.xlane @!p1 v21, v24;
	v22 =	vmul.f32 @!p1 v22, v19  }
0x20c: {  	v26 =	vimm.s32 @!p1 $0x4;
	s2 =	sshra.s32 @!p1 s2, $0x2;
	v25 =	vperm.xlane @!p1 v21, v25;
	v23 =	vmul.f32 @!p1 v23, v20  }
0x20d: {  	[tilespmem:s2+$0x1580] =	vst @!p1 v22;
	v22 =	vmul.f32 @!p1 v24, v15;
	v24 =	vperm.xlane @!p1 v21, v26;
	v26 =	vimm.s32 @!p1 $0x5  }
0x20e: {  	[tilespmem:s2+$0x1590] =	vst @!p1 v23;
	v23 =	vmul.f32 @!p1 v25, v16;
	v25 =	vperm.xlane @!p1 v21, v26;
	v26 =	vimm.s32 @!p1 $0x6  }
0x20f: {  	p2 =	sne.s32 s25, s31;
	[tilespmem:s2+$0x15A0] =	vst @!p1 v22;
	v22 =	vmul.f32 @!p1 v24, v14;
	v24 =	vperm.xlane @!p1 v21, v26;
	v26 =	vimm.s32 @!p1 $0x7  }
.Ltmp22:
0x210: {  	[tilespmem:s2+$0x15B0] =	vst @!p1 v23;
	v21 =	vperm.xlane @!p1 v21, v26;
	v23 =	vmul.f32 @!p1 v25, v13;
	(pc) =	sbr.rel @!p2 .LBB2_41-.Ltmp22, $4  }
0x211: {  	[tilespmem:s2+$0x15C0] =	vst @!p1 v22;
	v22 =	vmul.f32 @!p1 v24, v12  }
0x212: {  	[tilespmem:s2+$0x15D0] =	vst @!p1 v23;
	v21 =	vmul.f32 @!p1 v21, v17  }
0x213: {  	s5 =	sadd.s32 $0x1, s25;
	[tilespmem:s2+$0x15E0] =	vst @!p1 v22  }
0x214: {  	s25 =	smov.u32 s5;
	[tilespmem:s2+$0x15F0] =	vst @!p1 v21  }
.LBB2_29:
0x215: {  	v21 =	vld [tilespmem:s25+$0x0]  }
0x216: {  	v22 =	vld [tilespmem:s25+$0x1];
	_ =	sdelay $0x3  }
0x217: {  	(v2sf) =	vpush v21, $0x0  }
0x218: {  	(v2sf) =	vpush v22, $0x0;
	_ =	sdelay $0xd  }
0x219: {  	s5 =	spop (v2sf)  }
0x21a: {  	s6 =	smov.u32 s0;
	s14 =	spop (v2sf)  }
0x21b: {  	s8 =	smov.u32 s29;
	p1 =	sgt.s32 s5, s0;
	p2 =	slt.s32 s14, s29  }
0x21c: {  	s6 =	smov.u32 @p1 s5;
	s8 =	smov.u32 @p2 s14  }
0x21d: {  	s7 =	ssub.s32 s6, s0;
	s6 =	ssub.s32 s8, s0  }
0x21e: {  	p2 =	sge.s32 s7, s6  }
.Ltmp23:
0x21f: {  	s10 =	sshll.u32 s25, $0x6;
	(pc) =	sbr.rel @p2 .LBB2_40-.Ltmp23, $4  }
0x220: {  	s23 =	sshra.s32 s10, $0x2;
	p6 =	slt.s32 s5, s0  }
0x221: {  	v21 =	vld [tilespmem:s23+$0x180];
	v18 =	vpsel !p6, $0x0, v18;
	v19 =	vpsel !p6, $0x0, v19;
	v20 =	vpsel !p6, $0x0, v20  }
0x222: {  	v15 =	vpsel !p6, $0x0, v15;
	v16 =	vpsel !p6, $0x0, v16;
	v14 =	vpsel !p6, $0x0, v14  }
0x223: {  	v13 =	vpsel !p6, $0x0, v13;
	v12 =	vpsel !p6, $0x0, v12;
	v17 =	vpsel !p6, $0x0, v17;
	s10 =	ssub.s32 s14, s5  }
0x224: {  	p1 =	sgt.s32 s10, $0x1;
	s8 =	smov.u32 s10  }
0x225: {  	s8 =	simm.s32 @!p1 $0x1  }
0x226: {  	s8 =	scvt.s32.f32 s8;
	_ =	sdelay $0x1  }
0x227: {  	s15 =	smul.f32 $5.000000000e-01, s8;
	s8 =	sshrl.u32 s8, $0x1  }
0x228: {  	s8 =	ssub.s32 $0x5F3759DF, s8  }
0x229: {  	s2 =	smul.f32 s8, s15;
	_ =	sdelay $0x1  }
0x22a: {  	s2 =	smul.f32 s8, s2;
	_ =	sdelay $0x1  }
0x22b: {  	s2 =	ssub.f32 $1.500000000e+00, s2;
	_ =	sdelay $0x1  }
0x22c: {  	s2 =	smul.f32 s8, s2;
	_ =	sdelay $0x1  }
0x22d: {  	s8 =	smul.f32 s2, s15;
	_ =	sdelay $0x1  }
0x22e: {  	s8 =	smul.f32 s8, s2;
	_ =	sdelay $0x1  }
0x22f: {  	s8 =	ssub.f32 $1.500000000e+00, s8  }
0x230: {  	s23 =	smov.u32 s18;
	p1 =	sgt.s32 s5, s18  }
0x231: {  	s23 =	smov.u32 @p1 s5;
	s2 =	smul.f32 s8, s2  }
0x232: {  	s5 =	sshll.u32 s23, $0x5  }
0x233: {  	s5 =	sshra.s32 s5, $0x2;
	s8 =	smul.f32 s2, s15  }
0x234: {  	s15 =	sadd.s32 s5, s3  }
0x235: {  	v22 =	vld [tilespmem:s15+$0x0];
	s8 =	smul.f32 s8, s2;
	_ =	sdelay $0x1  }
0x236: {  	s5 =	ssub.f32 $1.500000000e+00, s8  }
0x237: {  	s7 =	sadd.s32 $0x1, s7  }
0x238: {  	p4 =	slt.s32 s7, s6;
	s2 =	smul.f32 s5, s2  }
.Ltmp24:
0x239: {  	v22 =	vsub.f32 v22, v21;
	(pc) =	sbr.rel @!p4 .LBB2_31-.Ltmp24, $4  }
0x23a: {  	v36 =	vmov s2  }
0x23b: {  	s23 =	sshll.u32 s23, $0x9;
	v22 =	vmul.f32 v22, v36  }
0x23c: {  	p2 =	por $0x0, $0x0;
	p3 =	por $0x0, $0x0;
	s2 =	sshra.s32 s23, $0x2  }
0x23d: {  	p1 =	por $0x0, $0x0;
	s8 =	sadd.s32 $0x8, s15;
	s5 =	sadd.s32 s2, s13;
	v42 =	vmul.f32 $1.442695020e+00, v22  }
0x23e: {  	v22 =	vld [tilespmem:s8+$0x0];
	_ =	sdelay $0x1  }
0x23f: {  	(erf) = vpow2.f32 v42  }
0x240: {  	s7 =	sadd.s32 $0x1, s7  }
0x241: {  	p4 =	slt.s32 s7, s6  }
.Ltmp25:
0x242: {  	v22 =	vsub.f32 v22, v21;
	(pc) =	sbr.rel @!p4 .LBB2_33-.Ltmp25, $4  }
0x243: {  	_ = 	snop  }
0x244: {  	v22 =	vmul.f32 v22, v36  }
0x245: {  	v35 =	vld [tilespmem:s5+$0x30]  }
0x246: {  	s8 =	sadd.s32 $0x8, s8;
	v33 =	vld [tilespmem:s5+$0xFFFFFFC0];
	p1 =	por $0x1, $0x1;
	v42 =	vmul.f32 $1.442695020e+00, v22  }
0x247: {  	v22 =	vld [tilespmem:s8+$0x0]  }
0x248: {  	v28 =	vld [tilespmem:s5+$0xFFFFFFD0];
	v25 =	vpop (erf)  }
0x249: {  	v29 =	vld [tilespmem:s5+$0xFFFFFFE0];
	(erf) = vpow2.f32 v42;
	v23 =	vperm.xlane v25, v9  }
0x24a: {  	v32 =	vld [tilespmem:s5+$0xFFFFFFF0];
	v26 =	vperm.xlane v25, v1;
	v30 =	vperm.xlane v25, v2  }
0x24b: {  	v37 =	vld [tilespmem:s5+$0x0];
	s7 =	sadd.s32 $0x1, s7;
	v31 =	vperm.xlane v25, v3;
	v34 =	vperm.xlane v25, v4  }
0x24c: {  	p4 =	slt.s32 s7, s6;
	v27 =	vnsel vm0, $0x0, v25;
	v38 =	vperm.xlane v25, v5;
	v23 =	vmul.f32 v35, v23  }
.Ltmp26:
0x24d: {  	v62 =	vsub.f32 v22, v21;
	v22 =	vperm.xlane v25, v7;
	v25 =	vperm.xlane v25, v8;
	(pc) =	sbr.rel @!p4 .LBB2_35-.Ltmp26, $4  }
0x24e: {  	v24 =	vld [tilespmem:s5+$0x10];
	s15 =	sadd.s32 $0x80, s5;
	v27 =	vadd.f32 v27, v18;
	v18 =	vmul.f32 v28, v30;
	v29 =	vmul.f32 v29, v31  }
0x24f: {  	v35 =	vld [tilespmem:s15+$0x30];
	v23 =	vadd.f32 v23, v17;
	v17 =	vmul.f32 v33, v26;
	v63 =	vmul.f32 v62, v36  }
0x250: {  	v30 =	vmul.f32 v32, v34;
	v31 =	vmul.f32 v37, v38;
	v26 =	vld [tilespmem:s5+$0x20]  }
0x251: {  	s8 =	sadd.s32 $0x8, s8;
	p2 =	por $0x1, $0x1;
	v33 =	vld [tilespmem:s15+$0xFFFFFFC0];
	v32 =	vadd.f32 v18, v20;
	v28 =	vadd.f32 v17, v19;
	v42 =	vmul.f32 $1.442695020e+00, v63  }
0x252: {  	v17 =	vld [tilespmem:s8+$0x0]  }
0x253: {  	v18 =	vpop (erf);
	v20 =	vld [tilespmem:s15+$0xFFFFFFD0];
	v19 =	vmul.f32 v24, v22;
	(erf) = vpow2.f32 v42  }
0x254: {  	v46 =	vld [tilespmem:s15+$0xFFFFFFE0];
	v38 =	vperm.xlane v18, v9;
	v39 =	vperm.xlane v18, v1  }
0x255: {  	v34 =	vadd.f32 v29, v15;
	v49 =	vld [tilespmem:s15+$0xFFFFFFF0];
	v45 =	vperm.xlane v18, v2;
	v47 =	vperm.xlane v18, v3  }
0x256: {  	v37 =	vadd.f32 v30, v16;
	v52 =	vld [tilespmem:s15+$0x0];
	s7 =	sadd.s32 $0x1, s7;
	v50 =	vperm.xlane v18, v4;
	v51 =	vperm.xlane v18, v5  }
0x257: {  	v63 =	vnsel vm0, $0x0, v18;
	v43 =	vperm.xlane v18, v7;
	p4 =	slt.s32 s7, s6;
	v35 =	vmul.f32 v35, v38  }
.Ltmp27:
0x258: {  	v44 =	vld [tilespmem:s15+$0x10];
	v41 =	vadd.f32 v19, v13;
	v33 =	vmul.f32 v33, v39;
	v19 =	vsub.f32 v17, v21;
	(pc) =	sbr.rel @!p4 .LBB2_37-.Ltmp27, $4  }
0x259: {  	v40 =	vld [tilespmem:s15+$0x20];
	v38 =	vadd.f32 v31, v14;
	v39 =	vperm.xlane v18, v8;
	v20 =	vmul.f32 v20, v45  }
0x25a: {  	s15 =	sadd.s32 $0x80, s15;
	v18 =	vadd.f32 v63, v27;
	v48 =	vmul.f32 v46, v47;
	v53 =	vmul.f32 v19, v36  }
0x25b: {  	v17 =	vadd.f32 v35, v23;
	v35 =	vld [tilespmem:s15+$0x30];
	v49 =	vmul.f32 v49, v50;
	v50 =	vmul.f32 v52, v51;
	v45 =	vmovc v25  }
0x25c: {  	s8 =	sadd.s32 $0x8, s8;
	p3 =	por $0x1, $0x1;
	v47 =	vmovc v26;
	v46 =	vmovc v12;
	v19 =	vadd.f32 v33, v28;
	v33 =	vld [tilespmem:s15+$0xFFFFFFC0];
	v20 =	vadd.f32 v20, v32;
	v42 =	vmul.f32 $1.442695020e+00, v53  }
.LBB2_38:
0x25d: {  	v51 =	vld [tilespmem:s8+$0x0];
	s7 =	sadd.s32 $0x1, s7;
	v52 =	vpop (erf);
	v34 =	vadd.f32 v48, v34;
	v43 =	vmul.f32 v44, v43;
	v48 =	vmul.f32 v47, v45  }
0x25e: {  	v45 =	vmovc v39;
	v47 =	vmovc v40;
	p4 =	slt.s32 s7, s6;
	(erf) = vpow2.f32 v42;
	v42 =	vnsel vm0, $0x0, v52;
	v53 =	vld [tilespmem:s15+$0xFFFFFFD0];
	v44 =	vperm.xlane v52, v9  }
0x25f: {  	v37 =	vadd.f32 v49, v37;
	v39 =	vperm.xlane v52, v1;
	v54 =	vperm.xlane v52, v2;
	v55 =	vld [tilespmem:s15+$0xFFFFFFE0]  }
0x260: {  	v38 =	vadd.f32 v50, v38;
	v49 =	vperm.xlane v52, v3;
	v56 =	vld [tilespmem:s15+$0xFFFFFFF0];
	v35 =	vmul.f32 v35, v44  }
0x261: {  	v50 =	vperm.xlane v52, v4;
	v57 =	vperm.xlane v52, v5;
	v41 =	vadd.f32 v43, v41;
	v58 =	vld [tilespmem:s15+$0x0]  }
.Ltmp28:
0x262: {  	v43 =	vperm.xlane v52, v7;
	v51 =	vsub.f32 v51, v21;
	v44 =	vld [tilespmem:s15+$0x10];
	v17 =	vadd.f32 v35, v17;
	(pc) =	sbr.rel @p4 .LBB2_38-.Ltmp28, $4  }
0x263: {  	v46 =	vadd.f32 v48, v46;
	v33 =	vmul.f32 v33, v39;
	v39 =	vperm.xlane v52, v8;
	v40 =	vld [tilespmem:s15+$0x20]  }
0x264: {  	v18 =	vadd.f32 v42, v18;
	v52 =	vmul.f32 v53, v54;
	s15 =	sadd.s32 $0x80, s15;
	v51 =	vmul.f32 v51, v36  }
0x265: {  	v19 =	vadd.f32 v33, v19;
	v48 =	vmul.f32 v55, v49;
	v35 =	vld [tilespmem:s15+$0x30];
	v49 =	vmul.f32 v56, v50  }
0x266: {  	s8 =	sadd.s32 $0x8, s8;
	v20 =	vadd.f32 v52, v20;
	v42 =	vmul.f32 $1.442695020e+00, v51;
	v33 =	vld [tilespmem:s15+$0xFFFFFFC0];
	v50 =	vmul.f32 v58, v57  }
.Ltmp29:
0x267: {  	_ = 	snop;
	(pc) =	sbr.rel .LBB2_39-.Ltmp29, $1  }
0x268: {  	_ =	sdelay $0x3  }
.LBB2_33:
.Ltmp30:
0x269: {  	(pc) =	sbr.rel .LBB2_39-.Ltmp30, $3  }
0x26a: {  	_ =	sdelay $0x1  }
0x26b: {  	v34 =	vmovc v15;
	v37 =	vmov v16;
	v38 =	vmov v14;
	v41 =	vmov v13  }
0x26c: {  	s15 =	smov.u32 s5;
	v46 =	vmovc v12;
	v23 =	vmovc v17;
	v27 =	vmov v18;
	v28 =	vmov v19;
	v32 =	vmov v20  }
.LBB2_35:
.Ltmp31:
0x26d: {  	(pc) =	sbr.rel .LBB2_39-.Ltmp31, $4  }
0x26e: {  	v34 =	vmov v15  }
0x26f: {  	v48 =	vmovc v29;
	v43 =	vmovc v22;
	v39 =	vmov v25;
	v37 =	vmov v16;
	v49 =	vmov v30  }
0x270: {  	v38 =	vmovc v14;
	v50 =	vmovc v31;
	v41 =	vmov v13;
	v17 =	vmov v23;
	v46 =	vmov v12  }
0x271: {  	v18 =	vmovc v27;
	v44 =	vmovc v24;
	v19 =	vmov v28;
	v20 =	vmov v32;
	v40 =	vmov v26  }
.LBB2_37:
.Ltmp32:
0x272: {  	(pc) =	sbr.rel .LBB2_39-.Ltmp32, $2  }
0x273: {  	_ =	sdelay $0x2  }
0x274: {  	v45 =	vmov v25;
	v47 =	vmov v26;
	v46 =	vmov v12  }
.LBB2_41:
0x275: {  	v21 =	vld [tilespmem:s31+$0x1];
	_ =	sdelay $0x4  }
0x276: {  	(v2sf) =	vpush v21, $0x0;
	_ =	sdelay $0xd  }
0x277: {  	s3 =	sadd.s32 $0x2, s30  }
0x278: {  	s2 =	simm.s32 @!p0 $0x2;
	p1 =	sge.s32 s3, s19;
	s0 =	spop (v2sf)  }
0x279: {  	s3 =	sshll.u32 @!p1 s3, $0x8;
	_ =	swait.ge @!p0 [sflag:s2], $0x800  }
0x27a: {  	s3 =	sadd.s32 @!p1 s16, s3;
	[sflag:s2] =	ssyncset.done @!p0 $0x0  }
0x27b: {  	p2 =	slt.s32 @!p1 s3, $0x4E100;
	[sflag:s2] =	ssyncadd.s32 @!p0 $0xFFFFF800  }
0x27c: {  	p2 =	por !p2, p1;
	_ =	swait.ge @!p0 [sflag:s2], $0x8000  }
0x27d: {  	s5 =	simm.s32 @!p1 $0x0;
	s3 =	simm.s32 @p2 $0x4E100;
	[sflag:s2] =	ssyncset.done @!p0 $0x0  }
0x27e: {  	s6 =	simm.s32 @!p1 $0xBD80;
	[sflag:s2] =	ssyncadd.s32 @!p0 $0xFFFF8000;
	s2 =	sadd.s32 @!p1 s4, s3  }
0x27f: {  	[tilespmem:s6], [sflag:$0x1] =	stream.linear.gather @!p1 [hbm4b:s2+s5], $0x800, $0x38;
	[tilespmem:$0x1D680] =	vst v63  }
.Ltmp33:
0x280: {  	_ = 	snop;
	(pc) =	sbr.rel @p0 .LBB2_45-.Ltmp33, $4  }
0x281: {  	s2 =	sshll.u32 @!p1 s3, $0x4  }
0x282: {  	s3 =	simm.s32 @!p1 $0xD600;
	s2 =	sadd.s32 @!p1 s1, s2  }
0x283: {  	[tilespmem:s3], [sflag:$0x1] =	stream.linear.gather @!p1 [hbm4b:s2+s5], $0x8000, $0x38;
	[tilespmem:$0x1D680] =	vst v63  }
0x284: {  	s3 =	simm.s32 $0x0  }
0x285: {  	v21 =	vmov s3;
	s2 =	sand.u32 $0x70, s3;
	s5 =	sand.u32 $0x400, s3  }
0x286: {  	v21 =	vshll.u32 v21, $0x3;
	s2 =	sor.u32 s2, s5  }
0x287: {  	v22 =	vor.u32 v0, v21;
	v21 =	vld [tilespmem:s2+$0xC580];
	_ =	sdelay $0x4  }
0x288: {  	[tilespmem:v22+s12+$0x0] =	vst.idx.msk $0xffff, v21  }
0x289: {  	v23 =	vor.u32 $0x1, v22;
	v21 =	vld [tilespmem:s2+$0xC600];
	_ =	sdelay $0x4  }
0x28a: {  	[tilespmem:v23+s12+$0x0] =	vst.idx.msk $0xffff, v21  }
0x28b: {  	v23 =	vor.u32 $0x2, v22;
	v21 =	vld [tilespmem:s2+$0xC680];
	_ =	sdelay $0x4  }
0x28c: {  	[tilespmem:v23+s12+$0x0] =	vst.idx.msk $0xffff, v21  }
0x28d: {  	v23 =	vor.u32 $0x3, v22;
	v21 =	vld [tilespmem:s2+$0xC700];
	_ =	sdelay $0x4  }
0x28e: {  	[tilespmem:v23+s12+$0x0] =	vst.idx.msk $0xffff, v21  }
0x28f: {  	v23 =	vor.u32 $0x4, v22;
	v21 =	vld [tilespmem:s2+$0xC780];
	_ =	sdelay $0x4  }
0x290: {  	[tilespmem:v23+s12+$0x0] =	vst.idx.msk $0xffff, v21  }
0x291: {  	v23 =	vor.u32 $0x5, v22;
	v21 =	vld [tilespmem:s2+$0xC800];
	_ =	sdelay $0x4  }
0x292: {  	[tilespmem:v23+s12+$0x0] =	vst.idx.msk $0xffff, v21  }
0x293: {  	v23 =	vor.u32 $0x6, v22;
	v21 =	vld [tilespmem:s2+$0xC880];
	_ =	sdelay $0x3  }
0x294: {  	s30 =	sor.u32 s3, s3  }
0x295: {  	s2 =	sor.u32 $0x380, s30;
	[tilespmem:v23+s12+$0x0] =	vst.idx.msk $0xffff, v21  }
0x296: {  	v22 =	vor.u32 $0x7, v22;
	v21 =	vld [tilespmem:s2+$0xC580];
	_ =	sdelay $0x2  }
0x297: {  	s3 =	simm.s32 $0x10;
	s5 =	simm.s32 $0x80  }
0x298: {  	s6 =	simm.s32 $0x20;
	s7 =	sand.u32 $0x70, s3;
	s8 =	sand.u32 $0x400, s5;
	v23 =	vmov s3  }
.LBB2_43:
0x299: {  	p0 =	sne.s32 s6, $0xF0;
	v23 =	vshll.u32 v23, $0x3;
	s2 =	sor.u32 s7, s8;
	[tilespmem:v22+s12+$0x0] =	vst.idx.msk $0xffff, v21  }
0x29a: {  	v22 =	vor.u32 v0, v23;
	v21 =	vld [tilespmem:s2+$0xC580];
	_ =	sdelay $0x4  }
0x29b: {  	[tilespmem:v22+s12+$0x0] =	vst.idx.msk $0xffff, v21  }
0x29c: {  	v23 =	vor.u32 $0x1, v22;
	v21 =	vld [tilespmem:s2+$0xC600];
	_ =	sdelay $0x4  }
0x29d: {  	[tilespmem:v23+s12+$0x0] =	vst.idx.msk $0xffff, v21  }
0x29e: {  	v23 =	vor.u32 $0x2, v22;
	v21 =	vld [tilespmem:s2+$0xC680];
	_ =	sdelay $0x4  }
0x29f: {  	[tilespmem:v23+s12+$0x0] =	vst.idx.msk $0xffff, v21  }
0x2a0: {  	v23 =	vor.u32 $0x3, v22;
	v21 =	vld [tilespmem:s2+$0xC700];
	_ =	sdelay $0x4  }
0x2a1: {  	[tilespmem:v23+s12+$0x0] =	vst.idx.msk $0xffff, v21  }
0x2a2: {  	v23 =	vor.u32 $0x4, v22;
	v21 =	vld [tilespmem:s2+$0xC780];
	_ =	sdelay $0x4  }
0x2a3: {  	[tilespmem:v23+s12+$0x0] =	vst.idx.msk $0xffff, v21  }
0x2a4: {  	v23 =	vor.u32 $0x5, v22;
	v21 =	vld [tilespmem:s2+$0xC800];
	_ =	sdelay $0x4  }
0x2a5: {  	[tilespmem:v23+s12+$0x0] =	vst.idx.msk $0xffff, v21  }
0x2a6: {  	v23 =	vor.u32 $0x6, v22;
	v21 =	vld [tilespmem:s2+$0xC880];
	_ =	sdelay $0x3  }
0x2a7: {  	s2 =	sor.u32 s5, s3;
	s3 =	smov.u32 s6  }
0x2a8: {  	s2 =	sor.u32 $0x380, s2;
	[tilespmem:v23+s12+$0x0] =	vst.idx.msk $0xffff, v21  }
.Ltmp34:
0x2a9: {  	v22 =	vor.u32 $0x7, v22;
	v21 =	vld [tilespmem:s2+$0xC580];
	(pc) =	sbr.rel @p0 .LBB2_43-.Ltmp34, $3  }
0x2aa: {  	_ =	sdelay $0x1  }
0x2ab: {  	s5 =	sadd.s32 $0x80, s5  }
0x2ac: {  	s6 =	sadd.s32 $0x10, s6;
	s7 =	sand.u32 $0x70, s3;
	s8 =	sand.u32 $0x400, s5;
	v23 =	vmov s3  }
0x2ad: {  	_ =	sdelay $0x3  }
0x2ae: {  	v23 =	vshll.u32 v23, $0x3;
	s2 =	sor.u32 s7, s8;
	[tilespmem:v22+s12+$0x0] =	vst.idx.msk $0xffff, v21  }
0x2af: {  	v21 =	vor.u32 v0, v23;
	v22 =	vld [tilespmem:s2+$0xC580];
	_ =	sdelay $0x4  }
0x2b0: {  	[tilespmem:v21+s12+$0x0] =	vst.idx.msk $0xffff, v22  }
0x2b1: {  	v23 =	vor.u32 $0x1, v21;
	v22 =	vld [tilespmem:s2+$0xC600];
	_ =	sdelay $0x4  }
0x2b2: {  	[tilespmem:v23+s12+$0x0] =	vst.idx.msk $0xffff, v22  }
0x2b3: {  	v23 =	vor.u32 $0x2, v21;
	v22 =	vld [tilespmem:s2+$0xC680];
	_ =	sdelay $0x4  }
0x2b4: {  	[tilespmem:v23+s12+$0x0] =	vst.idx.msk $0xffff, v22  }
0x2b5: {  	v23 =	vor.u32 $0x3, v21;
	v22 =	vld [tilespmem:s2+$0xC700];
	_ =	sdelay $0x4  }
0x2b6: {  	[tilespmem:v23+s12+$0x0] =	vst.idx.msk $0xffff, v22  }
0x2b7: {  	v23 =	vor.u32 $0x4, v21;
	v22 =	vld [tilespmem:s2+$0xC780];
	_ =	sdelay $0x4  }
0x2b8: {  	[tilespmem:v23+s12+$0x0] =	vst.idx.msk $0xffff, v22  }
0x2b9: {  	v23 =	vor.u32 $0x5, v21;
	v22 =	vld [tilespmem:s2+$0xC800];
	_ =	sdelay $0x4  }
0x2ba: {  	[tilespmem:v23+s12+$0x0] =	vst.idx.msk $0xffff, v22  }
0x2bb: {  	v23 =	vor.u32 $0x6, v21;
	v22 =	vld [tilespmem:s2+$0xC880];
	_ =	sdelay $0x3  }
0x2bc: {  	s30 =	sor.u32 s5, s3  }
0x2bd: {  	s2 =	sor.u32 $0x380, s30;
	[tilespmem:v23+s12+$0x0] =	vst.idx.msk $0xffff, v22  }
0x2be: {  	v21 =	vor.u32 $0x7, v21;
	v22 =	vld [tilespmem:s2+$0xC580];
	_ =	sdelay $0x4  }
0x2bf: {  	[tilespmem:v21+s12+$0x0] =	vst.idx.msk $0xffff, v22  }
.LBB2_45:
0x2c0: {  	v21 =	vld [tilespmem:$0xA0];
	_ =	sdelay $0x4  }
0x2c1: {  	(v2sf) =	vpush v21, $0x0;
	_ =	sdelay $0x7  }
0x2c2: {  	s2 =	sshll.u32 s28, $0x8  }
0x2c3: {  	s30 =	sadd.s32 s16, s2  }
0x2c4: {  	s2 =	ssub.s32 s17, s30  }
0x2c5: {  	p1 =	slt.s32 s2, $0x100  }
0x2c6: {  	p0 =	slt.s32 s28, s19;
	s2 =	simm.s32 @!p1 $0x100  }
0x2c7: {  	s2 =	simm.s32 @!p0 $0x0  }
0x2c8: {  	s28 =	sadd.s32 s30, s2  }
0x2c9: {  	s3 =	sadd.s32 $0xFFFFFFFF, s28;
	s8 =	spop (v2sf)  }
0x2ca: {  	s2 =	simm.s32 $0x50;
	p1 =	sgt.s32 s8, s3  }
0x2cb: {  	s2 =	simm.s32 @!p1 $0xF0  }
0x2cc: {  	v21 =	vld [tilespmem:s2+$0x0];
	_ =	sdelay $0x4  }
0x2cd: {  	(v2sf) =	vpush v21, $0x0;
	_ =	sdelay $0xe  }
0x2ce: {  	s5 =	simm.s32 $0xA0;
	s6 =	spop (v2sf)  }
0x2cf: {  	s7 =	simm.s32 $0x0;
	s5 =	simm.s32 @!p1 $0x140;
	p2 =	sgt.s32 s6, s3  }
0x2d0: {  	s7 =	simm.s32 @!p1 $0xA0;
	s6 =	smov.u32 s2;
	s5 =	smov.u32 @p2 s2  }
0x2d1: {  	s6 =	smov.u32 @p2 s7;
	s2 =	sadd.s32 $0xFFFFFFFF, s5  }
0x2d2: {  	s7 =	sxor.u32 s2, s6  }
0x2d3: {  	s2 =	sor.u32 s2, s6;
	s7 =	sshrl.u32 s7, $0x1  }
0x2d4: {  	s2 =	ssub.s32 s2, s7  }
0x2d5: {  	v21 =	vld [tilespmem:s2+$0x0];
	_ =	sdelay $0x4  }
0x2d6: {  	(v2sf) =	vpush v21, $0x0;
	_ =	sdelay $0xe  }
0x2d7: {  	s10 =	spop (v2sf)  }
0x2d8: {  	p1 =	sgt.s32 s10, s3  }
0x2d9: {  	s7 =	smov.u32 s2;
	s5 =	smov.u32 @p1 s2  }
0x2da: {  	s7 =	smov.u32 @p1 s6;
	s2 =	sadd.s32 $0xFFFFFFFF, s5  }
0x2db: {  	s6 =	sxor.u32 s2, s7  }
0x2dc: {  	s2 =	sor.u32 s2, s7;
	s6 =	sshrl.u32 s6, $0x1  }
0x2dd: {  	s2 =	ssub.s32 s2, s6  }
0x2de: {  	s6 =	sand.u32 $0x3FFFFFFF, s2  }
0x2df: {  	v21 =	vld [tilespmem:s6+$0x0];
	_ =	sdelay $0x4  }
0x2e0: {  	(v2sf) =	vpush v21, $0x0;
	_ =	sdelay $0xe  }
0x2e1: {  	s13 =	spop (v2sf)  }
0x2e2: {  	s6 =	smov.u32 s2;
	p1 =	sgt.s32 s13, s3  }
0x2e3: {  	s6 =	smov.u32 @p1 s7;
	s5 =	smov.u32 @p1 s2  }
0x2e4: {  	s2 =	sxor.u32 s6, s5  }
0x2e5: {  	s7 =	sand.u32 s6, s5;
	s2 =	sshrl.u32 s2, $0x1  }
0x2e6: {  	s2 =	sadd.s32 s2, s7  }
0x2e7: {  	v21 =	vld [tilespmem:s2+$0x0];
	_ =	sdelay $0x4  }
0x2e8: {  	(v2sf) =	vpush v21, $0x0;
	_ =	sdelay $0xe  }
0x2e9: {  	s14 =	spop (v2sf)  }
0x2ea: {  	s7 =	smov.u32 s2;
	p1 =	sgt.s32 s14, s3  }
0x2eb: {  	s7 =	smov.u32 @p1 s6;
	s5 =	smov.u32 @p1 s2  }
0x2ec: {  	s2 =	sxor.u32 s7, s5  }
0x2ed: {  	s6 =	sand.u32 s7, s5;
	s2 =	sshrl.u32 s2, $0x1  }
0x2ee: {  	s2 =	sadd.s32 s2, s6  }
0x2ef: {  	v21 =	vld [tilespmem:s2+$0x0];
	_ =	sdelay $0x4  }
0x2f0: {  	(v2sf) =	vpush v21, $0x0;
	_ =	sdelay $0xe  }
0x2f1: {  	s15 =	spop (v2sf)  }
0x2f2: {  	s6 =	smov.u32 s2;
	p1 =	sgt.s32 s15, s3  }
0x2f3: {  	s6 =	smov.u32 @p1 s7;
	s5 =	smov.u32 @p1 s2  }
0x2f4: {  	s2 =	sadd.s32 s6, s5  }
0x2f5: {  	s2 =	sshrl.u32 s2, $0x1  }
0x2f6: {  	v21 =	vld [tilespmem:s2+$0x0];
	_ =	sdelay $0x4  }
0x2f7: {  	(v2sf) =	vpush v21, $0x0;
	_ =	sdelay $0xe  }
0x2f8: {  	s23 =	spop (v2sf)  }
0x2f9: {  	s7 =	smov.u32 s2;
	p1 =	sgt.s32 s23, s3  }
0x2fa: {  	s7 =	smov.u32 @p1 s6;
	s5 =	smov.u32 @p1 s2  }
0x2fb: {  	s2 =	sadd.s32 s7, s5  }
0x2fc: {  	s2 =	sshrl.u32 s2, $0x1  }
0x2fd: {  	v21 =	vld [tilespmem:s2+$0x0];
	_ =	sdelay $0x4  }
0x2fe: {  	(v2sf) =	vpush v21, $0x0;
	_ =	sdelay $0xe  }
0x2ff: {  	s25 =	spop (v2sf)  }
0x300: {  	s6 =	smov.u32 s2;
	p1 =	sgt.s32 s25, s3  }
0x301: {  	s6 =	smov.u32 @p1 s7;
	s5 =	smov.u32 @p1 s2  }
0x302: {  	s2 =	sadd.s32 s6, s5  }
0x303: {  	s2 =	sshrl.u32 s2, $0x1  }
0x304: {  	v21 =	vld [tilespmem:s2+$0x0];
	_ =	sdelay $0x4  }
0x305: {  	(v2sf) =	vpush v21, $0x0;
	_ =	sdelay $0xe  }
0x306: {  	p1 =	sgt.s32 s0, s29;
	s29 =	spop (v2sf)  }
0x307: {  	s26 =	smov.u32 @p1 s31;
	p1 =	sgt.s32 s29, s3  }
0x308: {  	s0 =	sadd.s32 $0xFFFFFFFF, s26;
	s2 =	smov.u32 @p1 s6  }
0x309: {  	s0 =	smov.u32 @p0 s2  }
0x30a: {  	s25 =	sadd.s32 $0x1, s0  }
0x30b: {  	p0 =	sge.s32 s26, s25  }
.Ltmp35:
0x30c: {  	_ = 	snop;
	(pc) =	sbr.rel @p0 .LBB2_59-.Ltmp35, $1  }
0x30d: {  	_ =	sdelay $0x3  }
0x30e: {  	p0 =	slt.s32 s21, $0x4E100;
	s2 =	smov.u32 s21  }
.Ltmp36:
0x30f: {  	s2 =	simm.s32 @!p0 $0x4E100;
	(pc) =	sbr.rel .LBB2_47-.Ltmp36, $4  }
0x310: {  	s3 =	sshll.u32 s2, $0x5;
	s2 =	sshll.u32 s2, $0x9  }
0x311: {  	s3 =	ssub.s32 $0x0, s3;
	s2 =	ssub.s32 $0x0, s2  }
0x312: {  	s3 =	sshra.s32 s3, $0x2;
	s2 =	sshra.s32 s2, $0x2  }
0x313: {  	s3 =	sadd.s32 $0xCD80, s3;
	s13 =	sadd.s32 $0x15640, s2  }
.LBB2_49:
0x314: {  	v34 =	vmovc v15;
	v37 =	vmov v16;
	v38 =	vmov v14;
	v41 =	vmov v13  }
0x315: {  	s5 =	smov.u32 s15;
	v46 =	vmovc v12;
	v23 =	vmovc v17;
	v27 =	vmov v18;
	v28 =	vmov v19;
	v32 =	vmov v20  }
.LBB2_57:
0x316: {  	v43 =	vmul.f32 @p1 v44, v43;
	v44 =	vmul.f32 @p2 v47, v45  }
0x317: {  	v36 =	vpop @p0 (erf);
	v34 =	vadd.f32 @p1 v48, v34;
	(erf) = vpow2.f32 v42;
	v37 =	vadd.f32 @p1 v49, v37  }
0x318: {  	v42 =	vld @p0 [tilespmem:s5+$0xFFFFFFD0];
	v38 =	vadd.f32 @p1 v50, v38;
	v39 =	vpsel p1, v39, v0;
	v45 =	vperm.xlane @p0 v36, v9  }
0x319: {  	v52 =	vld @p0 [tilespmem:s5+$0xFFFFFFE0];
	v40 =	vpsel p1, v40, v0;
	v48 =	vperm.xlane @p0 v36, v1;
	v51 =	vperm.xlane @p0 v36, v2  }
0x31a: {  	v55 =	vld @p0 [tilespmem:s5+$0x10];
	v47 =	vnsel @p0 vm0, $0x0, v36;
	v49 =	vperm.xlane @p0 v36, v3;
	v50 =	vperm.xlane @p0 v36, v5  }
0x31b: {  	v53 =	vld @p0 [tilespmem:s5+$0xFFFFFFF0];
	v41 =	vadd.f32 @p1 v43, v41;
	v43 =	vperm.xlane @p0 v36, v7;
	v44 =	vadd.f32 @p2 v44, v46  }
0x31c: {  	v54 =	vld @p0 [tilespmem:s5+$0x0];
	v18 =	vadd.f32 @p0 v47, v18;
	v34 =	vpsel p1, v34, v15;
	v35 =	vmul.f32 @p0 v35, v45  }
0x31d: {  	v45 =	vperm.xlane @p0 v36, v4;
	v33 =	vmul.f32 @p0 v33, v48;
	v22 =	vpsel p0, v43, v22  }
0x31e: {  	v18 =	vpsel p0, v18, v27;
	v17 =	vadd.f32 @p0 v35, v17;
	v35 =	vperm.xlane @p0 v36, v8  }
0x31f: {  	v42 =	vmul.f32 @p0 v42, v51;
	v46 =	vmul.f32 @p0 v52, v49;
	v24 =	vpsel p0, v55, v24  }
0x320: {  	v19 =	vadd.f32 @p0 v33, v19;
	v33 =	vmul.f32 @p0 v53, v45;
	v22 =	vmul.f32 @p0 v24, v22  }
0x321: {  	v24 =	vmul.f32 @p1 v40, v39;
	v20 =	vadd.f32 @p0 v42, v20;
	v42 =	vmul.f32 @p0 v54, v50  }
0x322: {  	v29 =	vpsel p0, v46, v29;
	v25 =	vpsel p0, v35, v25;
	v35 =	vpsel p1, v37, v16  }
0x323: {  	s2 =	sadd.s32 @p0 $0x80, s5;
	v36 =	vld @p0 [tilespmem:s5+$0x20];
	v30 =	vpsel p0, v33, v30;
	v33 =	vpsel p1, v38, v14;
	v37 =	vpsel p1, v41, v13  }
0x324: {  	s15 =	smov.u32 @p0 s2;
	v17 =	vpsel p0, v17, v23;
	v23 =	vpsel p2, v44, v12;
	v29 =	vadd.f32 @p0 v29, v34  }
0x325: {  	v62 =	vld [tilespmem:s15+$0x30];
	v19 =	vpsel p0, v19, v28;
	v30 =	vadd.f32 @p0 v30, v35;
	v22 =	vadd.f32 @p0 v22, v37  }
0x326: {  	v63 =	vld [tilespmem:s15+$0xFFFFFFC0];
	v23 =	vadd.f32 @p1 v24, v23;
	v25 =	vpsel p0, v25, v0;
	v31 =	vpsel p0, v42, v31;
	v45 =	vpop (erf)  }
0x327: {  	v47 =	vld [tilespmem:s15+$0xFFFFFFD0];
	v20 =	vpsel p0, v20, v32;
	v48 =	vperm.xlane v45, v9;
	v49 =	vperm.xlane v45, v1  }
0x328: {  	v51 =	vld [tilespmem:s15+$0xFFFFFFE0];
	v26 =	vpsel p0, v36, v26;
	v50 =	vperm.xlane v45, v2;
	v52 =	vperm.xlane v45, v3  }
0x329: {  	v53 =	vld [tilespmem:s15+$0xFFFFFFF0];
	v46 =	vnsel vm0, $0x0, v45;
	v54 =	vperm.xlane v45, v4;
	v55 =	vperm.xlane v45, v5  }
0x32a: {  	v56 =	vld [tilespmem:s15+$0x0];
	v31 =	vadd.f32 @p0 v31, v33;
	v57 =	vperm.xlane v45, v7;
	v28 =	vperm.xlane v45, v8  }
0x32b: {  	v59 =	vld [tilespmem:s15+$0x20];
	v15 =	vpsel p0, v29, v15;
	v16 =	vpsel p0, v30, v16;
	v23 =	vpsel p1, v23, v12  }
0x32c: {  	v58 =	vld [tilespmem:s15+$0x10];
	v13 =	vpsel p0, v22, v13;
	v24 =	vmovc @p0 v26;
	v36 =	vmul.f32 v62, v48;
	v27 =	vmul.f32 v63, v49  }
0x32d: {  	v60 =	vmul.f32 v47, v50;
	v61 =	vmul.f32 v51, v52;
	v24 =	vpsel p0, v24, v0  }
0x32e: {  	v18 =	vadd.f32 v46, v18;
	v33 =	vmul.f32 v53, v54;
	v24 =	vmul.f32 @p0 v24, v25  }
0x32f: {  	v62 =	vmul.f32 v56, v55;
	v14 =	vpsel p0, v31, v14;
	v17 =	vadd.f32 v36, v17  }
0x330: {  	v63 =	vmul.f32 v59, v28;
	v19 =	vadd.f32 v27, v19;
	v22 =	vadd.f32 @p0 v24, v23  }
0x331: {  	v20 =	vadd.f32 v60, v20;
	v15 =	vadd.f32 v61, v15;
	v23 =	vmul.f32 v58, v57  }
0x332: {  	v16 =	vadd.f32 v33, v16;
	v14 =	vadd.f32 v62, v14;
	v12 =	vpsel p0, v22, v12  }
0x333: {  	v13 =	vadd.f32 v23, v13;
	v12 =	vadd.f32 v63, v12  }
.LBB2_58:
0x334: {  	p0 =	sgt.s32 s14, s28  }
0x335: {  	vm1 =	vmmov @!p0 $0xff  }
0x336: {  	v21 =	vnsel @!p0 vm1, $0x0, v21  }
0x337: {  	v21 =	vmul.f32 @!p0 v21, v10;
	_ =	sdelay $0x1  }
0x338: {  	v21 =	vadd.f32 @!p0 v21, v11;
	_ =	sdelay $0x1  }
0x339: {  	v21 =	vmax.f32 @!p0 v21, $0.0e+00  }
0x33a: {  	v21 =	vadd.f32 @!p0 v21, v21;
	_ =	sdelay $0x1  }
0x33b: {  	v21 =	vmul.f32 @!p0 $1.442695020e+00, v21;
	_ =	sdelay $0x1  }
0x33c: {  	(erf) = vpow2.f32 @!p0 v21;
	_ =	sdelay $0x8  }
0x33d: {  	v21 =	vpop @!p0 (erf)  }
0x33e: {  	v21 =	vadd.f32 @!p0 $1.000000000e+00, v21;
	_ =	sdelay $0x1  }
0x33f: {  	(erf) = vrcp.f32 @!p0 v21;
	_ =	sdelay $0x1  }
0x340: {  	v21 =	vadd.f32 @!p0 $9.999999960e-13, v18;
	_ =	sdelay $0x1  }
0x341: {  	(erf) = vrcp.f32 @!p0 v21;
	_ =	sdelay $0x4  }
0x342: {  	v21 =	vpop @!p0 (erf)  }
0x343: {  	v21 =	vadd.f32 @!p0 v21, v21;
	_ =	sdelay $0x1  }
0x344: {  	v21 =	vsub.f32 @!p0 $1.000000000e+00, v21  }
0x345: {  	v22 =	vpop @!p0 (erf)  }
0x346: {  	p1 =	sgt.s32 @!p0 s10, $0x0;
	v21 =	vmul.f32 @!p0 v22, v21  }
0x347: {  	p1 =	por !p1, p0  }
0x348: {  	v22 =	vimm.s32 @!p0 $0x0;
	v21 =	vpsel p1, $0x0, v21  }
0x349: {  	v23 =	vimm.s32 @!p0 $0x1;
	v22 =	vperm.xlane @!p0 v21, v22  }
0x34a: {  	v24 =	vimm.s32 @!p0 $0x2;
	v23 =	vperm.xlane @!p0 v21, v23  }
0x34b: {  	s2 =	sshll.u32 @!p0 s26, $0x9;
	v25 =	vimm.s32 @!p0 $0x3;
	v24 =	vperm.xlane @!p0 v21, v24;
	v22 =	vmul.f32 @!p0 v22, v19  }
0x34c: {  	v26 =	vimm.s32 @!p0 $0x4;
	s2 =	sshra.s32 @!p0 s2, $0x2;
	v25 =	vperm.xlane @!p0 v21, v25;
	v23 =	vmul.f32 @!p0 v23, v20  }
0x34d: {  	[tilespmem:s2+$0x1580] =	vst @!p0 v22;
	v22 =	vmul.f32 @!p0 v24, v15;
	v24 =	vperm.xlane @!p0 v21, v26;
	v26 =	vimm.s32 @!p0 $0x5  }
0x34e: {  	[tilespmem:s2+$0x1590] =	vst @!p0 v23;
	v23 =	vmul.f32 @!p0 v25, v16;
	v25 =	vperm.xlane @!p0 v21, v26;
	v26 =	vimm.s32 @!p0 $0x6  }
0x34f: {  	p1 =	sne.s32 s26, s0;
	[tilespmem:s2+$0x15A0] =	vst @!p0 v22;
	v22 =	vmul.f32 @!p0 v24, v14;
	v24 =	vperm.xlane @!p0 v21, v26;
	v26 =	vimm.s32 @!p0 $0x7  }
.Ltmp37:
0x350: {  	[tilespmem:s2+$0x15B0] =	vst @!p0 v23;
	v21 =	vperm.xlane @!p0 v21, v26;
	v23 =	vmul.f32 @!p0 v25, v13;
	(pc) =	sbr.rel @!p1 .LBB2_59-.Ltmp37, $4  }
0x351: {  	[tilespmem:s2+$0x15C0] =	vst @!p0 v22;
	v22 =	vmul.f32 @!p0 v24, v12  }
0x352: {  	[tilespmem:s2+$0x15D0] =	vst @!p0 v23;
	v21 =	vmul.f32 @!p0 v21, v17  }
0x353: {  	s5 =	sadd.s32 $0x1, s26;
	[tilespmem:s2+$0x15E0] =	vst @!p0 v22  }
0x354: {  	s26 =	smov.u32 s5;
	[tilespmem:s2+$0x15F0] =	vst @!p0 v21  }
.LBB2_47:
0x355: {  	v21 =	vld [tilespmem:s26+$0x0]  }
0x356: {  	v22 =	vld [tilespmem:s26+$0x1];
	_ =	sdelay $0x3  }
0x357: {  	(v2sf) =	vpush v21, $0x0  }
0x358: {  	(v2sf) =	vpush v22, $0x0;
	_ =	sdelay $0xd  }
0x359: {  	s5 =	spop (v2sf)  }
0x35a: {  	s2 =	smov.u32 s30;
	s14 =	spop (v2sf)  }
0x35b: {  	s6 =	smov.u32 s28;
	p0 =	sgt.s32 s5, s30;
	p1 =	slt.s32 s14, s28  }
0x35c: {  	s2 =	smov.u32 @p0 s5;
	s6 =	smov.u32 @p1 s14  }
0x35d: {  	s7 =	ssub.s32 s2, s30;
	s6 =	ssub.s32 s6, s30  }
0x35e: {  	p1 =	sge.s32 s7, s6  }
.Ltmp38:
0x35f: {  	s8 =	sshll.u32 s26, $0x6;
	(pc) =	sbr.rel @p1 .LBB2_58-.Ltmp38, $4  }
0x360: {  	s31 =	sshra.s32 s8, $0x2;
	p6 =	slt.s32 s5, s30  }
0x361: {  	v21 =	vld [tilespmem:s31+$0x180];
	v18 =	vpsel !p6, $0x0, v18;
	v19 =	vpsel !p6, $0x0, v19;
	v20 =	vpsel !p6, $0x0, v20  }
0x362: {  	v15 =	vpsel !p6, $0x0, v15;
	v16 =	vpsel !p6, $0x0, v16;
	v14 =	vpsel !p6, $0x0, v14  }
0x363: {  	v13 =	vpsel !p6, $0x0, v13;
	v12 =	vpsel !p6, $0x0, v12;
	v17 =	vpsel !p6, $0x0, v17;
	s10 =	ssub.s32 s14, s5  }
0x364: {  	p0 =	sgt.s32 s10, $0x1;
	s2 =	smov.u32 s10  }
0x365: {  	s2 =	simm.s32 @!p0 $0x1  }
0x366: {  	s2 =	scvt.s32.f32 s2;
	_ =	sdelay $0x1  }
0x367: {  	s8 =	smul.f32 $5.000000000e-01, s2;
	s2 =	sshrl.u32 s2, $0x1  }
0x368: {  	s2 =	ssub.s32 $0x5F3759DF, s2  }
0x369: {  	s15 =	smul.f32 s2, s8;
	_ =	sdelay $0x1  }
0x36a: {  	s15 =	smul.f32 s2, s15;
	_ =	sdelay $0x1  }
0x36b: {  	s15 =	ssub.f32 $1.500000000e+00, s15;
	_ =	sdelay $0x1  }
0x36c: {  	s2 =	smul.f32 s2, s15;
	_ =	sdelay $0x1  }
0x36d: {  	s15 =	smul.f32 s2, s8;
	_ =	sdelay $0x1  }
0x36e: {  	s15 =	smul.f32 s15, s2;
	_ =	sdelay $0x1  }
0x36f: {  	s15 =	ssub.f32 $1.500000000e+00, s15;
	_ =	sdelay $0x1  }
0x370: {  	s23 =	smov.u32 s21;
	p0 =	sgt.s32 s5, s21;
	s2 =	smul.f32 s15, s2  }
0x371: {  	s23 =	smov.u32 @p0 s5  }
0x372: {  	s5 =	sshll.u32 s23, $0x5;
	s8 =	smul.f32 s2, s8  }
0x373: {  	s5 =	sshra.s32 s5, $0x2  }
0x374: {  	s29 =	sadd.s32 s5, s3;
	s15 =	smul.f32 s8, s2  }
0x375: {  	v22 =	vld [tilespmem:s29+$0x0]  }
0x376: {  	s5 =	ssub.f32 $1.500000000e+00, s15;
	_ =	sdelay $0x1  }
0x377: {  	s2 =	smul.f32 s5, s2;
	s5 =	sadd.s32 $0x1, s7  }
0x378: {  	p3 =	slt.s32 s5, s6  }
.Ltmp39:
0x379: {  	v22 =	vsub.f32 v22, v21;
	(pc) =	sbr.rel @!p3 .LBB2_49-.Ltmp39, $4  }
0x37a: {  	v36 =	vmov s2  }
0x37b: {  	s31 =	sshll.u32 s23, $0x9;
	v22 =	vmul.f32 v22, v36  }
0x37c: {  	p1 =	por $0x0, $0x0;
	p2 =	por $0x0, $0x0;
	s2 =	sshra.s32 s31, $0x2  }
0x37d: {  	p0 =	por $0x0, $0x0;
	s7 =	sadd.s32 $0x8, s29;
	s15 =	sadd.s32 s2, s13;
	v42 =	vmul.f32 $1.442695020e+00, v22  }
0x37e: {  	v22 =	vld [tilespmem:s7+$0x0];
	_ =	sdelay $0x1  }
0x37f: {  	(erf) = vpow2.f32 v42  }
0x380: {  	s5 =	sadd.s32 $0x1, s5  }
0x381: {  	p3 =	slt.s32 s5, s6  }
.Ltmp40:
0x382: {  	v22 =	vsub.f32 v22, v21;
	(pc) =	sbr.rel @!p3 .LBB2_51-.Ltmp40, $4  }
0x383: {  	_ = 	snop  }
0x384: {  	v22 =	vmul.f32 v22, v36  }
0x385: {  	v35 =	vld [tilespmem:s15+$0x30]  }
0x386: {  	s8 =	sadd.s32 $0x8, s7;
	v33 =	vld [tilespmem:s15+$0xFFFFFFC0];
	p0 =	por $0x1, $0x1;
	v42 =	vmul.f32 $1.442695020e+00, v22  }
0x387: {  	v22 =	vld [tilespmem:s8+$0x0]  }
0x388: {  	v28 =	vld [tilespmem:s15+$0xFFFFFFD0];
	v25 =	vpop (erf)  }
0x389: {  	v29 =	vld [tilespmem:s15+$0xFFFFFFE0];
	(erf) = vpow2.f32 v42;
	v23 =	vperm.xlane v25, v9  }
0x38a: {  	v32 =	vld [tilespmem:s15+$0xFFFFFFF0];
	v26 =	vperm.xlane v25, v1;
	v30 =	vperm.xlane v25, v2  }
0x38b: {  	v37 =	vld [tilespmem:s15+$0x0];
	s7 =	sadd.s32 $0x1, s5;
	v31 =	vperm.xlane v25, v3;
	v34 =	vperm.xlane v25, v4  }
0x38c: {  	p3 =	slt.s32 s7, s6;
	v27 =	vnsel vm0, $0x0, v25;
	v38 =	vperm.xlane v25, v5;
	v23 =	vmul.f32 v35, v23  }
.Ltmp41:
0x38d: {  	v62 =	vsub.f32 v22, v21;
	v22 =	vperm.xlane v25, v7;
	v25 =	vperm.xlane v25, v8;
	(pc) =	sbr.rel @!p3 .LBB2_53-.Ltmp41, $4  }
0x38e: {  	v24 =	vld [tilespmem:s15+$0x10];
	s5 =	sadd.s32 $0x80, s15;
	v27 =	vadd.f32 v27, v18;
	v18 =	vmul.f32 v28, v30;
	v29 =	vmul.f32 v29, v31  }
0x38f: {  	v35 =	vld [tilespmem:s5+$0x30];
	v23 =	vadd.f32 v23, v17;
	v17 =	vmul.f32 v33, v26;
	v63 =	vmul.f32 v62, v36  }
0x390: {  	v30 =	vmul.f32 v32, v34;
	v31 =	vmul.f32 v37, v38;
	v26 =	vld [tilespmem:s15+$0x20]  }
0x391: {  	s8 =	sadd.s32 $0x8, s8;
	p1 =	por $0x1, $0x1;
	v33 =	vld [tilespmem:s5+$0xFFFFFFC0];
	v32 =	vadd.f32 v18, v20;
	v28 =	vadd.f32 v17, v19;
	v42 =	vmul.f32 $1.442695020e+00, v63  }
0x392: {  	v17 =	vld [tilespmem:s8+$0x0]  }
0x393: {  	v18 =	vpop (erf);
	v20 =	vld [tilespmem:s5+$0xFFFFFFD0];
	v19 =	vmul.f32 v24, v22;
	(erf) = vpow2.f32 v42  }
0x394: {  	v46 =	vld [tilespmem:s5+$0xFFFFFFE0];
	v38 =	vperm.xlane v18, v9;
	v39 =	vperm.xlane v18, v1  }
0x395: {  	v34 =	vadd.f32 v29, v15;
	v49 =	vld [tilespmem:s5+$0xFFFFFFF0];
	v45 =	vperm.xlane v18, v2;
	v47 =	vperm.xlane v18, v3  }
0x396: {  	v37 =	vadd.f32 v30, v16;
	v52 =	vld [tilespmem:s5+$0x0];
	s7 =	sadd.s32 $0x1, s7;
	v50 =	vperm.xlane v18, v4;
	v51 =	vperm.xlane v18, v5  }
0x397: {  	v63 =	vnsel vm0, $0x0, v18;
	v43 =	vperm.xlane v18, v7;
	p3 =	slt.s32 s7, s6;
	v35 =	vmul.f32 v35, v38  }
.Ltmp42:
0x398: {  	v44 =	vld [tilespmem:s5+$0x10];
	v41 =	vadd.f32 v19, v13;
	v33 =	vmul.f32 v33, v39;
	v19 =	vsub.f32 v17, v21;
	(pc) =	sbr.rel @!p3 .LBB2_55-.Ltmp42, $4  }
0x399: {  	v40 =	vld [tilespmem:s5+$0x20];
	v38 =	vadd.f32 v31, v14;
	v39 =	vperm.xlane v18, v8;
	v20 =	vmul.f32 v20, v45  }
0x39a: {  	s5 =	sadd.s32 $0x80, s5;
	v18 =	vadd.f32 v63, v27;
	v48 =	vmul.f32 v46, v47;
	v53 =	vmul.f32 v19, v36  }
0x39b: {  	v17 =	vadd.f32 v35, v23;
	v35 =	vld [tilespmem:s5+$0x30];
	v49 =	vmul.f32 v49, v50;
	v50 =	vmul.f32 v52, v51;
	v45 =	vmovc v25  }
0x39c: {  	s8 =	sadd.s32 $0x8, s8;
	p2 =	por $0x1, $0x1;
	v47 =	vmovc v26;
	v46 =	vmovc v12;
	v19 =	vadd.f32 v33, v28;
	v33 =	vld [tilespmem:s5+$0xFFFFFFC0];
	v20 =	vadd.f32 v20, v32;
	v42 =	vmul.f32 $1.442695020e+00, v53  }
.LBB2_56:
0x39d: {  	v51 =	vld [tilespmem:s8+$0x0];
	s7 =	sadd.s32 $0x1, s7;
	v52 =	vpop (erf);
	v34 =	vadd.f32 v48, v34;
	v43 =	vmul.f32 v44, v43;
	v48 =	vmul.f32 v47, v45  }
0x39e: {  	v45 =	vmovc v39;
	v47 =	vmovc v40;
	p3 =	slt.s32 s7, s6;
	(erf) = vpow2.f32 v42;
	v42 =	vnsel vm0, $0x0, v52;
	v53 =	vld [tilespmem:s5+$0xFFFFFFD0];
	v44 =	vperm.xlane v52, v9  }
0x39f: {  	v37 =	vadd.f32 v49, v37;
	v39 =	vperm.xlane v52, v1;
	v54 =	vperm.xlane v52, v2;
	v55 =	vld [tilespmem:s5+$0xFFFFFFE0]  }
0x3a0: {  	v38 =	vadd.f32 v50, v38;
	v49 =	vperm.xlane v52, v3;
	v56 =	vld [tilespmem:s5+$0xFFFFFFF0];
	v35 =	vmul.f32 v35, v44  }
0x3a1: {  	v50 =	vperm.xlane v52, v4;
	v57 =	vperm.xlane v52, v5;
	v41 =	vadd.f32 v43, v41;
	v58 =	vld [tilespmem:s5+$0x0]  }
.Ltmp43:
0x3a2: {  	v43 =	vperm.xlane v52, v7;
	v51 =	vsub.f32 v51, v21;
	v44 =	vld [tilespmem:s5+$0x10];
	v17 =	vadd.f32 v35, v17;
	(pc) =	sbr.rel @p3 .LBB2_56-.Ltmp43, $4  }
0x3a3: {  	v46 =	vadd.f32 v48, v46;
	v33 =	vmul.f32 v33, v39;
	v39 =	vperm.xlane v52, v8;
	v40 =	vld [tilespmem:s5+$0x20]  }
0x3a4: {  	v18 =	vadd.f32 v42, v18;
	v52 =	vmul.f32 v53, v54;
	s5 =	sadd.s32 $0x80, s5;
	v51 =	vmul.f32 v51, v36  }
0x3a5: {  	v19 =	vadd.f32 v33, v19;
	v48 =	vmul.f32 v55, v49;
	v35 =	vld [tilespmem:s5+$0x30];
	v49 =	vmul.f32 v56, v50  }
0x3a6: {  	s8 =	sadd.s32 $0x8, s8;
	v20 =	vadd.f32 v52, v20;
	v42 =	vmul.f32 $1.442695020e+00, v51;
	v33 =	vld [tilespmem:s5+$0xFFFFFFC0];
	v50 =	vmul.f32 v58, v57  }
.Ltmp44:
0x3a7: {  	_ = 	snop;
	(pc) =	sbr.rel .LBB2_57-.Ltmp44, $1  }
0x3a8: {  	_ =	sdelay $0x3  }
.LBB2_51:
.Ltmp45:
0x3a9: {  	(pc) =	sbr.rel .LBB2_57-.Ltmp45, $3  }
0x3aa: {  	_ =	sdelay $0x1  }
0x3ab: {  	v34 =	vmovc v15;
	v37 =	vmov v16;
	v38 =	vmov v14;
	v41 =	vmov v13  }
0x3ac: {  	s5 =	smov.u32 s15;
	v46 =	vmovc v12;
	v23 =	vmovc v17;
	v27 =	vmov v18;
	v28 =	vmov v19;
	v32 =	vmov v20  }
.LBB2_53:
.Ltmp46:
0x3ad: {  	(pc) =	sbr.rel .LBB2_57-.Ltmp46, $4  }
0x3ae: {  	v34 =	vmov v15  }
0x3af: {  	v48 =	vmovc v29;
	v43 =	vmovc v22;
	v39 =	vmov v25;
	v37 =	vmov v16;
	v49 =	vmov v30  }
0x3b0: {  	v38 =	vmovc v14;
	v50 =	vmovc v31;
	v41 =	vmov v13;
	v17 =	vmov v23;
	v46 =	vmov v12  }
0x3b1: {  	v18 =	vmovc v27;
	v44 =	vmovc v24;
	v19 =	vmov v28;
	v20 =	vmov v32;
	v40 =	vmov v26  }
.LBB2_55:
.Ltmp47:
0x3b2: {  	(pc) =	sbr.rel .LBB2_57-.Ltmp47, $2  }
0x3b3: {  	_ =	sdelay $0x2  }
0x3b4: {  	v45 =	vmov v25;
	v47 =	vmov v26;
	v46 =	vmov v12  }
.LBB2_19:
0x3b5: {  	p0 =	sgt.s32 s25, $0x13F  }
.Ltmp48:
0x3b6: {  	_ = 	snop;
	(pc) =	sbr.rel @p0 .LBB2_64-.Ltmp48, $4  }
.Ltmp49:
0x3b7: {  	_ = 	snop;
	(pc) =	sbr.rel @!p0 .LBB2_20-.Ltmp49, $4  }
0x3b8: {  	_ = 	snop  }
0x3b9: {  	_ = 	snop  }
0x3ba: {  	s18 =	simm.s32 $0x0;
	s22 =	rddreg [dreg:$0x8]  }
0x3bb: {  	_ = 	snop  }
.LBB2_18:
0x3bc: {  	s25 =	simm.s32 $0x0  }
.LBB2_20:
0x3bd: {  	v10 =	vmul.f32 $0.0e+00, v10;
	_ =	sdelay $0x1  }
0x3be: {  	v10 =	vadd.f32 v11, v10;
	_ =	sdelay $0x1  }
0x3bf: {  	v10 =	vmax.f32 v10, $0.0e+00  }
0x3c0: {  	v10 =	vadd.f32 v10, v10;
	_ =	sdelay $0x1  }
0x3c1: {  	v10 =	vmul.f32 $1.442695020e+00, v10;
	_ =	sdelay $0x1  }
0x3c2: {  	(erf) = vpow2.f32 v10;
	_ =	sdelay $0x8  }
0x3c3: {  	v10 =	vpop (erf)  }
0x3c4: {  	v10 =	vadd.f32 $1.000000000e+00, v10;
	_ =	sdelay $0x1  }
0x3c5: {  	(erf) = vrcp.f32 v10;
	_ =	sdelay $0x6  }
0x3c6: {  	s3 =	sshll.u32 s25, $0x2  }
0x3c7: {  	s5 =	ssub.s32 $0x140, s25;
	s3 =	sshra.s32 s3, $0x2  }
0x3c8: {  	p1 =	sne.s32 s5, $0x1;
	s3 =	sadd.s32 $0x1, s3;
	v10 =	vpop (erf)  }
.Ltmp50:
0x3c9: {  	v11 =	vld [tilespmem:s3+$0x0];
	v10 =	vadd.f32 v10, v10;
	(pc) =	sbr.rel @!p1 .LBB2_21-.Ltmp50, $4  }
0x3ca: {  	v12 =	vld [tilespmem:s3+$0xFFFFFFFF]  }
0x3cb: {  	s0 =	sshll.u32 s25, $0x9;
	v10 =	vsub.f32 $1.000000000e+00, v10  }
0x3cc: {  	s0 =	sshra.s32 s0, $0x2  }
0x3cd: {  	p0 =	por $0x0, $0x0;
	s6 =	sadd.s32 $0xFFFFFFFF, s5;
	s0 =	sadd.s32 $0x15C0, s0;
	v10 =	vmul.f32 v10, v6  }
0x3ce: {  	(v2sf) =	vpush v11, $0x0  }
0x3cf: {  	(v2sf) =	vpush v12, $0x0;
	_ =	sdelay $0xd  }
0x3d0: {  	s2 =	spop (v2sf)  }
0x3d1: {  	s5 =	spop (v2sf)  }
0x3d2: {  	s2 =	ssub.s32 s2, s5  }
0x3d3: {  	p0 =	sgt.s32 s2, $0x0  }
0x3d4: {  	v11 =	vpsel !p0, $0x0, v10  }
0x3d5: {  	v12 =	vperm.xlane v11, v1  }
0x3d6: {  	v13 =	vperm.xlane v11, v2  }
0x3d7: {  	v14 =	vperm.xlane v11, v3;
	v12 =	vmul.f32 $0.0e+00, v12  }
0x3d8: {  	v15 =	vperm.xlane v11, v4;
	v13 =	vmul.f32 $0.0e+00, v13  }
0x3d9: {  	v16 =	vperm.xlane v11, v7;
	v14 =	vmul.f32 $0.0e+00, v14;
	[tilespmem:s0+$0xFFFFFFC0] =	vst v12  }
0x3da: {  	v15 =	vmul.f32 $0.0e+00, v15;
	v12 =	vperm.xlane v11, v5;
	[tilespmem:s0+$0xFFFFFFD0] =	vst v13  }
0x3db: {  	v13 =	vperm.xlane v11, v8;
	[tilespmem:s0+$0xFFFFFFE0] =	vst v14;
	v14 =	vmul.f32 $0.0e+00, v16  }
0x3dc: {  	v11 =	vperm.xlane v11, v9;
	[tilespmem:s0+$0xFFFFFFF0] =	vst v15;
	v12 =	vmul.f32 $0.0e+00, v12  }
0x3dd: {  	v13 =	vmul.f32 $0.0e+00, v13;
	[tilespmem:s0+$0x10] =	vst v14  }
0x3de: {  	v11 =	vmul.f32 $0.0e+00, v11;
	[tilespmem:s0+$0x0] =	vst v12  }
0x3df: {  	[tilespmem:s0+$0x20] =	vst v13  }
0x3e0: {  	p1 =	sne.s32 s6, $0x1;
	s5 =	sadd.s32 $0x1, s3;
	[tilespmem:s0+$0x30] =	vst v11  }
.Ltmp51:
0x3e1: {  	v11 =	vld [tilespmem:s5+$0x0];
	(pc) =	sbr.rel @!p1 .LBB2_61-.Ltmp51, $2  }
0x3e2: {  	v12 =	vld [tilespmem:s5+$0xFFFFFFFF];
	_ =	sdelay $0x2  }
0x3e3: {  	s6 =	sadd.s32 $0xFFFFFFFF, s6;
	s3 =	smov.u32 s0;
	p0 =	por $0x1, $0x1  }
.LBB2_62:
0x3e4: {  	p1 =	sne.s32 s6, $0x1;
	_ =	sdelay $0x2  }
0x3e5: {  	(v2sf) =	vpush v11, $0x0  }
0x3e6: {  	(v2sf) =	vpush v12, $0x0;
	_ =	sdelay $0xd  }
0x3e7: {  	s2 =	spop (v2sf)  }
0x3e8: {  	s7 =	spop (v2sf)  }
0x3e9: {  	s2 =	ssub.s32 s2, s7  }
0x3ea: {  	p2 =	sgt.s32 s2, $0x0  }
0x3eb: {  	v11 =	vpsel !p2, $0x0, v10  }
0x3ec: {  	v12 =	vperm.xlane v11, v1;
	v13 =	vperm.xlane v11, v2  }
0x3ed: {  	v14 =	vperm.xlane v11, v3;
	v15 =	vperm.xlane v11, v4  }
0x3ee: {  	v12 =	vmul.f32 $0.0e+00, v12;
	v13 =	vmul.f32 $0.0e+00, v13  }
0x3ef: {  	s3 =	sadd.s32 $0x80, s3;
	v14 =	vmul.f32 $0.0e+00, v14;
	v15 =	vmul.f32 $0.0e+00, v15  }
0x3f0: {  	v16 =	vperm.xlane v11, v7;
	[tilespmem:s3+$0xFFFFFFC0] =	vst v12;
	v12 =	vperm.xlane v11, v5  }
0x3f1: {  	[tilespmem:s3+$0xFFFFFFD0] =	vst v13;
	v13 =	vperm.xlane v11, v8;
	v11 =	vperm.xlane v11, v9  }
0x3f2: {  	[tilespmem:s3+$0xFFFFFFE0] =	vst v14;
	v12 =	vmul.f32 $0.0e+00, v12;
	v14 =	vmul.f32 $0.0e+00, v16  }
0x3f3: {  	[tilespmem:s3+$0xFFFFFFF0] =	vst v15;
	v13 =	vmul.f32 $0.0e+00, v13;
	v11 =	vmul.f32 $0.0e+00, v11  }
0x3f4: {  	[tilespmem:s3+$0x0] =	vst v12  }
.Ltmp52:
0x3f5: {  	[tilespmem:s3+$0x10] =	vst v14;
	(pc) =	sbr.rel @p1 .LBB2_62-.Ltmp52, $4  }
0x3f6: {  	[tilespmem:s3+$0x20] =	vst v13  }
0x3f7: {  	s5 =	sadd.s32 $0x1, s5;
	[tilespmem:s3+$0x30] =	vst v11  }
0x3f8: {  	v11 =	vld [tilespmem:s5+$0x0]  }
0x3f9: {  	s6 =	sadd.s32 $0xFFFFFFFF, s6;
	v12 =	vld [tilespmem:s5+$0xFFFFFFFF]  }
.Ltmp53:
0x3fa: {  	_ = 	snop;
	(pc) =	sbr.rel .LBB2_63-.Ltmp53, $1  }
0x3fb: {  	_ =	sdelay $0x3  }
.LBB2_61:
.Ltmp54:
0x3fc: {  	(pc) =	sbr.rel .LBB2_63-.Ltmp54, $2  }
0x3fd: {  	_ =	sdelay $0x2  }
0x3fe: {  	s3 =	smov.u32 s0  }
.LBB2_65:
0x3ff: {  	_ =	sfence.sel $0x180000  }
0x400: {  	[bflag:$0x0] =	sbarrier.arrive $0xFFFF  }
0x401: {  	_ =	strace $0x90000047  }
0x402: {  	s0 =	stileid.u32;
	[bflag:$0x2] =	sbarrier.arrive $0xFFFF  }
0x403: {  	p0 =	sne.s32 s0, $0x0;
	s0 =	rddreg [dreg:$0x3]  }
0x404: {  	s0 =	sadd.s32 @!p0 $0x100000, s0  }
0x405: {  	[sflag:s0] =	ssyncadd.tile.s32 @!p0 $0x1;
	_ =	shalt  }
.Lfunc_end2:
_tile_overlayer_lowered:
.L_overlay_start_2:
0x406: {  	(tag) =	ssettag $0x2  }
0x407: {  	s0 =	rddreg [dreg:$0x0];
	s2 =	stileid.u32  }
0x408: {  	s1 =	rddreg [dreg:$0x1];
	p0 =	sne.s32 s2, $0x0  }
0x409: {  	s3 =	rddreg [dreg:$0x2];
	[bflag:$0x3] =	sbarrier.arrive $0xFFFF;
	s2 =	simm.s32 @!p0 $0x1C03  }
0x40a: {  	[timem:s3], [sflag:s2] =	dma.local @!p0 [hbm:s0], s1  }
0x40b: {  	s0 =	simm.s32 @!p0 $0x3  }
0x40c: {  	_ =	swait.ge @!p0 [sflag:s0], s1  }
0x40d: {  	s1 =	ssub.s32 @!p0 $0x0, s1;
	[sflag:s0] =	ssyncset.done @!p0 $0x0  }
0x40e: {  	[sflag:s0] =	ssyncadd.s32 @!p0 s1  }
0x40f: {  	[bflag:$0x3] =	sbarrier.arrive $0xFFFF  }
0x410: {  	_ =	shalt  }

</sc_bundles>
